<compile_context>
chip_gen: v7x
topology: tpu7x:2x2x1
jax: 0.10.2.dev20260603
libtpu: 0.0.44.dev20260713+nightly
codegen_flags: <defaults>
</compile_context>

<pallas_src>
import functools

import jax
import jax.numpy as jnp
from jax import lax
from jax.experimental import pallas as pl
from jax.experimental.pallas import tpu as pltpu
from jax.experimental.pallas import tpu_sc as plsc

B, T, C = 4, 8192, 1024
KTOP = 8
L = 16
NSG = 8
CHUNK = 800
HALF = 400
NCHUNK = 10
TAIL = T - NCHUNK * CHUNK
LEAF = 8
NCAND = 10
NEG_INF = float("-inf")
MINKEY = -0x80000000

_SORT8 = [(0, 1), (2, 3), (4, 5), (6, 7),
          (0, 2), (1, 3), (4, 6), (5, 7),
          (1, 2), (5, 6),
          (0, 4), (1, 5), (2, 6), (3, 7),
          (2, 4), (3, 5),
          (1, 2), (3, 4), (5, 6)]


def _orderkey(v):
  b = lax.bitcast_convert_type(v, jnp.int32)
  return b ^ (lax.shift_right_arithmetic(b, 31) & jnp.int32(0x7FFFFFFF))


def _insert_kv(ts, ix, v, iv):
  m = [v > t for t in ts]
  nts, nix = list(ts), list(ix)
  for j in range(KTOP - 1, 0, -1):
    nts[j] = jnp.where(m[j], jnp.where(m[j - 1], ts[j - 1], v), ts[j])
    nix[j] = jnp.where(m[j], jnp.where(m[j - 1], ix[j - 1], iv), ix[j])
  nts[0] = jnp.where(m[0], v, ts[0])
  nix[0] = jnp.where(m[0], iv, ix[0])
  return nts, nix


def _kmax_body(x_hbm, out_hbm, buf0, buf1, bsv, csv, csi, obuf, sem0, sem1):
  cid = lax.axis_index("c")
  sid = lax.axis_index("s")
  wid = sid * 2 + cid
  b = wid // NSG
  c0 = (wid % NSG) * 128
  lane = lax.iota(jnp.int32, L)

  def src_half(stage, half):
    return x_hbm.at[b, pl.ds(stage * CHUNK + half * HALF, HALF),
                    pl.ds(c0, 128)]

  def init_sg(sg, carry):
    for j in range(KTOP):
      csv[j, pl.ds(sg * L, L)] = jnp.full((L,), NEG_INF, jnp.float32)
      csi[j, pl.ds(sg * L, L)] = jnp.zeros((L,), jnp.int32)
    return carry
  lax.fori_loop(0, NSG, init_sg, 0)

  def leaf_scan(sg, bst, hbuf, lb0, nlf):
    csl = sg * L

    def leaf_body(ll, bst):
      base = ll * LEAF
      bm = hbuf[base, pl.ds(csl, L)]
      for r in range(1, LEAF):
        bm = jnp.maximum(bm, hbuf[base + r, pl.ds(csl, L)])
      key = (_orderkey(bm) & jnp.int32(~0x7F)) | (jnp.int32(127) - lb0 - ll)
      nb = list(bst)
      nb[0] = jnp.maximum(bst[0], key)
      for j in range(1, NCAND):
        nb[j] = jnp.maximum(bst[j], jnp.minimum(key, bst[j - 1]))
      return tuple(nb)

    return lax.fori_loop(0, nlf, leaf_body, bst)

  def first_half(sg, carry):
    bst = tuple(jnp.full((L,), MINKEY, jnp.int32) for _ in range(NCAND))
    bst = leaf_scan(sg, bst, buf0, 0, HALF // LEAF)
    for j in range(NCAND):
      bsv[j, pl.ds(sg * L, L)] = bst[j]
    return carry

  def second_half_and_select(sg, carry, coff, lb0, nlf):
    csl = sg * L
    coff_v = jnp.full((L,), coff, jnp.int32)
    bst = tuple(bsv[j, pl.ds(csl, L)] for j in range(NCAND))
    bst = leaf_scan(sg, bst, buf1 if nlf == HALF // LEAF else buf0,
                    lb0, nlf)
    brow = [(jnp.int32(127) - (k & jnp.int32(0x7F))) * LEAF for k in bst]
    ts = [csv[j, pl.ds(csl, L)] for j in range(KTOP)]
    ix = [csi[j, pl.ds(csl, L)] for j in range(KTOP)]

    def cand_body(r, st):
      ts, ix = list(st[:KTOP]), list(st[KTOP:])
      rv = jnp.full((L,), r, jnp.int32)
      for j in range(NCAND):
        lrow = brow[j] + rv
        lo = lrow < HALF
        rla = jnp.where(lo, lrow, 0)
        rlb = jnp.where(lo, 0, lrow - HALF)
        va = plsc.load_gather(buf0, [rla, lane + csl])
        vb = plsc.load_gather(buf1, [rlb, lane + csl])
        v = jnp.where(lo, va, vb)
        ts, ix = _insert_kv(ts, ix, v, lrow + coff_v)
      return tuple(ts) + tuple(ix)

    st = lax.fori_loop(0, LEAF, cand_body, tuple(ts) + tuple(ix))
    for j in range(KTOP):
      csv[j, pl.ds(csl, L)] = st[j]
      csi[j, pl.ds(csl, L)] = st[KTOP + j]
    return carry

  pltpu.async_copy(src_half(0, 0), buf0, sem0)
  pltpu.async_copy(src_half(0, 1), buf1, sem1)

  def main_body(i, carry):
    pltpu.make_async_copy(src_half(i, 0), buf0, sem0).wait()
    lax.fori_loop(0, NSG, first_half, 0)
    pltpu.make_async_copy(src_half(i, 1), buf1, sem1).wait()
    lax.fori_loop(
        0, NSG,
        lambda sg, c: second_half_and_select(
            sg, c, i * CHUNK, HALF // LEAF, HALF // LEAF), 0)
    nxt = jnp.minimum(i + 1, NCHUNK - 1)
    pltpu.async_copy(src_half(nxt, 0), buf0, sem0)
    pltpu.async_copy(src_half(nxt, 1), buf1, sem1)
    return carry

  lax.fori_loop(0, NCHUNK, main_body, 0)
  pltpu.make_async_copy(src_half(NCHUNK - 1, 0), buf0, sem0).wait()
  pltpu.make_async_copy(src_half(NCHUNK - 1, 1), buf1, sem1).wait()

  pltpu.sync_copy(x_hbm.at[b, pl.ds(NCHUNK * CHUNK, TAIL), pl.ds(c0, 128)],
                  buf0.at[pl.ds(0, TAIL)])

  def tail_sg(sg, carry):
    for j in range(NCAND):
      bsv[j, pl.ds(sg * L, L)] = jnp.full((L,), MINKEY, jnp.int32)
    return carry
  lax.fori_loop(0, NSG, tail_sg, 0)
  lax.fori_loop(
      0, NSG,
      lambda sg, c: second_half_and_select(
          sg, c, NCHUNK * CHUNK, 0, TAIL // LEAF), 0)

  def fin_sg(sg, carry):
    ts = [csv[j, pl.ds(sg * L, L)] for j in range(KTOP)]
    ix = [csi[j, pl.ds(sg * L, L)] for j in range(KTOP)]
    for (a, d) in _SORT8:
      swap = ix[a] > ix[d]
      ix[a], ix[d] = (jnp.where(swap, ix[d], ix[a]),
                      jnp.where(swap, ix[a], ix[d]))
      ts[a], ts[d] = (jnp.where(swap, ts[d], ts[a]),
                      jnp.where(swap, ts[a], ts[d]))
    for j in range(KTOP):
      obuf[j, pl.ds(sg * L, L)] = ts[j]
    return carry
  lax.fori_loop(0, NSG, fin_sg, 0)

  pltpu.sync_copy(obuf, out_hbm.at[b, :, pl.ds(c0, 128)])


@functools.partial(jax.jit, static_argnames=("k",))
def _kmax(x, k):
  del k
  f = pl.kernel(
      _kmax_body,
      out_type=jax.ShapeDtypeStruct((B, KTOP, C), jnp.float32),
      mesh=plsc.VectorSubcoreMesh(core_axis_name="c", subcore_axis_name="s"),
      scratch_types=[
          pltpu.VMEM((HALF, 128), jnp.float32),
          pltpu.VMEM((HALF, 128), jnp.float32),
          pltpu.VMEM((16, NSG * L), jnp.int32),
          pltpu.VMEM((KTOP, NSG * L), jnp.float32),
          pltpu.VMEM((KTOP, NSG * L), jnp.int32),
          pltpu.VMEM((KTOP, 128), jnp.float32),
          pltpu.SemaphoreType.DMA,
          pltpu.SemaphoreType.DMA,
      ],
      compiler_params=pltpu.CompilerParams(needs_layout_passes=False),
  )
  return f(x)


def kernel(x, k):
  return _kmax(x, 8)

# --- scband reference (transcript-rebuilt; emitter-appended) ---
"""Pipeline reference for scband-kmax-pooling-21912923144647 (READ-ONLY COPY).

The authoritative reference and input builder live on the scoring server;
editing this copy changes nothing except your own understanding.
"""

import jax, jax.numpy as jnp
import numpy as np

K = 8

def setup_inputs(seed: int = 0) -> dict:
    key = jax.random.key(seed)
    x = jax.random.normal(key, (4, 8192, 1024), dtype=jnp.float32)
    return {"x": x, "k": K}

def reference(x, k):
    # Faithful translation of KMaxPooling.call:
    # permute to (B, C, T), take top-k along T, sort indices to preserve
    # relative temporal order, gather values, permute back to (B, k, C).
    permute_inputs = jnp.transpose(x, (0, 2, 1))  # (B, C, T)
    _, topk_indices = jax.lax.top_k(permute_inputs, K)  # (B, C, k)
    topk_indices = jnp.sort(topk_indices, axis=-1)  # preserve temporal order
    topk_indices = topk_indices + (jnp.asarray(k, dtype=topk_indices.dtype) - K)
    topk_output = jnp.take_along_axis(permute_inputs, topk_indices, axis=-1)  # (B, C, k)
    y = jnp.transpose(topk_output, (0, 2, 1))  # (B, k, C)
    return y

if __name__ == "__main__":
    import jax
    _d = setup_inputs()
    print(jax.jit(kernel)(*tuple(_d.values())))

</pallas_src>

<mosaic_0001>
#map = affine_map<(d0, d1) -> (0, 0, 0)>
module attributes {stable_mosaic.version = 14 : i64} {
  func.func @_kmax_body(%arg0: i32, %arg1: i32, %arg2: memref<4x8192x1024xf32, #tpu.memory_space<hbm>>, %arg3: memref<4x8x1024xf32, #tpu.memory_space<hbm>>, %arg4: memref<400x128xf32, #tpu.memory_space<vmem>>, %arg5: memref<400x128xf32, #tpu.memory_space<vmem>>, %arg6: memref<16x128xi32, #tpu.memory_space<vmem>>, %arg7: memref<8x128xf32, #tpu.memory_space<vmem>>, %arg8: memref<8x128xi32, #tpu.memory_space<vmem>>, %arg9: memref<8x128xf32, #tpu.memory_space<vmem>>, %arg10: memref<!tpu.dma_semaphore, #tpu.memory_space<semaphore_mem>>, %arg11: memref<!tpu.dma_semaphore, #tpu.memory_space<semaphore_mem>>) attributes {dimension_semantics = [#tpu.dimension_semantics<core_parallel>, #tpu.dimension_semantics<subcore_parallel>], iteration_bounds = array<i64: 2, 16>, scalar_prefetch = 0 : i64, scratch_operands = 8 : i64, tpu.core_type = #tpu.core_type<sc_vector_subcore>, window_params = [{transform_indices = #map}, {transform_indices = #map}]} {
    %mul3A = arith.constant 2 : i32
    %mul3A_0 = arith.muli %arg1, %mul3A : i32
    %add3A = arith.addi %mul3A_0, %arg0 : i32
    %jit3A = arith.constant 8 : i32
    %div3A = arith.divsi %add3A, %jit3A : i32
    %sign3A = arith.constant 0 : i32
    %sign3A_1 = arith.cmpi sgt, %add3A, %sign3A : i32
    %sign3A_2 = arith.extui %sign3A_1 : i1 to i32
    %sign3A_3 = arith.constant 0 : i32
    %sign3A_4 = arith.cmpi slt, %add3A, %sign3A_3 : i32
    %sign3A_5 = arith.extui %sign3A_4 : i1 to i32
    %sign3A_6 = arith.subi %sign3A_2, %sign3A_5 : i32
    %sign3A_7 = arith.constant 0 : i32
    %sign3A_8 = arith.cmpi sgt, %jit3A, %sign3A_7 : i32
    %sign3A_9 = arith.extui %sign3A_8 : i1 to i32
    %sign3A_10 = arith.constant 0 : i32
    %sign3A_11 = arith.cmpi slt, %jit3A, %sign3A_10 : i32
    %sign3A_12 = arith.extui %sign3A_11 : i1 to i32
    %sign3A_13 = arith.subi %sign3A_9, %sign3A_12 : i32
    %ne3A = arith.cmpi ne, %sign3A_6, %sign3A_13 : i32
    %rem3A = arith.remsi %add3A, %jit3A : i32
    %ne3A_14 = arith.constant 0 : i32
    %ne3A_15 = arith.cmpi ne, %rem3A, %ne3A_14 : i32
    %and3A = arith.andi %ne3A, %ne3A_15 : i1
    %sub3A = arith.constant 1 : i32
    %sub3A_16 = arith.subi %div3A, %sub3A : i32
    %select_n3A = arith.select %and3A, %sub3A_16, %div3A : i32
    %jit3A_17 = arith.constant 8 : i32
    %eq3A = arith.constant 0 : i32
    %eq3A_18 = arith.cmpi eq, %jit3A_17, %eq3A : i32
    %jit3A_19 = arith.constant 1 : i32
    %select_n3A_20 = arith.select %eq3A_18, %jit3A_19, %jit3A_17 : i32
    %rem3A_21 = arith.remsi %add3A, %select_n3A_20 : i32
    %ne3A_22 = arith.constant 0 : i32
    %ne3A_23 = arith.cmpi ne, %rem3A_21, %ne3A_22 : i32
    %lt3A = arith.constant 0 : i32
    %lt3A_24 = arith.cmpi slt, %rem3A_21, %lt3A : i32
    %lt3A_25 = arith.constant 0 : i32
    %lt3A_26 = arith.cmpi slt, %select_n3A_20, %lt3A_25 : i32
    %ne3A_27 = arith.xori %lt3A_24, %lt3A_26 : i1
    %and3A_28 = arith.andi %ne3A_27, %ne3A_23 : i1
    %add3A_29 = arith.addi %rem3A_21, %select_n3A_20 : i32
    %select_n3A_30 = arith.select %and3A_28, %add3A_29, %rem3A_21 : i32
    %mul3A_31 = arith.constant 128 : i32
    %mul3A_32 = arith.muli %select_n3A_30, %mul3A_31 : i32
    %iota3A = tpu.iota {dimensions = array<i32: 0>} : vector<16xi32>
    %scan3A = arith.constant 0 : i32
    %scan3A_33 = arith.constant 0 : i32
    %scan3A_34 = arith.constant 8 : i32
    %scan3A_35 = arith.addi %scan3A_33, %scan3A_34 : i32
    %scan3A_36 = arith.constant 1 : i32
    scf.for %scan3A_84 = %scan3A_33 to %scan3A_35 step %scan3A_36  : i32 {
      %broadcast_in_dim3A = arith.constant 0xFF800000 : f32
      %broadcast_in_dim3A_85 = vector.broadcast %broadcast_in_dim3A : f32 to vector<16xf32>
      %mul3A_86 = arith.constant 16 : i32
      %mul3A_87 = arith.muli %scan3A_84, %mul3A_86 : i32
      %swap3A = arith.constant 0 : i32
      %swap3A_88 = arith.index_cast %swap3A : i32 to index
      %swap3A_89 = arith.index_cast %mul3A_87 : i32 to index
      %swap3A_90 = tpu.vector_load %arg7[%swap3A_88, %swap3A_89] {strides = array<i32>} : memref<8x128xf32, #tpu.memory_space<vmem>>, vector<16xf32>,
      tpu.vector_store %arg7[%swap3A_88, %swap3A_89], %broadcast_in_dim3A_85 {strides = array<i32>} : memref<8x128xf32, #tpu.memory_space<vmem>>, vector<16xf32>,
      %broadcast_in_dim3A_91 = arith.constant 0 : i32
      %broadcast_in_dim3A_92 = vector.broadcast %broadcast_in_dim3A_91 : i32 to vector<16xi32>
      %mul3A_93 = arith.constant 16 : i32
      %mul3A_94 = arith.muli %scan3A_84, %mul3A_93 : i32
      %swap3A_95 = arith.constant 0 : i32
      %swap3A_96 = arith.index_cast %swap3A_95 : i32 to index
      %swap3A_97 = arith.index_cast %mul3A_94 : i32 to index
      %swap3A_98 = tpu.vector_load %arg8[%swap3A_96, %swap3A_97] {strides = array<i32>} : memref<8x128xi32, #tpu.memory_space<vmem>>, vector<16xi32>,
      tpu.vector_store %arg8[%swap3A_96, %swap3A_97], %broadcast_in_dim3A_92 {strides = array<i32>} : memref<8x128xi32, #tpu.memory_space<vmem>>, vector<16xi32>,
      %broadcast_in_dim3A_99 = arith.constant 0xFF800000 : f32
      %broadcast_in_dim3A_100 = vector.broadcast %broadcast_in_dim3A_99 : f32 to vector<16xf32>
      %mul3A_101 = arith.constant 16 : i32
      %mul3A_102 = arith.muli %scan3A_84, %mul3A_101 : i32
      %swap3A_103 = arith.constant 1 : i32
      %swap3A_104 = arith.index_cast %swap3A_103 : i32 to index
      %swap3A_105 = arith.index_cast %mul3A_102 : i32 to index
      %swap3A_106 = tpu.vector_load %arg7[%swap3A_104, %swap3A_105] {strides = array<i32>} : memref<8x128xf32, #tpu.memory_space<vmem>>, vector<16xf32>,
      tpu.vector_store %arg7[%swap3A_104, %swap3A_105], %broadcast_in_dim3A_100 {strides = array<i32>} : memref<8x128xf32, #tpu.memory_space<vmem>>, vector<16xf32>,
      %broadcast_in_dim3A_107 = arith.constant 0 : i32
      %broadcast_in_dim3A_108 = vector.broadcast %broadcast_in_dim3A_107 : i32 to vector<16xi32>
      %mul3A_109 = arith.constant 16 : i32
      %mul3A_110 = arith.muli %scan3A_84, %mul3A_109 : i32
      %swap3A_111 = arith.constant 1 : i32
      %swap3A_112 = arith.index_cast %swap3A_111 : i32 to index
      %swap3A_113 = arith.index_cast %mul3A_110 : i32 to index
      %swap3A_114 = tpu.vector_load %arg8[%swap3A_112, %swap3A_113] {strides = array<i32>} : memref<8x128xi32, #tpu.memory_space<vmem>>, vector<16xi32>,
      tpu.vector_store %arg8[%swap3A_112, %swap3A_113], %broadcast_in_dim3A_108 {strides = array<i32>} : memref<8x128xi32, #tpu.memory_space<vmem>>, vector<16xi32>,
      %broadcast_in_dim3A_115 = arith.constant 0xFF800000 : f32
      %broadcast_in_dim3A_116 = vector.broadcast %broadcast_in_dim3A_115 : f32 to vector<16xf32>
      %mul3A_117 = arith.constant 16 : i32
      %mul3A_118 = arith.muli %scan3A_84, %mul3A_117 : i32
      %swap3A_119 = arith.constant 2 : i32
      %swap3A_120 = arith.index_cast %swap3A_119 : i32 to index
      %swap3A_121 = arith.index_cast %mul3A_118 : i32 to index
      %swap3A_122 = tpu.vector_load %arg7[%swap3A_120, %swap3A_121] {strides = array<i32>} : memref<8x128xf32, #tpu.memory_space<vmem>>, vector<16xf32>,
      tpu.vector_store %arg7[%swap3A_120, %swap3A_121], %broadcast_in_dim3A_116 {strides = array<i32>} : memref<8x128xf32, #tpu.memory_space<vmem>>, vector<16xf32>,
      %broadcast_in_dim3A_123 = arith.constant 0 : i32
      %broadcast_in_dim3A_124 = vector.broadcast %broadcast_in_dim3A_123 : i32 to vector<16xi32>
      %mul3A_125 = arith.constant 16 : i32
      %mul3A_126 = arith.muli %scan3A_84, %mul3A_125 : i32
      %swap3A_127 = arith.constant 2 : i32
      %swap3A_128 = arith.index_cast %swap3A_127 : i32 to index
      %swap3A_129 = arith.index_cast %mul3A_126 : i32 to index
      %swap3A_130 = tpu.vector_load %arg8[%swap3A_128, %swap3A_129] {strides = array<i32>} : memref<8x128xi32, #tpu.memory_space<vmem>>, vector<16xi32>,
      tpu.vector_store %arg8[%swap3A_128, %swap3A_129], %broadcast_in_dim3A_124 {strides = array<i32>} : memref<8x128xi32, #tpu.memory_space<vmem>>, vector<16xi32>,
      %broadcast_in_dim3A_131 = arith.constant 0xFF800000 : f32
      %broadcast_in_dim3A_132 = vector.broadcast %broadcast_in_dim3A_131 : f32 to vector<16xf32>
      %mul3A_133 = arith.constant 16 : i32
      %mul3A_134 = arith.muli %scan3A_84, %mul3A_133 : i32
      %swap3A_135 = arith.constant 3 : i32
      %swap3A_136 = arith.index_cast %swap3A_135 : i32 to index
      %swap3A_137 = arith.index_cast %mul3A_134 : i32 to index
      %swap3A_138 = tpu.vector_load %arg7[%swap3A_136, %swap3A_137] {strides = array<i32>} : memref<8x128xf32, #tpu.memory_space<vmem>>, vector<16xf32>,
      tpu.vector_store %arg7[%swap3A_136, %swap3A_137], %broadcast_in_dim3A_132 {strides = array<i32>} : memref<8x128xf32, #tpu.memory_space<vmem>>, vector<16xf32>,
      %broadcast_in_dim3A_139 = arith.constant 0 : i32
      %broadcast_in_dim3A_140 = vector.broadcast %broadcast_in_dim3A_139 : i32 to vector<16xi32>
      %mul3A_141 = arith.constant 16 : i32
      %mul3A_142 = arith.muli %scan3A_84, %mul3A_141 : i32
      %swap3A_143 = arith.constant 3 : i32
      %swap3A_144 = arith.index_cast %swap3A_143 : i32 to index
      %swap3A_145 = arith.index_cast %mul3A_142 : i32 to index
      %swap3A_146 = tpu.vector_load %arg8[%swap3A_144, %swap3A_145] {strides = array<i32>} : memref<8x128xi32, #tpu.memory_space<vmem>>, vector<16xi32>,
      tpu.vector_store %arg8[%swap3A_144, %swap3A_145], %broadcast_in_dim3A_140 {strides = array<i32>} : memref<8x128xi32, #tpu.memory_space<vmem>>, vector<16xi32>,
      %broadcast_in_dim3A_147 = arith.constant 0xFF800000 : f32
      %broadcast_in_dim3A_148 = vector.broadcast %broadcast_in_dim3A_147 : f32 to vector<16xf32>
      %mul3A_149 = arith.constant 16 : i32
      %mul3A_150 = arith.muli %scan3A_84, %mul3A_149 : i32
      %swap3A_151 = arith.constant 4 : i32
      %swap3A_152 = arith.index_cast %swap3A_151 : i32 to index
      %swap3A_153 = arith.index_cast %mul3A_150 : i32 to index
      %swap3A_154 = tpu.vector_load %arg7[%swap3A_152, %swap3A_153] {strides = array<i32>} : memref<8x128xf32, #tpu.memory_space<vmem>>, vector<16xf32>,
      tpu.vector_store %arg7[%swap3A_152, %swap3A_153], %broadcast_in_dim3A_148 {strides = array<i32>} : memref<8x128xf32, #tpu.memory_space<vmem>>, vector<16xf32>,
      %broadcast_in_dim3A_155 = arith.constant 0 : i32
      %broadcast_in_dim3A_156 = vector.broadcast %broadcast_in_dim3A_155 : i32 to vector<16xi32>
      %mul3A_157 = arith.constant 16 : i32
      %mul3A_158 = arith.muli %scan3A_84, %mul3A_157 : i32
      %swap3A_159 = arith.constant 4 : i32
      %swap3A_160 = arith.index_cast %swap3A_159 : i32 to index
      %swap3A_161 = arith.index_cast %mul3A_158 : i32 to index
      %swap3A_162 = tpu.vector_load %arg8[%swap3A_160, %swap3A_161] {strides = array<i32>} : memref<8x128xi32, #tpu.memory_space<vmem>>, vector<16xi32>,
      tpu.vector_store %arg8[%swap3A_160, %swap3A_161], %broadcast_in_dim3A_156 {strides = array<i32>} : memref<8x128xi32, #tpu.memory_space<vmem>>, vector<16xi32>,
      %broadcast_in_dim3A_163 = arith.constant 0xFF800000 : f32
      %broadcast_in_dim3A_164 = vector.broadcast %broadcast_in_dim3A_163 : f32 to vector<16xf32>
      %mul3A_165 = arith.constant 16 : i32
      %mul3A_166 = arith.muli %scan3A_84, %mul3A_165 : i32
      %swap3A_167 = arith.constant 5 : i32
      %swap3A_168 = arith.index_cast %swap3A_167 : i32 to index
      %swap3A_169 = arith.index_cast %mul3A_166 : i32 to index
      %swap3A_170 = tpu.vector_load %arg7[%swap3A_168, %swap3A_169] {strides = array<i32>} : memref<8x128xf32, #tpu.memory_space<vmem>>, vector<16xf32>,
      tpu.vector_store %arg7[%swap3A_168, %swap3A_169], %broadcast_in_dim3A_164 {strides = array<i32>} : memref<8x128xf32, #tpu.memory_space<vmem>>, vector<16xf32>,
      %broadcast_in_dim3A_171 = arith.constant 0 : i32
      %broadcast_in_dim3A_172 = vector.broadcast %broadcast_in_dim3A_171 : i32 to vector<16xi32>
      %mul3A_173 = arith.constant 16 : i32
      %mul3A_174 = arith.muli %scan3A_84, %mul3A_173 : i32
      %swap3A_175 = arith.constant 5 : i32
      %swap3A_176 = arith.index_cast %swap3A_175 : i32 to index
      %swap3A_177 = arith.index_cast %mul3A_174 : i32 to index
      %swap3A_178 = tpu.vector_load %arg8[%swap3A_176, %swap3A_177] {strides = array<i32>} : memref<8x128xi32, #tpu.memory_space<vmem>>, vector<16xi32>,
      tpu.vector_store %arg8[%swap3A_176, %swap3A_177], %broadcast_in_dim3A_172 {strides = array<i32>} : memref<8x128xi32, #tpu.memory_space<vmem>>, vector<16xi32>,
      %broadcast_in_dim3A_179 = arith.constant 0xFF800000 : f32
      %broadcast_in_dim3A_180 = vector.broadcast %broadcast_in_dim3A_179 : f32 to vector<16xf32>
      %mul3A_181 = arith.constant 16 : i32
      %mul3A_182 = arith.muli %scan3A_84, %mul3A_181 : i32
      %swap3A_183 = arith.constant 6 : i32
      %swap3A_184 = arith.index_cast %swap3A_183 : i32 to index
      %swap3A_185 = arith.index_cast %mul3A_182 : i32 to index
      %swap3A_186 = tpu.vector_load %arg7[%swap3A_184, %swap3A_185] {strides = array<i32>} : memref<8x128xf32, #tpu.memory_space<vmem>>, vector<16xf32>,
      tpu.vector_store %arg7[%swap3A_184, %swap3A_185], %broadcast_in_dim3A_180 {strides = array<i32>} : memref<8x128xf32, #tpu.memory_space<vmem>>, vector<16xf32>,
      %broadcast_in_dim3A_187 = arith.constant 0 : i32
      %broadcast_in_dim3A_188 = vector.broadcast %broadcast_in_dim3A_187 : i32 to vector<16xi32>
      %mul3A_189 = arith.constant 16 : i32
      %mul3A_190 = arith.muli %scan3A_84, %mul3A_189 : i32
      %swap3A_191 = arith.constant 6 : i32
      %swap3A_192 = arith.index_cast %swap3A_191 : i32 to index
      %swap3A_193 = arith.index_cast %mul3A_190 : i32 to index
      %swap3A_194 = tpu.vector_load %arg8[%swap3A_192, %swap3A_193] {strides = array<i32>} : memref<8x128xi32, #tpu.memory_space<vmem>>, vector<16xi32>,
      tpu.vector_store %arg8[%swap3A_192, %swap3A_193], %broadcast_in_dim3A_188 {strides = array<i32>} : memref<8x128xi32, #tpu.memory_space<vmem>>, vector<16xi32>,
      %broadcast_in_dim3A_195 = arith.constant 0xFF800000 : f32
      %broadcast_in_dim3A_196 = vector.broadcast %broadcast_in_dim3A_195 : f32 to vector<16xf32>
      %mul3A_197 = arith.constant 16 : i32
      %mul3A_198 = arith.muli %scan3A_84, %mul3A_197 : i32
      %swap3A_199 = arith.constant 7 : i32
      %swap3A_200 = arith.index_cast %swap3A_199 : i32 to index
      %swap3A_201 = arith.index_cast %mul3A_198 : i32 to index
      %swap3A_202 = tpu.vector_load %arg7[%swap3A_200, %swap3A_201] {strides = array<i32>} : memref<8x128xf32, #tpu.memory_space<vmem>>, vector<16xf32>,
      tpu.vector_store %arg7[%swap3A_200, %swap3A_201], %broadcast_in_dim3A_196 {strides = array<i32>} : memref<8x128xf32, #tpu.memory_space<vmem>>, vector<16xf32>,
      %broadcast_in_dim3A_203 = arith.constant 0 : i32
      %broadcast_in_dim3A_204 = vector.broadcast %broadcast_in_dim3A_203 : i32 to vector<16xi32>
      %mul3A_205 = arith.constant 16 : i32
      %mul3A_206 = arith.muli %scan3A_84, %mul3A_205 : i32
      %swap3A_207 = arith.constant 7 : i32
      %swap3A_208 = arith.index_cast %swap3A_207 : i32 to index
      %swap3A_209 = arith.index_cast %mul3A_206 : i32 to index
      %swap3A_210 = tpu.vector_load %arg8[%swap3A_208, %swap3A_209] {strides = array<i32>} : memref<8x128xi32, #tpu.memory_space<vmem>>, vector<16xi32>,
      tpu.vector_store %arg8[%swap3A_208, %swap3A_209], %broadcast_in_dim3A_204 {strides = array<i32>} : memref<8x128xi32, #tpu.memory_space<vmem>>, vector<16xi32>,
    }
    %scan3A_37 = arith.constant 8 : i32
    %dma_start3A = arith.constant 0 : i32
    %dma_start3A_38 = tpu.memref_slice %arg2[%select_n3A, %dma_start3A, %mul3A_32] : memref<4x8192x1024xf32, #tpu.memory_space<hbm>> -> memref<1x400x128xf32, #tpu.memory_space<hbm>>
    %dma_start3A_39 = tpu.memref_squeeze %dma_start3A_38 : memref<1x400x128xf32, #tpu.memory_space<hbm>> -> memref<400x128xf32, #tpu.memory_space<hbm>>
    %dma_start3A_40 = arith.constant 0 : i32
    %dma_start3A_41 = tpu.memref_slice %arg2[%select_n3A, %dma_start3A_40, %mul3A_32] : memref<4x8192x1024xf32, #tpu.memory_space<hbm>> -> memref<1x400x128xf32, #tpu.memory_space<hbm>>
    %dma_start3A_42 = tpu.memref_squeeze %dma_start3A_41 : memref<1x400x128xf32, #tpu.memory_space<hbm>> -> memref<400x128xf32, #tpu.memory_space<hbm>>
    tpu.enqueue_dma source(%dma_start3A_42 : memref<400x128xf32, #tpu.memory_space<hbm>>) target(%arg4 : memref<400x128xf32, #tpu.memory_space<vmem>>) target_semaphore(%arg10 : memref<!tpu.dma_semaphore, #tpu.memory_space<semaphore_mem>>)
    %dma_start3A_43 = arith.constant 400 : i32
    %dma_start3A_44 = tpu.memref_slice %arg2[%select_n3A, %dma_start3A_43, %mul3A_32] : memref<4x8192x1024xf32, #tpu.memory_space<hbm>> -> memref<1x400x128xf32, #tpu.memory_space<hbm>>
    %dma_start3A_45 = tpu.memref_squeeze %dma_start3A_44 : memref<1x400x128xf32, #tpu.memory_space<hbm>> -> memref<400x128xf32, #tpu.memory_space<hbm>>
    %dma_start3A_46 = arith.constant 400 : i32
    %dma_start3A_47 = tpu.memref_slice %arg2[%select_n3A, %dma_start3A_46, %mul3A_32] : memref<4x8192x1024xf32, #tpu.memory_space<hbm>> -> memref<1x400x128xf32, #tpu.memory_space<hbm>>
    %dma_start3A_48 = tpu.memref_squeeze %dma_start3A_47 : memref<1x400x128xf32, #tpu.memory_space<hbm>> -> memref<400x128xf32, #tpu.memory_space<hbm>>
    tpu.enqueue_dma source(%dma_start3A_48 : memref<400x128xf32, #tpu.memory_space<hbm>>) target(%arg5 : memref<400x128xf32, #tpu.memory_space<vmem>>) target_semaphore(%arg11 : memref<!tpu.dma_semaphore, #tpu.memory_space<semaphore_mem>>)
    %scan3A_49 = arith.constant 0 : i32
    %scan3A_50 = arith.constant 0 : i32
    %scan3A_51 = arith.constant 10 : i32
    %scan3A_52 = arith.addi %scan3A_50, %scan3A_51 : i32
    %scan3A_53 = arith.constant 1 : i32
    scf.for %scan3A_84 = %scan3A_50 to %scan3A_52 step %scan3A_53  : i32 {
      %mul3A_85 = arith.constant 800 : i32
      %mul3A_86 = arith.muli %scan3A_84, %mul3A_85 : i32
      %add3A_87 = arith.constant 0 : i32
      %add3A_88 = arith.addi %mul3A_86, %add3A_87 : i32
      %dma_wait3A_89 = tpu.memref_slice %arg2[%select_n3A, %add3A_88, %mul3A_32] : memref<4x8192x1024xf32, #tpu.memory_space<hbm>> -> memref<1x400x128xf32, #tpu.memory_space<hbm>>
      %dma_wait3A_90 = tpu.memref_squeeze %dma_wait3A_89 : memref<1x400x128xf32, #tpu.memory_space<hbm>> -> memref<400x128xf32, #tpu.memory_space<hbm>>
      %dma_wait3A_91 = tpu.memref_slice %arg2[%select_n3A, %add3A_88, %mul3A_32] : memref<4x8192x1024xf32, #tpu.memory_space<hbm>> -> memref<1x400x128xf32, #tpu.memory_space<hbm>>
      %dma_wait3A_92 = tpu.memref_squeeze %dma_wait3A_91 : memref<1x400x128xf32, #tpu.memory_space<hbm>> -> memref<400x128xf32, #tpu.memory_space<hbm>>
      tpu.wait_dma2 semaphore(%arg10 : memref<!tpu.dma_semaphore, #tpu.memory_space<semaphore_mem>>) src(%dma_wait3A_92 : memref<400x128xf32, #tpu.memory_space<hbm>>) dst(%arg4 : memref<400x128xf32, #tpu.memory_space<vmem>>)
      %scan3A_93 = arith.constant 0 : i32
      %scan3A_94 = arith.constant 0 : i32
      %scan3A_95 = arith.constant 8 : i32
      %scan3A_96 = arith.addi %scan3A_94, %scan3A_95 : i32
      %scan3A_97 = arith.constant 1 : i32
      scf.for %scan3A_132 = %scan3A_94 to %scan3A_96 step %scan3A_97  : i32 {
        %broadcast_in_dim3A = arith.constant -2147483648 : i32
        %broadcast_in_dim3A_133 = vector.broadcast %broadcast_in_dim3A : i32 to vector<16xi32>
        %broadcast_in_dim3A_134 = arith.constant -2147483648 : i32
        %broadcast_in_dim3A_135 = vector.broadcast %broadcast_in_dim3A_134 : i32 to vector<16xi32>
        %broadcast_in_dim3A_136 = arith.constant -2147483648 : i32
        %broadcast_in_dim3A_137 = vector.broadcast %broadcast_in_dim3A_136 : i32 to vector<16xi32>
        %broadcast_in_dim3A_138 = arith.constant -2147483648 : i32
        %broadcast_in_dim3A_139 = vector.broadcast %broadcast_in_dim3A_138 : i32 to vector<16xi32>
        %broadcast_in_dim3A_140 = arith.constant -2147483648 : i32
        %broadcast_in_dim3A_141 = vector.broadcast %broadcast_in_dim3A_140 : i32 to vector<16xi32>
        %broadcast_in_dim3A_142 = arith.constant -2147483648 : i32
        %broadcast_in_dim3A_143 = vector.broadcast %broadcast_in_dim3A_142 : i32 to vector<16xi32>
        %broadcast_in_dim3A_144 = arith.constant -2147483648 : i32
        %broadcast_in_dim3A_145 = vector.broadcast %broadcast_in_dim3A_144 : i32 to vector<16xi32>
        %broadcast_in_dim3A_146 = arith.constant -2147483648 : i32
        %broadcast_in_dim3A_147 = vector.broadcast %broadcast_in_dim3A_146 : i32 to vector<16xi32>
        %broadcast_in_dim3A_148 = arith.constant -2147483648 : i32
        %broadcast_in_dim3A_149 = vector.broadcast %broadcast_in_dim3A_148 : i32 to vector<16xi32>
        %broadcast_in_dim3A_150 = arith.constant -2147483648 : i32
        %broadcast_in_dim3A_151 = vector.broadcast %broadcast_in_dim3A_150 : i32 to vector<16xi32>
        %mul3A_152 = arith.constant 16 : i32
        %mul3A_153 = arith.muli %scan3A_132, %mul3A_152 : i32
        %scan3A_154 = arith.constant 0 : i32
        %scan3A_155 = arith.constant 50 : i32
        %scan3A_156 = arith.addi %scan3A_154, %scan3A_155 : i32
        %scan3A_157 = arith.constant 1 : i32
        %scan3A_158:10 = scf.for %scan3A_219 = %scan3A_154 to %scan3A_156 step %scan3A_157 iter_args(%scan3A_220 = %broadcast_in_dim3A_133, %scan3A_221 = %broadcast_in_dim3A_135, %scan3A_222 = %broadcast_in_dim3A_137, %scan3A_223 = %broadcast_in_dim3A_139, %scan3A_224 = %broadcast_in_dim3A_141, %scan3A_225 = %broadcast_in_dim3A_143, %scan3A_226 = %broadcast_in_dim3A_145, %scan3A_227 = %broadcast_in_dim3A_147, %scan3A_228 = %broadcast_in_dim3A_149, %scan3A_229 = %broadcast_in_dim3A_151) -> (vector<16xi32>, vector<16xi32>, vector<16xi32>, vector<16xi32>, vector<16xi32>, vector<16xi32>, vector<16xi32>, vector<16xi32>, vector<16xi32>, vector<16xi32>)  : i32 {
          %mul3A_230 = arith.constant 8 : i32
          %mul3A_231 = arith.muli %scan3A_219, %mul3A_230 : i32
          %get3A = arith.index_cast %mul3A_231 : i32 to index
          %get3A_232 = arith.index_cast %mul3A_153 : i32 to index
          %get3A_233 = tpu.vector_load %arg4[%get3A, %get3A_232] {strides = array<i32>} : memref<400x128xf32, #tpu.memory_space<vmem>>, vector<16xf32>,
          %add3A_234 = arith.constant 1 : i32
          %add3A_235 = arith.addi %mul3A_231, %add3A_234 : i32
          %get3A_236 = arith.index_cast %add3A_235 : i32 to index
          %get3A_237 = arith.index_cast %mul3A_153 : i32 to index
          %get3A_238 = tpu.vector_load %arg4[%get3A_236, %get3A_237] {strides = array<i32>} : memref<400x128xf32, #tpu.memory_space<vmem>>, vector<16xf32>,
          %max3A = arith.maximumf %get3A_233, %get3A_238 : vector<16xf32>
          %add3A_239 = arith.constant 2 : i32
          %add3A_240 = arith.addi %mul3A_231, %add3A_239 : i32
          %get3A_241 = arith.index_cast %add3A_240 : i32 to index
          %get3A_242 = arith.index_cast %mul3A_153 : i32 to index
          %get3A_243 = tpu.vector_load %arg4[%get3A_241, %get3A_242] {strides = array<i32>} : memref<400x128xf32, #tpu.memory_space<vmem>>, vector<16xf32>,
          %max3A_244 = arith.maximumf %max3A, %get3A_243 : vector<16xf32>
          %add3A_245 = arith.constant 3 : i32
          %add3A_246 = arith.addi %mul3A_231, %add3A_245 : i32
          %get3A_247 = arith.index_cast %add3A_246 : i32 to index
          %get3A_248 = arith.index_cast %mul3A_153 : i32 to index
          %get3A_249 = tpu.vector_load %arg4[%get3A_247, %get3A_248] {strides = array<i32>} : memref<400x128xf32, #tpu.memory_space<vmem>>, vector<16xf32>,
          %max3A_250 = arith.maximumf %max3A_244, %get3A_249 : vector<16xf32>
          %add3A_251 = arith.constant 4 : i32
          %add3A_252 = arith.addi %mul3A_231, %add3A_251 : i32
          %get3A_253 = arith.index_cast %add3A_252 : i32 to index
          %get3A_254 = arith.index_cast %mul3A_153 : i32 to index
          %get3A_255 = tpu.vector_load %arg4[%get3A_253, %get3A_254] {strides = array<i32>} : memref<400x128xf32, #tpu.memory_space<vmem>>, vector<16xf32>,
          %max3A_256 = arith.maximumf %max3A_250, %get3A_255 : vector<16xf32>
          %add3A_257 = arith.constant 5 : i32
          %add3A_258 = arith.addi %mul3A_231, %add3A_257 : i32
          %get3A_259 = arith.index_cast %add3A_258 : i32 to index
          %get3A_260 = arith.index_cast %mul3A_153 : i32 to index
          %get3A_261 = tpu.vector_load %arg4[%get3A_259, %get3A_260] {strides = array<i32>} : memref<400x128xf32, #tpu.memory_space<vmem>>, vector<16xf32>,
          %max3A_262 = arith.maximumf %max3A_256, %get3A_261 : vector<16xf32>
          %add3A_263 = arith.constant 6 : i32
          %add3A_264 = arith.addi %mul3A_231, %add3A_263 : i32
          %get3A_265 = arith.index_cast %add3A_264 : i32 to index
          %get3A_266 = arith.index_cast %mul3A_153 : i32 to index
          %get3A_267 = tpu.vector_load %arg4[%get3A_265, %get3A_266] {strides = array<i32>} : memref<400x128xf32, #tpu.memory_space<vmem>>, vector<16xf32>,
          %max3A_268 = arith.maximumf %max3A_262, %get3A_267 : vector<16xf32>
          %add3A_269 = arith.constant 7 : i32
          %add3A_270 = arith.addi %mul3A_231, %add3A_269 : i32
          %get3A_271 = arith.index_cast %add3A_270 : i32 to index
          %get3A_272 = arith.index_cast %mul3A_153 : i32 to index
          %get3A_273 = tpu.vector_load %arg4[%get3A_271, %get3A_272] {strides = array<i32>} : memref<400x128xf32, #tpu.memory_space<vmem>>, vector<16xf32>,
          %max3A_274 = arith.maximumf %max3A_268, %get3A_273 : vector<16xf32>
          %bitcast_convert_type3A = tpu.bitcast %max3A_274 : vector<16xf32> -> vector<16xi32>
          %shift_right_arithmetic3A = arith.constant 31 : i32
          %shift_right_arithmetic3A_275 = vector.broadcast %shift_right_arithmetic3A : i32 to vector<16xi32>
          %shift_right_arithmetic3A_276 = arith.shrsi %bitcast_convert_type3A, %shift_right_arithmetic3A_275 : vector<16xi32>
          %and3A_277 = arith.constant 2147483647 : i32
          %and3A_278 = vector.broadcast %and3A_277 : i32 to vector<16xi32>
          %and3A_279 = arith.andi %shift_right_arithmetic3A_276, %and3A_278 : vector<16xi32>
          %xor3A = arith.xori %bitcast_convert_type3A, %and3A_279 : vector<16xi32>
          %and3A_280 = arith.constant -128 : i32
          %and3A_281 = vector.broadcast %and3A_280 : i32 to vector<16xi32>
          %and3A_282 = arith.andi %xor3A, %and3A_281 : vector<16xi32>
          %sub3A_283 = arith.constant 127 : i32
          %sub3A_284 = arith.constant 0 : i32
          %sub3A_285 = arith.subi %sub3A_283, %sub3A_284 : i32
          %sub3A_286 = arith.subi %sub3A_285, %scan3A_219 : i32
          %or3A = vector.broadcast %sub3A_286 : i32 to vector<16xi32>
          %or3A_287 = arith.ori %and3A_282, %or3A : vector<16xi32>
          %max3A_288 = arith.maxsi %scan3A_220, %or3A_287 : vector<16xi32>
          %min3A_289 = arith.minsi %or3A_287, %scan3A_220 : vector<16xi32>
          %max3A_290 = arith.maxsi %scan3A_221, %min3A_289 : vector<16xi32>
          %min3A_291 = arith.minsi %or3A_287, %scan3A_221 : vector<16xi32>
          %max3A_292 = arith.maxsi %scan3A_222, %min3A_291 : vector<16xi32>
          %min3A_293 = arith.minsi %or3A_287, %scan3A_222 : vector<16xi32>
          %max3A_294 = arith.maxsi %scan3A_223, %min3A_293 : vector<16xi32>
          %min3A_295 = arith.minsi %or3A_287, %scan3A_223 : vector<16xi32>
          %max3A_296 = arith.maxsi %scan3A_224, %min3A_295 : vector<16xi32>
          %min3A_297 = arith.minsi %or3A_287, %scan3A_224 : vector<16xi32>
          %max3A_298 = arith.maxsi %scan3A_225, %min3A_297 : vector<16xi32>
          %min3A_299 = arith.minsi %or3A_287, %scan3A_225 : vector<16xi32>
          %max3A_300 = arith.maxsi %scan3A_226, %min3A_299 : vector<16xi32>
          %min3A_301 = arith.minsi %or3A_287, %scan3A_226 : vector<16xi32>
          %max3A_302 = arith.maxsi %scan3A_227, %min3A_301 : vector<16xi32>
          %min3A_303 = arith.minsi %or3A_287, %scan3A_227 : vector<16xi32>
          %max3A_304 = arith.maxsi %scan3A_228, %min3A_303 : vector<16xi32>
          %min3A_305 = arith.minsi %or3A_287, %scan3A_228 : vector<16xi32>
          %max3A_306 = arith.maxsi %scan3A_229, %min3A_305 : vector<16xi32>
          scf.yield %max3A_288, %max3A_290, %max3A_292, %max3A_294, %max3A_296, %max3A_298, %max3A_300, %max3A_302, %max3A_304, %max3A_306 : vector<16xi32>, vector<16xi32>, vector<16xi32>, vector<16xi32>, vector<16xi32>, vector<16xi32>, vector<16xi32>, vector<16xi32>, vector<16xi32>, vector<16xi32>
        }
        %scan3A_159 = arith.constant 50 : i32
        %mul3A_160 = arith.constant 16 : i32
        %mul3A_161 = arith.muli %scan3A_132, %mul3A_160 : i32
        %swap3A = arith.constant 0 : i32
        %swap3A_162 = arith.index_cast %swap3A : i32 to index
        %swap3A_163 = arith.index_cast %mul3A_161 : i32 to index
        %swap3A_164 = tpu.vector_load %arg6[%swap3A_162, %swap3A_163] {strides = array<i32>} : memref<16x128xi32, #tpu.memory_space<vmem>>, vector<16xi32>,
        tpu.vector_store %arg6[%swap3A_162, %swap3A_163], %scan3A_158#0 {strides = array<i32>} : memref<16x128xi32, #tpu.memory_space<vmem>>, vector<16xi32>,
        %mul3A_165 = arith.constant 16 : i32
        %mul3A_166 = arith.muli %scan3A_132, %mul3A_165 : i32
        %swap3A_167 = arith.constant 1 : i32
        %swap3A_168 = arith.index_cast %swap3A_167 : i32 to index
        %swap3A_169 = arith.index_cast %mul3A_166 : i32 to index
        %swap3A_170 = tpu.vector_load %arg6[%swap3A_168, %swap3A_169] {strides = array<i32>} : memref<16x128xi32, #tpu.memory_space<vmem>>, vector<16xi32>,
        tpu.vector_store %arg6[%swap3A_168, %swap3A_169], %scan3A_158#1 {strides = array<i32>} : memref<16x128xi32, #tpu.memory_space<vmem>>, vector<16xi32>,
        %mul3A_171 = arith.constant 16 : i32
        %mul3A_172 = arith.muli %scan3A_132, %mul3A_171 : i32
        %swap3A_173 = arith.constant 2 : i32
        %swap3A_174 = arith.index_cast %swap3A_173 : i32 to index
        %swap3A_175 = arith.index_cast %mul3A_172 : i32 to index
        %swap3A_176 = tpu.vector_load %arg6[%swap3A_174, %swap3A_175] {strides = array<i32>} : memref<16x128xi32, #tpu.memory_space<vmem>>, vector<16xi32>,
        tpu.vector_store %arg6[%swap3A_174, %swap3A_175], %scan3A_158#2 {strides = array<i32>} : memref<16x128xi32, #tpu.memory_space<vmem>>, vector<16xi32>,
        %mul3A_177 = arith.constant 16 : i32
        %mul3A_178 = arith.muli %scan3A_132, %mul3A_177 : i32
        %swap3A_179 = arith.constant 3 : i32
        %swap3A_180 = arith.index_cast %swap3A_179 : i32 to index
        %swap3A_181 = arith.index_cast %mul3A_178 : i32 to index
        %swap3A_182 = tpu.vector_load %arg6[%swap3A_180, %swap3A_181] {strides = array<i32>} : memref<16x128xi32, #tpu.memory_space<vmem>>, vector<16xi32>,
        tpu.vector_store %arg6[%swap3A_180, %swap3A_181], %scan3A_158#3 {strides = array<i32>} : memref<16x128xi32, #tpu.memory_space<vmem>>, vector<16xi32>,
        %mul3A_183 = arith.constant 16 : i32
        %mul3A_184 = arith.muli %scan3A_132, %mul3A_183 : i32
        %swap3A_185 = arith.constant 4 : i32
        %swap3A_186 = arith.index_cast %swap3A_185 : i32 to index
        %swap3A_187 = arith.index_cast %mul3A_184 : i32 to index
        %swap3A_188 = tpu.vector_load %arg6[%swap3A_186, %swap3A_187] {strides = array<i32>} : memref<16x128xi32, #tpu.memory_space<vmem>>, vector<16xi32>,
        tpu.vector_store %arg6[%swap3A_186, %swap3A_187], %scan3A_158#4 {strides = array<i32>} : memref<16x128xi32, #tpu.memory_space<vmem>>, vector<16xi32>,
        %mul3A_189 = arith.constant 16 : i32
        %mul3A_190 = arith.muli %scan3A_132, %mul3A_189 : i32
        %swap3A_191 = arith.constant 5 : i32
        %swap3A_192 = arith.index_cast %swap3A_191 : i32 to index
        %swap3A_193 = arith.index_cast %mul3A_190 : i32 to index
        %swap3A_194 = tpu.vector_load %arg6[%swap3A_192, %swap3A_193] {strides = array<i32>} : memref<16x128xi32, #tpu.memory_space<vmem>>, vector<16xi32>,
        tpu.vector_store %arg6[%swap3A_192, %swap3A_193], %scan3A_158#5 {strides = array<i32>} : memref<16x128xi32, #tpu.memory_space<vmem>>, vector<16xi32>,
        %mul3A_195 = arith.constant 16 : i32
        %mul3A_196 = arith.muli %scan3A_132, %mul3A_195 : i32
        %swap3A_197 = arith.constant 6 : i32
        %swap3A_198 = arith.index_cast %swap3A_197 : i32 to index
        %swap3A_199 = arith.index_cast %mul3A_196 : i32 to index
        %swap3A_200 = tpu.vector_load %arg6[%swap3A_198, %swap3A_199] {strides = array<i32>} : memref<16x128xi32, #tpu.memory_space<vmem>>, vector<16xi32>,
        tpu.vector_store %arg6[%swap3A_198, %swap3A_199], %scan3A_158#6 {strides = array<i32>} : memref<16x128xi32, #tpu.memory_space<vmem>>, vector<16xi32>,
        %mul3A_201 = arith.constant 16 : i32
        %mul3A_202 = arith.muli %scan3A_132, %mul3A_201 : i32
        %swap3A_203 = arith.constant 7 : i32
        %swap3A_204 = arith.index_cast %swap3A_203 : i32 to index
        %swap3A_205 = arith.index_cast %mul3A_202 : i32 to index
        %swap3A_206 = tpu.vector_load %arg6[%swap3A_204, %swap3A_205] {strides = array<i32>} : memref<16x128xi32, #tpu.memory_space<vmem>>, vector<16xi32>,
        tpu.vector_store %arg6[%swap3A_204, %swap3A_205], %scan3A_158#7 {strides = array<i32>} : memref<16x128xi32, #tpu.memory_space<vmem>>, vector<16xi32>,
        %mul3A_207 = arith.constant 16 : i32
        %mul3A_208 = arith.muli %scan3A_132, %mul3A_207 : i32
        %swap3A_209 = arith.constant 8 : i32
        %swap3A_210 = arith.index_cast %swap3A_209 : i32 to index
        %swap3A_211 = arith.index_cast %mul3A_208 : i32 to index
        %swap3A_212 = tpu.vector_load %arg6[%swap3A_210, %swap3A_211] {strides = array<i32>} : memref<16x128xi32, #tpu.memory_space<vmem>>, vector<16xi32>,
        tpu.vector_store %arg6[%swap3A_210, %swap3A_211], %scan3A_158#8 {strides = array<i32>} : memref<16x128xi32, #tpu.memory_space<vmem>>, vector<16xi32>,
        %mul3A_213 = arith.constant 16 : i32
        %mul3A_214 = arith.muli %scan3A_132, %mul3A_213 : i32
        %swap3A_215 = arith.constant 9 : i32
        %swap3A_216 = arith.index_cast %swap3A_215 : i32 to index
        %swap3A_217 = arith.index_cast %mul3A_214 : i32 to index
        %swap3A_218 = tpu.vector_load %arg6[%swap3A_216, %swap3A_217] {strides = array<i32>} : memref<16x128xi32, #tpu.memory_space<vmem>>, vector<16xi32>,
        tpu.vector_store %arg6[%swap3A_216, %swap3A_217], %scan3A_158#9 {strides = array<i32>} : memref<16x128xi32, #tpu.memory_space<vmem>>, vector<16xi32>,
      }
      %scan3A_98 = arith.constant 8 : i32
      %mul3A_99 = arith.constant 800 : i32
      %mul3A_100 = arith.muli %scan3A_84, %mul3A_99 : i32
      %add3A_101 = arith.constant 400 : i32
      %add3A_102 = arith.addi %mul3A_100, %add3A_101 : i32
      %dma_wait3A_103 = tpu.memref_slice %arg2[%select_n3A, %add3A_102, %mul3A_32] : memref<4x8192x1024xf32, #tpu.memory_space<hbm>> -> memref<1x400x128xf32, #tpu.memory_space<hbm>>
      %dma_wait3A_104 = tpu.memref_squeeze %dma_wait3A_103 : memref<1x400x128xf32, #tpu.memory_space<hbm>> -> memref<400x128xf32, #tpu.memory_space<hbm>>
      %dma_wait3A_105 = tpu.memref_slice %arg2[%select_n3A, %add3A_102, %mul3A_32] : memref<4x8192x1024xf32, #tpu.memory_space<hbm>> -> memref<1x400x128xf32, #tpu.memory_space<hbm>>
      %dma_wait3A_106 = tpu.memref_squeeze %dma_wait3A_105 : memref<1x400x128xf32, #tpu.memory_space<hbm>> -> memref<400x128xf32, #tpu.memory_space<hbm>>
      tpu.wait_dma2 semaphore(%arg11 : memref<!tpu.dma_semaphore, #tpu.memory_space<semaphore_mem>>) src(%dma_wait3A_106 : memref<400x128xf32, #tpu.memory_space<hbm>>) dst(%arg5 : memref<400x128xf32, #tpu.memory_space<vmem>>)
      %scan3A_107 = arith.constant 0 : i32
      %scan3A_108 = arith.constant 0 : i32
      %scan3A_109 = arith.constant 8 : i32
      %scan3A_110 = arith.addi %scan3A_108, %scan3A_109 : i32
      %scan3A_111 = arith.constant 1 : i32
      scf.for %scan3A_132 = %scan3A_108 to %scan3A_110 step %scan3A_111  : i32 {
        %mul3A_133 = arith.constant 800 : i32
        %mul3A_134 = arith.muli %scan3A_84, %mul3A_133 : i32
        %mul3A_135 = arith.constant 16 : i32
        %mul3A_136 = arith.muli %scan3A_132, %mul3A_135 : i32
        %broadcast_in_dim3A = vector.broadcast %mul3A_134 : i32 to vector<16xi32>
        %get3A = arith.constant 0 : i32
        %get3A_137 = arith.index_cast %get3A : i32 to index
        %get3A_138 = arith.index_cast %mul3A_136 : i32 to index
        %get3A_139 = tpu.vector_load %arg6[%get3A_137, %get3A_138] {strides = array<i32>} : memref<16x128xi32, #tpu.memory_space<vmem>>, vector<16xi32>,
        %get3A_140 = arith.constant 1 : i32
        %get3A_141 = arith.index_cast %get3A_140 : i32 to index
        %get3A_142 = arith.index_cast %mul3A_136 : i32 to index
        %get3A_143 = tpu.vector_load %arg6[%get3A_141, %get3A_142] {strides = array<i32>} : memref<16x128xi32, #tpu.memory_space<vmem>>, vector<16xi32>,
        %get3A_144 = arith.constant 2 : i32
        %get3A_145 = arith.index_cast %get3A_144 : i32 to index
        %get3A_146 = arith.index_cast %mul3A_136 : i32 to index
        %get3A_147 = tpu.vector_load %arg6[%get3A_145, %get3A_146] {strides = array<i32>} : memref<16x128xi32, #tpu.memory_space<vmem>>, vector<16xi32>,
        %get3A_148 = arith.constant 3 : i32
        %get3A_149 = arith.index_cast %get3A_148 : i32 to index
        %get3A_150 = arith.index_cast %mul3A_136 : i32 to index
        %get3A_151 = tpu.vector_load %arg6[%get3A_149, %get3A_150] {strides = array<i32>} : memref<16x128xi32, #tpu.memory_space<vmem>>, vector<16xi32>,
        %get3A_152 = arith.constant 4 : i32
        %get3A_153 = arith.index_cast %get3A_152 : i32 to index
        %get3A_154 = arith.index_cast %mul3A_136 : i32 to index
        %get3A_155 = tpu.vector_load %arg6[%get3A_153, %get3A_154] {strides = array<i32>} : memref<16x128xi32, #tpu.memory_space<vmem>>, vector<16xi32>,
        %get3A_156 = arith.constant 5 : i32
        %get3A_157 = arith.index_cast %get3A_156 : i32 to index
        %get3A_158 = arith.index_cast %mul3A_136 : i32 to index
        %get3A_159 = tpu.vector_load %arg6[%get3A_157, %get3A_158] {strides = array<i32>} : memref<16x128xi32, #tpu.memory_space<vmem>>, vector<16xi32>,
        %get3A_160 = arith.constant 6 : i32
        %get3A_161 = arith.index_cast %get3A_160 : i32 to index
        %get3A_162 = arith.index_cast %mul3A_136 : i32 to index
        %get3A_163 = tpu.vector_load %arg6[%get3A_161, %get3A_162] {strides = array<i32>} : memref<16x128xi32, #tpu.memory_space<vmem>>, vector<16xi32>,
        %get3A_164 = arith.constant 7 : i32
        %get3A_165 = arith.index_cast %get3A_164 : i32 to index
        %get3A_166 = arith.index_cast %mul3A_136 : i32 to index
        %get3A_167 = tpu.vector_load %arg6[%get3A_165, %get3A_166] {strides = array<i32>} : memref<16x128xi32, #tpu.memory_space<vmem>>, vector<16xi32>,
        %get3A_168 = arith.constant 8 : i32
        %get3A_169 = arith.index_cast %get3A_168 : i32 to index
        %get3A_170 = arith.index_cast %mul3A_136 : i32 to index
        %get3A_171 = tpu.vector_load %arg6[%get3A_169, %get3A_170] {strides = array<i32>} : memref<16x128xi32, #tpu.memory_space<vmem>>, vector<16xi32>,
        %get3A_172 = arith.constant 9 : i32
        %get3A_173 = arith.index_cast %get3A_172 : i32 to index
        %get3A_174 = arith.index_cast %mul3A_136 : i32 to index
        %get3A_175 = tpu.vector_load %arg6[%get3A_173, %get3A_174] {strides = array<i32>} : memref<16x128xi32, #tpu.memory_space<vmem>>, vector<16xi32>,
        %mul3A_176 = arith.constant 16 : i32
        %mul3A_177 = arith.muli %scan3A_132, %mul3A_176 : i32
        %scan3A_178 = arith.constant 0 : i32
        %scan3A_179 = arith.constant 50 : i32
        %scan3A_180 = arith.addi %scan3A_178, %scan3A_179 : i32
        %scan3A_181 = arith.constant 1 : i32
        %scan3A_182:10 = scf.for %scan3A_407 = %scan3A_178 to %scan3A_180 step %scan3A_181 iter_args(%scan3A_408 = %get3A_139, %scan3A_409 = %get3A_143, %scan3A_410 = %get3A_147, %scan3A_411 = %get3A_151, %scan3A_412 = %get3A_155, %scan3A_413 = %get3A_159, %scan3A_414 = %get3A_163, %scan3A_415 = %get3A_167, %scan3A_416 = %get3A_171, %scan3A_417 = %get3A_175) -> (vector<16xi32>, vector<16xi32>, vector<16xi32>, vector<16xi32>, vector<16xi32>, vector<16xi32>, vector<16xi32>, vector<16xi32>, vector<16xi32>, vector<16xi32>)  : i32 {
          %mul3A_418 = arith.constant 8 : i32
          %mul3A_419 = arith.muli %scan3A_407, %mul3A_418 : i32
          %get3A_420 = arith.index_cast %mul3A_419 : i32 to index
          %get3A_421 = arith.index_cast %mul3A_177 : i32 to index
          %get3A_422 = tpu.vector_load %arg5[%get3A_420, %get3A_421] {strides = array<i32>} : memref<400x128xf32, #tpu.memory_space<vmem>>, vector<16xf32>,
          %add3A_423 = arith.constant 1 : i32
          %add3A_424 = arith.addi %mul3A_419, %add3A_423 : i32
          %get3A_425 = arith.index_cast %add3A_424 : i32 to index
          %get3A_426 = arith.index_cast %mul3A_177 : i32 to index
          %get3A_427 = tpu.vector_load %arg5[%get3A_425, %get3A_426] {strides = array<i32>} : memref<400x128xf32, #tpu.memory_space<vmem>>, vector<16xf32>,
          %max3A = arith.maximumf %get3A_422, %get3A_427 : vector<16xf32>
          %add3A_428 = arith.constant 2 : i32
          %add3A_429 = arith.addi %mul3A_419, %add3A_428 : i32
          %get3A_430 = arith.index_cast %add3A_429 : i32 to index
          %get3A_431 = arith.index_cast %mul3A_177 : i32 to index
          %get3A_432 = tpu.vector_load %arg5[%get3A_430, %get3A_431] {strides = array<i32>} : memref<400x128xf32, #tpu.memory_space<vmem>>, vector<16xf32>,
          %max3A_433 = arith.maximumf %max3A, %get3A_432 : vector<16xf32>
          %add3A_434 = arith.constant 3 : i32
          %add3A_435 = arith.addi %mul3A_419, %add3A_434 : i32
          %get3A_436 = arith.index_cast %add3A_435 : i32 to index
          %get3A_437 = arith.index_cast %mul3A_177 : i32 to index
          %get3A_438 = tpu.vector_load %arg5[%get3A_436, %get3A_437] {strides = array<i32>} : memref<400x128xf32, #tpu.memory_space<vmem>>, vector<16xf32>,
          %max3A_439 = arith.maximumf %max3A_433, %get3A_438 : vector<16xf32>
          %add3A_440 = arith.constant 4 : i32
          %add3A_441 = arith.addi %mul3A_419, %add3A_440 : i32
          %get3A_442 = arith.index_cast %add3A_441 : i32 to index
          %get3A_443 = arith.index_cast %mul3A_177 : i32 to index
          %get3A_444 = tpu.vector_load %arg5[%get3A_442, %get3A_443] {strides = array<i32>} : memref<400x128xf32, #tpu.memory_space<vmem>>, vector<16xf32>,
          %max3A_445 = arith.maximumf %max3A_439, %get3A_444 : vector<16xf32>
          %add3A_446 = arith.constant 5 : i32
          %add3A_447 = arith.addi %mul3A_419, %add3A_446 : i32
          %get3A_448 = arith.index_cast %add3A_447 : i32 to index
          %get3A_449 = arith.index_cast %mul3A_177 : i32 to index
          %get3A_450 = tpu.vector_load %arg5[%get3A_448, %get3A_449] {strides = array<i32>} : memref<400x128xf32, #tpu.memory_space<vmem>>, vector<16xf32>,
          %max3A_451 = arith.maximumf %max3A_445, %get3A_450 : vector<16xf32>
          %add3A_452 = arith.constant 6 : i32
          %add3A_453 = arith.addi %mul3A_419, %add3A_452 : i32
          %get3A_454 = arith.index_cast %add3A_453 : i32 to index
          %get3A_455 = arith.index_cast %mul3A_177 : i32 to index
          %get3A_456 = tpu.vector_load %arg5[%get3A_454, %get3A_455] {strides = array<i32>} : memref<400x128xf32, #tpu.memory_space<vmem>>, vector<16xf32>,
          %max3A_457 = arith.maximumf %max3A_451, %get3A_456 : vector<16xf32>
          %add3A_458 = arith.constant 7 : i32
          %add3A_459 = arith.addi %mul3A_419, %add3A_458 : i32
          %get3A_460 = arith.index_cast %add3A_459 : i32 to index
          %get3A_461 = arith.index_cast %mul3A_177 : i32 to index
          %get3A_462 = tpu.vector_load %arg5[%get3A_460, %get3A_461] {strides = array<i32>} : memref<400x128xf32, #tpu.memory_space<vmem>>, vector<16xf32>,
          %max3A_463 = arith.maximumf %max3A_457, %get3A_462 : vector<16xf32>
          %bitcast_convert_type3A = tpu.bitcast %max3A_463 : vector<16xf32> -> vector<16xi32>
          %shift_right_arithmetic3A = arith.constant 31 : i32
          %shift_right_arithmetic3A_464 = vector.broadcast %shift_right_arithmetic3A : i32 to vector<16xi32>
          %shift_right_arithmetic3A_465 = arith.shrsi %bitcast_convert_type3A, %shift_right_arithmetic3A_464 : vector<16xi32>
          %and3A_466 = arith.constant 2147483647 : i32
          %and3A_467 = vector.broadcast %and3A_466 : i32 to vector<16xi32>
          %and3A_468 = arith.andi %shift_right_arithmetic3A_465, %and3A_467 : vector<16xi32>
          %xor3A = arith.xori %bitcast_convert_type3A, %and3A_468 : vector<16xi32>
          %and3A_469 = arith.constant -128 : i32
          %and3A_470 = vector.broadcast %and3A_469 : i32 to vector<16xi32>
          %and3A_471 = arith.andi %xor3A, %and3A_470 : vector<16xi32>
          %sub3A_472 = arith.constant 127 : i32
          %sub3A_473 = arith.constant 50 : i32
          %sub3A_474 = arith.subi %sub3A_472, %sub3A_473 : i32
          %sub3A_475 = arith.subi %sub3A_474, %scan3A_407 : i32
          %or3A = vector.broadcast %sub3A_475 : i32 to vector<16xi32>
          %or3A_476 = arith.ori %and3A_471, %or3A : vector<16xi32>
          %max3A_477 = arith.maxsi %scan3A_408, %or3A_476 : vector<16xi32>
          %min3A_478 = arith.minsi %or3A_476, %scan3A_408 : vector<16xi32>
          %max3A_479 = arith.maxsi %scan3A_409, %min3A_478 : vector<16xi32>
          %min3A_480 = arith.minsi %or3A_476, %scan3A_409 : vector<16xi32>
          %max3A_481 = arith.maxsi %scan3A_410, %min3A_480 : vector<16xi32>
          %min3A_482 = arith.minsi %or3A_476, %scan3A_410 : vector<16xi32>
          %max3A_483 = arith.maxsi %scan3A_411, %min3A_482 : vector<16xi32>
          %min3A_484 = arith.minsi %or3A_476, %scan3A_411 : vector<16xi32>
          %max3A_485 = arith.maxsi %scan3A_412, %min3A_484 : vector<16xi32>
          %min3A_486 = arith.minsi %or3A_476, %scan3A_412 : vector<16xi32>
          %max3A_487 = arith.maxsi %scan3A_413, %min3A_486 : vector<16xi32>
          %min3A_488 = arith.minsi %or3A_476, %scan3A_413 : vector<16xi32>
          %max3A_489 = arith.maxsi %scan3A_414, %min3A_488 : vector<16xi32>
          %min3A_490 = arith.minsi %or3A_476, %scan3A_414 : vector<16xi32>
          %max3A_491 = arith.maxsi %scan3A_415, %min3A_490 : vector<16xi32>
          %min3A_492 = arith.minsi %or3A_476, %scan3A_415 : vector<16xi32>
          %max3A_493 = arith.maxsi %scan3A_416, %min3A_492 : vector<16xi32>
          %min3A_494 = arith.minsi %or3A_476, %scan3A_416 : vector<16xi32>
          %max3A_495 = arith.maxsi %scan3A_417, %min3A_494 : vector<16xi32>
          scf.yield %max3A_477, %max3A_479, %max3A_481, %max3A_483, %max3A_485, %max3A_487, %max3A_489, %max3A_491, %max3A_493, %max3A_495 : vector<16xi32>, vector<16xi32>, vector<16xi32>, vector<16xi32>, vector<16xi32>, vector<16xi32>, vector<16xi32>, vector<16xi32>, vector<16xi32>, vector<16xi32>
        }
        %scan3A_183 = arith.constant 50 : i32
        %and3A_184 = arith.constant 127 : i32
        %and3A_185 = vector.broadcast %and3A_184 : i32 to vector<16xi32>
        %and3A_186 = arith.andi %scan3A_182#0, %and3A_185 : vector<16xi32>
        %sub3A_187 = arith.constant 127 : i32
        %sub3A_188 = vector.broadcast %sub3A_187 : i32 to vector<16xi32>
        %sub3A_189 = arith.subi %sub3A_188, %and3A_186 : vector<16xi32>
        %mul3A_190 = arith.constant 8 : i32
        %mul3A_191 = vector.broadcast %mul3A_190 : i32 to vector<16xi32>
        %mul3A_192 = arith.muli %sub3A_189, %mul3A_191 : vector<16xi32>
        %and3A_193 = arith.constant 127 : i32
        %and3A_194 = vector.broadcast %and3A_193 : i32 to vector<16xi32>
        %and3A_195 = arith.andi %scan3A_182#1, %and3A_194 : vector<16xi32>
        %sub3A_196 = arith.constant 127 : i32
        %sub3A_197 = vector.broadcast %sub3A_196 : i32 to vector<16xi32>
        %sub3A_198 = arith.subi %sub3A_197, %and3A_195 : vector<16xi32>
        %mul3A_199 = arith.constant 8 : i32
        %mul3A_200 = vector.broadcast %mul3A_199 : i32 to vector<16xi32>
        %mul3A_201 = arith.muli %sub3A_198, %mul3A_200 : vector<16xi32>
        %and3A_202 = arith.constant 127 : i32
        %and3A_203 = vector.broadcast %and3A_202 : i32 to vector<16xi32>
        %and3A_204 = arith.andi %scan3A_182#2, %and3A_203 : vector<16xi32>
        %sub3A_205 = arith.constant 127 : i32
        %sub3A_206 = vector.broadcast %sub3A_205 : i32 to vector<16xi32>
        %sub3A_207 = arith.subi %sub3A_206, %and3A_204 : vector<16xi32>
        %mul3A_208 = arith.constant 8 : i32
        %mul3A_209 = vector.broadcast %mul3A_208 : i32 to vector<16xi32>
        %mul3A_210 = arith.muli %sub3A_207, %mul3A_209 : vector<16xi32>
        %and3A_211 = arith.constant 127 : i32
        %and3A_212 = vector.broadcast %and3A_211 : i32 to vector<16xi32>
        %and3A_213 = arith.andi %scan3A_182#3, %and3A_212 : vector<16xi32>
        %sub3A_214 = arith.constant 127 : i32
        %sub3A_215 = vector.broadcast %sub3A_214 : i32 to vector<16xi32>
        %sub3A_216 = arith.subi %sub3A_215, %and3A_213 : vector<16xi32>
        %mul3A_217 = arith.constant 8 : i32
        %mul3A_218 = vector.broadcast %mul3A_217 : i32 to vector<16xi32>
        %mul3A_219 = arith.muli %sub3A_216, %mul3A_218 : vector<16xi32>
        %and3A_220 = arith.constant 127 : i32
        %and3A_221 = vector.broadcast %and3A_220 : i32 to vector<16xi32>
        %and3A_222 = arith.andi %scan3A_182#4, %and3A_221 : vector<16xi32>
        %sub3A_223 = arith.constant 127 : i32
        %sub3A_224 = vector.broadcast %sub3A_223 : i32 to vector<16xi32>
        %sub3A_225 = arith.subi %sub3A_224, %and3A_222 : vector<16xi32>
        %mul3A_226 = arith.constant 8 : i32
        %mul3A_227 = vector.broadcast %mul3A_226 : i32 to vector<16xi32>
        %mul3A_228 = arith.muli %sub3A_225, %mul3A_227 : vector<16xi32>
        %and3A_229 = arith.constant 127 : i32
        %and3A_230 = vector.broadcast %and3A_229 : i32 to vector<16xi32>
        %and3A_231 = arith.andi %scan3A_182#5, %and3A_230 : vector<16xi32>
        %sub3A_232 = arith.constant 127 : i32
        %sub3A_233 = vector.broadcast %sub3A_232 : i32 to vector<16xi32>
        %sub3A_234 = arith.subi %sub3A_233, %and3A_231 : vector<16xi32>
        %mul3A_235 = arith.constant 8 : i32
        %mul3A_236 = vector.broadcast %mul3A_235 : i32 to vector<16xi32>
        %mul3A_237 = arith.muli %sub3A_234, %mul3A_236 : vector<16xi32>
        %and3A_238 = arith.constant 127 : i32
        %and3A_239 = vector.broadcast %and3A_238 : i32 to vector<16xi32>
        %and3A_240 = arith.andi %scan3A_182#6, %and3A_239 : vector<16xi32>
        %sub3A_241 = arith.constant 127 : i32
        %sub3A_242 = vector.broadcast %sub3A_241 : i32 to vector<16xi32>
        %sub3A_243 = arith.subi %sub3A_242, %and3A_240 : vector<16xi32>
        %mul3A_244 = arith.constant 8 : i32
        %mul3A_245 = vector.broadcast %mul3A_244 : i32 to vector<16xi32>
        %mul3A_246 = arith.muli %sub3A_243, %mul3A_245 : vector<16xi32>
        %and3A_247 = arith.constant 127 : i32
        %and3A_248 = vector.broadcast %and3A_247 : i32 to vector<16xi32>
        %and3A_249 = arith.andi %scan3A_182#7, %and3A_248 : vector<16xi32>
        %sub3A_250 = arith.constant 127 : i32
        %sub3A_251 = vector.broadcast %sub3A_250 : i32 to vector<16xi32>
        %sub3A_252 = arith.subi %sub3A_251, %and3A_249 : vector<16xi32>
        %mul3A_253 = arith.constant 8 : i32
        %mul3A_254 = vector.broadcast %mul3A_253 : i32 to vector<16xi32>
        %mul3A_255 = arith.muli %sub3A_252, %mul3A_254 : vector<16xi32>
        %and3A_256 = arith.constant 127 : i32
        %and3A_257 = vector.broadcast %and3A_256 : i32 to vector<16xi32>
        %and3A_258 = arith.andi %scan3A_182#8, %and3A_257 : vector<16xi32>
        %sub3A_259 = arith.constant 127 : i32
        %sub3A_260 = vector.broadcast %sub3A_259 : i32 to vector<16xi32>
        %sub3A_261 = arith.subi %sub3A_260, %and3A_258 : vector<16xi32>
        %mul3A_262 = arith.constant 8 : i32
        %mul3A_263 = vector.broadcast %mul3A_262 : i32 to vector<16xi32>
        %mul3A_264 = arith.muli %sub3A_261, %mul3A_263 : vector<16xi32>
        %and3A_265 = arith.constant 127 : i32
        %and3A_266 = vector.broadcast %and3A_265 : i32 to vector<16xi32>
        %and3A_267 = arith.andi %scan3A_182#9, %and3A_266 : vector<16xi32>
        %sub3A_268 = arith.constant 127 : i32
        %sub3A_269 = vector.broadcast %sub3A_268 : i32 to vector<16xi32>
        %sub3A_270 = arith.subi %sub3A_269, %and3A_267 : vector<16xi32>
        %mul3A_271 = arith.constant 8 : i32
        %mul3A_272 = vector.broadcast %mul3A_271 : i32 to vector<16xi32>
        %mul3A_273 = arith.muli %sub3A_270, %mul3A_272 : vector<16xi32>
        %get3A_274 = arith.constant 0 : i32
        %get3A_275 = arith.index_cast %get3A_274 : i32 to index
        %get3A_276 = arith.index_cast %mul3A_136 : i32 to index
        %get3A_277 = tpu.vector_load %arg7[%get3A_275, %get3A_276] {strides = array<i32>} : memref<8x128xf32, #tpu.memory_space<vmem>>, vector<16xf32>,
        %get3A_278 = arith.constant 1 : i32
        %get3A_279 = arith.index_cast %get3A_278 : i32 to index
        %get3A_280 = arith.index_cast %mul3A_136 : i32 to index
        %get3A_281 = tpu.vector_load %arg7[%get3A_279, %get3A_280] {strides = array<i32>} : memref<8x128xf32, #tpu.memory_space<vmem>>, vector<16xf32>,
        %get3A_282 = arith.constant 2 : i32
        %get3A_283 = arith.index_cast %get3A_282 : i32 to index
        %get3A_284 = arith.index_cast %mul3A_136 : i32 to index
        %get3A_285 = tpu.vector_load %arg7[%get3A_283, %get3A_284] {strides = array<i32>} : memref<8x128xf32, #tpu.memory_space<vmem>>, vector<16xf32>,
        %get3A_286 = arith.constant 3 : i32
        %get3A_287 = arith.index_cast %get3A_286 : i32 to index
        %get3A_288 = arith.index_cast %mul3A_136 : i32 to index
        %get3A_289 = tpu.vector_load %arg7[%get3A_287, %get3A_288] {strides = array<i32>} : memref<8x128xf32, #tpu.memory_space<vmem>>, vector<16xf32>,
        %get3A_290 = arith.constant 4 : i32
        %get3A_291 = arith.index_cast %get3A_290 : i32 to index
        %get3A_292 = arith.index_cast %mul3A_136 : i32 to index
        %get3A_293 = tpu.vector_load %arg7[%get3A_291, %get3A_292] {strides = array<i32>} : memref<8x128xf32, #tpu.memory_space<vmem>>, vector<16xf32>,
        %get3A_294 = arith.constant 5 : i32
        %get3A_295 = arith.index_cast %get3A_294 : i32 to index
        %get3A_296 = arith.index_cast %mul3A_136 : i32 to index
        %get3A_297 = tpu.vector_load %arg7[%get3A_295, %get3A_296] {strides = array<i32>} : memref<8x128xf32, #tpu.memory_space<vmem>>, vector<16xf32>,
        %get3A_298 = arith.constant 6 : i32
        %get3A_299 = arith.index_cast %get3A_298 : i32 to index
        %get3A_300 = arith.index_cast %mul3A_136 : i32 to index
        %get3A_301 = tpu.vector_load %arg7[%get3A_299, %get3A_300] {strides = array<i32>} : memref<8x128xf32, #tpu.memory_space<vmem>>, vector<16xf32>,
        %get3A_302 = arith.constant 7 : i32
        %get3A_303 = arith.index_cast %get3A_302 : i32 to index
        %get3A_304 = arith.index_cast %mul3A_136 : i32 to index
        %get3A_305 = tpu.vector_load %arg7[%get3A_303, %get3A_304] {strides = array<i32>} : memref<8x128xf32, #tpu.memory_space<vmem>>, vector<16xf32>,
        %get3A_306 = arith.constant 0 : i32
        %get3A_307 = arith.index_cast %get3A_306 : i32 to index
        %get3A_308 = arith.index_cast %mul3A_136 : i32 to index
        %get3A_309 = tpu.vector_load %arg8[%get3A_307, %get3A_308] {strides = array<i32>} : memref<8x128xi32, #tpu.memory_space<vmem>>, vector<16xi32>,
        %get3A_310 = arith.constant 1 : i32
        %get3A_311 = arith.index_cast %get3A_310 : i32 to index
        %get3A_312 = arith.index_cast %mul3A_136 : i32 to index
        %get3A_313 = tpu.vector_load %arg8[%get3A_311, %get3A_312] {strides = array<i32>} : memref<8x128xi32, #tpu.memory_space<vmem>>, vector<16xi32>,
        %get3A_314 = arith.constant 2 : i32
        %get3A_315 = arith.index_cast %get3A_314 : i32 to index
        %get3A_316 = arith.index_cast %mul3A_136 : i32 to index
        %get3A_317 = tpu.vector_load %arg8[%get3A_315, %get3A_316] {strides = array<i32>} : memref<8x128xi32, #tpu.memory_space<vmem>>, vector<16xi32>,
        %get3A_318 = arith.constant 3 : i32
        %get3A_319 = arith.index_cast %get3A_318 : i32 to index
        %get3A_320 = arith.index_cast %mul3A_136 : i32 to index
        %get3A_321 = tpu.vector_load %arg8[%get3A_319, %get3A_320] {strides = array<i32>} : memref<8x128xi32, #tpu.memory_space<vmem>>, vector<16xi32>,
        %get3A_322 = arith.constant 4 : i32
        %get3A_323 = arith.index_cast %get3A_322 : i32 to index
        %get3A_324 = arith.index_cast %mul3A_136 : i32 to index
        %get3A_325 = tpu.vector_load %arg8[%get3A_323, %get3A_324] {strides = array<i32>} : memref<8x128xi32, #tpu.memory_space<vmem>>, vector<16xi32>,
        %get3A_326 = arith.constant 5 : i32
        %get3A_327 = arith.index_cast %get3A_326 : i32 to index
        %get3A_328 = arith.index_cast %mul3A_136 : i32 to index
        %get3A_329 = tpu.vector_load %arg8[%get3A_327, %get3A_328] {strides = array<i32>} : memref<8x128xi32, #tpu.memory_space<vmem>>, vector<16xi32>,
        %get3A_330 = arith.constant 6 : i32
        %get3A_331 = arith.index_cast %get3A_330 : i32 to index
        %get3A_332 = arith.index_cast %mul3A_136 : i32 to index
        %get3A_333 = tpu.vector_load %arg8[%get3A_331, %get3A_332] {strides = array<i32>} : memref<8x128xi32, #tpu.memory_space<vmem>>, vector<16xi32>,
        %get3A_334 = arith.constant 7 : i32
        %get3A_335 = arith.index_cast %get3A_334 : i32 to index
        %get3A_336 = arith.index_cast %mul3A_136 : i32 to index
        %get3A_337 = tpu.vector_load %arg8[%get3A_335, %get3A_336] {strides = array<i32>} : memref<8x128xi32, #tpu.memory_space<vmem>>, vector<16xi32>,
        %scan3A_338 = arith.constant 0 : i32
        %scan3A_339 = arith.constant 8 : i32
        %scan3A_340 = arith.addi %scan3A_338, %scan3A_339 : i32
        %scan3A_341 = arith.constant 1 : i32
        %scan3A_342:16 = scf.for %scan3A_407 = %scan3A_338 to %scan3A_340 step %scan3A_341 iter_args(%scan3A_408 = %get3A_277, %scan3A_409 = %get3A_281, %scan3A_410 = %get3A_285, %scan3A_411 = %get3A_289, %scan3A_412 = %get3A_293, %scan3A_413 = %get3A_297, %scan3A_414 = %get3A_301, %scan3A_415 = %get3A_305, %scan3A_416 = %get3A_309, %scan3A_417 = %get3A_313, %scan3A_418 = %get3A_317, %scan3A_419 = %get3A_321, %scan3A_420 = %get3A_325, %scan3A_421 = %get3A_329, %scan3A_422 = %get3A_333, %scan3A_423 = %get3A_337) -> (vector<16xf32>, vector<16xf32>, vector<16xf32>, vector<16xf32>, vector<16xf32>, vector<16xf32>, vector<16xf32>, vector<16xf32>, vector<16xi32>, vector<16xi32>, vector<16xi32>, vector<16xi32>, vector<16xi32>, vector<16xi32>, vector<16xi32>, vector<16xi32>)  : i32 {
          %broadcast_in_dim3A_424 = vector.broadcast %scan3A_407 : i32 to vector<16xi32>
          %add3A_425 = arith.addi %mul3A_192, %broadcast_in_dim3A_424 : vector<16xi32>
          %lt3A_426 = arith.constant 400 : i32
          %lt3A_427 = vector.broadcast %lt3A_426 : i32 to vector<16xi32>
          %lt3A_428 = arith.cmpi slt, %add3A_425, %lt3A_427 : vector<16xi32>
          %jit3A_429 = arith.constant 0 : i32
          %broadcast_in_dim3A_430 = vector.broadcast %jit3A_429 : i32 to vector<16xi32>
          %select_n3A_431 = arith.select %lt3A_428, %add3A_425, %broadcast_in_dim3A_430 : vector<16xi1>, vector<16xi32>
          %sub3A_432 = arith.constant 400 : i32
          %sub3A_433 = vector.broadcast %sub3A_432 : i32 to vector<16xi32>
          %sub3A_434 = arith.subi %add3A_425, %sub3A_433 : vector<16xi32>
          %jit3A_435 = arith.constant 0 : i32
          %broadcast_in_dim3A_436 = vector.broadcast %jit3A_435 : i32 to vector<16xi32>
          %select_n3A_437 = arith.select %lt3A_428, %broadcast_in_dim3A_436, %sub3A_434 : vector<16xi1>, vector<16xi32>
          %add3A_438 = vector.broadcast %mul3A_136 : i32 to vector<16xi32>
          %add3A_439 = arith.addi %iota3A, %add3A_438 : vector<16xi32>
          %gather3A = tpu.vector_load_idx %arg4[%select_n3A_431, %add3A_439] : memref<400x128xf32, #tpu.memory_space<vmem>>[vector<16xi32>, vector<16xi32>], vector<16xf32>,
          %add3A_440 = vector.broadcast %mul3A_136 : i32 to vector<16xi32>
          %add3A_441 = arith.addi %iota3A, %add3A_440 : vector<16xi32>
          %gather3A_442 = tpu.vector_load_idx %arg5[%select_n3A_437, %add3A_441] : memref<400x128xf32, #tpu.memory_space<vmem>>[vector<16xi32>, vector<16xi32>], vector<16xf32>,
          %select_n3A_443 = arith.select %lt3A_428, %gather3A, %gather3A_442 : vector<16xi1>, vector<16xf32>
          %add3A_444 = arith.addi %add3A_425, %broadcast_in_dim3A : vector<16xi32>
          %gt3A = arith.cmpf ogt, %select_n3A_443, %scan3A_408 : vector<16xf32>
          %gt3A_445 = arith.cmpf ogt, %select_n3A_443, %scan3A_409 : vector<16xf32>
          %gt3A_446 = arith.cmpf ogt, %select_n3A_443, %scan3A_410 : vector<16xf32>
          %gt3A_447 = arith.cmpf ogt, %select_n3A_443, %scan3A_411 : vector<16xf32>
          %gt3A_448 = arith.cmpf ogt, %select_n3A_443, %scan3A_412 : vector<16xf32>
          %gt3A_449 = arith.cmpf ogt, %select_n3A_443, %scan3A_413 : vector<16xf32>
          %gt3A_450 = arith.cmpf ogt, %select_n3A_443, %scan3A_414 : vector<16xf32>
          %gt3A_451 = arith.cmpf ogt, %select_n3A_443, %scan3A_415 : vector<16xf32>
          %select_n3A_452 = arith.select %gt3A_450, %scan3A_414, %select_n3A_443 : vector<16xi1>, vector<16xf32>
          %select_n3A_453 = arith.select %gt3A_451, %select_n3A_452, %scan3A_415 : vector<16xi1>, vector<16xf32>
          %select_n3A_454 = arith.select %gt3A_450, %scan3A_422, %add3A_444 : vector<16xi1>, vector<16xi32>
          %select_n3A_455 = arith.select %gt3A_451, %select_n3A_454, %scan3A_423 : vector<16xi1>, vector<16xi32>
          %select_n3A_456 = arith.select %gt3A_449, %scan3A_413, %select_n3A_443 : vector<16xi1>, vector<16xf32>
          %select_n3A_457 = arith.select %gt3A_450, %select_n3A_456, %scan3A_414 : vector<16xi1>, vector<16xf32>
          %select_n3A_458 = arith.select %gt3A_449, %scan3A_421, %add3A_444 : vector<16xi1>, vector<16xi32>
          %select_n3A_459 = arith.select %gt3A_450, %select_n3A_458, %scan3A_422 : vector<16xi1>, vector<16xi32>
          %select_n3A_460 = arith.select %gt3A_448, %scan3A_412, %select_n3A_443 : vector<16xi1>, vector<16xf32>
          %select_n3A_461 = arith.select %gt3A_449, %select_n3A_460, %scan3A_413 : vector<16xi1>, vector<16xf32>
          %select_n3A_462 = arith.select %gt3A_448, %scan3A_420, %add3A_444 : vector<16xi1>, vector<16xi32>
          %select_n3A_463 = arith.select %gt3A_449, %select_n3A_462, %scan3A_421 : vector<16xi1>, vector<16xi32>
          %select_n3A_464 = arith.select %gt3A_447, %scan3A_411, %select_n3A_443 : vector<16xi1>, vector<16xf32>
          %select_n3A_465 = arith.select %gt3A_448, %select_n3A_464, %scan3A_412 : vector<16xi1>, vector<16xf32>
          %select_n3A_466 = arith.select %gt3A_447, %scan3A_419, %add3A_444 : vector<16xi1>, vector<16xi32>
          %select_n3A_467 = arith.select %gt3A_448, %select_n3A_466, %scan3A_420 : vector<16xi1>, vector<16xi32>
          %select_n3A_468 = arith.select %gt3A_446, %scan3A_410, %select_n3A_443 : vector<16xi1>, vector<16xf32>
          %select_n3A_469 = arith.select %gt3A_447, %select_n3A_468, %scan3A_411 : vector<16xi1>, vector<16xf32>
          %select_n3A_470 = arith.select %gt3A_446, %scan3A_418, %add3A_444 : vector<16xi1>, vector<16xi32>
          %select_n3A_471 = arith.select %gt3A_447, %select_n3A_470, %scan3A_419 : vector<16xi1>, vector<16xi32>
          %select_n3A_472 = arith.select %gt3A_445, %scan3A_409, %select_n3A_443 : vector<16xi1>, vector<16xf32>
          %select_n3A_473 = arith.select %gt3A_446, %select_n3A_472, %scan3A_410 : vector<16xi1>, vector<16xf32>
          %select_n3A_474 = arith.select %gt3A_445, %scan3A_417, %add3A_444 : vector<16xi1>, vector<16xi32>
          %select_n3A_475 = arith.select %gt3A_446, %select_n3A_474, %scan3A_418 : vector<16xi1>, vector<16xi32>
          %select_n3A_476 = arith.select %gt3A, %scan3A_408, %select_n3A_443 : vector<16xi1>, vector<16xf32>
          %select_n3A_477 = arith.select %gt3A_445, %select_n3A_476, %scan3A_409 : vector<16xi1>, vector<16xf32>
          %select_n3A_478 = arith.select %gt3A, %scan3A_416, %add3A_444 : vector<16xi1>, vector<16xi32>
          %select_n3A_479 = arith.select %gt3A_445, %select_n3A_478, %scan3A_417 : vector<16xi1>, vector<16xi32>
          %select_n3A_480 = arith.select %gt3A, %select_n3A_443, %scan3A_408 : vector<16xi1>, vector<16xf32>
          %select_n3A_481 = arith.select %gt3A, %add3A_444, %scan3A_416 : vector<16xi1>, vector<16xi32>
          %add3A_482 = arith.addi %mul3A_201, %broadcast_in_dim3A_424 : vector<16xi32>
          %lt3A_483 = arith.constant 400 : i32
          %lt3A_484 = vector.broadcast %lt3A_483 : i32 to vector<16xi32>
          %lt3A_485 = arith.cmpi slt, %add3A_482, %lt3A_484 : vector<16xi32>
          %jit3A_486 = arith.constant 0 : i32
          %broadcast_in_dim3A_487 = vector.broadcast %jit3A_486 : i32 to vector<16xi32>
          %select_n3A_488 = arith.select %lt3A_485, %add3A_482, %broadcast_in_dim3A_487 : vector<16xi1>, vector<16xi32>
          %sub3A_489 = arith.constant 400 : i32
          %sub3A_490 = vector.broadcast %sub3A_489 : i32 to vector<16xi32>
          %sub3A_491 = arith.subi %add3A_482, %sub3A_490 : vector<16xi32>
          %jit3A_492 = arith.constant 0 : i32
          %broadcast_in_dim3A_493 = vector.broadcast %jit3A_492 : i32 to vector<16xi32>
          %select_n3A_494 = arith.select %lt3A_485, %broadcast_in_dim3A_493, %sub3A_491 : vector<16xi1>, vector<16xi32>
          %add3A_495 = vector.broadcast %mul3A_136 : i32 to vector<16xi32>
          %add3A_496 = arith.addi %iota3A, %add3A_495 : vector<16xi32>
          %gather3A_497 = tpu.vector_load_idx %arg4[%select_n3A_488, %add3A_496] : memref<400x128xf32, #tpu.memory_space<vmem>>[vector<16xi32>, vector<16xi32>], vector<16xf32>,
          %add3A_498 = vector.broadcast %mul3A_136 : i32 to vector<16xi32>
          %add3A_499 = arith.addi %iota3A, %add3A_498 : vector<16xi32>
          %gather3A_500 = tpu.vector_load_idx %arg5[%select_n3A_494, %add3A_499] : memref<400x128xf32, #tpu.memory_space<vmem>>[vector<16xi32>, vector<16xi32>], vector<16xf32>,
          %select_n3A_501 = arith.select %lt3A_485, %gather3A_497, %gather3A_500 : vector<16xi1>, vector<16xf32>
          %add3A_502 = arith.addi %add3A_482, %broadcast_in_dim3A : vector<16xi32>
          %gt3A_503 = arith.cmpf ogt, %select_n3A_501, %select_n3A_480 : vector<16xf32>
          %gt3A_504 = arith.cmpf ogt, %select_n3A_501, %select_n3A_477 : vector<16xf32>
          %gt3A_505 = arith.cmpf ogt, %select_n3A_501, %select_n3A_473 : vector<16xf32>
          %gt3A_506 = arith.cmpf ogt, %select_n3A_501, %select_n3A_469 : vector<16xf32>
          %gt3A_507 = arith.cmpf ogt, %select_n3A_501, %select_n3A_465 : vector<16xf32>
          %gt3A_508 = arith.cmpf ogt, %select_n3A_501, %select_n3A_461 : vector<16xf32>
          %gt3A_509 = arith.cmpf ogt, %select_n3A_501, %select_n3A_457 : vector<16xf32>
          %gt3A_510 = arith.cmpf ogt, %select_n3A_501, %select_n3A_453 : vector<16xf32>
          %select_n3A_511 = arith.select %gt3A_509, %select_n3A_457, %select_n3A_501 : vector<16xi1>, vector<16xf32>
          %select_n3A_512 = arith.select %gt3A_510, %select_n3A_511, %select_n3A_453 : vector<16xi1>, vector<16xf32>
          %select_n3A_513 = arith.select %gt3A_509, %select_n3A_459, %add3A_502 : vector<16xi1>, vector<16xi32>
          %select_n3A_514 = arith.select %gt3A_510, %select_n3A_513, %select_n3A_455 : vector<16xi1>, vector<16xi32>
          %select_n3A_515 = arith.select %gt3A_508, %select_n3A_461, %select_n3A_501 : vector<16xi1>, vector<16xf32>
          %select_n3A_516 = arith.select %gt3A_509, %select_n3A_515, %select_n3A_457 : vector<16xi1>, vector<16xf32>
          %select_n3A_517 = arith.select %gt3A_508, %select_n3A_463, %add3A_502 : vector<16xi1>, vector<16xi32>
          %select_n3A_518 = arith.select %gt3A_509, %select_n3A_517, %select_n3A_459 : vector<16xi1>, vector<16xi32>
          %select_n3A_519 = arith.select %gt3A_507, %select_n3A_465, %select_n3A_501 : vector<16xi1>, vector<16xf32>
          %select_n3A_520 = arith.select %gt3A_508, %select_n3A_519, %select_n3A_461 : vector<16xi1>, vector<16xf32>
          %select_n3A_521 = arith.select %gt3A_507, %select_n3A_467, %add3A_502 : vector<16xi1>, vector<16xi32>
          %select_n3A_522 = arith.select %gt3A_508, %select_n3A_521, %select_n3A_463 : vector<16xi1>, vector<16xi32>
          %select_n3A_523 = arith.select %gt3A_506, %select_n3A_469, %select_n3A_501 : vector<16xi1>, vector<16xf32>
          %select_n3A_524 = arith.select %gt3A_507, %select_n3A_523, %select_n3A_465 : vector<16xi1>, vector<16xf32>
          %select_n3A_525 = arith.select %gt3A_506, %select_n3A_471, %add3A_502 : vector<16xi1>, vector<16xi32>
          %select_n3A_526 = arith.select %gt3A_507, %select_n3A_525, %select_n3A_467 : vector<16xi1>, vector<16xi32>
          %select_n3A_527 = arith.select %gt3A_505, %select_n3A_473, %select_n3A_501 : vector<16xi1>, vector<16xf32>
          %select_n3A_528 = arith.select %gt3A_506, %select_n3A_527, %select_n3A_469 : vector<16xi1>, vector<16xf32>
          %select_n3A_529 = arith.select %gt3A_505, %select_n3A_475, %add3A_502 : vector<16xi1>, vector<16xi32>
          %select_n3A_530 = arith.select %gt3A_506, %select_n3A_529, %select_n3A_471 : vector<16xi1>, vector<16xi32>
          %select_n3A_531 = arith.select %gt3A_504, %select_n3A_477, %select_n3A_501 : vector<16xi1>, vector<16xf32>
          %select_n3A_532 = arith.select %gt3A_505, %select_n3A_531, %select_n3A_473 : vector<16xi1>, vector<16xf32>
          %select_n3A_533 = arith.select %gt3A_504, %select_n3A_479, %add3A_502 : vector<16xi1>, vector<16xi32>
          %select_n3A_534 = arith.select %gt3A_505, %select_n3A_533, %select_n3A_475 : vector<16xi1>, vector<16xi32>
          %select_n3A_535 = arith.select %gt3A_503, %select_n3A_480, %select_n3A_501 : vector<16xi1>, vector<16xf32>
          %select_n3A_536 = arith.select %gt3A_504, %select_n3A_535, %select_n3A_477 : vector<16xi1>, vector<16xf32>
          %select_n3A_537 = arith.select %gt3A_503, %select_n3A_481, %add3A_502 : vector<16xi1>, vector<16xi32>
          %select_n3A_538 = arith.select %gt3A_504, %select_n3A_537, %select_n3A_479 : vector<16xi1>, vector<16xi32>
          %select_n3A_539 = arith.select %gt3A_503, %select_n3A_501, %select_n3A_480 : vector<16xi1>, vector<16xf32>
          %select_n3A_540 = arith.select %gt3A_503, %add3A_502, %select_n3A_481 : vector<16xi1>, vector<16xi32>
          %add3A_541 = arith.addi %mul3A_210, %broadcast_in_dim3A_424 : vector<16xi32>
          %lt3A_542 = arith.constant 400 : i32
          %lt3A_543 = vector.broadcast %lt3A_542 : i32 to vector<16xi32>
          %lt3A_544 = arith.cmpi slt, %add3A_541, %lt3A_543 : vector<16xi32>
          %jit3A_545 = arith.constant 0 : i32
          %broadcast_in_dim3A_546 = vector.broadcast %jit3A_545 : i32 to vector<16xi32>
          %select_n3A_547 = arith.select %lt3A_544, %add3A_541, %broadcast_in_dim3A_546 : vector<16xi1>, vector<16xi32>
          %sub3A_548 = arith.constant 400 : i32
          %sub3A_549 = vector.broadcast %sub3A_548 : i32 to vector<16xi32>
          %sub3A_550 = arith.subi %add3A_541, %sub3A_549 : vector<16xi32>
          %jit3A_551 = arith.constant 0 : i32
          %broadcast_in_dim3A_552 = vector.broadcast %jit3A_551 : i32 to vector<16xi32>
          %select_n3A_553 = arith.select %lt3A_544, %broadcast_in_dim3A_552, %sub3A_550 : vector<16xi1>, vector<16xi32>
          %add3A_554 = vector.broadcast %mul3A_136 : i32 to vector<16xi32>
          %add3A_555 = arith.addi %iota3A, %add3A_554 : vector<16xi32>
          %gather3A_556 = tpu.vector_load_idx %arg4[%select_n3A_547, %add3A_555] : memref<400x128xf32, #tpu.memory_space<vmem>>[vector<16xi32>, vector<16xi32>], vector<16xf32>,
          %add3A_557 = vector.broadcast %mul3A_136 : i32 to vector<16xi32>
          %add3A_558 = arith.addi %iota3A, %add3A_557 : vector<16xi32>
          %gather3A_559 = tpu.vector_load_idx %arg5[%select_n3A_553, %add3A_558] : memref<400x128xf32, #tpu.memory_space<vmem>>[vector<16xi32>, vector<16xi32>], vector<16xf32>,
          %select_n3A_560 = arith.select %lt3A_544, %gather3A_556, %gather3A_559 : vector<16xi1>, vector<16xf32>
          %add3A_561 = arith.addi %add3A_541, %broadcast_in_dim3A : vector<16xi32>
          %gt3A_562 = arith.cmpf ogt, %select_n3A_560, %select_n3A_539 : vector<16xf32>
          %gt3A_563 = arith.cmpf ogt, %select_n3A_560, %select_n3A_536 : vector<16xf32>
          %gt3A_564 = arith.cmpf ogt, %select_n3A_560, %select_n3A_532 : vector<16xf32>
          %gt3A_565 = arith.cmpf ogt, %select_n3A_560, %select_n3A_528 : vector<16xf32>
          %gt3A_566 = arith.cmpf ogt, %select_n3A_560, %select_n3A_524 : vector<16xf32>
          %gt3A_567 = arith.cmpf ogt, %select_n3A_560, %select_n3A_520 : vector<16xf32>
          %gt3A_568 = arith.cmpf ogt, %select_n3A_560, %select_n3A_516 : vector<16xf32>
          %gt3A_569 = arith.cmpf ogt, %select_n3A_560, %select_n3A_512 : vector<16xf32>
          %select_n3A_570 = arith.select %gt3A_568, %select_n3A_516, %select_n3A_560 : vector<16xi1>, vector<16xf32>
          %select_n3A_571 = arith.select %gt3A_569, %select_n3A_570, %select_n3A_512 : vector<16xi1>, vector<16xf32>
          %select_n3A_572 = arith.select %gt3A_568, %select_n3A_518, %add3A_561 : vector<16xi1>, vector<16xi32>
          %select_n3A_573 = arith.select %gt3A_569, %select_n3A_572, %select_n3A_514 : vector<16xi1>, vector<16xi32>
          %select_n3A_574 = arith.select %gt3A_567, %select_n3A_520, %select_n3A_560 : vector<16xi1>, vector<16xf32>
          %select_n3A_575 = arith.select %gt3A_568, %select_n3A_574, %select_n3A_516 : vector<16xi1>, vector<16xf32>
          %select_n3A_576 = arith.select %gt3A_567, %select_n3A_522, %add3A_561 : vector<16xi1>, vector<16xi32>
          %select_n3A_577 = arith.select %gt3A_568, %select_n3A_576, %select_n3A_518 : vector<16xi1>, vector<16xi32>
          %select_n3A_578 = arith.select %gt3A_566, %select_n3A_524, %select_n3A_560 : vector<16xi1>, vector<16xf32>
          %select_n3A_579 = arith.select %gt3A_567, %select_n3A_578, %select_n3A_520 : vector<16xi1>, vector<16xf32>
          %select_n3A_580 = arith.select %gt3A_566, %select_n3A_526, %add3A_561 : vector<16xi1>, vector<16xi32>
          %select_n3A_581 = arith.select %gt3A_567, %select_n3A_580, %select_n3A_522 : vector<16xi1>, vector<16xi32>
          %select_n3A_582 = arith.select %gt3A_565, %select_n3A_528, %select_n3A_560 : vector<16xi1>, vector<16xf32>
          %select_n3A_583 = arith.select %gt3A_566, %select_n3A_582, %select_n3A_524 : vector<16xi1>, vector<16xf32>
          %select_n3A_584 = arith.select %gt3A_565, %select_n3A_530, %add3A_561 : vector<16xi1>, vector<16xi32>
          %select_n3A_585 = arith.select %gt3A_566, %select_n3A_584, %select_n3A_526 : vector<16xi1>, vector<16xi32>
          %select_n3A_586 = arith.select %gt3A_564, %select_n3A_532, %select_n3A_560 : vector<16xi1>, vector<16xf32>
          %select_n3A_587 = arith.select %gt3A_565, %select_n3A_586, %select_n3A_528 : vector<16xi1>, vector<16xf32>
          %select_n3A_588 = arith.select %gt3A_564, %select_n3A_534, %add3A_561 : vector<16xi1>, vector<16xi32>
          %select_n3A_589 = arith.select %gt3A_565, %select_n3A_588, %select_n3A_530 : vector<16xi1>, vector<16xi32>
          %select_n3A_590 = arith.select %gt3A_563, %select_n3A_536, %select_n3A_560 : vector<16xi1>, vector<16xf32>
          %select_n3A_591 = arith.select %gt3A_564, %select_n3A_590, %select_n3A_532 : vector<16xi1>, vector<16xf32>
          %select_n3A_592 = arith.select %gt3A_563, %select_n3A_538, %add3A_561 : vector<16xi1>, vector<16xi32>
          %select_n3A_593 = arith.select %gt3A_564, %select_n3A_592, %select_n3A_534 : vector<16xi1>, vector<16xi32>
          %select_n3A_594 = arith.select %gt3A_562, %select_n3A_539, %select_n3A_560 : vector<16xi1>, vector<16xf32>
          %select_n3A_595 = arith.select %gt3A_563, %select_n3A_594, %select_n3A_536 : vector<16xi1>, vector<16xf32>
          %select_n3A_596 = arith.select %gt3A_562, %select_n3A_540, %add3A_561 : vector<16xi1>, vector<16xi32>
          %select_n3A_597 = arith.select %gt3A_563, %select_n3A_596, %select_n3A_538 : vector<16xi1>, vector<16xi32>
          %select_n3A_598 = arith.select %gt3A_562, %select_n3A_560, %select_n3A_539 : vector<16xi1>, vector<16xf32>
          %select_n3A_599 = arith.select %gt3A_562, %add3A_561, %select_n3A_540 : vector<16xi1>, vector<16xi32>
          %add3A_600 = arith.addi %mul3A_219, %broadcast_in_dim3A_424 : vector<16xi32>
          %lt3A_601 = arith.constant 400 : i32
          %lt3A_602 = vector.broadcast %lt3A_601 : i32 to vector<16xi32>
          %lt3A_603 = arith.cmpi slt, %add3A_600, %lt3A_602 : vector<16xi32>
          %jit3A_604 = arith.constant 0 : i32
          %broadcast_in_dim3A_605 = vector.broadcast %jit3A_604 : i32 to vector<16xi32>
          %select_n3A_606 = arith.select %lt3A_603, %add3A_600, %broadcast_in_dim3A_605 : vector<16xi1>, vector<16xi32>
          %sub3A_607 = arith.constant 400 : i32
          %sub3A_608 = vector.broadcast %sub3A_607 : i32 to vector<16xi32>
          %sub3A_609 = arith.subi %add3A_600, %sub3A_608 : vector<16xi32>
          %jit3A_610 = arith.constant 0 : i32
          %broadcast_in_dim3A_611 = vector.broadcast %jit3A_610 : i32 to vector<16xi32>
          %select_n3A_612 = arith.select %lt3A_603, %broadcast_in_dim3A_611, %sub3A_609 : vector<16xi1>, vector<16xi32>
          %add3A_613 = vector.broadcast %mul3A_136 : i32 to vector<16xi32>
          %add3A_614 = arith.addi %iota3A, %add3A_613 : vector<16xi32>
          %gather3A_615 = tpu.vector_load_idx %arg4[%select_n3A_606, %add3A_614] : memref<400x128xf32, #tpu.memory_space<vmem>>[vector<16xi32>, vector<16xi32>], vector<16xf32>,
          %add3A_616 = vector.broadcast %mul3A_136 : i32 to vector<16xi32>
          %add3A_617 = arith.addi %iota3A, %add3A_616 : vector<16xi32>
          %gather3A_618 = tpu.vector_load_idx %arg5[%select_n3A_612, %add3A_617] : memref<400x128xf32, #tpu.memory_space<vmem>>[vector<16xi32>, vector<16xi32>], vector<16xf32>,
          %select_n3A_619 = arith.select %lt3A_603, %gather3A_615, %gather3A_618 : vector<16xi1>, vector<16xf32>
          %add3A_620 = arith.addi %add3A_600, %broadcast_in_dim3A : vector<16xi32>
          %gt3A_621 = arith.cmpf ogt, %select_n3A_619, %select_n3A_598 : vector<16xf32>
          %gt3A_622 = arith.cmpf ogt, %select_n3A_619, %select_n3A_595 : vector<16xf32>
          %gt3A_623 = arith.cmpf ogt, %select_n3A_619, %select_n3A_591 : vector<16xf32>
          %gt3A_624 = arith.cmpf ogt, %select_n3A_619, %select_n3A_587 : vector<16xf32>
          %gt3A_625 = arith.cmpf ogt, %select_n3A_619, %select_n3A_583 : vector<16xf32>
          %gt3A_626 = arith.cmpf ogt, %select_n3A_619, %select_n3A_579 : vector<16xf32>
          %gt3A_627 = arith.cmpf ogt, %select_n3A_619, %select_n3A_575 : vector<16xf32>
          %gt3A_628 = arith.cmpf ogt, %select_n3A_619, %select_n3A_571 : vector<16xf32>
          %select_n3A_629 = arith.select %gt3A_627, %select_n3A_575, %select_n3A_619 : vector<16xi1>, vector<16xf32>
          %select_n3A_630 = arith.select %gt3A_628, %select_n3A_629, %select_n3A_571 : vector<16xi1>, vector<16xf32>
          %select_n3A_631 = arith.select %gt3A_627, %select_n3A_577, %add3A_620 : vector<16xi1>, vector<16xi32>
          %select_n3A_632 = arith.select %gt3A_628, %select_n3A_631, %select_n3A_573 : vector<16xi1>, vector<16xi32>
          %select_n3A_633 = arith.select %gt3A_626, %select_n3A_579, %select_n3A_619 : vector<16xi1>, vector<16xf32>
          %select_n3A_634 = arith.select %gt3A_627, %select_n3A_633, %select_n3A_575 : vector<16xi1>, vector<16xf32>
          %select_n3A_635 = arith.select %gt3A_626, %select_n3A_581, %add3A_620 : vector<16xi1>, vector<16xi32>
          %select_n3A_636 = arith.select %gt3A_627, %select_n3A_635, %select_n3A_577 : vector<16xi1>, vector<16xi32>
          %select_n3A_637 = arith.select %gt3A_625, %select_n3A_583, %select_n3A_619 : vector<16xi1>, vector<16xf32>
          %select_n3A_638 = arith.select %gt3A_626, %select_n3A_637, %select_n3A_579 : vector<16xi1>, vector<16xf32>
          %select_n3A_639 = arith.select %gt3A_625, %select_n3A_585, %add3A_620 : vector<16xi1>, vector<16xi32>
          %select_n3A_640 = arith.select %gt3A_626, %select_n3A_639, %select_n3A_581 : vector<16xi1>, vector<16xi32>
          %select_n3A_641 = arith.select %gt3A_624, %select_n3A_587, %select_n3A_619 : vector<16xi1>, vector<16xf32>
          %select_n3A_642 = arith.select %gt3A_625, %select_n3A_641, %select_n3A_583 : vector<16xi1>, vector<16xf32>
          %select_n3A_643 = arith.select %gt3A_624, %select_n3A_589, %add3A_620 : vector<16xi1>, vector<16xi32>
          %select_n3A_644 = arith.select %gt3A_625, %select_n3A_643, %select_n3A_585 : vector<16xi1>, vector<16xi32>
          %select_n3A_645 = arith.select %gt3A_623, %select_n3A_591, %select_n3A_619 : vector<16xi1>, vector<16xf32>
          %select_n3A_646 = arith.select %gt3A_624, %select_n3A_645, %select_n3A_587 : vector<16xi1>, vector<16xf32>
          %select_n3A_647 = arith.select %gt3A_623, %select_n3A_593, %add3A_620 : vector<16xi1>, vector<16xi32>
          %select_n3A_648 = arith.select %gt3A_624, %select_n3A_647, %select_n3A_589 : vector<16xi1>, vector<16xi32>
          %select_n3A_649 = arith.select %gt3A_622, %select_n3A_595, %select_n3A_619 : vector<16xi1>, vector<16xf32>
          %select_n3A_650 = arith.select %gt3A_623, %select_n3A_649, %select_n3A_591 : vector<16xi1>, vector<16xf32>
          %select_n3A_651 = arith.select %gt3A_622, %select_n3A_597, %add3A_620 : vector<16xi1>, vector<16xi32>
          %select_n3A_652 = arith.select %gt3A_623, %select_n3A_651, %select_n3A_593 : vector<16xi1>, vector<16xi32>
          %select_n3A_653 = arith.select %gt3A_621, %select_n3A_598, %select_n3A_619 : vector<16xi1>, vector<16xf32>
          %select_n3A_654 = arith.select %gt3A_622, %select_n3A_653, %select_n3A_595 : vector<16xi1>, vector<16xf32>
          %select_n3A_655 = arith.select %gt3A_621, %select_n3A_599, %add3A_620 : vector<16xi1>, vector<16xi32>
          %select_n3A_656 = arith.select %gt3A_622, %select_n3A_655, %select_n3A_597 : vector<16xi1>, vector<16xi32>
          %select_n3A_657 = arith.select %gt3A_621, %select_n3A_619, %select_n3A_598 : vector<16xi1>, vector<16xf32>
          %select_n3A_658 = arith.select %gt3A_621, %add3A_620, %select_n3A_599 : vector<16xi1>, vector<16xi32>
          %add3A_659 = arith.addi %mul3A_228, %broadcast_in_dim3A_424 : vector<16xi32>
          %lt3A_660 = arith.constant 400 : i32
          %lt3A_661 = vector.broadcast %lt3A_660 : i32 to vector<16xi32>
          %lt3A_662 = arith.cmpi slt, %add3A_659, %lt3A_661 : vector<16xi32>
          %jit3A_663 = arith.constant 0 : i32
          %broadcast_in_dim3A_664 = vector.broadcast %jit3A_663 : i32 to vector<16xi32>
          %select_n3A_665 = arith.select %lt3A_662, %add3A_659, %broadcast_in_dim3A_664 : vector<16xi1>, vector<16xi32>
          %sub3A_666 = arith.constant 400 : i32
          %sub3A_667 = vector.broadcast %sub3A_666 : i32 to vector<16xi32>
          %sub3A_668 = arith.subi %add3A_659, %sub3A_667 : vector<16xi32>
          %jit3A_669 = arith.constant 0 : i32
          %broadcast_in_dim3A_670 = vector.broadcast %jit3A_669 : i32 to vector<16xi32>
          %select_n3A_671 = arith.select %lt3A_662, %broadcast_in_dim3A_670, %sub3A_668 : vector<16xi1>, vector<16xi32>
          %add3A_672 = vector.broadcast %mul3A_136 : i32 to vector<16xi32>
          %add3A_673 = arith.addi %iota3A, %add3A_672 : vector<16xi32>
          %gather3A_674 = tpu.vector_load_idx %arg4[%select_n3A_665, %add3A_673] : memref<400x128xf32, #tpu.memory_space<vmem>>[vector<16xi32>, vector<16xi32>], vector<16xf32>,
          %add3A_675 = vector.broadcast %mul3A_136 : i32 to vector<16xi32>
          %add3A_676 = arith.addi %iota3A, %add3A_675 : vector<16xi32>
          %gather3A_677 = tpu.vector_load_idx %arg5[%select_n3A_671, %add3A_676] : memref<400x128xf32, #tpu.memory_space<vmem>>[vector<16xi32>, vector<16xi32>], vector<16xf32>,
          %select_n3A_678 = arith.select %lt3A_662, %gather3A_674, %gather3A_677 : vector<16xi1>, vector<16xf32>
          %add3A_679 = arith.addi %add3A_659, %broadcast_in_dim3A : vector<16xi32>
          %gt3A_680 = arith.cmpf ogt, %select_n3A_678, %select_n3A_657 : vector<16xf32>
          %gt3A_681 = arith.cmpf ogt, %select_n3A_678, %select_n3A_654 : vector<16xf32>
          %gt3A_682 = arith.cmpf ogt, %select_n3A_678, %select_n3A_650 : vector<16xf32>
          %gt3A_683 = arith.cmpf ogt, %select_n3A_678, %select_n3A_646 : vector<16xf32>
          %gt3A_684 = arith.cmpf ogt, %select_n3A_678, %select_n3A_642 : vector<16xf32>
          %gt3A_685 = arith.cmpf ogt, %select_n3A_678, %select_n3A_638 : vector<16xf32>
          %gt3A_686 = arith.cmpf ogt, %select_n3A_678, %select_n3A_634 : vector<16xf32>
          %gt3A_687 = arith.cmpf ogt, %select_n3A_678, %select_n3A_630 : vector<16xf32>
          %select_n3A_688 = arith.select %gt3A_686, %select_n3A_634, %select_n3A_678 : vector<16xi1>, vector<16xf32>
          %select_n3A_689 = arith.select %gt3A_687, %select_n3A_688, %select_n3A_630 : vector<16xi1>, vector<16xf32>
          %select_n3A_690 = arith.select %gt3A_686, %select_n3A_636, %add3A_679 : vector<16xi1>, vector<16xi32>
          %select_n3A_691 = arith.select %gt3A_687, %select_n3A_690, %select_n3A_632 : vector<16xi1>, vector<16xi32>
          %select_n3A_692 = arith.select %gt3A_685, %select_n3A_638, %select_n3A_678 : vector<16xi1>, vector<16xf32>
          %select_n3A_693 = arith.select %gt3A_686, %select_n3A_692, %select_n3A_634 : vector<16xi1>, vector<16xf32>
          %select_n3A_694 = arith.select %gt3A_685, %select_n3A_640, %add3A_679 : vector<16xi1>, vector<16xi32>
          %select_n3A_695 = arith.select %gt3A_686, %select_n3A_694, %select_n3A_636 : vector<16xi1>, vector<16xi32>
          %select_n3A_696 = arith.select %gt3A_684, %select_n3A_642, %select_n3A_678 : vector<16xi1>, vector<16xf32>
          %select_n3A_697 = arith.select %gt3A_685, %select_n3A_696, %select_n3A_638 : vector<16xi1>, vector<16xf32>
          %select_n3A_698 = arith.select %gt3A_684, %select_n3A_644, %add3A_679 : vector<16xi1>, vector<16xi32>
          %select_n3A_699 = arith.select %gt3A_685, %select_n3A_698, %select_n3A_640 : vector<16xi1>, vector<16xi32>
          %select_n3A_700 = arith.select %gt3A_683, %select_n3A_646, %select_n3A_678 : vector<16xi1>, vector<16xf32>
          %select_n3A_701 = arith.select %gt3A_684, %select_n3A_700, %select_n3A_642 : vector<16xi1>, vector<16xf32>
          %select_n3A_702 = arith.select %gt3A_683, %select_n3A_648, %add3A_679 : vector<16xi1>, vector<16xi32>
          %select_n3A_703 = arith.select %gt3A_684, %select_n3A_702, %select_n3A_644 : vector<16xi1>, vector<16xi32>
          %select_n3A_704 = arith.select %gt3A_682, %select_n3A_650, %select_n3A_678 : vector<16xi1>, vector<16xf32>
          %select_n3A_705 = arith.select %gt3A_683, %select_n3A_704, %select_n3A_646 : vector<16xi1>, vector<16xf32>
          %select_n3A_706 = arith.select %gt3A_682, %select_n3A_652, %add3A_679 : vector<16xi1>, vector<16xi32>
          %select_n3A_707 = arith.select %gt3A_683, %select_n3A_706, %select_n3A_648 : vector<16xi1>, vector<16xi32>
          %select_n3A_708 = arith.select %gt3A_681, %select_n3A_654, %select_n3A_678 : vector<16xi1>, vector<16xf32>
          %select_n3A_709 = arith.select %gt3A_682, %select_n3A_708, %select_n3A_650 : vector<16xi1>, vector<16xf32>
          %select_n3A_710 = arith.select %gt3A_681, %select_n3A_656, %add3A_679 : vector<16xi1>, vector<16xi32>
          %select_n3A_711 = arith.select %gt3A_682, %select_n3A_710, %select_n3A_652 : vector<16xi1>, vector<16xi32>
          %select_n3A_712 = arith.select %gt3A_680, %select_n3A_657, %select_n3A_678 : vector<16xi1>, vector<16xf32>
          %select_n3A_713 = arith.select %gt3A_681, %select_n3A_712, %select_n3A_654 : vector<16xi1>, vector<16xf32>
          %select_n3A_714 = arith.select %gt3A_680, %select_n3A_658, %add3A_679 : vector<16xi1>, vector<16xi32>
          %select_n3A_715 = arith.select %gt3A_681, %select_n3A_714, %select_n3A_656 : vector<16xi1>, vector<16xi32>
          %select_n3A_716 = arith.select %gt3A_680, %select_n3A_678, %select_n3A_657 : vector<16xi1>, vector<16xf32>
          %select_n3A_717 = arith.select %gt3A_680, %add3A_679, %select_n3A_658 : vector<16xi1>, vector<16xi32>
          %add3A_718 = arith.addi %mul3A_237, %broadcast_in_dim3A_424 : vector<16xi32>
          %lt3A_719 = arith.constant 400 : i32
          %lt3A_720 = vector.broadcast %lt3A_719 : i32 to vector<16xi32>
          %lt3A_721 = arith.cmpi slt, %add3A_718, %lt3A_720 : vector<16xi32>
          %jit3A_722 = arith.constant 0 : i32
          %broadcast_in_dim3A_723 = vector.broadcast %jit3A_722 : i32 to vector<16xi32>
          %select_n3A_724 = arith.select %lt3A_721, %add3A_718, %broadcast_in_dim3A_723 : vector<16xi1>, vector<16xi32>
          %sub3A_725 = arith.constant 400 : i32
          %sub3A_726 = vector.broadcast %sub3A_725 : i32 to vector<16xi32>
          %sub3A_727 = arith.subi %add3A_718, %sub3A_726 : vector<16xi32>
          %jit3A_728 = arith.constant 0 : i32
          %broadcast_in_dim3A_729 = vector.broadcast %jit3A_728 : i32 to vector<16xi32>
          %select_n3A_730 = arith.select %lt3A_721, %broadcast_in_dim3A_729, %sub3A_727 : vector<16xi1>, vector<16xi32>
          %add3A_731 = vector.broadcast %mul3A_136 : i32 to vector<16xi32>
          %add3A_732 = arith.addi %iota3A, %add3A_731 : vector<16xi32>
          %gather3A_733 = tpu.vector_load_idx %arg4[%select_n3A_724, %add3A_732] : memref<400x128xf32, #tpu.memory_space<vmem>>[vector<16xi32>, vector<16xi32>], vector<16xf32>,
          %add3A_734 = vector.broadcast %mul3A_136 : i32 to vector<16xi32>
          %add3A_735 = arith.addi %iota3A, %add3A_734 : vector<16xi32>
          %gather3A_736 = tpu.vector_load_idx %arg5[%select_n3A_730, %add3A_735] : memref<400x128xf32, #tpu.memory_space<vmem>>[vector<16xi32>, vector<16xi32>], vector<16xf32>,
          %select_n3A_737 = arith.select %lt3A_721, %gather3A_733, %gather3A_736 : vector<16xi1>, vector<16xf32>
          %add3A_738 = arith.addi %add3A_718, %broadcast_in_dim3A : vector<16xi32>
          %gt3A_739 = arith.cmpf ogt, %select_n3A_737, %select_n3A_716 : vector<16xf32>
          %gt3A_740 = arith.cmpf ogt, %select_n3A_737, %select_n3A_713 : vector<16xf32>
          %gt3A_741 = arith.cmpf ogt, %select_n3A_737, %select_n3A_709 : vector<16xf32>
          %gt3A_742 = arith.cmpf ogt, %select_n3A_737, %select_n3A_705 : vector<16xf32>
          %gt3A_743 = arith.cmpf ogt, %select_n3A_737, %select_n3A_701 : vector<16xf32>
          %gt3A_744 = arith.cmpf ogt, %select_n3A_737, %select_n3A_697 : vector<16xf32>
          %gt3A_745 = arith.cmpf ogt, %select_n3A_737, %select_n3A_693 : vector<16xf32>
          %gt3A_746 = arith.cmpf ogt, %select_n3A_737, %select_n3A_689 : vector<16xf32>
          %select_n3A_747 = arith.select %gt3A_745, %select_n3A_693, %select_n3A_737 : vector<16xi1>, vector<16xf32>
          %select_n3A_748 = arith.select %gt3A_746, %select_n3A_747, %select_n3A_689 : vector<16xi1>, vector<16xf32>
          %select_n3A_749 = arith.select %gt3A_745, %select_n3A_695, %add3A_738 : vector<16xi1>, vector<16xi32>
          %select_n3A_750 = arith.select %gt3A_746, %select_n3A_749, %select_n3A_691 : vector<16xi1>, vector<16xi32>
          %select_n3A_751 = arith.select %gt3A_744, %select_n3A_697, %select_n3A_737 : vector<16xi1>, vector<16xf32>
          %select_n3A_752 = arith.select %gt3A_745, %select_n3A_751, %select_n3A_693 : vector<16xi1>, vector<16xf32>
          %select_n3A_753 = arith.select %gt3A_744, %select_n3A_699, %add3A_738 : vector<16xi1>, vector<16xi32>
          %select_n3A_754 = arith.select %gt3A_745, %select_n3A_753, %select_n3A_695 : vector<16xi1>, vector<16xi32>
          %select_n3A_755 = arith.select %gt3A_743, %select_n3A_701, %select_n3A_737 : vector<16xi1>, vector<16xf32>
          %select_n3A_756 = arith.select %gt3A_744, %select_n3A_755, %select_n3A_697 : vector<16xi1>, vector<16xf32>
          %select_n3A_757 = arith.select %gt3A_743, %select_n3A_703, %add3A_738 : vector<16xi1>, vector<16xi32>
          %select_n3A_758 = arith.select %gt3A_744, %select_n3A_757, %select_n3A_699 : vector<16xi1>, vector<16xi32>
          %select_n3A_759 = arith.select %gt3A_742, %select_n3A_705, %select_n3A_737 : vector<16xi1>, vector<16xf32>
          %select_n3A_760 = arith.select %gt3A_743, %select_n3A_759, %select_n3A_701 : vector<16xi1>, vector<16xf32>
          %select_n3A_761 = arith.select %gt3A_742, %select_n3A_707, %add3A_738 : vector<16xi1>, vector<16xi32>
          %select_n3A_762 = arith.select %gt3A_743, %select_n3A_761, %select_n3A_703 : vector<16xi1>, vector<16xi32>
          %select_n3A_763 = arith.select %gt3A_741, %select_n3A_709, %select_n3A_737 : vector<16xi1>, vector<16xf32>
          %select_n3A_764 = arith.select %gt3A_742, %select_n3A_763, %select_n3A_705 : vector<16xi1>, vector<16xf32>
          %select_n3A_765 = arith.select %gt3A_741, %select_n3A_711, %add3A_738 : vector<16xi1>, vector<16xi32>
          %select_n3A_766 = arith.select %gt3A_742, %select_n3A_765, %select_n3A_707 : vector<16xi1>, vector<16xi32>
          %select_n3A_767 = arith.select %gt3A_740, %select_n3A_713, %select_n3A_737 : vector<16xi1>, vector<16xf32>
          %select_n3A_768 = arith.select %gt3A_741, %select_n3A_767, %select_n3A_709 : vector<16xi1>, vector<16xf32>
          %select_n3A_769 = arith.select %gt3A_740, %select_n3A_715, %add3A_738 : vector<16xi1>, vector<16xi32>
          %select_n3A_770 = arith.select %gt3A_741, %select_n3A_769, %select_n3A_711 : vector<16xi1>, vector<16xi32>
          %select_n3A_771 = arith.select %gt3A_739, %select_n3A_716, %select_n3A_737 : vector<16xi1>, vector<16xf32>
          %select_n3A_772 = arith.select %gt3A_740, %select_n3A_771, %select_n3A_713 : vector<16xi1>, vector<16xf32>
          %select_n3A_773 = arith.select %gt3A_739, %select_n3A_717, %add3A_738 : vector<16xi1>, vector<16xi32>
          %select_n3A_774 = arith.select %gt3A_740, %select_n3A_773, %select_n3A_715 : vector<16xi1>, vector<16xi32>
          %select_n3A_775 = arith.select %gt3A_739, %select_n3A_737, %select_n3A_716 : vector<16xi1>, vector<16xf32>
          %select_n3A_776 = arith.select %gt3A_739, %add3A_738, %select_n3A_717 : vector<16xi1>, vector<16xi32>
          %add3A_777 = arith.addi %mul3A_246, %broadcast_in_dim3A_424 : vector<16xi32>
          %lt3A_778 = arith.constant 400 : i32
          %lt3A_779 = vector.broadcast %lt3A_778 : i32 to vector<16xi32>
          %lt3A_780 = arith.cmpi slt, %add3A_777, %lt3A_779 : vector<16xi32>
          %jit3A_781 = arith.constant 0 : i32
          %broadcast_in_dim3A_782 = vector.broadcast %jit3A_781 : i32 to vector<16xi32>
          %select_n3A_783 = arith.select %lt3A_780, %add3A_777, %broadcast_in_dim3A_782 : vector<16xi1>, vector<16xi32>
          %sub3A_784 = arith.constant 400 : i32
          %sub3A_785 = vector.broadcast %sub3A_784 : i32 to vector<16xi32>
          %sub3A_786 = arith.subi %add3A_777, %sub3A_785 : vector<16xi32>
          %jit3A_787 = arith.constant 0 : i32
          %broadcast_in_dim3A_788 = vector.broadcast %jit3A_787 : i32 to vector<16xi32>
          %select_n3A_789 = arith.select %lt3A_780, %broadcast_in_dim3A_788, %sub3A_786 : vector<16xi1>, vector<16xi32>
          %add3A_790 = vector.broadcast %mul3A_136 : i32 to vector<16xi32>
          %add3A_791 = arith.addi %iota3A, %add3A_790 : vector<16xi32>
          %gather3A_792 = tpu.vector_load_idx %arg4[%select_n3A_783, %add3A_791] : memref<400x128xf32, #tpu.memory_space<vmem>>[vector<16xi32>, vector<16xi32>], vector<16xf32>,
          %add3A_793 = vector.broadcast %mul3A_136 : i32 to vector<16xi32>
          %add3A_794 = arith.addi %iota3A, %add3A_793 : vector<16xi32>
          %gather3A_795 = tpu.vector_load_idx %arg5[%select_n3A_789, %add3A_794] : memref<400x128xf32, #tpu.memory_space<vmem>>[vector<16xi32>, vector<16xi32>], vector<16xf32>,
          %select_n3A_796 = arith.select %lt3A_780, %gather3A_792, %gather3A_795 : vector<16xi1>, vector<16xf32>
          %add3A_797 = arith.addi %add3A_777, %broadcast_in_dim3A : vector<16xi32>
          %gt3A_798 = arith.cmpf ogt, %select_n3A_796, %select_n3A_775 : vector<16xf32>
          %gt3A_799 = arith.cmpf ogt, %select_n3A_796, %select_n3A_772 : vector<16xf32>
          %gt3A_800 = arith.cmpf ogt, %select_n3A_796, %select_n3A_768 : vector<16xf32>
          %gt3A_801 = arith.cmpf ogt, %select_n3A_796, %select_n3A_764 : vector<16xf32>
          %gt3A_802 = arith.cmpf ogt, %select_n3A_796, %select_n3A_760 : vector<16xf32>
          %gt3A_803 = arith.cmpf ogt, %select_n3A_796, %select_n3A_756 : vector<16xf32>
          %gt3A_804 = arith.cmpf ogt, %select_n3A_796, %select_n3A_752 : vector<16xf32>
          %gt3A_805 = arith.cmpf ogt, %select_n3A_796, %select_n3A_748 : vector<16xf32>
          %select_n3A_806 = arith.select %gt3A_804, %select_n3A_752, %select_n3A_796 : vector<16xi1>, vector<16xf32>
          %select_n3A_807 = arith.select %gt3A_805, %select_n3A_806, %select_n3A_748 : vector<16xi1>, vector<16xf32>
          %select_n3A_808 = arith.select %gt3A_804, %select_n3A_754, %add3A_797 : vector<16xi1>, vector<16xi32>
          %select_n3A_809 = arith.select %gt3A_805, %select_n3A_808, %select_n3A_750 : vector<16xi1>, vector<16xi32>
          %select_n3A_810 = arith.select %gt3A_803, %select_n3A_756, %select_n3A_796 : vector<16xi1>, vector<16xf32>
          %select_n3A_811 = arith.select %gt3A_804, %select_n3A_810, %select_n3A_752 : vector<16xi1>, vector<16xf32>
          %select_n3A_812 = arith.select %gt3A_803, %select_n3A_758, %add3A_797 : vector<16xi1>, vector<16xi32>
          %select_n3A_813 = arith.select %gt3A_804, %select_n3A_812, %select_n3A_754 : vector<16xi1>, vector<16xi32>
          %select_n3A_814 = arith.select %gt3A_802, %select_n3A_760, %select_n3A_796 : vector<16xi1>, vector<16xf32>
          %select_n3A_815 = arith.select %gt3A_803, %select_n3A_814, %select_n3A_756 : vector<16xi1>, vector<16xf32>
          %select_n3A_816 = arith.select %gt3A_802, %select_n3A_762, %add3A_797 : vector<16xi1>, vector<16xi32>
          %select_n3A_817 = arith.select %gt3A_803, %select_n3A_816, %select_n3A_758 : vector<16xi1>, vector<16xi32>
          %select_n3A_818 = arith.select %gt3A_801, %select_n3A_764, %select_n3A_796 : vector<16xi1>, vector<16xf32>
          %select_n3A_819 = arith.select %gt3A_802, %select_n3A_818, %select_n3A_760 : vector<16xi1>, vector<16xf32>
          %select_n3A_820 = arith.select %gt3A_801, %select_n3A_766, %add3A_797 : vector<16xi1>, vector<16xi32>
          %select_n3A_821 = arith.select %gt3A_802, %select_n3A_820, %select_n3A_762 : vector<16xi1>, vector<16xi32>
          %select_n3A_822 = arith.select %gt3A_800, %select_n3A_768, %select_n3A_796 : vector<16xi1>, vector<16xf32>
          %select_n3A_823 = arith.select %gt3A_801, %select_n3A_822, %select_n3A_764 : vector<16xi1>, vector<16xf32>
          %select_n3A_824 = arith.select %gt3A_800, %select_n3A_770, %add3A_797 : vector<16xi1>, vector<16xi32>
          %select_n3A_825 = arith.select %gt3A_801, %select_n3A_824, %select_n3A_766 : vector<16xi1>, vector<16xi32>
          %select_n3A_826 = arith.select %gt3A_799, %select_n3A_772, %select_n3A_796 : vector<16xi1>, vector<16xf32>
          %select_n3A_827 = arith.select %gt3A_800, %select_n3A_826, %select_n3A_768 : vector<16xi1>, vector<16xf32>
          %select_n3A_828 = arith.select %gt3A_799, %select_n3A_774, %add3A_797 : vector<16xi1>, vector<16xi32>
          %select_n3A_829 = arith.select %gt3A_800, %select_n3A_828, %select_n3A_770 : vector<16xi1>, vector<16xi32>
          %select_n3A_830 = arith.select %gt3A_798, %select_n3A_775, %select_n3A_796 : vector<16xi1>, vector<16xf32>
          %select_n3A_831 = arith.select %gt3A_799, %select_n3A_830, %select_n3A_772 : vector<16xi1>, vector<16xf32>
          %select_n3A_832 = arith.select %gt3A_798, %select_n3A_776, %add3A_797 : vector<16xi1>, vector<16xi32>
          %select_n3A_833 = arith.select %gt3A_799, %select_n3A_832, %select_n3A_774 : vector<16xi1>, vector<16xi32>
          %select_n3A_834 = arith.select %gt3A_798, %select_n3A_796, %select_n3A_775 : vector<16xi1>, vector<16xf32>
          %select_n3A_835 = arith.select %gt3A_798, %add3A_797, %select_n3A_776 : vector<16xi1>, vector<16xi32>
          %add3A_836 = arith.addi %mul3A_255, %broadcast_in_dim3A_424 : vector<16xi32>
          %lt3A_837 = arith.constant 400 : i32
          %lt3A_838 = vector.broadcast %lt3A_837 : i32 to vector<16xi32>
          %lt3A_839 = arith.cmpi slt, %add3A_836, %lt3A_838 : vector<16xi32>
          %jit3A_840 = arith.constant 0 : i32
          %broadcast_in_dim3A_841 = vector.broadcast %jit3A_840 : i32 to vector<16xi32>
          %select_n3A_842 = arith.select %lt3A_839, %add3A_836, %broadcast_in_dim3A_841 : vector<16xi1>, vector<16xi32>
          %sub3A_843 = arith.constant 400 : i32
          %sub3A_844 = vector.broadcast %sub3A_843 : i32 to vector<16xi32>
          %sub3A_845 = arith.subi %add3A_836, %sub3A_844 : vector<16xi32>
          %jit3A_846 = arith.constant 0 : i32
          %broadcast_in_dim3A_847 = vector.broadcast %jit3A_846 : i32 to vector<16xi32>
          %select_n3A_848 = arith.select %lt3A_839, %broadcast_in_dim3A_847, %sub3A_845 : vector<16xi1>, vector<16xi32>
          %add3A_849 = vector.broadcast %mul3A_136 : i32 to vector<16xi32>
          %add3A_850 = arith.addi %iota3A, %add3A_849 : vector<16xi32>
          %gather3A_851 = tpu.vector_load_idx %arg4[%select_n3A_842, %add3A_850] : memref<400x128xf32, #tpu.memory_space<vmem>>[vector<16xi32>, vector<16xi32>], vector<16xf32>,
          %add3A_852 = vector.broadcast %mul3A_136 : i32 to vector<16xi32>
          %add3A_853 = arith.addi %iota3A, %add3A_852 : vector<16xi32>
          %gather3A_854 = tpu.vector_load_idx %arg5[%select_n3A_848, %add3A_853] : memref<400x128xf32, #tpu.memory_space<vmem>>[vector<16xi32>, vector<16xi32>], vector<16xf32>,
          %select_n3A_855 = arith.select %lt3A_839, %gather3A_851, %gather3A_854 : vector<16xi1>, vector<16xf32>
          %add3A_856 = arith.addi %add3A_836, %broadcast_in_dim3A : vector<16xi32>
          %gt3A_857 = arith.cmpf ogt, %select_n3A_855, %select_n3A_834 : vector<16xf32>
          %gt3A_858 = arith.cmpf ogt, %select_n3A_855, %select_n3A_831 : vector<16xf32>
          %gt3A_859 = arith.cmpf ogt, %select_n3A_855, %select_n3A_827 : vector<16xf32>
          %gt3A_860 = arith.cmpf ogt, %select_n3A_855, %select_n3A_823 : vector<16xf32>
          %gt3A_861 = arith.cmpf ogt, %select_n3A_855, %select_n3A_819 : vector<16xf32>
          %gt3A_862 = arith.cmpf ogt, %select_n3A_855, %select_n3A_815 : vector<16xf32>
          %gt3A_863 = arith.cmpf ogt, %select_n3A_855, %select_n3A_811 : vector<16xf32>
          %gt3A_864 = arith.cmpf ogt, %select_n3A_855, %select_n3A_807 : vector<16xf32>
          %select_n3A_865 = arith.select %gt3A_863, %select_n3A_811, %select_n3A_855 : vector<16xi1>, vector<16xf32>
          %select_n3A_866 = arith.select %gt3A_864, %select_n3A_865, %select_n3A_807 : vector<16xi1>, vector<16xf32>
          %select_n3A_867 = arith.select %gt3A_863, %select_n3A_813, %add3A_856 : vector<16xi1>, vector<16xi32>
          %select_n3A_868 = arith.select %gt3A_864, %select_n3A_867, %select_n3A_809 : vector<16xi1>, vector<16xi32>
          %select_n3A_869 = arith.select %gt3A_862, %select_n3A_815, %select_n3A_855 : vector<16xi1>, vector<16xf32>
          %select_n3A_870 = arith.select %gt3A_863, %select_n3A_869, %select_n3A_811 : vector<16xi1>, vector<16xf32>
          %select_n3A_871 = arith.select %gt3A_862, %select_n3A_817, %add3A_856 : vector<16xi1>, vector<16xi32>
          %select_n3A_872 = arith.select %gt3A_863, %select_n3A_871, %select_n3A_813 : vector<16xi1>, vector<16xi32>
          %select_n3A_873 = arith.select %gt3A_861, %select_n3A_819, %select_n3A_855 : vector<16xi1>, vector<16xf32>
          %select_n3A_874 = arith.select %gt3A_862, %select_n3A_873, %select_n3A_815 : vector<16xi1>, vector<16xf32>
          %select_n3A_875 = arith.select %gt3A_861, %select_n3A_821, %add3A_856 : vector<16xi1>, vector<16xi32>
          %select_n3A_876 = arith.select %gt3A_862, %select_n3A_875, %select_n3A_817 : vector<16xi1>, vector<16xi32>
          %select_n3A_877 = arith.select %gt3A_860, %select_n3A_823, %select_n3A_855 : vector<16xi1>, vector<16xf32>
          %select_n3A_878 = arith.select %gt3A_861, %select_n3A_877, %select_n3A_819 : vector<16xi1>, vector<16xf32>
          %select_n3A_879 = arith.select %gt3A_860, %select_n3A_825, %add3A_856 : vector<16xi1>, vector<16xi32>
          %select_n3A_880 = arith.select %gt3A_861, %select_n3A_879, %select_n3A_821 : vector<16xi1>, vector<16xi32>
          %select_n3A_881 = arith.select %gt3A_859, %select_n3A_827, %select_n3A_855 : vector<16xi1>, vector<16xf32>
          %select_n3A_882 = arith.select %gt3A_860, %select_n3A_881, %select_n3A_823 : vector<16xi1>, vector<16xf32>
          %select_n3A_883 = arith.select %gt3A_859, %select_n3A_829, %add3A_856 : vector<16xi1>, vector<16xi32>
          %select_n3A_884 = arith.select %gt3A_860, %select_n3A_883, %select_n3A_825 : vector<16xi1>, vector<16xi32>
          %select_n3A_885 = arith.select %gt3A_858, %select_n3A_831, %select_n3A_855 : vector<16xi1>, vector<16xf32>
          %select_n3A_886 = arith.select %gt3A_859, %select_n3A_885, %select_n3A_827 : vector<16xi1>, vector<16xf32>
          %select_n3A_887 = arith.select %gt3A_858, %select_n3A_833, %add3A_856 : vector<16xi1>, vector<16xi32>
          %select_n3A_888 = arith.select %gt3A_859, %select_n3A_887, %select_n3A_829 : vector<16xi1>, vector<16xi32>
          %select_n3A_889 = arith.select %gt3A_857, %select_n3A_834, %select_n3A_855 : vector<16xi1>, vector<16xf32>
          %select_n3A_890 = arith.select %gt3A_858, %select_n3A_889, %select_n3A_831 : vector<16xi1>, vector<16xf32>
          %select_n3A_891 = arith.select %gt3A_857, %select_n3A_835, %add3A_856 : vector<16xi1>, vector<16xi32>
          %select_n3A_892 = arith.select %gt3A_858, %select_n3A_891, %select_n3A_833 : vector<16xi1>, vector<16xi32>
          %select_n3A_893 = arith.select %gt3A_857, %select_n3A_855, %select_n3A_834 : vector<16xi1>, vector<16xf32>
          %select_n3A_894 = arith.select %gt3A_857, %add3A_856, %select_n3A_835 : vector<16xi1>, vector<16xi32>
          %add3A_895 = arith.addi %mul3A_264, %broadcast_in_dim3A_424 : vector<16xi32>
          %lt3A_896 = arith.constant 400 : i32
          %lt3A_897 = vector.broadcast %lt3A_896 : i32 to vector<16xi32>
          %lt3A_898 = arith.cmpi slt, %add3A_895, %lt3A_897 : vector<16xi32>
          %jit3A_899 = arith.constant 0 : i32
          %broadcast_in_dim3A_900 = vector.broadcast %jit3A_899 : i32 to vector<16xi32>
          %select_n3A_901 = arith.select %lt3A_898, %add3A_895, %broadcast_in_dim3A_900 : vector<16xi1>, vector<16xi32>
          %sub3A_902 = arith.constant 400 : i32
          %sub3A_903 = vector.broadcast %sub3A_902 : i32 to vector<16xi32>
          %sub3A_904 = arith.subi %add3A_895, %sub3A_903 : vector<16xi32>
          %jit3A_905 = arith.constant 0 : i32
          %broadcast_in_dim3A_906 = vector.broadcast %jit3A_905 : i32 to vector<16xi32>
          %select_n3A_907 = arith.select %lt3A_898, %broadcast_in_dim3A_906, %sub3A_904 : vector<16xi1>, vector<16xi32>
          %add3A_908 = vector.broadcast %mul3A_136 : i32 to vector<16xi32>
          %add3A_909 = arith.addi %iota3A, %add3A_908 : vector<16xi32>
          %gather3A_910 = tpu.vector_load_idx %arg4[%select_n3A_901, %add3A_909] : memref<400x128xf32, #tpu.memory_space<vmem>>[vector<16xi32>, vector<16xi32>], vector<16xf32>,
          %add3A_911 = vector.broadcast %mul3A_136 : i32 to vector<16xi32>
          %add3A_912 = arith.addi %iota3A, %add3A_911 : vector<16xi32>
          %gather3A_913 = tpu.vector_load_idx %arg5[%select_n3A_907, %add3A_912] : memref<400x128xf32, #tpu.memory_space<vmem>>[vector<16xi32>, vector<16xi32>], vector<16xf32>,
          %select_n3A_914 = arith.select %lt3A_898, %gather3A_910, %gather3A_913 : vector<16xi1>, vector<16xf32>
          %add3A_915 = arith.addi %add3A_895, %broadcast_in_dim3A : vector<16xi32>
          %gt3A_916 = arith.cmpf ogt, %select_n3A_914, %select_n3A_893 : vector<16xf32>
          %gt3A_917 = arith.cmpf ogt, %select_n3A_914, %select_n3A_890 : vector<16xf32>
          %gt3A_918 = arith.cmpf ogt, %select_n3A_914, %select_n3A_886 : vector<16xf32>
          %gt3A_919 = arith.cmpf ogt, %select_n3A_914, %select_n3A_882 : vector<16xf32>
          %gt3A_920 = arith.cmpf ogt, %select_n3A_914, %select_n3A_878 : vector<16xf32>
          %gt3A_921 = arith.cmpf ogt, %select_n3A_914, %select_n3A_874 : vector<16xf32>
          %gt3A_922 = arith.cmpf ogt, %select_n3A_914, %select_n3A_870 : vector<16xf32>
          %gt3A_923 = arith.cmpf ogt, %select_n3A_914, %select_n3A_866 : vector<16xf32>
          %select_n3A_924 = arith.select %gt3A_922, %select_n3A_870, %select_n3A_914 : vector<16xi1>, vector<16xf32>
          %select_n3A_925 = arith.select %gt3A_923, %select_n3A_924, %select_n3A_866 : vector<16xi1>, vector<16xf32>
          %select_n3A_926 = arith.select %gt3A_922, %select_n3A_872, %add3A_915 : vector<16xi1>, vector<16xi32>
          %select_n3A_927 = arith.select %gt3A_923, %select_n3A_926, %select_n3A_868 : vector<16xi1>, vector<16xi32>
          %select_n3A_928 = arith.select %gt3A_921, %select_n3A_874, %select_n3A_914 : vector<16xi1>, vector<16xf32>
          %select_n3A_929 = arith.select %gt3A_922, %select_n3A_928, %select_n3A_870 : vector<16xi1>, vector<16xf32>
          %select_n3A_930 = arith.select %gt3A_921, %select_n3A_876, %add3A_915 : vector<16xi1>, vector<16xi32>
          %select_n3A_931 = arith.select %gt3A_922, %select_n3A_930, %select_n3A_872 : vector<16xi1>, vector<16xi32>
          %select_n3A_932 = arith.select %gt3A_920, %select_n3A_878, %select_n3A_914 : vector<16xi1>, vector<16xf32>
          %select_n3A_933 = arith.select %gt3A_921, %select_n3A_932, %select_n3A_874 : vector<16xi1>, vector<16xf32>
          %select_n3A_934 = arith.select %gt3A_920, %select_n3A_880, %add3A_915 : vector<16xi1>, vector<16xi32>
          %select_n3A_935 = arith.select %gt3A_921, %select_n3A_934, %select_n3A_876 : vector<16xi1>, vector<16xi32>
          %select_n3A_936 = arith.select %gt3A_919, %select_n3A_882, %select_n3A_914 : vector<16xi1>, vector<16xf32>
          %select_n3A_937 = arith.select %gt3A_920, %select_n3A_936, %select_n3A_878 : vector<16xi1>, vector<16xf32>
          %select_n3A_938 = arith.select %gt3A_919, %select_n3A_884, %add3A_915 : vector<16xi1>, vector<16xi32>
          %select_n3A_939 = arith.select %gt3A_920, %select_n3A_938, %select_n3A_880 : vector<16xi1>, vector<16xi32>
          %select_n3A_940 = arith.select %gt3A_918, %select_n3A_886, %select_n3A_914 : vector<16xi1>, vector<16xf32>
          %select_n3A_941 = arith.select %gt3A_919, %select_n3A_940, %select_n3A_882 : vector<16xi1>, vector<16xf32>
          %select_n3A_942 = arith.select %gt3A_918, %select_n3A_888, %add3A_915 : vector<16xi1>, vector<16xi32>
          %select_n3A_943 = arith.select %gt3A_919, %select_n3A_942, %select_n3A_884 : vector<16xi1>, vector<16xi32>
          %select_n3A_944 = arith.select %gt3A_917, %select_n3A_890, %select_n3A_914 : vector<16xi1>, vector<16xf32>
          %select_n3A_945 = arith.select %gt3A_918, %select_n3A_944, %select_n3A_886 : vector<16xi1>, vector<16xf32>
          %select_n3A_946 = arith.select %gt3A_917, %select_n3A_892, %add3A_915 : vector<16xi1>, vector<16xi32>
          %select_n3A_947 = arith.select %gt3A_918, %select_n3A_946, %select_n3A_888 : vector<16xi1>, vector<16xi32>
          %select_n3A_948 = arith.select %gt3A_916, %select_n3A_893, %select_n3A_914 : vector<16xi1>, vector<16xf32>
          %select_n3A_949 = arith.select %gt3A_917, %select_n3A_948, %select_n3A_890 : vector<16xi1>, vector<16xf32>
          %select_n3A_950 = arith.select %gt3A_916, %select_n3A_894, %add3A_915 : vector<16xi1>, vector<16xi32>
          %select_n3A_951 = arith.select %gt3A_917, %select_n3A_950, %select_n3A_892 : vector<16xi1>, vector<16xi32>
          %select_n3A_952 = arith.select %gt3A_916, %select_n3A_914, %select_n3A_893 : vector<16xi1>, vector<16xf32>
          %select_n3A_953 = arith.select %gt3A_916, %add3A_915, %select_n3A_894 : vector<16xi1>, vector<16xi32>
          %add3A_954 = arith.addi %mul3A_273, %broadcast_in_dim3A_424 : vector<16xi32>
          %lt3A_955 = arith.constant 400 : i32
          %lt3A_956 = vector.broadcast %lt3A_955 : i32 to vector<16xi32>
          %lt3A_957 = arith.cmpi slt, %add3A_954, %lt3A_956 : vector<16xi32>
          %jit3A_958 = arith.constant 0 : i32
          %broadcast_in_dim3A_959 = vector.broadcast %jit3A_958 : i32 to vector<16xi32>
          %select_n3A_960 = arith.select %lt3A_957, %add3A_954, %broadcast_in_dim3A_959 : vector<16xi1>, vector<16xi32>
          %sub3A_961 = arith.constant 400 : i32
          %sub3A_962 = vector.broadcast %sub3A_961 : i32 to vector<16xi32>
          %sub3A_963 = arith.subi %add3A_954, %sub3A_962 : vector<16xi32>
          %jit3A_964 = arith.constant 0 : i32
          %broadcast_in_dim3A_965 = vector.broadcast %jit3A_964 : i32 to vector<16xi32>
          %select_n3A_966 = arith.select %lt3A_957, %broadcast_in_dim3A_965, %sub3A_963 : vector<16xi1>, vector<16xi32>
          %add3A_967 = vector.broadcast %mul3A_136 : i32 to vector<16xi32>
          %add3A_968 = arith.addi %iota3A, %add3A_967 : vector<16xi32>
          %gather3A_969 = tpu.vector_load_idx %arg4[%select_n3A_960, %add3A_968] : memref<400x128xf32, #tpu.memory_space<vmem>>[vector<16xi32>, vector<16xi32>], vector<16xf32>,
          %add3A_970 = vector.broadcast %mul3A_136 : i32 to vector<16xi32>
          %add3A_971 = arith.addi %iota3A, %add3A_970 : vector<16xi32>
          %gather3A_972 = tpu.vector_load_idx %arg5[%select_n3A_966, %add3A_971] : memref<400x128xf32, #tpu.memory_space<vmem>>[vector<16xi32>, vector<16xi32>], vector<16xf32>,
          %select_n3A_973 = arith.select %lt3A_957, %gather3A_969, %gather3A_972 : vector<16xi1>, vector<16xf32>
          %add3A_974 = arith.addi %add3A_954, %broadcast_in_dim3A : vector<16xi32>
          %gt3A_975 = arith.cmpf ogt, %select_n3A_973, %select_n3A_952 : vector<16xf32>
          %gt3A_976 = arith.cmpf ogt, %select_n3A_973, %select_n3A_949 : vector<16xf32>
          %gt3A_977 = arith.cmpf ogt, %select_n3A_973, %select_n3A_945 : vector<16xf32>
          %gt3A_978 = arith.cmpf ogt, %select_n3A_973, %select_n3A_941 : vector<16xf32>
          %gt3A_979 = arith.cmpf ogt, %select_n3A_973, %select_n3A_937 : vector<16xf32>
          %gt3A_980 = arith.cmpf ogt, %select_n3A_973, %select_n3A_933 : vector<16xf32>
          %gt3A_981 = arith.cmpf ogt, %select_n3A_973, %select_n3A_929 : vector<16xf32>
          %gt3A_982 = arith.cmpf ogt, %select_n3A_973, %select_n3A_925 : vector<16xf32>
          %select_n3A_983 = arith.select %gt3A_981, %select_n3A_929, %select_n3A_973 : vector<16xi1>, vector<16xf32>
          %select_n3A_984 = arith.select %gt3A_982, %select_n3A_983, %select_n3A_925 : vector<16xi1>, vector<16xf32>
          %select_n3A_985 = arith.select %gt3A_981, %select_n3A_931, %add3A_974 : vector<16xi1>, vector<16xi32>
          %select_n3A_986 = arith.select %gt3A_982, %select_n3A_985, %select_n3A_927 : vector<16xi1>, vector<16xi32>
          %select_n3A_987 = arith.select %gt3A_980, %select_n3A_933, %select_n3A_973 : vector<16xi1>, vector<16xf32>
          %select_n3A_988 = arith.select %gt3A_981, %select_n3A_987, %select_n3A_929 : vector<16xi1>, vector<16xf32>
          %select_n3A_989 = arith.select %gt3A_980, %select_n3A_935, %add3A_974 : vector<16xi1>, vector<16xi32>
          %select_n3A_990 = arith.select %gt3A_981, %select_n3A_989, %select_n3A_931 : vector<16xi1>, vector<16xi32>
          %select_n3A_991 = arith.select %gt3A_979, %select_n3A_937, %select_n3A_973 : vector<16xi1>, vector<16xf32>
          %select_n3A_992 = arith.select %gt3A_980, %select_n3A_991, %select_n3A_933 : vector<16xi1>, vector<16xf32>
          %select_n3A_993 = arith.select %gt3A_979, %select_n3A_939, %add3A_974 : vector<16xi1>, vector<16xi32>
          %select_n3A_994 = arith.select %gt3A_980, %select_n3A_993, %select_n3A_935 : vector<16xi1>, vector<16xi32>
          %select_n3A_995 = arith.select %gt3A_978, %select_n3A_941, %select_n3A_973 : vector<16xi1>, vector<16xf32>
          %select_n3A_996 = arith.select %gt3A_979, %select_n3A_995, %select_n3A_937 : vector<16xi1>, vector<16xf32>
          %select_n3A_997 = arith.select %gt3A_978, %select_n3A_943, %add3A_974 : vector<16xi1>, vector<16xi32>
          %select_n3A_998 = arith.select %gt3A_979, %select_n3A_997, %select_n3A_939 : vector<16xi1>, vector<16xi32>
          %select_n3A_999 = arith.select %gt3A_977, %select_n3A_945, %select_n3A_973 : vector<16xi1>, vector<16xf32>
          %select_n3A_1000 = arith.select %gt3A_978, %select_n3A_999, %select_n3A_941 : vector<16xi1>, vector<16xf32>
          %select_n3A_1001 = arith.select %gt3A_977, %select_n3A_947, %add3A_974 : vector<16xi1>, vector<16xi32>
          %select_n3A_1002 = arith.select %gt3A_978, %select_n3A_1001, %select_n3A_943 : vector<16xi1>, vector<16xi32>
          %select_n3A_1003 = arith.select %gt3A_976, %select_n3A_949, %select_n3A_973 : vector<16xi1>, vector<16xf32>
          %select_n3A_1004 = arith.select %gt3A_977, %select_n3A_1003, %select_n3A_945 : vector<16xi1>, vector<16xf32>
          %select_n3A_1005 = arith.select %gt3A_976, %select_n3A_951, %add3A_974 : vector<16xi1>, vector<16xi32>
          %select_n3A_1006 = arith.select %gt3A_977, %select_n3A_1005, %select_n3A_947 : vector<16xi1>, vector<16xi32>
          %select_n3A_1007 = arith.select %gt3A_975, %select_n3A_952, %select_n3A_973 : vector<16xi1>, vector<16xf32>
          %select_n3A_1008 = arith.select %gt3A_976, %select_n3A_1007, %select_n3A_949 : vector<16xi1>, vector<16xf32>
          %select_n3A_1009 = arith.select %gt3A_975, %select_n3A_953, %add3A_974 : vector<16xi1>, vector<16xi32>
          %select_n3A_1010 = arith.select %gt3A_976, %select_n3A_1009, %select_n3A_951 : vector<16xi1>, vector<16xi32>
          %select_n3A_1011 = arith.select %gt3A_975, %select_n3A_973, %select_n3A_952 : vector<16xi1>, vector<16xf32>
          %select_n3A_1012 = arith.select %gt3A_975, %add3A_974, %select_n3A_953 : vector<16xi1>, vector<16xi32>
          scf.yield %select_n3A_1011, %select_n3A_1008, %select_n3A_1004, %select_n3A_1000, %select_n3A_996, %select_n3A_992, %select_n3A_988, %select_n3A_984, %select_n3A_1012, %select_n3A_1010, %select_n3A_1006, %select_n3A_1002, %select_n3A_998, %select_n3A_994, %select_n3A_990, %select_n3A_986 : vector<16xf32>, vector<16xf32>, vector<16xf32>, vector<16xf32>, vector<16xf32>, vector<16xf32>, vector<16xf32>, vector<16xf32>, vector<16xi32>, vector<16xi32>, vector<16xi32>, vector<16xi32>, vector<16xi32>, vector<16xi32>, vector<16xi32>, vector<16xi32>
        }
        %scan3A_343 = arith.constant 8 : i32
        %swap3A = arith.constant 0 : i32
        %swap3A_344 = arith.index_cast %swap3A : i32 to index
        %swap3A_345 = arith.index_cast %mul3A_136 : i32 to index
        %swap3A_346 = tpu.vector_load %arg7[%swap3A_344, %swap3A_345] {strides = array<i32>} : memref<8x128xf32, #tpu.memory_space<vmem>>, vector<16xf32>,
        tpu.vector_store %arg7[%swap3A_344, %swap3A_345], %scan3A_342#0 {strides = array<i32>} : memref<8x128xf32, #tpu.memory_space<vmem>>, vector<16xf32>,
        %swap3A_347 = arith.constant 0 : i32
        %swap3A_348 = arith.index_cast %swap3A_347 : i32 to index
        %swap3A_349 = arith.index_cast %mul3A_136 : i32 to index
        %swap3A_350 = tpu.vector_load %arg8[%swap3A_348, %swap3A_349] {strides = array<i32>} : memref<8x128xi32, #tpu.memory_space<vmem>>, vector<16xi32>,
        tpu.vector_store %arg8[%swap3A_348, %swap3A_349], %scan3A_342#8 {strides = array<i32>} : memref<8x128xi32, #tpu.memory_space<vmem>>, vector<16xi32>,
        %swap3A_351 = arith.constant 1 : i32
        %swap3A_352 = arith.index_cast %swap3A_351 : i32 to index
        %swap3A_353 = arith.index_cast %mul3A_136 : i32 to index
        %swap3A_354 = tpu.vector_load %arg7[%swap3A_352, %swap3A_353] {strides = array<i32>} : memref<8x128xf32, #tpu.memory_space<vmem>>, vector<16xf32>,
        tpu.vector_store %arg7[%swap3A_352, %swap3A_353], %scan3A_342#1 {strides = array<i32>} : memref<8x128xf32, #tpu.memory_space<vmem>>, vector<16xf32>,
        %swap3A_355 = arith.constant 1 : i32
        %swap3A_356 = arith.index_cast %swap3A_355 : i32 to index
        %swap3A_357 = arith.index_cast %mul3A_136 : i32 to index
        %swap3A_358 = tpu.vector_load %arg8[%swap3A_356, %swap3A_357] {strides = array<i32>} : memref<8x128xi32, #tpu.memory_space<vmem>>, vector<16xi32>,
        tpu.vector_store %arg8[%swap3A_356, %swap3A_357], %scan3A_342#9 {strides = array<i32>} : memref<8x128xi32, #tpu.memory_space<vmem>>, vector<16xi32>,
        %swap3A_359 = arith.constant 2 : i32
        %swap3A_360 = arith.index_cast %swap3A_359 : i32 to index
        %swap3A_361 = arith.index_cast %mul3A_136 : i32 to index
        %swap3A_362 = tpu.vector_load %arg7[%swap3A_360, %swap3A_361] {strides = array<i32>} : memref<8x128xf32, #tpu.memory_space<vmem>>, vector<16xf32>,
        tpu.vector_store %arg7[%swap3A_360, %swap3A_361], %scan3A_342#2 {strides = array<i32>} : memref<8x128xf32, #tpu.memory_space<vmem>>, vector<16xf32>,
        %swap3A_363 = arith.constant 2 : i32
        %swap3A_364 = arith.index_cast %swap3A_363 : i32 to index
        %swap3A_365 = arith.index_cast %mul3A_136 : i32 to index
        %swap3A_366 = tpu.vector_load %arg8[%swap3A_364, %swap3A_365] {strides = array<i32>} : memref<8x128xi32, #tpu.memory_space<vmem>>, vector<16xi32>,
        tpu.vector_store %arg8[%swap3A_364, %swap3A_365], %scan3A_342#10 {strides = array<i32>} : memref<8x128xi32, #tpu.memory_space<vmem>>, vector<16xi32>,
        %swap3A_367 = arith.constant 3 : i32
        %swap3A_368 = arith.index_cast %swap3A_367 : i32 to index
        %swap3A_369 = arith.index_cast %mul3A_136 : i32 to index
        %swap3A_370 = tpu.vector_load %arg7[%swap3A_368, %swap3A_369] {strides = array<i32>} : memref<8x128xf32, #tpu.memory_space<vmem>>, vector<16xf32>,
        tpu.vector_store %arg7[%swap3A_368, %swap3A_369], %scan3A_342#3 {strides = array<i32>} : memref<8x128xf32, #tpu.memory_space<vmem>>, vector<16xf32>,
        %swap3A_371 = arith.constant 3 : i32
        %swap3A_372 = arith.index_cast %swap3A_371 : i32 to index
        %swap3A_373 = arith.index_cast %mul3A_136 : i32 to index
        %swap3A_374 = tpu.vector_load %arg8[%swap3A_372, %swap3A_373] {strides = array<i32>} : memref<8x128xi32, #tpu.memory_space<vmem>>, vector<16xi32>,
        tpu.vector_store %arg8[%swap3A_372, %swap3A_373], %scan3A_342#11 {strides = array<i32>} : memref<8x128xi32, #tpu.memory_space<vmem>>, vector<16xi32>,
        %swap3A_375 = arith.constant 4 : i32
        %swap3A_376 = arith.index_cast %swap3A_375 : i32 to index
        %swap3A_377 = arith.index_cast %mul3A_136 : i32 to index
        %swap3A_378 = tpu.vector_load %arg7[%swap3A_376, %swap3A_377] {strides = array<i32>} : memref<8x128xf32, #tpu.memory_space<vmem>>, vector<16xf32>,
        tpu.vector_store %arg7[%swap3A_376, %swap3A_377], %scan3A_342#4 {strides = array<i32>} : memref<8x128xf32, #tpu.memory_space<vmem>>, vector<16xf32>,
        %swap3A_379 = arith.constant 4 : i32
        %swap3A_380 = arith.index_cast %swap3A_379 : i32 to index
        %swap3A_381 = arith.index_cast %mul3A_136 : i32 to index
        %swap3A_382 = tpu.vector_load %arg8[%swap3A_380, %swap3A_381] {strides = array<i32>} : memref<8x128xi32, #tpu.memory_space<vmem>>, vector<16xi32>,
        tpu.vector_store %arg8[%swap3A_380, %swap3A_381], %scan3A_342#12 {strides = array<i32>} : memref<8x128xi32, #tpu.memory_space<vmem>>, vector<16xi32>,
        %swap3A_383 = arith.constant 5 : i32
        %swap3A_384 = arith.index_cast %swap3A_383 : i32 to index
        %swap3A_385 = arith.index_cast %mul3A_136 : i32 to index
        %swap3A_386 = tpu.vector_load %arg7[%swap3A_384, %swap3A_385] {strides = array<i32>} : memref<8x128xf32, #tpu.memory_space<vmem>>, vector<16xf32>,
        tpu.vector_store %arg7[%swap3A_384, %swap3A_385], %scan3A_342#5 {strides = array<i32>} : memref<8x128xf32, #tpu.memory_space<vmem>>, vector<16xf32>,
        %swap3A_387 = arith.constant 5 : i32
        %swap3A_388 = arith.index_cast %swap3A_387 : i32 to index
        %swap3A_389 = arith.index_cast %mul3A_136 : i32 to index
        %swap3A_390 = tpu.vector_load %arg8[%swap3A_388, %swap3A_389] {strides = array<i32>} : memref<8x128xi32, #tpu.memory_space<vmem>>, vector<16xi32>,
        tpu.vector_store %arg8[%swap3A_388, %swap3A_389], %scan3A_342#13 {strides = array<i32>} : memref<8x128xi32, #tpu.memory_space<vmem>>, vector<16xi32>,
        %swap3A_391 = arith.constant 6 : i32
        %swap3A_392 = arith.index_cast %swap3A_391 : i32 to index
        %swap3A_393 = arith.index_cast %mul3A_136 : i32 to index
        %swap3A_394 = tpu.vector_load %arg7[%swap3A_392, %swap3A_393] {strides = array<i32>} : memref<8x128xf32, #tpu.memory_space<vmem>>, vector<16xf32>,
        tpu.vector_store %arg7[%swap3A_392, %swap3A_393], %scan3A_342#6 {strides = array<i32>} : memref<8x128xf32, #tpu.memory_space<vmem>>, vector<16xf32>,
        %swap3A_395 = arith.constant 6 : i32
        %swap3A_396 = arith.index_cast %swap3A_395 : i32 to index
        %swap3A_397 = arith.index_cast %mul3A_136 : i32 to index
        %swap3A_398 = tpu.vector_load %arg8[%swap3A_396, %swap3A_397] {strides = array<i32>} : memref<8x128xi32, #tpu.memory_space<vmem>>, vector<16xi32>,
        tpu.vector_store %arg8[%swap3A_396, %swap3A_397], %scan3A_342#14 {strides = array<i32>} : memref<8x128xi32, #tpu.memory_space<vmem>>, vector<16xi32>,
        %swap3A_399 = arith.constant 7 : i32
        %swap3A_400 = arith.index_cast %swap3A_399 : i32 to index
        %swap3A_401 = arith.index_cast %mul3A_136 : i32 to index
        %swap3A_402 = tpu.vector_load %arg7[%swap3A_400, %swap3A_401] {strides = array<i32>} : memref<8x128xf32, #tpu.memory_space<vmem>>, vector<16xf32>,
        tpu.vector_store %arg7[%swap3A_400, %swap3A_401], %scan3A_342#7 {strides = array<i32>} : memref<8x128xf32, #tpu.memory_space<vmem>>, vector<16xf32>,
        %swap3A_403 = arith.constant 7 : i32
        %swap3A_404 = arith.index_cast %swap3A_403 : i32 to index
        %swap3A_405 = arith.index_cast %mul3A_136 : i32 to index
        %swap3A_406 = tpu.vector_load %arg8[%swap3A_404, %swap3A_405] {strides = array<i32>} : memref<8x128xi32, #tpu.memory_space<vmem>>, vector<16xi32>,
        tpu.vector_store %arg8[%swap3A_404, %swap3A_405], %scan3A_342#15 {strides = array<i32>} : memref<8x128xi32, #tpu.memory_space<vmem>>, vector<16xi32>,
      }
      %scan3A_112 = arith.constant 8 : i32
      %add3A_113 = arith.constant 1 : i32
      %add3A_114 = arith.addi %scan3A_84, %add3A_113 : i32
      %min3A = arith.constant 9 : i32
      %min3A_115 = arith.minsi %add3A_114, %min3A : i32
      %mul3A_116 = arith.constant 800 : i32
      %mul3A_117 = arith.muli %min3A_115, %mul3A_116 : i32
      %add3A_118 = arith.constant 0 : i32
      %add3A_119 = arith.addi %mul3A_117, %add3A_118 : i32
      %dma_start3A_120 = tpu.memref_slice %arg2[%select_n3A, %add3A_119, %mul3A_32] : memref<4x8192x1024xf32, #tpu.memory_space<hbm>> -> memref<1x400x128xf32, #tpu.memory_space<hbm>>
      %dma_start3A_121 = tpu.memref_squeeze %dma_start3A_120 : memref<1x400x128xf32, #tpu.memory_space<hbm>> -> memref<400x128xf32, #tpu.memory_space<hbm>>
      %dma_start3A_122 = tpu.memref_slice %arg2[%select_n3A, %add3A_119, %mul3A_32] : memref<4x8192x1024xf32, #tpu.memory_space<hbm>> -> memref<1x400x128xf32, #tpu.memory_space<hbm>>
      %dma_start3A_123 = tpu.memref_squeeze %dma_start3A_122 : memref<1x400x128xf32, #tpu.memory_space<hbm>> -> memref<400x128xf32, #tpu.memory_space<hbm>>
      tpu.enqueue_dma source(%dma_start3A_123 : memref<400x128xf32, #tpu.memory_space<hbm>>) target(%arg4 : memref<400x128xf32, #tpu.memory_space<vmem>>) target_semaphore(%arg10 : memref<!tpu.dma_semaphore, #tpu.memory_space<semaphore_mem>>)
      %mul3A_124 = arith.constant 800 : i32
      %mul3A_125 = arith.muli %min3A_115, %mul3A_124 : i32
      %add3A_126 = arith.constant 400 : i32
      %add3A_127 = arith.addi %mul3A_125, %add3A_126 : i32
      %dma_start3A_128 = tpu.memref_slice %arg2[%select_n3A, %add3A_127, %mul3A_32] : memref<4x8192x1024xf32, #tpu.memory_space<hbm>> -> memref<1x400x128xf32, #tpu.memory_space<hbm>>
      %dma_start3A_129 = tpu.memref_squeeze %dma_start3A_128 : memref<1x400x128xf32, #tpu.memory_space<hbm>> -> memref<400x128xf32, #tpu.memory_space<hbm>>
      %dma_start3A_130 = tpu.memref_slice %arg2[%select_n3A, %add3A_127, %mul3A_32] : memref<4x8192x1024xf32, #tpu.memory_space<hbm>> -> memref<1x400x128xf32, #tpu.memory_space<hbm>>
      %dma_start3A_131 = tpu.memref_squeeze %dma_start3A_130 : memref<1x400x128xf32, #tpu.memory_space<hbm>> -> memref<400x128xf32, #tpu.memory_space<hbm>>
      tpu.enqueue_dma source(%dma_start3A_131 : memref<400x128xf32, #tpu.memory_space<hbm>>) target(%arg5 : memref<400x128xf32, #tpu.memory_space<vmem>>) target_semaphore(%arg11 : memref<!tpu.dma_semaphore, #tpu.memory_space<semaphore_mem>>)
    }
    %scan3A_54 = arith.constant 10 : i32
    %dma_wait3A = arith.constant 7200 : i32
    %dma_wait3A_55 = tpu.memref_slice %arg2[%select_n3A, %dma_wait3A, %mul3A_32] : memref<4x8192x1024xf32, #tpu.memory_space<hbm>> -> memref<1x400x128xf32, #tpu.memory_space<hbm>>
    %dma_wait3A_56 = tpu.memref_squeeze %dma_wait3A_55 : memref<1x400x128xf32, #tpu.memory_space<hbm>> -> memref<400x128xf32, #tpu.memory_space<hbm>>
    %dma_wait3A_57 = arith.constant 7200 : i32
    %dma_wait3A_58 = tpu.memref_slice %arg2[%select_n3A, %dma_wait3A_57, %mul3A_32] : memref<4x8192x1024xf32, #tpu.memory_space<hbm>> -> memref<1x400x128xf32, #tpu.memory_space<hbm>>
    %dma_wait3A_59 = tpu.memref_squeeze %dma_wait3A_58 : memref<1x400x128xf32, #tpu.memory_space<hbm>> -> memref<400x128xf32, #tpu.memory_space<hbm>>
    tpu.wait_dma2 semaphore(%arg10 : memref<!tpu.dma_semaphore, #tpu.memory_space<semaphore_mem>>) src(%dma_wait3A_59 : memref<400x128xf32, #tpu.memory_space<hbm>>) dst(%arg4 : memref<400x128xf32, #tpu.memory_space<vmem>>)
    %dma_wait3A_60 = arith.constant 7600 : i32
    %dma_wait3A_61 = tpu.memref_slice %arg2[%select_n3A, %dma_wait3A_60, %mul3A_32] : memref<4x8192x1024xf32, #tpu.memory_space<hbm>> -> memref<1x400x128xf32, #tpu.memory_space<hbm>>
    %dma_wait3A_62 = tpu.memref_squeeze %dma_wait3A_61 : memref<1x400x128xf32, #tpu.memory_space<hbm>> -> memref<400x128xf32, #tpu.memory_space<hbm>>
    %dma_wait3A_63 = arith.constant 7600 : i32
    %dma_wait3A_64 = tpu.memref_slice %arg2[%select_n3A, %dma_wait3A_63, %mul3A_32] : memref<4x8192x1024xf32, #tpu.memory_space<hbm>> -> memref<1x400x128xf32, #tpu.memory_space<hbm>>
    %dma_wait3A_65 = tpu.memref_squeeze %dma_wait3A_64 : memref<1x400x128xf32, #tpu.memory_space<hbm>> -> memref<400x128xf32, #tpu.memory_space<hbm>>
    tpu.wait_dma2 semaphore(%arg11 : memref<!tpu.dma_semaphore, #tpu.memory_space<semaphore_mem>>) src(%dma_wait3A_65 : memref<400x128xf32, #tpu.memory_space<hbm>>) dst(%arg5 : memref<400x128xf32, #tpu.memory_space<vmem>>)
    "tpu.region"() ({
      %run_scoped3A = tpu.sem_alloc : memref<!tpu.dma_semaphore, #tpu.memory_space<semaphore_mem>>
      %dma_start3A_84 = arith.constant 0 : i32
      %dma_start3A_85 = arith.constant 0 : i32
      %dma_start3A_86 = tpu.memref_slice %arg4[%dma_start3A_84, %dma_start3A_85] : memref<400x128xf32, #tpu.memory_space<vmem>> -> memref<192x128xf32, #tpu.memory_space<vmem>>
      %dma_start3A_87 = arith.constant 8000 : i32
      %dma_start3A_88 = tpu.memref_slice %arg2[%select_n3A, %dma_start3A_87, %mul3A_32] : memref<4x8192x1024xf32, #tpu.memory_space<hbm>> -> memref<1x192x128xf32, #tpu.memory_space<hbm>>
      %dma_start3A_89 = tpu.memref_squeeze %dma_start3A_88 : memref<1x192x128xf32, #tpu.memory_space<hbm>> -> memref<192x128xf32, #tpu.memory_space<hbm>>
      %dma_start3A_90 = arith.constant 0 : i32
      %dma_start3A_91 = arith.constant 0 : i32
      %dma_start3A_92 = tpu.memref_slice %arg4[%dma_start3A_90, %dma_start3A_91] : memref<400x128xf32, #tpu.memory_space<vmem>> -> memref<192x128xf32, #tpu.memory_space<vmem>>
      %dma_start3A_93 = arith.constant 8000 : i32
      %dma_start3A_94 = tpu.memref_slice %arg2[%select_n3A, %dma_start3A_93, %mul3A_32] : memref<4x8192x1024xf32, #tpu.memory_space<hbm>> -> memref<1x192x128xf32, #tpu.memory_space<hbm>>
      %dma_start3A_95 = tpu.memref_squeeze %dma_start3A_94 : memref<1x192x128xf32, #tpu.memory_space<hbm>> -> memref<192x128xf32, #tpu.memory_space<hbm>>
      tpu.enqueue_dma source(%dma_start3A_95 : memref<192x128xf32, #tpu.memory_space<hbm>>) target(%dma_start3A_92 : memref<192x128xf32, #tpu.memory_space<vmem>>) target_semaphore(%run_scoped3A : memref<!tpu.dma_semaphore, #tpu.memory_space<semaphore_mem>>)
      %dma_wait3A_96 = arith.constant 0 : i32
      %dma_wait3A_97 = arith.constant 0 : i32
      %dma_wait3A_98 = tpu.memref_slice %arg4[%dma_wait3A_96, %dma_wait3A_97] : memref<400x128xf32, #tpu.memory_space<vmem>> -> memref<192x128xf32, #tpu.memory_space<vmem>>
      %dma_wait3A_99 = arith.constant 8000 : i32
      %dma_wait3A_100 = tpu.memref_slice %arg2[%select_n3A, %dma_wait3A_99, %mul3A_32] : memref<4x8192x1024xf32, #tpu.memory_space<hbm>> -> memref<1x192x128xf32, #tpu.memory_space<hbm>>
      %dma_wait3A_101 = tpu.memref_squeeze %dma_wait3A_100 : memref<1x192x128xf32, #tpu.memory_space<hbm>> -> memref<192x128xf32, #tpu.memory_space<hbm>>
      %dma_wait3A_102 = arith.constant 0 : i32
      %dma_wait3A_103 = arith.constant 0 : i32
      %dma_wait3A_104 = tpu.memref_slice %arg4[%dma_wait3A_102, %dma_wait3A_103] : memref<400x128xf32, #tpu.memory_space<vmem>> -> memref<192x128xf32, #tpu.memory_space<vmem>>
      %dma_wait3A_105 = arith.constant 8000 : i32
      %dma_wait3A_106 = tpu.memref_slice %arg2[%select_n3A, %dma_wait3A_105, %mul3A_32] : memref<4x8192x1024xf32, #tpu.memory_space<hbm>> -> memref<1x192x128xf32, #tpu.memory_space<hbm>>
      %dma_wait3A_107 = tpu.memref_squeeze %dma_wait3A_106 : memref<1x192x128xf32, #tpu.memory_space<hbm>> -> memref<192x128xf32, #tpu.memory_space<hbm>>
      tpu.wait_dma2 semaphore(%run_scoped3A : memref<!tpu.dma_semaphore, #tpu.memory_space<semaphore_mem>>) src(%dma_wait3A_107 : memref<192x128xf32, #tpu.memory_space<hbm>>) dst(%dma_wait3A_104 : memref<192x128xf32, #tpu.memory_space<vmem>>)
      tpu.yield
    }) : () -> ()
    %scan3A_66 = arith.constant 0 : i32
    %scan3A_67 = arith.constant 0 : i32
    %scan3A_68 = arith.constant 8 : i32
    %scan3A_69 = arith.addi %scan3A_67, %scan3A_68 : i32
    %scan3A_70 = arith.constant 1 : i32
    scf.for %scan3A_84 = %scan3A_67 to %scan3A_69 step %scan3A_70  : i32 {
      %broadcast_in_dim3A = arith.constant -2147483648 : i32
      %broadcast_in_dim3A_85 = vector.broadcast %broadcast_in_dim3A : i32 to vector<16xi32>
      %mul3A_86 = arith.constant 16 : i32
      %mul3A_87 = arith.muli %scan3A_84, %mul3A_86 : i32
      %swap3A = arith.constant 0 : i32
      %swap3A_88 = arith.index_cast %swap3A : i32 to index
      %swap3A_89 = arith.index_cast %mul3A_87 : i32 to index
      %swap3A_90 = tpu.vector_load %arg6[%swap3A_88, %swap3A_89] {strides = array<i32>} : memref<16x128xi32, #tpu.memory_space<vmem>>, vector<16xi32>,
      tpu.vector_store %arg6[%swap3A_88, %swap3A_89], %broadcast_in_dim3A_85 {strides = array<i32>} : memref<16x128xi32, #tpu.memory_space<vmem>>, vector<16xi32>,
      %broadcast_in_dim3A_91 = arith.constant -2147483648 : i32
      %broadcast_in_dim3A_92 = vector.broadcast %broadcast_in_dim3A_91 : i32 to vector<16xi32>
      %mul3A_93 = arith.constant 16 : i32
      %mul3A_94 = arith.muli %scan3A_84, %mul3A_93 : i32
      %swap3A_95 = arith.constant 1 : i32
      %swap3A_96 = arith.index_cast %swap3A_95 : i32 to index
      %swap3A_97 = arith.index_cast %mul3A_94 : i32 to index
      %swap3A_98 = tpu.vector_load %arg6[%swap3A_96, %swap3A_97] {strides = array<i32>} : memref<16x128xi32, #tpu.memory_space<vmem>>, vector<16xi32>,
      tpu.vector_store %arg6[%swap3A_96, %swap3A_97], %broadcast_in_dim3A_92 {strides = array<i32>} : memref<16x128xi32, #tpu.memory_space<vmem>>, vector<16xi32>,
      %broadcast_in_dim3A_99 = arith.constant -2147483648 : i32
      %broadcast_in_dim3A_100 = vector.broadcast %broadcast_in_dim3A_99 : i32 to vector<16xi32>
      %mul3A_101 = arith.constant 16 : i32
      %mul3A_102 = arith.muli %scan3A_84, %mul3A_101 : i32
      %swap3A_103 = arith.constant 2 : i32
      %swap3A_104 = arith.index_cast %swap3A_103 : i32 to index
      %swap3A_105 = arith.index_cast %mul3A_102 : i32 to index
      %swap3A_106 = tpu.vector_load %arg6[%swap3A_104, %swap3A_105] {strides = array<i32>} : memref<16x128xi32, #tpu.memory_space<vmem>>, vector<16xi32>,
      tpu.vector_store %arg6[%swap3A_104, %swap3A_105], %broadcast_in_dim3A_100 {strides = array<i32>} : memref<16x128xi32, #tpu.memory_space<vmem>>, vector<16xi32>,
      %broadcast_in_dim3A_107 = arith.constant -2147483648 : i32
      %broadcast_in_dim3A_108 = vector.broadcast %broadcast_in_dim3A_107 : i32 to vector<16xi32>
      %mul3A_109 = arith.constant 16 : i32
      %mul3A_110 = arith.muli %scan3A_84, %mul3A_109 : i32
      %swap3A_111 = arith.constant 3 : i32
      %swap3A_112 = arith.index_cast %swap3A_111 : i32 to index
      %swap3A_113 = arith.index_cast %mul3A_110 : i32 to index
      %swap3A_114 = tpu.vector_load %arg6[%swap3A_112, %swap3A_113] {strides = array<i32>} : memref<16x128xi32, #tpu.memory_space<vmem>>, vector<16xi32>,
      tpu.vector_store %arg6[%swap3A_112, %swap3A_113], %broadcast_in_dim3A_108 {strides = array<i32>} : memref<16x128xi32, #tpu.memory_space<vmem>>, vector<16xi32>,
      %broadcast_in_dim3A_115 = arith.constant -2147483648 : i32
      %broadcast_in_dim3A_116 = vector.broadcast %broadcast_in_dim3A_115 : i32 to vector<16xi32>
      %mul3A_117 = arith.constant 16 : i32
      %mul3A_118 = arith.muli %scan3A_84, %mul3A_117 : i32
      %swap3A_119 = arith.constant 4 : i32
      %swap3A_120 = arith.index_cast %swap3A_119 : i32 to index
      %swap3A_121 = arith.index_cast %mul3A_118 : i32 to index
      %swap3A_122 = tpu.vector_load %arg6[%swap3A_120, %swap3A_121] {strides = array<i32>} : memref<16x128xi32, #tpu.memory_space<vmem>>, vector<16xi32>,
      tpu.vector_store %arg6[%swap3A_120, %swap3A_121], %broadcast_in_dim3A_116 {strides = array<i32>} : memref<16x128xi32, #tpu.memory_space<vmem>>, vector<16xi32>,
      %broadcast_in_dim3A_123 = arith.constant -2147483648 : i32
      %broadcast_in_dim3A_124 = vector.broadcast %broadcast_in_dim3A_123 : i32 to vector<16xi32>
      %mul3A_125 = arith.constant 16 : i32
      %mul3A_126 = arith.muli %scan3A_84, %mul3A_125 : i32
      %swap3A_127 = arith.constant 5 : i32
      %swap3A_128 = arith.index_cast %swap3A_127 : i32 to index
      %swap3A_129 = arith.index_cast %mul3A_126 : i32 to index
      %swap3A_130 = tpu.vector_load %arg6[%swap3A_128, %swap3A_129] {strides = array<i32>} : memref<16x128xi32, #tpu.memory_space<vmem>>, vector<16xi32>,
      tpu.vector_store %arg6[%swap3A_128, %swap3A_129], %broadcast_in_dim3A_124 {strides = array<i32>} : memref<16x128xi32, #tpu.memory_space<vmem>>, vector<16xi32>,
      %broadcast_in_dim3A_131 = arith.constant -2147483648 : i32
      %broadcast_in_dim3A_132 = vector.broadcast %broadcast_in_dim3A_131 : i32 to vector<16xi32>
      %mul3A_133 = arith.constant 16 : i32
      %mul3A_134 = arith.muli %scan3A_84, %mul3A_133 : i32
      %swap3A_135 = arith.constant 6 : i32
      %swap3A_136 = arith.index_cast %swap3A_135 : i32 to index
      %swap3A_137 = arith.index_cast %mul3A_134 : i32 to index
      %swap3A_138 = tpu.vector_load %arg6[%swap3A_136, %swap3A_137] {strides = array<i32>} : memref<16x128xi32, #tpu.memory_space<vmem>>, vector<16xi32>,
      tpu.vector_store %arg6[%swap3A_136, %swap3A_137], %broadcast_in_dim3A_132 {strides = array<i32>} : memref<16x128xi32, #tpu.memory_space<vmem>>, vector<16xi32>,
      %broadcast_in_dim3A_139 = arith.constant -2147483648 : i32
      %broadcast_in_dim3A_140 = vector.broadcast %broadcast_in_dim3A_139 : i32 to vector<16xi32>
      %mul3A_141 = arith.constant 16 : i32
      %mul3A_142 = arith.muli %scan3A_84, %mul3A_141 : i32
      %swap3A_143 = arith.constant 7 : i32
      %swap3A_144 = arith.index_cast %swap3A_143 : i32 to index
      %swap3A_145 = arith.index_cast %mul3A_142 : i32 to index
      %swap3A_146 = tpu.vector_load %arg6[%swap3A_144, %swap3A_145] {strides = array<i32>} : memref<16x128xi32, #tpu.memory_space<vmem>>, vector<16xi32>,
      tpu.vector_store %arg6[%swap3A_144, %swap3A_145], %broadcast_in_dim3A_140 {strides = array<i32>} : memref<16x128xi32, #tpu.memory_space<vmem>>, vector<16xi32>,
      %broadcast_in_dim3A_147 = arith.constant -2147483648 : i32
      %broadcast_in_dim3A_148 = vector.broadcast %broadcast_in_dim3A_147 : i32 to vector<16xi32>
      %mul3A_149 = arith.constant 16 : i32
      %mul3A_150 = arith.muli %scan3A_84, %mul3A_149 : i32
      %swap3A_151 = arith.constant 8 : i32
      %swap3A_152 = arith.index_cast %swap3A_151 : i32 to index
      %swap3A_153 = arith.index_cast %mul3A_150 : i32 to index
      %swap3A_154 = tpu.vector_load %arg6[%swap3A_152, %swap3A_153] {strides = array<i32>} : memref<16x128xi32, #tpu.memory_space<vmem>>, vector<16xi32>,
      tpu.vector_store %arg6[%swap3A_152, %swap3A_153], %broadcast_in_dim3A_148 {strides = array<i32>} : memref<16x128xi32, #tpu.memory_space<vmem>>, vector<16xi32>,
      %broadcast_in_dim3A_155 = arith.constant -2147483648 : i32
      %broadcast_in_dim3A_156 = vector.broadcast %broadcast_in_dim3A_155 : i32 to vector<16xi32>
      %mul3A_157 = arith.constant 16 : i32
      %mul3A_158 = arith.muli %scan3A_84, %mul3A_157 : i32
      %swap3A_159 = arith.constant 9 : i32
      %swap3A_160 = arith.index_cast %swap3A_159 : i32 to index
      %swap3A_161 = arith.index_cast %mul3A_158 : i32 to index
      %swap3A_162 = tpu.vector_load %arg6[%swap3A_160, %swap3A_161] {strides = array<i32>} : memref<16x128xi32, #tpu.memory_space<vmem>>, vector<16xi32>,
      tpu.vector_store %arg6[%swap3A_160, %swap3A_161], %broadcast_in_dim3A_156 {strides = array<i32>} : memref<16x128xi32, #tpu.memory_space<vmem>>, vector<16xi32>,
    }
    %scan3A_71 = arith.constant 8 : i32
    %scan3A_72 = arith.constant 0 : i32
    %scan3A_73 = arith.constant 0 : i32
    %scan3A_74 = arith.constant 8 : i32
    %scan3A_75 = arith.addi %scan3A_73, %scan3A_74 : i32
    %scan3A_76 = arith.constant 1 : i32
    scf.for %scan3A_84 = %scan3A_73 to %scan3A_75 step %scan3A_76  : i32 {
      %mul3A_85 = arith.constant 16 : i32
      %mul3A_86 = arith.muli %scan3A_84, %mul3A_85 : i32
      %broadcast_in_dim3A = arith.constant 8000 : i32
      %broadcast_in_dim3A_87 = vector.broadcast %broadcast_in_dim3A : i32 to vector<16xi32>
      %get3A = arith.constant 0 : i32
      %get3A_88 = arith.index_cast %get3A : i32 to index
      %get3A_89 = arith.index_cast %mul3A_86 : i32 to index
      %get3A_90 = tpu.vector_load %arg6[%get3A_88, %get3A_89] {strides = array<i32>} : memref<16x128xi32, #tpu.memory_space<vmem>>, vector<16xi32>,
      %get3A_91 = arith.constant 1 : i32
      %get3A_92 = arith.index_cast %get3A_91 : i32 to index
      %get3A_93 = arith.index_cast %mul3A_86 : i32 to index
      %get3A_94 = tpu.vector_load %arg6[%get3A_92, %get3A_93] {strides = array<i32>} : memref<16x128xi32, #tpu.memory_space<vmem>>, vector<16xi32>,
      %get3A_95 = arith.constant 2 : i32
      %get3A_96 = arith.index_cast %get3A_95 : i32 to index
      %get3A_97 = arith.index_cast %mul3A_86 : i32 to index
      %get3A_98 = tpu.vector_load %arg6[%get3A_96, %get3A_97] {strides = array<i32>} : memref<16x128xi32, #tpu.memory_space<vmem>>, vector<16xi32>,
      %get3A_99 = arith.constant 3 : i32
      %get3A_100 = arith.index_cast %get3A_99 : i32 to index
      %get3A_101 = arith.index_cast %mul3A_86 : i32 to index
      %get3A_102 = tpu.vector_load %arg6[%get3A_100, %get3A_101] {strides = array<i32>} : memref<16x128xi32, #tpu.memory_space<vmem>>, vector<16xi32>,
      %get3A_103 = arith.constant 4 : i32
      %get3A_104 = arith.index_cast %get3A_103 : i32 to index
      %get3A_105 = arith.index_cast %mul3A_86 : i32 to index
      %get3A_106 = tpu.vector_load %arg6[%get3A_104, %get3A_105] {strides = array<i32>} : memref<16x128xi32, #tpu.memory_space<vmem>>, vector<16xi32>,
      %get3A_107 = arith.constant 5 : i32
      %get3A_108 = arith.index_cast %get3A_107 : i32 to index
      %get3A_109 = arith.index_cast %mul3A_86 : i32 to index
      %get3A_110 = tpu.vector_load %arg6[%get3A_108, %get3A_109] {strides = array<i32>} : memref<16x128xi32, #tpu.memory_space<vmem>>, vector<16xi32>,
      %get3A_111 = arith.constant 6 : i32
      %get3A_112 = arith.index_cast %get3A_111 : i32 to index
      %get3A_113 = arith.index_cast %mul3A_86 : i32 to index
      %get3A_114 = tpu.vector_load %arg6[%get3A_112, %get3A_113] {strides = array<i32>} : memref<16x128xi32, #tpu.memory_space<vmem>>, vector<16xi32>,
      %get3A_115 = arith.constant 7 : i32
      %get3A_116 = arith.index_cast %get3A_115 : i32 to index
      %get3A_117 = arith.index_cast %mul3A_86 : i32 to index
      %get3A_118 = tpu.vector_load %arg6[%get3A_116, %get3A_117] {strides = array<i32>} : memref<16x128xi32, #tpu.memory_space<vmem>>, vector<16xi32>,
      %get3A_119 = arith.constant 8 : i32
      %get3A_120 = arith.index_cast %get3A_119 : i32 to index
      %get3A_121 = arith.index_cast %mul3A_86 : i32 to index
      %get3A_122 = tpu.vector_load %arg6[%get3A_120, %get3A_121] {strides = array<i32>} : memref<16x128xi32, #tpu.memory_space<vmem>>, vector<16xi32>,
      %get3A_123 = arith.constant 9 : i32
      %get3A_124 = arith.index_cast %get3A_123 : i32 to index
      %get3A_125 = arith.index_cast %mul3A_86 : i32 to index
      %get3A_126 = tpu.vector_load %arg6[%get3A_124, %get3A_125] {strides = array<i32>} : memref<16x128xi32, #tpu.memory_space<vmem>>, vector<16xi32>,
      %mul3A_127 = arith.constant 16 : i32
      %mul3A_128 = arith.muli %scan3A_84, %mul3A_127 : i32
      %scan3A_129 = arith.constant 0 : i32
      %scan3A_130 = arith.constant 24 : i32
      %scan3A_131 = arith.addi %scan3A_129, %scan3A_130 : i32
      %scan3A_132 = arith.constant 1 : i32
      %scan3A_133:10 = scf.for %scan3A_358 = %scan3A_129 to %scan3A_131 step %scan3A_132 iter_args(%scan3A_359 = %get3A_90, %scan3A_360 = %get3A_94, %scan3A_361 = %get3A_98, %scan3A_362 = %get3A_102, %scan3A_363 = %get3A_106, %scan3A_364 = %get3A_110, %scan3A_365 = %get3A_114, %scan3A_366 = %get3A_118, %scan3A_367 = %get3A_122, %scan3A_368 = %get3A_126) -> (vector<16xi32>, vector<16xi32>, vector<16xi32>, vector<16xi32>, vector<16xi32>, vector<16xi32>, vector<16xi32>, vector<16xi32>, vector<16xi32>, vector<16xi32>)  : i32 {
        %mul3A_369 = arith.constant 8 : i32
        %mul3A_370 = arith.muli %scan3A_358, %mul3A_369 : i32
        %get3A_371 = arith.index_cast %mul3A_370 : i32 to index
        %get3A_372 = arith.index_cast %mul3A_128 : i32 to index
        %get3A_373 = tpu.vector_load %arg4[%get3A_371, %get3A_372] {strides = array<i32>} : memref<400x128xf32, #tpu.memory_space<vmem>>, vector<16xf32>,
        %add3A_374 = arith.constant 1 : i32
        %add3A_375 = arith.addi %mul3A_370, %add3A_374 : i32
        %get3A_376 = arith.index_cast %add3A_375 : i32 to index
        %get3A_377 = arith.index_cast %mul3A_128 : i32 to index
        %get3A_378 = tpu.vector_load %arg4[%get3A_376, %get3A_377] {strides = array<i32>} : memref<400x128xf32, #tpu.memory_space<vmem>>, vector<16xf32>,
        %max3A = arith.maximumf %get3A_373, %get3A_378 : vector<16xf32>
        %add3A_379 = arith.constant 2 : i32
        %add3A_380 = arith.addi %mul3A_370, %add3A_379 : i32
        %get3A_381 = arith.index_cast %add3A_380 : i32 to index
        %get3A_382 = arith.index_cast %mul3A_128 : i32 to index
        %get3A_383 = tpu.vector_load %arg4[%get3A_381, %get3A_382] {strides = array<i32>} : memref<400x128xf32, #tpu.memory_space<vmem>>, vector<16xf32>,
        %max3A_384 = arith.maximumf %max3A, %get3A_383 : vector<16xf32>
        %add3A_385 = arith.constant 3 : i32
        %add3A_386 = arith.addi %mul3A_370, %add3A_385 : i32
        %get3A_387 = arith.index_cast %add3A_386 : i32 to index
        %get3A_388 = arith.index_cast %mul3A_128 : i32 to index
        %get3A_389 = tpu.vector_load %arg4[%get3A_387, %get3A_388] {strides = array<i32>} : memref<400x128xf32, #tpu.memory_space<vmem>>, vector<16xf32>,
        %max3A_390 = arith.maximumf %max3A_384, %get3A_389 : vector<16xf32>
        %add3A_391 = arith.constant 4 : i32
        %add3A_392 = arith.addi %mul3A_370, %add3A_391 : i32
        %get3A_393 = arith.index_cast %add3A_392 : i32 to index
        %get3A_394 = arith.index_cast %mul3A_128 : i32 to index
        %get3A_395 = tpu.vector_load %arg4[%get3A_393, %get3A_394] {strides = array<i32>} : memref<400x128xf32, #tpu.memory_space<vmem>>, vector<16xf32>,
        %max3A_396 = arith.maximumf %max3A_390, %get3A_395 : vector<16xf32>
        %add3A_397 = arith.constant 5 : i32
        %add3A_398 = arith.addi %mul3A_370, %add3A_397 : i32
        %get3A_399 = arith.index_cast %add3A_398 : i32 to index
        %get3A_400 = arith.index_cast %mul3A_128 : i32 to index
        %get3A_401 = tpu.vector_load %arg4[%get3A_399, %get3A_400] {strides = array<i32>} : memref<400x128xf32, #tpu.memory_space<vmem>>, vector<16xf32>,
        %max3A_402 = arith.maximumf %max3A_396, %get3A_401 : vector<16xf32>
        %add3A_403 = arith.constant 6 : i32
        %add3A_404 = arith.addi %mul3A_370, %add3A_403 : i32
        %get3A_405 = arith.index_cast %add3A_404 : i32 to index
        %get3A_406 = arith.index_cast %mul3A_128 : i32 to index
        %get3A_407 = tpu.vector_load %arg4[%get3A_405, %get3A_406] {strides = array<i32>} : memref<400x128xf32, #tpu.memory_space<vmem>>, vector<16xf32>,
        %max3A_408 = arith.maximumf %max3A_402, %get3A_407 : vector<16xf32>
        %add3A_409 = arith.constant 7 : i32
        %add3A_410 = arith.addi %mul3A_370, %add3A_409 : i32
        %get3A_411 = arith.index_cast %add3A_410 : i32 to index
        %get3A_412 = arith.index_cast %mul3A_128 : i32 to index
        %get3A_413 = tpu.vector_load %arg4[%get3A_411, %get3A_412] {strides = array<i32>} : memref<400x128xf32, #tpu.memory_space<vmem>>, vector<16xf32>,
        %max3A_414 = arith.maximumf %max3A_408, %get3A_413 : vector<16xf32>
        %bitcast_convert_type3A = tpu.bitcast %max3A_414 : vector<16xf32> -> vector<16xi32>
        %shift_right_arithmetic3A = arith.constant 31 : i32
        %shift_right_arithmetic3A_415 = vector.broadcast %shift_right_arithmetic3A : i32 to vector<16xi32>
        %shift_right_arithmetic3A_416 = arith.shrsi %bitcast_convert_type3A, %shift_right_arithmetic3A_415 : vector<16xi32>
        %and3A_417 = arith.constant 2147483647 : i32
        %and3A_418 = vector.broadcast %and3A_417 : i32 to vector<16xi32>
        %and3A_419 = arith.andi %shift_right_arithmetic3A_416, %and3A_418 : vector<16xi32>
        %xor3A = arith.xori %bitcast_convert_type3A, %and3A_419 : vector<16xi32>
        %and3A_420 = arith.constant -128 : i32
        %and3A_421 = vector.broadcast %and3A_420 : i32 to vector<16xi32>
        %and3A_422 = arith.andi %xor3A, %and3A_421 : vector<16xi32>
        %sub3A_423 = arith.constant 127 : i32
        %sub3A_424 = arith.constant 0 : i32
        %sub3A_425 = arith.subi %sub3A_423, %sub3A_424 : i32
        %sub3A_426 = arith.subi %sub3A_425, %scan3A_358 : i32
        %or3A = vector.broadcast %sub3A_426 : i32 to vector<16xi32>
        %or3A_427 = arith.ori %and3A_422, %or3A : vector<16xi32>
        %max3A_428 = arith.maxsi %scan3A_359, %or3A_427 : vector<16xi32>
        %min3A = arith.minsi %or3A_427, %scan3A_359 : vector<16xi32>
        %max3A_429 = arith.maxsi %scan3A_360, %min3A : vector<16xi32>
        %min3A_430 = arith.minsi %or3A_427, %scan3A_360 : vector<16xi32>
        %max3A_431 = arith.maxsi %scan3A_361, %min3A_430 : vector<16xi32>
        %min3A_432 = arith.minsi %or3A_427, %scan3A_361 : vector<16xi32>
        %max3A_433 = arith.maxsi %scan3A_362, %min3A_432 : vector<16xi32>
        %min3A_434 = arith.minsi %or3A_427, %scan3A_362 : vector<16xi32>
        %max3A_435 = arith.maxsi %scan3A_363, %min3A_434 : vector<16xi32>
        %min3A_436 = arith.minsi %or3A_427, %scan3A_363 : vector<16xi32>
        %max3A_437 = arith.maxsi %scan3A_364, %min3A_436 : vector<16xi32>
        %min3A_438 = arith.minsi %or3A_427, %scan3A_364 : vector<16xi32>
        %max3A_439 = arith.maxsi %scan3A_365, %min3A_438 : vector<16xi32>
        %min3A_440 = arith.minsi %or3A_427, %scan3A_365 : vector<16xi32>
        %max3A_441 = arith.maxsi %scan3A_366, %min3A_440 : vector<16xi32>
        %min3A_442 = arith.minsi %or3A_427, %scan3A_366 : vector<16xi32>
        %max3A_443 = arith.maxsi %scan3A_367, %min3A_442 : vector<16xi32>
        %min3A_444 = arith.minsi %or3A_427, %scan3A_367 : vector<16xi32>
        %max3A_445 = arith.maxsi %scan3A_368, %min3A_444 : vector<16xi32>
        scf.yield %max3A_428, %max3A_429, %max3A_431, %max3A_433, %max3A_435, %max3A_437, %max3A_439, %max3A_441, %max3A_443, %max3A_445 : vector<16xi32>, vector<16xi32>, vector<16xi32>, vector<16xi32>, vector<16xi32>, vector<16xi32>, vector<16xi32>, vector<16xi32>, vector<16xi32>, vector<16xi32>
      }
      %scan3A_134 = arith.constant 24 : i32
      %and3A_135 = arith.constant 127 : i32
      %and3A_136 = vector.broadcast %and3A_135 : i32 to vector<16xi32>
      %and3A_137 = arith.andi %scan3A_133#0, %and3A_136 : vector<16xi32>
      %sub3A_138 = arith.constant 127 : i32
      %sub3A_139 = vector.broadcast %sub3A_138 : i32 to vector<16xi32>
      %sub3A_140 = arith.subi %sub3A_139, %and3A_137 : vector<16xi32>
      %mul3A_141 = arith.constant 8 : i32
      %mul3A_142 = vector.broadcast %mul3A_141 : i32 to vector<16xi32>
      %mul3A_143 = arith.muli %sub3A_140, %mul3A_142 : vector<16xi32>
      %and3A_144 = arith.constant 127 : i32
      %and3A_145 = vector.broadcast %and3A_144 : i32 to vector<16xi32>
      %and3A_146 = arith.andi %scan3A_133#1, %and3A_145 : vector<16xi32>
      %sub3A_147 = arith.constant 127 : i32
      %sub3A_148 = vector.broadcast %sub3A_147 : i32 to vector<16xi32>
      %sub3A_149 = arith.subi %sub3A_148, %and3A_146 : vector<16xi32>
      %mul3A_150 = arith.constant 8 : i32
      %mul3A_151 = vector.broadcast %mul3A_150 : i32 to vector<16xi32>
      %mul3A_152 = arith.muli %sub3A_149, %mul3A_151 : vector<16xi32>
      %and3A_153 = arith.constant 127 : i32
      %and3A_154 = vector.broadcast %and3A_153 : i32 to vector<16xi32>
      %and3A_155 = arith.andi %scan3A_133#2, %and3A_154 : vector<16xi32>
      %sub3A_156 = arith.constant 127 : i32
      %sub3A_157 = vector.broadcast %sub3A_156 : i32 to vector<16xi32>
      %sub3A_158 = arith.subi %sub3A_157, %and3A_155 : vector<16xi32>
      %mul3A_159 = arith.constant 8 : i32
      %mul3A_160 = vector.broadcast %mul3A_159 : i32 to vector<16xi32>
      %mul3A_161 = arith.muli %sub3A_158, %mul3A_160 : vector<16xi32>
      %and3A_162 = arith.constant 127 : i32
      %and3A_163 = vector.broadcast %and3A_162 : i32 to vector<16xi32>
      %and3A_164 = arith.andi %scan3A_133#3, %and3A_163 : vector<16xi32>
      %sub3A_165 = arith.constant 127 : i32
      %sub3A_166 = vector.broadcast %sub3A_165 : i32 to vector<16xi32>
      %sub3A_167 = arith.subi %sub3A_166, %and3A_164 : vector<16xi32>
      %mul3A_168 = arith.constant 8 : i32
      %mul3A_169 = vector.broadcast %mul3A_168 : i32 to vector<16xi32>
      %mul3A_170 = arith.muli %sub3A_167, %mul3A_169 : vector<16xi32>
      %and3A_171 = arith.constant 127 : i32
      %and3A_172 = vector.broadcast %and3A_171 : i32 to vector<16xi32>
      %and3A_173 = arith.andi %scan3A_133#4, %and3A_172 : vector<16xi32>
      %sub3A_174 = arith.constant 127 : i32
      %sub3A_175 = vector.broadcast %sub3A_174 : i32 to vector<16xi32>
      %sub3A_176 = arith.subi %sub3A_175, %and3A_173 : vector<16xi32>
      %mul3A_177 = arith.constant 8 : i32
      %mul3A_178 = vector.broadcast %mul3A_177 : i32 to vector<16xi32>
      %mul3A_179 = arith.muli %sub3A_176, %mul3A_178 : vector<16xi32>
      %and3A_180 = arith.constant 127 : i32
      %and3A_181 = vector.broadcast %and3A_180 : i32 to vector<16xi32>
      %and3A_182 = arith.andi %scan3A_133#5, %and3A_181 : vector<16xi32>
      %sub3A_183 = arith.constant 127 : i32
      %sub3A_184 = vector.broadcast %sub3A_183 : i32 to vector<16xi32>
      %sub3A_185 = arith.subi %sub3A_184, %and3A_182 : vector<16xi32>
      %mul3A_186 = arith.constant 8 : i32
      %mul3A_187 = vector.broadcast %mul3A_186 : i32 to vector<16xi32>
      %mul3A_188 = arith.muli %sub3A_185, %mul3A_187 : vector<16xi32>
      %and3A_189 = arith.constant 127 : i32
      %and3A_190 = vector.broadcast %and3A_189 : i32 to vector<16xi32>
      %and3A_191 = arith.andi %scan3A_133#6, %and3A_190 : vector<16xi32>
      %sub3A_192 = arith.constant 127 : i32
      %sub3A_193 = vector.broadcast %sub3A_192 : i32 to vector<16xi32>
      %sub3A_194 = arith.subi %sub3A_193, %and3A_191 : vector<16xi32>
      %mul3A_195 = arith.constant 8 : i32
      %mul3A_196 = vector.broadcast %mul3A_195 : i32 to vector<16xi32>
      %mul3A_197 = arith.muli %sub3A_194, %mul3A_196 : vector<16xi32>
      %and3A_198 = arith.constant 127 : i32
      %and3A_199 = vector.broadcast %and3A_198 : i32 to vector<16xi32>
      %and3A_200 = arith.andi %scan3A_133#7, %and3A_199 : vector<16xi32>
      %sub3A_201 = arith.constant 127 : i32
      %sub3A_202 = vector.broadcast %sub3A_201 : i32 to vector<16xi32>
      %sub3A_203 = arith.subi %sub3A_202, %and3A_200 : vector<16xi32>
      %mul3A_204 = arith.constant 8 : i32
      %mul3A_205 = vector.broadcast %mul3A_204 : i32 to vector<16xi32>
      %mul3A_206 = arith.muli %sub3A_203, %mul3A_205 : vector<16xi32>
      %and3A_207 = arith.constant 127 : i32
      %and3A_208 = vector.broadcast %and3A_207 : i32 to vector<16xi32>
      %and3A_209 = arith.andi %scan3A_133#8, %and3A_208 : vector<16xi32>
      %sub3A_210 = arith.constant 127 : i32
      %sub3A_211 = vector.broadcast %sub3A_210 : i32 to vector<16xi32>
      %sub3A_212 = arith.subi %sub3A_211, %and3A_209 : vector<16xi32>
      %mul3A_213 = arith.constant 8 : i32
      %mul3A_214 = vector.broadcast %mul3A_213 : i32 to vector<16xi32>
      %mul3A_215 = arith.muli %sub3A_212, %mul3A_214 : vector<16xi32>
      %and3A_216 = arith.constant 127 : i32
      %and3A_217 = vector.broadcast %and3A_216 : i32 to vector<16xi32>
      %and3A_218 = arith.andi %scan3A_133#9, %and3A_217 : vector<16xi32>
      %sub3A_219 = arith.constant 127 : i32
      %sub3A_220 = vector.broadcast %sub3A_219 : i32 to vector<16xi32>
      %sub3A_221 = arith.subi %sub3A_220, %and3A_218 : vector<16xi32>
      %mul3A_222 = arith.constant 8 : i32
      %mul3A_223 = vector.broadcast %mul3A_222 : i32 to vector<16xi32>
      %mul3A_224 = arith.muli %sub3A_221, %mul3A_223 : vector<16xi32>
      %get3A_225 = arith.constant 0 : i32
      %get3A_226 = arith.index_cast %get3A_225 : i32 to index
      %get3A_227 = arith.index_cast %mul3A_86 : i32 to index
      %get3A_228 = tpu.vector_load %arg7[%get3A_226, %get3A_227] {strides = array<i32>} : memref<8x128xf32, #tpu.memory_space<vmem>>, vector<16xf32>,
      %get3A_229 = arith.constant 1 : i32
      %get3A_230 = arith.index_cast %get3A_229 : i32 to index
      %get3A_231 = arith.index_cast %mul3A_86 : i32 to index
      %get3A_232 = tpu.vector_load %arg7[%get3A_230, %get3A_231] {strides = array<i32>} : memref<8x128xf32, #tpu.memory_space<vmem>>, vector<16xf32>,
      %get3A_233 = arith.constant 2 : i32
      %get3A_234 = arith.index_cast %get3A_233 : i32 to index
      %get3A_235 = arith.index_cast %mul3A_86 : i32 to index
      %get3A_236 = tpu.vector_load %arg7[%get3A_234, %get3A_235] {strides = array<i32>} : memref<8x128xf32, #tpu.memory_space<vmem>>, vector<16xf32>,
      %get3A_237 = arith.constant 3 : i32
      %get3A_238 = arith.index_cast %get3A_237 : i32 to index
      %get3A_239 = arith.index_cast %mul3A_86 : i32 to index
      %get3A_240 = tpu.vector_load %arg7[%get3A_238, %get3A_239] {strides = array<i32>} : memref<8x128xf32, #tpu.memory_space<vmem>>, vector<16xf32>,
      %get3A_241 = arith.constant 4 : i32
      %get3A_242 = arith.index_cast %get3A_241 : i32 to index
      %get3A_243 = arith.index_cast %mul3A_86 : i32 to index
      %get3A_244 = tpu.vector_load %arg7[%get3A_242, %get3A_243] {strides = array<i32>} : memref<8x128xf32, #tpu.memory_space<vmem>>, vector<16xf32>,
      %get3A_245 = arith.constant 5 : i32
      %get3A_246 = arith.index_cast %get3A_245 : i32 to index
      %get3A_247 = arith.index_cast %mul3A_86 : i32 to index
      %get3A_248 = tpu.vector_load %arg7[%get3A_246, %get3A_247] {strides = array<i32>} : memref<8x128xf32, #tpu.memory_space<vmem>>, vector<16xf32>,
      %get3A_249 = arith.constant 6 : i32
      %get3A_250 = arith.index_cast %get3A_249 : i32 to index
      %get3A_251 = arith.index_cast %mul3A_86 : i32 to index
      %get3A_252 = tpu.vector_load %arg7[%get3A_250, %get3A_251] {strides = array<i32>} : memref<8x128xf32, #tpu.memory_space<vmem>>, vector<16xf32>,
      %get3A_253 = arith.constant 7 : i32
      %get3A_254 = arith.index_cast %get3A_253 : i32 to index
      %get3A_255 = arith.index_cast %mul3A_86 : i32 to index
      %get3A_256 = tpu.vector_load %arg7[%get3A_254, %get3A_255] {strides = array<i32>} : memref<8x128xf32, #tpu.memory_space<vmem>>, vector<16xf32>,
      %get3A_257 = arith.constant 0 : i32
      %get3A_258 = arith.index_cast %get3A_257 : i32 to index
      %get3A_259 = arith.index_cast %mul3A_86 : i32 to index
      %get3A_260 = tpu.vector_load %arg8[%get3A_258, %get3A_259] {strides = array<i32>} : memref<8x128xi32, #tpu.memory_space<vmem>>, vector<16xi32>,
      %get3A_261 = arith.constant 1 : i32
      %get3A_262 = arith.index_cast %get3A_261 : i32 to index
      %get3A_263 = arith.index_cast %mul3A_86 : i32 to index
      %get3A_264 = tpu.vector_load %arg8[%get3A_262, %get3A_263] {strides = array<i32>} : memref<8x128xi32, #tpu.memory_space<vmem>>, vector<16xi32>,
      %get3A_265 = arith.constant 2 : i32
      %get3A_266 = arith.index_cast %get3A_265 : i32 to index
      %get3A_267 = arith.index_cast %mul3A_86 : i32 to index
      %get3A_268 = tpu.vector_load %arg8[%get3A_266, %get3A_267] {strides = array<i32>} : memref<8x128xi32, #tpu.memory_space<vmem>>, vector<16xi32>,
      %get3A_269 = arith.constant 3 : i32
      %get3A_270 = arith.index_cast %get3A_269 : i32 to index
      %get3A_271 = arith.index_cast %mul3A_86 : i32 to index
      %get3A_272 = tpu.vector_load %arg8[%get3A_270, %get3A_271] {strides = array<i32>} : memref<8x128xi32, #tpu.memory_space<vmem>>, vector<16xi32>,
      %get3A_273 = arith.constant 4 : i32
      %get3A_274 = arith.index_cast %get3A_273 : i32 to index
      %get3A_275 = arith.index_cast %mul3A_86 : i32 to index
      %get3A_276 = tpu.vector_load %arg8[%get3A_274, %get3A_275] {strides = array<i32>} : memref<8x128xi32, #tpu.memory_space<vmem>>, vector<16xi32>,
      %get3A_277 = arith.constant 5 : i32
      %get3A_278 = arith.index_cast %get3A_277 : i32 to index
      %get3A_279 = arith.index_cast %mul3A_86 : i32 to index
      %get3A_280 = tpu.vector_load %arg8[%get3A_278, %get3A_279] {strides = array<i32>} : memref<8x128xi32, #tpu.memory_space<vmem>>, vector<16xi32>,
      %get3A_281 = arith.constant 6 : i32
      %get3A_282 = arith.index_cast %get3A_281 : i32 to index
      %get3A_283 = arith.index_cast %mul3A_86 : i32 to index
      %get3A_284 = tpu.vector_load %arg8[%get3A_282, %get3A_283] {strides = array<i32>} : memref<8x128xi32, #tpu.memory_space<vmem>>, vector<16xi32>,
      %get3A_285 = arith.constant 7 : i32
      %get3A_286 = arith.index_cast %get3A_285 : i32 to index
      %get3A_287 = arith.index_cast %mul3A_86 : i32 to index
      %get3A_288 = tpu.vector_load %arg8[%get3A_286, %get3A_287] {strides = array<i32>} : memref<8x128xi32, #tpu.memory_space<vmem>>, vector<16xi32>,
      %scan3A_289 = arith.constant 0 : i32
      %scan3A_290 = arith.constant 8 : i32
      %scan3A_291 = arith.addi %scan3A_289, %scan3A_290 : i32
      %scan3A_292 = arith.constant 1 : i32
      %scan3A_293:16 = scf.for %scan3A_358 = %scan3A_289 to %scan3A_291 step %scan3A_292 iter_args(%scan3A_359 = %get3A_228, %scan3A_360 = %get3A_232, %scan3A_361 = %get3A_236, %scan3A_362 = %get3A_240, %scan3A_363 = %get3A_244, %scan3A_364 = %get3A_248, %scan3A_365 = %get3A_252, %scan3A_366 = %get3A_256, %scan3A_367 = %get3A_260, %scan3A_368 = %get3A_264, %scan3A_369 = %get3A_268, %scan3A_370 = %get3A_272, %scan3A_371 = %get3A_276, %scan3A_372 = %get3A_280, %scan3A_373 = %get3A_284, %scan3A_374 = %get3A_288) -> (vector<16xf32>, vector<16xf32>, vector<16xf32>, vector<16xf32>, vector<16xf32>, vector<16xf32>, vector<16xf32>, vector<16xf32>, vector<16xi32>, vector<16xi32>, vector<16xi32>, vector<16xi32>, vector<16xi32>, vector<16xi32>, vector<16xi32>, vector<16xi32>)  : i32 {
        %broadcast_in_dim3A_375 = vector.broadcast %scan3A_358 : i32 to vector<16xi32>
        %add3A_376 = arith.addi %mul3A_143, %broadcast_in_dim3A_375 : vector<16xi32>
        %lt3A_377 = arith.constant 400 : i32
        %lt3A_378 = vector.broadcast %lt3A_377 : i32 to vector<16xi32>
        %lt3A_379 = arith.cmpi slt, %add3A_376, %lt3A_378 : vector<16xi32>
        %jit3A_380 = arith.constant 0 : i32
        %broadcast_in_dim3A_381 = vector.broadcast %jit3A_380 : i32 to vector<16xi32>
        %select_n3A_382 = arith.select %lt3A_379, %add3A_376, %broadcast_in_dim3A_381 : vector<16xi1>, vector<16xi32>
        %sub3A_383 = arith.constant 400 : i32
        %sub3A_384 = vector.broadcast %sub3A_383 : i32 to vector<16xi32>
        %sub3A_385 = arith.subi %add3A_376, %sub3A_384 : vector<16xi32>
        %jit3A_386 = arith.constant 0 : i32
        %broadcast_in_dim3A_387 = vector.broadcast %jit3A_386 : i32 to vector<16xi32>
        %select_n3A_388 = arith.select %lt3A_379, %broadcast_in_dim3A_387, %sub3A_385 : vector<16xi1>, vector<16xi32>
        %add3A_389 = vector.broadcast %mul3A_86 : i32 to vector<16xi32>
        %add3A_390 = arith.addi %iota3A, %add3A_389 : vector<16xi32>
        %gather3A = tpu.vector_load_idx %arg4[%select_n3A_382, %add3A_390] : memref<400x128xf32, #tpu.memory_space<vmem>>[vector<16xi32>, vector<16xi32>], vector<16xf32>,
        %add3A_391 = vector.broadcast %mul3A_86 : i32 to vector<16xi32>
        %add3A_392 = arith.addi %iota3A, %add3A_391 : vector<16xi32>
        %gather3A_393 = tpu.vector_load_idx %arg5[%select_n3A_388, %add3A_392] : memref<400x128xf32, #tpu.memory_space<vmem>>[vector<16xi32>, vector<16xi32>], vector<16xf32>,
        %select_n3A_394 = arith.select %lt3A_379, %gather3A, %gather3A_393 : vector<16xi1>, vector<16xf32>
        %add3A_395 = arith.addi %add3A_376, %broadcast_in_dim3A_87 : vector<16xi32>
        %gt3A = arith.cmpf ogt, %select_n3A_394, %scan3A_359 : vector<16xf32>
        %gt3A_396 = arith.cmpf ogt, %select_n3A_394, %scan3A_360 : vector<16xf32>
        %gt3A_397 = arith.cmpf ogt, %select_n3A_394, %scan3A_361 : vector<16xf32>
        %gt3A_398 = arith.cmpf ogt, %select_n3A_394, %scan3A_362 : vector<16xf32>
        %gt3A_399 = arith.cmpf ogt, %select_n3A_394, %scan3A_363 : vector<16xf32>
        %gt3A_400 = arith.cmpf ogt, %select_n3A_394, %scan3A_364 : vector<16xf32>
        %gt3A_401 = arith.cmpf ogt, %select_n3A_394, %scan3A_365 : vector<16xf32>
        %gt3A_402 = arith.cmpf ogt, %select_n3A_394, %scan3A_366 : vector<16xf32>
        %select_n3A_403 = arith.select %gt3A_401, %scan3A_365, %select_n3A_394 : vector<16xi1>, vector<16xf32>
        %select_n3A_404 = arith.select %gt3A_402, %select_n3A_403, %scan3A_366 : vector<16xi1>, vector<16xf32>
        %select_n3A_405 = arith.select %gt3A_401, %scan3A_373, %add3A_395 : vector<16xi1>, vector<16xi32>
        %select_n3A_406 = arith.select %gt3A_402, %select_n3A_405, %scan3A_374 : vector<16xi1>, vector<16xi32>
        %select_n3A_407 = arith.select %gt3A_400, %scan3A_364, %select_n3A_394 : vector<16xi1>, vector<16xf32>
        %select_n3A_408 = arith.select %gt3A_401, %select_n3A_407, %scan3A_365 : vector<16xi1>, vector<16xf32>
        %select_n3A_409 = arith.select %gt3A_400, %scan3A_372, %add3A_395 : vector<16xi1>, vector<16xi32>
        %select_n3A_410 = arith.select %gt3A_401, %select_n3A_409, %scan3A_373 : vector<16xi1>, vector<16xi32>
        %select_n3A_411 = arith.select %gt3A_399, %scan3A_363, %select_n3A_394 : vector<16xi1>, vector<16xf32>
        %select_n3A_412 = arith.select %gt3A_400, %select_n3A_411, %scan3A_364 : vector<16xi1>, vector<16xf32>
        %select_n3A_413 = arith.select %gt3A_399, %scan3A_371, %add3A_395 : vector<16xi1>, vector<16xi32>
        %select_n3A_414 = arith.select %gt3A_400, %select_n3A_413, %scan3A_372 : vector<16xi1>, vector<16xi32>
        %select_n3A_415 = arith.select %gt3A_398, %scan3A_362, %select_n3A_394 : vector<16xi1>, vector<16xf32>
        %select_n3A_416 = arith.select %gt3A_399, %select_n3A_415, %scan3A_363 : vector<16xi1>, vector<16xf32>
        %select_n3A_417 = arith.select %gt3A_398, %scan3A_370, %add3A_395 : vector<16xi1>, vector<16xi32>
        %select_n3A_418 = arith.select %gt3A_399, %select_n3A_417, %scan3A_371 : vector<16xi1>, vector<16xi32>
        %select_n3A_419 = arith.select %gt3A_397, %scan3A_361, %select_n3A_394 : vector<16xi1>, vector<16xf32>
        %select_n3A_420 = arith.select %gt3A_398, %select_n3A_419, %scan3A_362 : vector<16xi1>, vector<16xf32>
        %select_n3A_421 = arith.select %gt3A_397, %scan3A_369, %add3A_395 : vector<16xi1>, vector<16xi32>
        %select_n3A_422 = arith.select %gt3A_398, %select_n3A_421, %scan3A_370 : vector<16xi1>, vector<16xi32>
        %select_n3A_423 = arith.select %gt3A_396, %scan3A_360, %select_n3A_394 : vector<16xi1>, vector<16xf32>
        %select_n3A_424 = arith.select %gt3A_397, %select_n3A_423, %scan3A_361 : vector<16xi1>, vector<16xf32>
        %select_n3A_425 = arith.select %gt3A_396, %scan3A_368, %add3A_395 : vector<16xi1>, vector<16xi32>
        %select_n3A_426 = arith.select %gt3A_397, %select_n3A_425, %scan3A_369 : vector<16xi1>, vector<16xi32>
        %select_n3A_427 = arith.select %gt3A, %scan3A_359, %select_n3A_394 : vector<16xi1>, vector<16xf32>
        %select_n3A_428 = arith.select %gt3A_396, %select_n3A_427, %scan3A_360 : vector<16xi1>, vector<16xf32>
        %select_n3A_429 = arith.select %gt3A, %scan3A_367, %add3A_395 : vector<16xi1>, vector<16xi32>
        %select_n3A_430 = arith.select %gt3A_396, %select_n3A_429, %scan3A_368 : vector<16xi1>, vector<16xi32>
        %select_n3A_431 = arith.select %gt3A, %select_n3A_394, %scan3A_359 : vector<16xi1>, vector<16xf32>
        %select_n3A_432 = arith.select %gt3A, %add3A_395, %scan3A_367 : vector<16xi1>, vector<16xi32>
        %add3A_433 = arith.addi %mul3A_152, %broadcast_in_dim3A_375 : vector<16xi32>
        %lt3A_434 = arith.constant 400 : i32
        %lt3A_435 = vector.broadcast %lt3A_434 : i32 to vector<16xi32>
        %lt3A_436 = arith.cmpi slt, %add3A_433, %lt3A_435 : vector<16xi32>
        %jit3A_437 = arith.constant 0 : i32
        %broadcast_in_dim3A_438 = vector.broadcast %jit3A_437 : i32 to vector<16xi32>
        %select_n3A_439 = arith.select %lt3A_436, %add3A_433, %broadcast_in_dim3A_438 : vector<16xi1>, vector<16xi32>
        %sub3A_440 = arith.constant 400 : i32
        %sub3A_441 = vector.broadcast %sub3A_440 : i32 to vector<16xi32>
        %sub3A_442 = arith.subi %add3A_433, %sub3A_441 : vector<16xi32>
        %jit3A_443 = arith.constant 0 : i32
        %broadcast_in_dim3A_444 = vector.broadcast %jit3A_443 : i32 to vector<16xi32>
        %select_n3A_445 = arith.select %lt3A_436, %broadcast_in_dim3A_444, %sub3A_442 : vector<16xi1>, vector<16xi32>
        %add3A_446 = vector.broadcast %mul3A_86 : i32 to vector<16xi32>
        %add3A_447 = arith.addi %iota3A, %add3A_446 : vector<16xi32>
        %gather3A_448 = tpu.vector_load_idx %arg4[%select_n3A_439, %add3A_447] : memref<400x128xf32, #tpu.memory_space<vmem>>[vector<16xi32>, vector<16xi32>], vector<16xf32>,
        %add3A_449 = vector.broadcast %mul3A_86 : i32 to vector<16xi32>
        %add3A_450 = arith.addi %iota3A, %add3A_449 : vector<16xi32>
        %gather3A_451 = tpu.vector_load_idx %arg5[%select_n3A_445, %add3A_450] : memref<400x128xf32, #tpu.memory_space<vmem>>[vector<16xi32>, vector<16xi32>], vector<16xf32>,
        %select_n3A_452 = arith.select %lt3A_436, %gather3A_448, %gather3A_451 : vector<16xi1>, vector<16xf32>
        %add3A_453 = arith.addi %add3A_433, %broadcast_in_dim3A_87 : vector<16xi32>
        %gt3A_454 = arith.cmpf ogt, %select_n3A_452, %select_n3A_431 : vector<16xf32>
        %gt3A_455 = arith.cmpf ogt, %select_n3A_452, %select_n3A_428 : vector<16xf32>
        %gt3A_456 = arith.cmpf ogt, %select_n3A_452, %select_n3A_424 : vector<16xf32>
        %gt3A_457 = arith.cmpf ogt, %select_n3A_452, %select_n3A_420 : vector<16xf32>
        %gt3A_458 = arith.cmpf ogt, %select_n3A_452, %select_n3A_416 : vector<16xf32>
        %gt3A_459 = arith.cmpf ogt, %select_n3A_452, %select_n3A_412 : vector<16xf32>
        %gt3A_460 = arith.cmpf ogt, %select_n3A_452, %select_n3A_408 : vector<16xf32>
        %gt3A_461 = arith.cmpf ogt, %select_n3A_452, %select_n3A_404 : vector<16xf32>
        %select_n3A_462 = arith.select %gt3A_460, %select_n3A_408, %select_n3A_452 : vector<16xi1>, vector<16xf32>
        %select_n3A_463 = arith.select %gt3A_461, %select_n3A_462, %select_n3A_404 : vector<16xi1>, vector<16xf32>
        %select_n3A_464 = arith.select %gt3A_460, %select_n3A_410, %add3A_453 : vector<16xi1>, vector<16xi32>
        %select_n3A_465 = arith.select %gt3A_461, %select_n3A_464, %select_n3A_406 : vector<16xi1>, vector<16xi32>
        %select_n3A_466 = arith.select %gt3A_459, %select_n3A_412, %select_n3A_452 : vector<16xi1>, vector<16xf32>
        %select_n3A_467 = arith.select %gt3A_460, %select_n3A_466, %select_n3A_408 : vector<16xi1>, vector<16xf32>
        %select_n3A_468 = arith.select %gt3A_459, %select_n3A_414, %add3A_453 : vector<16xi1>, vector<16xi32>
        %select_n3A_469 = arith.select %gt3A_460, %select_n3A_468, %select_n3A_410 : vector<16xi1>, vector<16xi32>
        %select_n3A_470 = arith.select %gt3A_458, %select_n3A_416, %select_n3A_452 : vector<16xi1>, vector<16xf32>
        %select_n3A_471 = arith.select %gt3A_459, %select_n3A_470, %select_n3A_412 : vector<16xi1>, vector<16xf32>
        %select_n3A_472 = arith.select %gt3A_458, %select_n3A_418, %add3A_453 : vector<16xi1>, vector<16xi32>
        %select_n3A_473 = arith.select %gt3A_459, %select_n3A_472, %select_n3A_414 : vector<16xi1>, vector<16xi32>
        %select_n3A_474 = arith.select %gt3A_457, %select_n3A_420, %select_n3A_452 : vector<16xi1>, vector<16xf32>
        %select_n3A_475 = arith.select %gt3A_458, %select_n3A_474, %select_n3A_416 : vector<16xi1>, vector<16xf32>
        %select_n3A_476 = arith.select %gt3A_457, %select_n3A_422, %add3A_453 : vector<16xi1>, vector<16xi32>
        %select_n3A_477 = arith.select %gt3A_458, %select_n3A_476, %select_n3A_418 : vector<16xi1>, vector<16xi32>
        %select_n3A_478 = arith.select %gt3A_456, %select_n3A_424, %select_n3A_452 : vector<16xi1>, vector<16xf32>
        %select_n3A_479 = arith.select %gt3A_457, %select_n3A_478, %select_n3A_420 : vector<16xi1>, vector<16xf32>
        %select_n3A_480 = arith.select %gt3A_456, %select_n3A_426, %add3A_453 : vector<16xi1>, vector<16xi32>
        %select_n3A_481 = arith.select %gt3A_457, %select_n3A_480, %select_n3A_422 : vector<16xi1>, vector<16xi32>
        %select_n3A_482 = arith.select %gt3A_455, %select_n3A_428, %select_n3A_452 : vector<16xi1>, vector<16xf32>
        %select_n3A_483 = arith.select %gt3A_456, %select_n3A_482, %select_n3A_424 : vector<16xi1>, vector<16xf32>
        %select_n3A_484 = arith.select %gt3A_455, %select_n3A_430, %add3A_453 : vector<16xi1>, vector<16xi32>
        %select_n3A_485 = arith.select %gt3A_456, %select_n3A_484, %select_n3A_426 : vector<16xi1>, vector<16xi32>
        %select_n3A_486 = arith.select %gt3A_454, %select_n3A_431, %select_n3A_452 : vector<16xi1>, vector<16xf32>
        %select_n3A_487 = arith.select %gt3A_455, %select_n3A_486, %select_n3A_428 : vector<16xi1>, vector<16xf32>
        %select_n3A_488 = arith.select %gt3A_454, %select_n3A_432, %add3A_453 : vector<16xi1>, vector<16xi32>
        %select_n3A_489 = arith.select %gt3A_455, %select_n3A_488, %select_n3A_430 : vector<16xi1>, vector<16xi32>
        %select_n3A_490 = arith.select %gt3A_454, %select_n3A_452, %select_n3A_431 : vector<16xi1>, vector<16xf32>
        %select_n3A_491 = arith.select %gt3A_454, %add3A_453, %select_n3A_432 : vector<16xi1>, vector<16xi32>
        %add3A_492 = arith.addi %mul3A_161, %broadcast_in_dim3A_375 : vector<16xi32>
        %lt3A_493 = arith.constant 400 : i32
        %lt3A_494 = vector.broadcast %lt3A_493 : i32 to vector<16xi32>
        %lt3A_495 = arith.cmpi slt, %add3A_492, %lt3A_494 : vector<16xi32>
        %jit3A_496 = arith.constant 0 : i32
        %broadcast_in_dim3A_497 = vector.broadcast %jit3A_496 : i32 to vector<16xi32>
        %select_n3A_498 = arith.select %lt3A_495, %add3A_492, %broadcast_in_dim3A_497 : vector<16xi1>, vector<16xi32>
        %sub3A_499 = arith.constant 400 : i32
        %sub3A_500 = vector.broadcast %sub3A_499 : i32 to vector<16xi32>
        %sub3A_501 = arith.subi %add3A_492, %sub3A_500 : vector<16xi32>
        %jit3A_502 = arith.constant 0 : i32
        %broadcast_in_dim3A_503 = vector.broadcast %jit3A_502 : i32 to vector<16xi32>
        %select_n3A_504 = arith.select %lt3A_495, %broadcast_in_dim3A_503, %sub3A_501 : vector<16xi1>, vector<16xi32>
        %add3A_505 = vector.broadcast %mul3A_86 : i32 to vector<16xi32>
        %add3A_506 = arith.addi %iota3A, %add3A_505 : vector<16xi32>
        %gather3A_507 = tpu.vector_load_idx %arg4[%select_n3A_498, %add3A_506] : memref<400x128xf32, #tpu.memory_space<vmem>>[vector<16xi32>, vector<16xi32>], vector<16xf32>,
        %add3A_508 = vector.broadcast %mul3A_86 : i32 to vector<16xi32>
        %add3A_509 = arith.addi %iota3A, %add3A_508 : vector<16xi32>
        %gather3A_510 = tpu.vector_load_idx %arg5[%select_n3A_504, %add3A_509] : memref<400x128xf32, #tpu.memory_space<vmem>>[vector<16xi32>, vector<16xi32>], vector<16xf32>,
        %select_n3A_511 = arith.select %lt3A_495, %gather3A_507, %gather3A_510 : vector<16xi1>, vector<16xf32>
        %add3A_512 = arith.addi %add3A_492, %broadcast_in_dim3A_87 : vector<16xi32>
        %gt3A_513 = arith.cmpf ogt, %select_n3A_511, %select_n3A_490 : vector<16xf32>
        %gt3A_514 = arith.cmpf ogt, %select_n3A_511, %select_n3A_487 : vector<16xf32>
        %gt3A_515 = arith.cmpf ogt, %select_n3A_511, %select_n3A_483 : vector<16xf32>
        %gt3A_516 = arith.cmpf ogt, %select_n3A_511, %select_n3A_479 : vector<16xf32>
        %gt3A_517 = arith.cmpf ogt, %select_n3A_511, %select_n3A_475 : vector<16xf32>
        %gt3A_518 = arith.cmpf ogt, %select_n3A_511, %select_n3A_471 : vector<16xf32>
        %gt3A_519 = arith.cmpf ogt, %select_n3A_511, %select_n3A_467 : vector<16xf32>
        %gt3A_520 = arith.cmpf ogt, %select_n3A_511, %select_n3A_463 : vector<16xf32>
        %select_n3A_521 = arith.select %gt3A_519, %select_n3A_467, %select_n3A_511 : vector<16xi1>, vector<16xf32>
        %select_n3A_522 = arith.select %gt3A_520, %select_n3A_521, %select_n3A_463 : vector<16xi1>, vector<16xf32>
        %select_n3A_523 = arith.select %gt3A_519, %select_n3A_469, %add3A_512 : vector<16xi1>, vector<16xi32>
        %select_n3A_524 = arith.select %gt3A_520, %select_n3A_523, %select_n3A_465 : vector<16xi1>, vector<16xi32>
        %select_n3A_525 = arith.select %gt3A_518, %select_n3A_471, %select_n3A_511 : vector<16xi1>, vector<16xf32>
        %select_n3A_526 = arith.select %gt3A_519, %select_n3A_525, %select_n3A_467 : vector<16xi1>, vector<16xf32>
        %select_n3A_527 = arith.select %gt3A_518, %select_n3A_473, %add3A_512 : vector<16xi1>, vector<16xi32>
        %select_n3A_528 = arith.select %gt3A_519, %select_n3A_527, %select_n3A_469 : vector<16xi1>, vector<16xi32>
        %select_n3A_529 = arith.select %gt3A_517, %select_n3A_475, %select_n3A_511 : vector<16xi1>, vector<16xf32>
        %select_n3A_530 = arith.select %gt3A_518, %select_n3A_529, %select_n3A_471 : vector<16xi1>, vector<16xf32>
        %select_n3A_531 = arith.select %gt3A_517, %select_n3A_477, %add3A_512 : vector<16xi1>, vector<16xi32>
        %select_n3A_532 = arith.select %gt3A_518, %select_n3A_531, %select_n3A_473 : vector<16xi1>, vector<16xi32>
        %select_n3A_533 = arith.select %gt3A_516, %select_n3A_479, %select_n3A_511 : vector<16xi1>, vector<16xf32>
        %select_n3A_534 = arith.select %gt3A_517, %select_n3A_533, %select_n3A_475 : vector<16xi1>, vector<16xf32>
        %select_n3A_535 = arith.select %gt3A_516, %select_n3A_481, %add3A_512 : vector<16xi1>, vector<16xi32>
        %select_n3A_536 = arith.select %gt3A_517, %select_n3A_535, %select_n3A_477 : vector<16xi1>, vector<16xi32>
        %select_n3A_537 = arith.select %gt3A_515, %select_n3A_483, %select_n3A_511 : vector<16xi1>, vector<16xf32>
        %select_n3A_538 = arith.select %gt3A_516, %select_n3A_537, %select_n3A_479 : vector<16xi1>, vector<16xf32>
        %select_n3A_539 = arith.select %gt3A_515, %select_n3A_485, %add3A_512 : vector<16xi1>, vector<16xi32>
        %select_n3A_540 = arith.select %gt3A_516, %select_n3A_539, %select_n3A_481 : vector<16xi1>, vector<16xi32>
        %select_n3A_541 = arith.select %gt3A_514, %select_n3A_487, %select_n3A_511 : vector<16xi1>, vector<16xf32>
        %select_n3A_542 = arith.select %gt3A_515, %select_n3A_541, %select_n3A_483 : vector<16xi1>, vector<16xf32>
        %select_n3A_543 = arith.select %gt3A_514, %select_n3A_489, %add3A_512 : vector<16xi1>, vector<16xi32>
        %select_n3A_544 = arith.select %gt3A_515, %select_n3A_543, %select_n3A_485 : vector<16xi1>, vector<16xi32>
        %select_n3A_545 = arith.select %gt3A_513, %select_n3A_490, %select_n3A_511 : vector<16xi1>, vector<16xf32>
        %select_n3A_546 = arith.select %gt3A_514, %select_n3A_545, %select_n3A_487 : vector<16xi1>, vector<16xf32>
        %select_n3A_547 = arith.select %gt3A_513, %select_n3A_491, %add3A_512 : vector<16xi1>, vector<16xi32>
        %select_n3A_548 = arith.select %gt3A_514, %select_n3A_547, %select_n3A_489 : vector<16xi1>, vector<16xi32>
        %select_n3A_549 = arith.select %gt3A_513, %select_n3A_511, %select_n3A_490 : vector<16xi1>, vector<16xf32>
        %select_n3A_550 = arith.select %gt3A_513, %add3A_512, %select_n3A_491 : vector<16xi1>, vector<16xi32>
        %add3A_551 = arith.addi %mul3A_170, %broadcast_in_dim3A_375 : vector<16xi32>
        %lt3A_552 = arith.constant 400 : i32
        %lt3A_553 = vector.broadcast %lt3A_552 : i32 to vector<16xi32>
        %lt3A_554 = arith.cmpi slt, %add3A_551, %lt3A_553 : vector<16xi32>
        %jit3A_555 = arith.constant 0 : i32
        %broadcast_in_dim3A_556 = vector.broadcast %jit3A_555 : i32 to vector<16xi32>
        %select_n3A_557 = arith.select %lt3A_554, %add3A_551, %broadcast_in_dim3A_556 : vector<16xi1>, vector<16xi32>
        %sub3A_558 = arith.constant 400 : i32
        %sub3A_559 = vector.broadcast %sub3A_558 : i32 to vector<16xi32>
        %sub3A_560 = arith.subi %add3A_551, %sub3A_559 : vector<16xi32>
        %jit3A_561 = arith.constant 0 : i32
        %broadcast_in_dim3A_562 = vector.broadcast %jit3A_561 : i32 to vector<16xi32>
        %select_n3A_563 = arith.select %lt3A_554, %broadcast_in_dim3A_562, %sub3A_560 : vector<16xi1>, vector<16xi32>
        %add3A_564 = vector.broadcast %mul3A_86 : i32 to vector<16xi32>
        %add3A_565 = arith.addi %iota3A, %add3A_564 : vector<16xi32>
        %gather3A_566 = tpu.vector_load_idx %arg4[%select_n3A_557, %add3A_565] : memref<400x128xf32, #tpu.memory_space<vmem>>[vector<16xi32>, vector<16xi32>], vector<16xf32>,
        %add3A_567 = vector.broadcast %mul3A_86 : i32 to vector<16xi32>
        %add3A_568 = arith.addi %iota3A, %add3A_567 : vector<16xi32>
        %gather3A_569 = tpu.vector_load_idx %arg5[%select_n3A_563, %add3A_568] : memref<400x128xf32, #tpu.memory_space<vmem>>[vector<16xi32>, vector<16xi32>], vector<16xf32>,
        %select_n3A_570 = arith.select %lt3A_554, %gather3A_566, %gather3A_569 : vector<16xi1>, vector<16xf32>
        %add3A_571 = arith.addi %add3A_551, %broadcast_in_dim3A_87 : vector<16xi32>
        %gt3A_572 = arith.cmpf ogt, %select_n3A_570, %select_n3A_549 : vector<16xf32>
        %gt3A_573 = arith.cmpf ogt, %select_n3A_570, %select_n3A_546 : vector<16xf32>
        %gt3A_574 = arith.cmpf ogt, %select_n3A_570, %select_n3A_542 : vector<16xf32>
        %gt3A_575 = arith.cmpf ogt, %select_n3A_570, %select_n3A_538 : vector<16xf32>
        %gt3A_576 = arith.cmpf ogt, %select_n3A_570, %select_n3A_534 : vector<16xf32>
        %gt3A_577 = arith.cmpf ogt, %select_n3A_570, %select_n3A_530 : vector<16xf32>
        %gt3A_578 = arith.cmpf ogt, %select_n3A_570, %select_n3A_526 : vector<16xf32>
        %gt3A_579 = arith.cmpf ogt, %select_n3A_570, %select_n3A_522 : vector<16xf32>
        %select_n3A_580 = arith.select %gt3A_578, %select_n3A_526, %select_n3A_570 : vector<16xi1>, vector<16xf32>
        %select_n3A_581 = arith.select %gt3A_579, %select_n3A_580, %select_n3A_522 : vector<16xi1>, vector<16xf32>
        %select_n3A_582 = arith.select %gt3A_578, %select_n3A_528, %add3A_571 : vector<16xi1>, vector<16xi32>
        %select_n3A_583 = arith.select %gt3A_579, %select_n3A_582, %select_n3A_524 : vector<16xi1>, vector<16xi32>
        %select_n3A_584 = arith.select %gt3A_577, %select_n3A_530, %select_n3A_570 : vector<16xi1>, vector<16xf32>
        %select_n3A_585 = arith.select %gt3A_578, %select_n3A_584, %select_n3A_526 : vector<16xi1>, vector<16xf32>
        %select_n3A_586 = arith.select %gt3A_577, %select_n3A_532, %add3A_571 : vector<16xi1>, vector<16xi32>
        %select_n3A_587 = arith.select %gt3A_578, %select_n3A_586, %select_n3A_528 : vector<16xi1>, vector<16xi32>
        %select_n3A_588 = arith.select %gt3A_576, %select_n3A_534, %select_n3A_570 : vector<16xi1>, vector<16xf32>
        %select_n3A_589 = arith.select %gt3A_577, %select_n3A_588, %select_n3A_530 : vector<16xi1>, vector<16xf32>
        %select_n3A_590 = arith.select %gt3A_576, %select_n3A_536, %add3A_571 : vector<16xi1>, vector<16xi32>
        %select_n3A_591 = arith.select %gt3A_577, %select_n3A_590, %select_n3A_532 : vector<16xi1>, vector<16xi32>
        %select_n3A_592 = arith.select %gt3A_575, %select_n3A_538, %select_n3A_570 : vector<16xi1>, vector<16xf32>
        %select_n3A_593 = arith.select %gt3A_576, %select_n3A_592, %select_n3A_534 : vector<16xi1>, vector<16xf32>
        %select_n3A_594 = arith.select %gt3A_575, %select_n3A_540, %add3A_571 : vector<16xi1>, vector<16xi32>
        %select_n3A_595 = arith.select %gt3A_576, %select_n3A_594, %select_n3A_536 : vector<16xi1>, vector<16xi32>
        %select_n3A_596 = arith.select %gt3A_574, %select_n3A_542, %select_n3A_570 : vector<16xi1>, vector<16xf32>
        %select_n3A_597 = arith.select %gt3A_575, %select_n3A_596, %select_n3A_538 : vector<16xi1>, vector<16xf32>
        %select_n3A_598 = arith.select %gt3A_574, %select_n3A_544, %add3A_571 : vector<16xi1>, vector<16xi32>
        %select_n3A_599 = arith.select %gt3A_575, %select_n3A_598, %select_n3A_540 : vector<16xi1>, vector<16xi32>
        %select_n3A_600 = arith.select %gt3A_573, %select_n3A_546, %select_n3A_570 : vector<16xi1>, vector<16xf32>
        %select_n3A_601 = arith.select %gt3A_574, %select_n3A_600, %select_n3A_542 : vector<16xi1>, vector<16xf32>
        %select_n3A_602 = arith.select %gt3A_573, %select_n3A_548, %add3A_571 : vector<16xi1>, vector<16xi32>
        %select_n3A_603 = arith.select %gt3A_574, %select_n3A_602, %select_n3A_544 : vector<16xi1>, vector<16xi32>
        %select_n3A_604 = arith.select %gt3A_572, %select_n3A_549, %select_n3A_570 : vector<16xi1>, vector<16xf32>
        %select_n3A_605 = arith.select %gt3A_573, %select_n3A_604, %select_n3A_546 : vector<16xi1>, vector<16xf32>
        %select_n3A_606 = arith.select %gt3A_572, %select_n3A_550, %add3A_571 : vector<16xi1>, vector<16xi32>
        %select_n3A_607 = arith.select %gt3A_573, %select_n3A_606, %select_n3A_548 : vector<16xi1>, vector<16xi32>
        %select_n3A_608 = arith.select %gt3A_572, %select_n3A_570, %select_n3A_549 : vector<16xi1>, vector<16xf32>
        %select_n3A_609 = arith.select %gt3A_572, %add3A_571, %select_n3A_550 : vector<16xi1>, vector<16xi32>
        %add3A_610 = arith.addi %mul3A_179, %broadcast_in_dim3A_375 : vector<16xi32>
        %lt3A_611 = arith.constant 400 : i32
        %lt3A_612 = vector.broadcast %lt3A_611 : i32 to vector<16xi32>
        %lt3A_613 = arith.cmpi slt, %add3A_610, %lt3A_612 : vector<16xi32>
        %jit3A_614 = arith.constant 0 : i32
        %broadcast_in_dim3A_615 = vector.broadcast %jit3A_614 : i32 to vector<16xi32>
        %select_n3A_616 = arith.select %lt3A_613, %add3A_610, %broadcast_in_dim3A_615 : vector<16xi1>, vector<16xi32>
        %sub3A_617 = arith.constant 400 : i32
        %sub3A_618 = vector.broadcast %sub3A_617 : i32 to vector<16xi32>
        %sub3A_619 = arith.subi %add3A_610, %sub3A_618 : vector<16xi32>
        %jit3A_620 = arith.constant 0 : i32
        %broadcast_in_dim3A_621 = vector.broadcast %jit3A_620 : i32 to vector<16xi32>
        %select_n3A_622 = arith.select %lt3A_613, %broadcast_in_dim3A_621, %sub3A_619 : vector<16xi1>, vector<16xi32>
        %add3A_623 = vector.broadcast %mul3A_86 : i32 to vector<16xi32>
        %add3A_624 = arith.addi %iota3A, %add3A_623 : vector<16xi32>
        %gather3A_625 = tpu.vector_load_idx %arg4[%select_n3A_616, %add3A_624] : memref<400x128xf32, #tpu.memory_space<vmem>>[vector<16xi32>, vector<16xi32>], vector<16xf32>,
        %add3A_626 = vector.broadcast %mul3A_86 : i32 to vector<16xi32>
        %add3A_627 = arith.addi %iota3A, %add3A_626 : vector<16xi32>
        %gather3A_628 = tpu.vector_load_idx %arg5[%select_n3A_622, %add3A_627] : memref<400x128xf32, #tpu.memory_space<vmem>>[vector<16xi32>, vector<16xi32>], vector<16xf32>,
        %select_n3A_629 = arith.select %lt3A_613, %gather3A_625, %gather3A_628 : vector<16xi1>, vector<16xf32>
        %add3A_630 = arith.addi %add3A_610, %broadcast_in_dim3A_87 : vector<16xi32>
        %gt3A_631 = arith.cmpf ogt, %select_n3A_629, %select_n3A_608 : vector<16xf32>
        %gt3A_632 = arith.cmpf ogt, %select_n3A_629, %select_n3A_605 : vector<16xf32>
        %gt3A_633 = arith.cmpf ogt, %select_n3A_629, %select_n3A_601 : vector<16xf32>
        %gt3A_634 = arith.cmpf ogt, %select_n3A_629, %select_n3A_597 : vector<16xf32>
        %gt3A_635 = arith.cmpf ogt, %select_n3A_629, %select_n3A_593 : vector<16xf32>
        %gt3A_636 = arith.cmpf ogt, %select_n3A_629, %select_n3A_589 : vector<16xf32>
        %gt3A_637 = arith.cmpf ogt, %select_n3A_629, %select_n3A_585 : vector<16xf32>
        %gt3A_638 = arith.cmpf ogt, %select_n3A_629, %select_n3A_581 : vector<16xf32>
        %select_n3A_639 = arith.select %gt3A_637, %select_n3A_585, %select_n3A_629 : vector<16xi1>, vector<16xf32>
        %select_n3A_640 = arith.select %gt3A_638, %select_n3A_639, %select_n3A_581 : vector<16xi1>, vector<16xf32>
        %select_n3A_641 = arith.select %gt3A_637, %select_n3A_587, %add3A_630 : vector<16xi1>, vector<16xi32>
        %select_n3A_642 = arith.select %gt3A_638, %select_n3A_641, %select_n3A_583 : vector<16xi1>, vector<16xi32>
        %select_n3A_643 = arith.select %gt3A_636, %select_n3A_589, %select_n3A_629 : vector<16xi1>, vector<16xf32>
        %select_n3A_644 = arith.select %gt3A_637, %select_n3A_643, %select_n3A_585 : vector<16xi1>, vector<16xf32>
        %select_n3A_645 = arith.select %gt3A_636, %select_n3A_591, %add3A_630 : vector<16xi1>, vector<16xi32>
        %select_n3A_646 = arith.select %gt3A_637, %select_n3A_645, %select_n3A_587 : vector<16xi1>, vector<16xi32>
        %select_n3A_647 = arith.select %gt3A_635, %select_n3A_593, %select_n3A_629 : vector<16xi1>, vector<16xf32>
        %select_n3A_648 = arith.select %gt3A_636, %select_n3A_647, %select_n3A_589 : vector<16xi1>, vector<16xf32>
        %select_n3A_649 = arith.select %gt3A_635, %select_n3A_595, %add3A_630 : vector<16xi1>, vector<16xi32>
        %select_n3A_650 = arith.select %gt3A_636, %select_n3A_649, %select_n3A_591 : vector<16xi1>, vector<16xi32>
        %select_n3A_651 = arith.select %gt3A_634, %select_n3A_597, %select_n3A_629 : vector<16xi1>, vector<16xf32>
        %select_n3A_652 = arith.select %gt3A_635, %select_n3A_651, %select_n3A_593 : vector<16xi1>, vector<16xf32>
        %select_n3A_653 = arith.select %gt3A_634, %select_n3A_599, %add3A_630 : vector<16xi1>, vector<16xi32>
        %select_n3A_654 = arith.select %gt3A_635, %select_n3A_653, %select_n3A_595 : vector<16xi1>, vector<16xi32>
        %select_n3A_655 = arith.select %gt3A_633, %select_n3A_601, %select_n3A_629 : vector<16xi1>, vector<16xf32>
        %select_n3A_656 = arith.select %gt3A_634, %select_n3A_655, %select_n3A_597 : vector<16xi1>, vector<16xf32>
        %select_n3A_657 = arith.select %gt3A_633, %select_n3A_603, %add3A_630 : vector<16xi1>, vector<16xi32>
        %select_n3A_658 = arith.select %gt3A_634, %select_n3A_657, %select_n3A_599 : vector<16xi1>, vector<16xi32>
        %select_n3A_659 = arith.select %gt3A_632, %select_n3A_605, %select_n3A_629 : vector<16xi1>, vector<16xf32>
        %select_n3A_660 = arith.select %gt3A_633, %select_n3A_659, %select_n3A_601 : vector<16xi1>, vector<16xf32>
        %select_n3A_661 = arith.select %gt3A_632, %select_n3A_607, %add3A_630 : vector<16xi1>, vector<16xi32>
        %select_n3A_662 = arith.select %gt3A_633, %select_n3A_661, %select_n3A_603 : vector<16xi1>, vector<16xi32>
        %select_n3A_663 = arith.select %gt3A_631, %select_n3A_608, %select_n3A_629 : vector<16xi1>, vector<16xf32>
        %select_n3A_664 = arith.select %gt3A_632, %select_n3A_663, %select_n3A_605 : vector<16xi1>, vector<16xf32>
        %select_n3A_665 = arith.select %gt3A_631, %select_n3A_609, %add3A_630 : vector<16xi1>, vector<16xi32>
        %select_n3A_666 = arith.select %gt3A_632, %select_n3A_665, %select_n3A_607 : vector<16xi1>, vector<16xi32>
        %select_n3A_667 = arith.select %gt3A_631, %select_n3A_629, %select_n3A_608 : vector<16xi1>, vector<16xf32>
        %select_n3A_668 = arith.select %gt3A_631, %add3A_630, %select_n3A_609 : vector<16xi1>, vector<16xi32>
        %add3A_669 = arith.addi %mul3A_188, %broadcast_in_dim3A_375 : vector<16xi32>
        %lt3A_670 = arith.constant 400 : i32
        %lt3A_671 = vector.broadcast %lt3A_670 : i32 to vector<16xi32>
        %lt3A_672 = arith.cmpi slt, %add3A_669, %lt3A_671 : vector<16xi32>
        %jit3A_673 = arith.constant 0 : i32
        %broadcast_in_dim3A_674 = vector.broadcast %jit3A_673 : i32 to vector<16xi32>
        %select_n3A_675 = arith.select %lt3A_672, %add3A_669, %broadcast_in_dim3A_674 : vector<16xi1>, vector<16xi32>
        %sub3A_676 = arith.constant 400 : i32
        %sub3A_677 = vector.broadcast %sub3A_676 : i32 to vector<16xi32>
        %sub3A_678 = arith.subi %add3A_669, %sub3A_677 : vector<16xi32>
        %jit3A_679 = arith.constant 0 : i32
        %broadcast_in_dim3A_680 = vector.broadcast %jit3A_679 : i32 to vector<16xi32>
        %select_n3A_681 = arith.select %lt3A_672, %broadcast_in_dim3A_680, %sub3A_678 : vector<16xi1>, vector<16xi32>
        %add3A_682 = vector.broadcast %mul3A_86 : i32 to vector<16xi32>
        %add3A_683 = arith.addi %iota3A, %add3A_682 : vector<16xi32>
        %gather3A_684 = tpu.vector_load_idx %arg4[%select_n3A_675, %add3A_683] : memref<400x128xf32, #tpu.memory_space<vmem>>[vector<16xi32>, vector<16xi32>], vector<16xf32>,
        %add3A_685 = vector.broadcast %mul3A_86 : i32 to vector<16xi32>
        %add3A_686 = arith.addi %iota3A, %add3A_685 : vector<16xi32>
        %gather3A_687 = tpu.vector_load_idx %arg5[%select_n3A_681, %add3A_686] : memref<400x128xf32, #tpu.memory_space<vmem>>[vector<16xi32>, vector<16xi32>], vector<16xf32>,
        %select_n3A_688 = arith.select %lt3A_672, %gather3A_684, %gather3A_687 : vector<16xi1>, vector<16xf32>
        %add3A_689 = arith.addi %add3A_669, %broadcast_in_dim3A_87 : vector<16xi32>
        %gt3A_690 = arith.cmpf ogt, %select_n3A_688, %select_n3A_667 : vector<16xf32>
        %gt3A_691 = arith.cmpf ogt, %select_n3A_688, %select_n3A_664 : vector<16xf32>
        %gt3A_692 = arith.cmpf ogt, %select_n3A_688, %select_n3A_660 : vector<16xf32>
        %gt3A_693 = arith.cmpf ogt, %select_n3A_688, %select_n3A_656 : vector<16xf32>
        %gt3A_694 = arith.cmpf ogt, %select_n3A_688, %select_n3A_652 : vector<16xf32>
        %gt3A_695 = arith.cmpf ogt, %select_n3A_688, %select_n3A_648 : vector<16xf32>
        %gt3A_696 = arith.cmpf ogt, %select_n3A_688, %select_n3A_644 : vector<16xf32>
        %gt3A_697 = arith.cmpf ogt, %select_n3A_688, %select_n3A_640 : vector<16xf32>
        %select_n3A_698 = arith.select %gt3A_696, %select_n3A_644, %select_n3A_688 : vector<16xi1>, vector<16xf32>
        %select_n3A_699 = arith.select %gt3A_697, %select_n3A_698, %select_n3A_640 : vector<16xi1>, vector<16xf32>
        %select_n3A_700 = arith.select %gt3A_696, %select_n3A_646, %add3A_689 : vector<16xi1>, vector<16xi32>
        %select_n3A_701 = arith.select %gt3A_697, %select_n3A_700, %select_n3A_642 : vector<16xi1>, vector<16xi32>
        %select_n3A_702 = arith.select %gt3A_695, %select_n3A_648, %select_n3A_688 : vector<16xi1>, vector<16xf32>
        %select_n3A_703 = arith.select %gt3A_696, %select_n3A_702, %select_n3A_644 : vector<16xi1>, vector<16xf32>
        %select_n3A_704 = arith.select %gt3A_695, %select_n3A_650, %add3A_689 : vector<16xi1>, vector<16xi32>
        %select_n3A_705 = arith.select %gt3A_696, %select_n3A_704, %select_n3A_646 : vector<16xi1>, vector<16xi32>
        %select_n3A_706 = arith.select %gt3A_694, %select_n3A_652, %select_n3A_688 : vector<16xi1>, vector<16xf32>
        %select_n3A_707 = arith.select %gt3A_695, %select_n3A_706, %select_n3A_648 : vector<16xi1>, vector<16xf32>
        %select_n3A_708 = arith.select %gt3A_694, %select_n3A_654, %add3A_689 : vector<16xi1>, vector<16xi32>
        %select_n3A_709 = arith.select %gt3A_695, %select_n3A_708, %select_n3A_650 : vector<16xi1>, vector<16xi32>
        %select_n3A_710 = arith.select %gt3A_693, %select_n3A_656, %select_n3A_688 : vector<16xi1>, vector<16xf32>
        %select_n3A_711 = arith.select %gt3A_694, %select_n3A_710, %select_n3A_652 : vector<16xi1>, vector<16xf32>
        %select_n3A_712 = arith.select %gt3A_693, %select_n3A_658, %add3A_689 : vector<16xi1>, vector<16xi32>
        %select_n3A_713 = arith.select %gt3A_694, %select_n3A_712, %select_n3A_654 : vector<16xi1>, vector<16xi32>
        %select_n3A_714 = arith.select %gt3A_692, %select_n3A_660, %select_n3A_688 : vector<16xi1>, vector<16xf32>
        %select_n3A_715 = arith.select %gt3A_693, %select_n3A_714, %select_n3A_656 : vector<16xi1>, vector<16xf32>
        %select_n3A_716 = arith.select %gt3A_692, %select_n3A_662, %add3A_689 : vector<16xi1>, vector<16xi32>
        %select_n3A_717 = arith.select %gt3A_693, %select_n3A_716, %select_n3A_658 : vector<16xi1>, vector<16xi32>
        %select_n3A_718 = arith.select %gt3A_691, %select_n3A_664, %select_n3A_688 : vector<16xi1>, vector<16xf32>
        %select_n3A_719 = arith.select %gt3A_692, %select_n3A_718, %select_n3A_660 : vector<16xi1>, vector<16xf32>
        %select_n3A_720 = arith.select %gt3A_691, %select_n3A_666, %add3A_689 : vector<16xi1>, vector<16xi32>
        %select_n3A_721 = arith.select %gt3A_692, %select_n3A_720, %select_n3A_662 : vector<16xi1>, vector<16xi32>
        %select_n3A_722 = arith.select %gt3A_690, %select_n3A_667, %select_n3A_688 : vector<16xi1>, vector<16xf32>
        %select_n3A_723 = arith.select %gt3A_691, %select_n3A_722, %select_n3A_664 : vector<16xi1>, vector<16xf32>
        %select_n3A_724 = arith.select %gt3A_690, %select_n3A_668, %add3A_689 : vector<16xi1>, vector<16xi32>
        %select_n3A_725 = arith.select %gt3A_691, %select_n3A_724, %select_n3A_666 : vector<16xi1>, vector<16xi32>
        %select_n3A_726 = arith.select %gt3A_690, %select_n3A_688, %select_n3A_667 : vector<16xi1>, vector<16xf32>
        %select_n3A_727 = arith.select %gt3A_690, %add3A_689, %select_n3A_668 : vector<16xi1>, vector<16xi32>
        %add3A_728 = arith.addi %mul3A_197, %broadcast_in_dim3A_375 : vector<16xi32>
        %lt3A_729 = arith.constant 400 : i32
        %lt3A_730 = vector.broadcast %lt3A_729 : i32 to vector<16xi32>
        %lt3A_731 = arith.cmpi slt, %add3A_728, %lt3A_730 : vector<16xi32>
        %jit3A_732 = arith.constant 0 : i32
        %broadcast_in_dim3A_733 = vector.broadcast %jit3A_732 : i32 to vector<16xi32>
        %select_n3A_734 = arith.select %lt3A_731, %add3A_728, %broadcast_in_dim3A_733 : vector<16xi1>, vector<16xi32>
        %sub3A_735 = arith.constant 400 : i32
        %sub3A_736 = vector.broadcast %sub3A_735 : i32 to vector<16xi32>
        %sub3A_737 = arith.subi %add3A_728, %sub3A_736 : vector<16xi32>
        %jit3A_738 = arith.constant 0 : i32
        %broadcast_in_dim3A_739 = vector.broadcast %jit3A_738 : i32 to vector<16xi32>
        %select_n3A_740 = arith.select %lt3A_731, %broadcast_in_dim3A_739, %sub3A_737 : vector<16xi1>, vector<16xi32>
        %add3A_741 = vector.broadcast %mul3A_86 : i32 to vector<16xi32>
        %add3A_742 = arith.addi %iota3A, %add3A_741 : vector<16xi32>
        %gather3A_743 = tpu.vector_load_idx %arg4[%select_n3A_734, %add3A_742] : memref<400x128xf32, #tpu.memory_space<vmem>>[vector<16xi32>, vector<16xi32>], vector<16xf32>,
        %add3A_744 = vector.broadcast %mul3A_86 : i32 to vector<16xi32>
        %add3A_745 = arith.addi %iota3A, %add3A_744 : vector<16xi32>
        %gather3A_746 = tpu.vector_load_idx %arg5[%select_n3A_740, %add3A_745] : memref<400x128xf32, #tpu.memory_space<vmem>>[vector<16xi32>, vector<16xi32>], vector<16xf32>,
        %select_n3A_747 = arith.select %lt3A_731, %gather3A_743, %gather3A_746 : vector<16xi1>, vector<16xf32>
        %add3A_748 = arith.addi %add3A_728, %broadcast_in_dim3A_87 : vector<16xi32>
        %gt3A_749 = arith.cmpf ogt, %select_n3A_747, %select_n3A_726 : vector<16xf32>
        %gt3A_750 = arith.cmpf ogt, %select_n3A_747, %select_n3A_723 : vector<16xf32>
        %gt3A_751 = arith.cmpf ogt, %select_n3A_747, %select_n3A_719 : vector<16xf32>
        %gt3A_752 = arith.cmpf ogt, %select_n3A_747, %select_n3A_715 : vector<16xf32>
        %gt3A_753 = arith.cmpf ogt, %select_n3A_747, %select_n3A_711 : vector<16xf32>
        %gt3A_754 = arith.cmpf ogt, %select_n3A_747, %select_n3A_707 : vector<16xf32>
        %gt3A_755 = arith.cmpf ogt, %select_n3A_747, %select_n3A_703 : vector<16xf32>
        %gt3A_756 = arith.cmpf ogt, %select_n3A_747, %select_n3A_699 : vector<16xf32>
        %select_n3A_757 = arith.select %gt3A_755, %select_n3A_703, %select_n3A_747 : vector<16xi1>, vector<16xf32>
        %select_n3A_758 = arith.select %gt3A_756, %select_n3A_757, %select_n3A_699 : vector<16xi1>, vector<16xf32>
        %select_n3A_759 = arith.select %gt3A_755, %select_n3A_705, %add3A_748 : vector<16xi1>, vector<16xi32>
        %select_n3A_760 = arith.select %gt3A_756, %select_n3A_759, %select_n3A_701 : vector<16xi1>, vector<16xi32>
        %select_n3A_761 = arith.select %gt3A_754, %select_n3A_707, %select_n3A_747 : vector<16xi1>, vector<16xf32>
        %select_n3A_762 = arith.select %gt3A_755, %select_n3A_761, %select_n3A_703 : vector<16xi1>, vector<16xf32>
        %select_n3A_763 = arith.select %gt3A_754, %select_n3A_709, %add3A_748 : vector<16xi1>, vector<16xi32>
        %select_n3A_764 = arith.select %gt3A_755, %select_n3A_763, %select_n3A_705 : vector<16xi1>, vector<16xi32>
        %select_n3A_765 = arith.select %gt3A_753, %select_n3A_711, %select_n3A_747 : vector<16xi1>, vector<16xf32>
        %select_n3A_766 = arith.select %gt3A_754, %select_n3A_765, %select_n3A_707 : vector<16xi1>, vector<16xf32>
        %select_n3A_767 = arith.select %gt3A_753, %select_n3A_713, %add3A_748 : vector<16xi1>, vector<16xi32>
        %select_n3A_768 = arith.select %gt3A_754, %select_n3A_767, %select_n3A_709 : vector<16xi1>, vector<16xi32>
        %select_n3A_769 = arith.select %gt3A_752, %select_n3A_715, %select_n3A_747 : vector<16xi1>, vector<16xf32>
        %select_n3A_770 = arith.select %gt3A_753, %select_n3A_769, %select_n3A_711 : vector<16xi1>, vector<16xf32>
        %select_n3A_771 = arith.select %gt3A_752, %select_n3A_717, %add3A_748 : vector<16xi1>, vector<16xi32>
        %select_n3A_772 = arith.select %gt3A_753, %select_n3A_771, %select_n3A_713 : vector<16xi1>, vector<16xi32>
        %select_n3A_773 = arith.select %gt3A_751, %select_n3A_719, %select_n3A_747 : vector<16xi1>, vector<16xf32>
        %select_n3A_774 = arith.select %gt3A_752, %select_n3A_773, %select_n3A_715 : vector<16xi1>, vector<16xf32>
        %select_n3A_775 = arith.select %gt3A_751, %select_n3A_721, %add3A_748 : vector<16xi1>, vector<16xi32>
        %select_n3A_776 = arith.select %gt3A_752, %select_n3A_775, %select_n3A_717 : vector<16xi1>, vector<16xi32>
        %select_n3A_777 = arith.select %gt3A_750, %select_n3A_723, %select_n3A_747 : vector<16xi1>, vector<16xf32>
        %select_n3A_778 = arith.select %gt3A_751, %select_n3A_777, %select_n3A_719 : vector<16xi1>, vector<16xf32>
        %select_n3A_779 = arith.select %gt3A_750, %select_n3A_725, %add3A_748 : vector<16xi1>, vector<16xi32>
        %select_n3A_780 = arith.select %gt3A_751, %select_n3A_779, %select_n3A_721 : vector<16xi1>, vector<16xi32>
        %select_n3A_781 = arith.select %gt3A_749, %select_n3A_726, %select_n3A_747 : vector<16xi1>, vector<16xf32>
        %select_n3A_782 = arith.select %gt3A_750, %select_n3A_781, %select_n3A_723 : vector<16xi1>, vector<16xf32>
        %select_n3A_783 = arith.select %gt3A_749, %select_n3A_727, %add3A_748 : vector<16xi1>, vector<16xi32>
        %select_n3A_784 = arith.select %gt3A_750, %select_n3A_783, %select_n3A_725 : vector<16xi1>, vector<16xi32>
        %select_n3A_785 = arith.select %gt3A_749, %select_n3A_747, %select_n3A_726 : vector<16xi1>, vector<16xf32>
        %select_n3A_786 = arith.select %gt3A_749, %add3A_748, %select_n3A_727 : vector<16xi1>, vector<16xi32>
        %add3A_787 = arith.addi %mul3A_206, %broadcast_in_dim3A_375 : vector<16xi32>
        %lt3A_788 = arith.constant 400 : i32
        %lt3A_789 = vector.broadcast %lt3A_788 : i32 to vector<16xi32>
        %lt3A_790 = arith.cmpi slt, %add3A_787, %lt3A_789 : vector<16xi32>
        %jit3A_791 = arith.constant 0 : i32
        %broadcast_in_dim3A_792 = vector.broadcast %jit3A_791 : i32 to vector<16xi32>
        %select_n3A_793 = arith.select %lt3A_790, %add3A_787, %broadcast_in_dim3A_792 : vector<16xi1>, vector<16xi32>
        %sub3A_794 = arith.constant 400 : i32
        %sub3A_795 = vector.broadcast %sub3A_794 : i32 to vector<16xi32>
        %sub3A_796 = arith.subi %add3A_787, %sub3A_795 : vector<16xi32>
        %jit3A_797 = arith.constant 0 : i32
        %broadcast_in_dim3A_798 = vector.broadcast %jit3A_797 : i32 to vector<16xi32>
        %select_n3A_799 = arith.select %lt3A_790, %broadcast_in_dim3A_798, %sub3A_796 : vector<16xi1>, vector<16xi32>
        %add3A_800 = vector.broadcast %mul3A_86 : i32 to vector<16xi32>
        %add3A_801 = arith.addi %iota3A, %add3A_800 : vector<16xi32>
        %gather3A_802 = tpu.vector_load_idx %arg4[%select_n3A_793, %add3A_801] : memref<400x128xf32, #tpu.memory_space<vmem>>[vector<16xi32>, vector<16xi32>], vector<16xf32>,
        %add3A_803 = vector.broadcast %mul3A_86 : i32 to vector<16xi32>
        %add3A_804 = arith.addi %iota3A, %add3A_803 : vector<16xi32>
        %gather3A_805 = tpu.vector_load_idx %arg5[%select_n3A_799, %add3A_804] : memref<400x128xf32, #tpu.memory_space<vmem>>[vector<16xi32>, vector<16xi32>], vector<16xf32>,
        %select_n3A_806 = arith.select %lt3A_790, %gather3A_802, %gather3A_805 : vector<16xi1>, vector<16xf32>
        %add3A_807 = arith.addi %add3A_787, %broadcast_in_dim3A_87 : vector<16xi32>
        %gt3A_808 = arith.cmpf ogt, %select_n3A_806, %select_n3A_785 : vector<16xf32>
        %gt3A_809 = arith.cmpf ogt, %select_n3A_806, %select_n3A_782 : vector<16xf32>
        %gt3A_810 = arith.cmpf ogt, %select_n3A_806, %select_n3A_778 : vector<16xf32>
        %gt3A_811 = arith.cmpf ogt, %select_n3A_806, %select_n3A_774 : vector<16xf32>
        %gt3A_812 = arith.cmpf ogt, %select_n3A_806, %select_n3A_770 : vector<16xf32>
        %gt3A_813 = arith.cmpf ogt, %select_n3A_806, %select_n3A_766 : vector<16xf32>
        %gt3A_814 = arith.cmpf ogt, %select_n3A_806, %select_n3A_762 : vector<16xf32>
        %gt3A_815 = arith.cmpf ogt, %select_n3A_806, %select_n3A_758 : vector<16xf32>
        %select_n3A_816 = arith.select %gt3A_814, %select_n3A_762, %select_n3A_806 : vector<16xi1>, vector<16xf32>
        %select_n3A_817 = arith.select %gt3A_815, %select_n3A_816, %select_n3A_758 : vector<16xi1>, vector<16xf32>
        %select_n3A_818 = arith.select %gt3A_814, %select_n3A_764, %add3A_807 : vector<16xi1>, vector<16xi32>
        %select_n3A_819 = arith.select %gt3A_815, %select_n3A_818, %select_n3A_760 : vector<16xi1>, vector<16xi32>
        %select_n3A_820 = arith.select %gt3A_813, %select_n3A_766, %select_n3A_806 : vector<16xi1>, vector<16xf32>
        %select_n3A_821 = arith.select %gt3A_814, %select_n3A_820, %select_n3A_762 : vector<16xi1>, vector<16xf32>
        %select_n3A_822 = arith.select %gt3A_813, %select_n3A_768, %add3A_807 : vector<16xi1>, vector<16xi32>
        %select_n3A_823 = arith.select %gt3A_814, %select_n3A_822, %select_n3A_764 : vector<16xi1>, vector<16xi32>
        %select_n3A_824 = arith.select %gt3A_812, %select_n3A_770, %select_n3A_806 : vector<16xi1>, vector<16xf32>
        %select_n3A_825 = arith.select %gt3A_813, %select_n3A_824, %select_n3A_766 : vector<16xi1>, vector<16xf32>
        %select_n3A_826 = arith.select %gt3A_812, %select_n3A_772, %add3A_807 : vector<16xi1>, vector<16xi32>
        %select_n3A_827 = arith.select %gt3A_813, %select_n3A_826, %select_n3A_768 : vector<16xi1>, vector<16xi32>
        %select_n3A_828 = arith.select %gt3A_811, %select_n3A_774, %select_n3A_806 : vector<16xi1>, vector<16xf32>
        %select_n3A_829 = arith.select %gt3A_812, %select_n3A_828, %select_n3A_770 : vector<16xi1>, vector<16xf32>
        %select_n3A_830 = arith.select %gt3A_811, %select_n3A_776, %add3A_807 : vector<16xi1>, vector<16xi32>
        %select_n3A_831 = arith.select %gt3A_812, %select_n3A_830, %select_n3A_772 : vector<16xi1>, vector<16xi32>
        %select_n3A_832 = arith.select %gt3A_810, %select_n3A_778, %select_n3A_806 : vector<16xi1>, vector<16xf32>
        %select_n3A_833 = arith.select %gt3A_811, %select_n3A_832, %select_n3A_774 : vector<16xi1>, vector<16xf32>
        %select_n3A_834 = arith.select %gt3A_810, %select_n3A_780, %add3A_807 : vector<16xi1>, vector<16xi32>
        %select_n3A_835 = arith.select %gt3A_811, %select_n3A_834, %select_n3A_776 : vector<16xi1>, vector<16xi32>
        %select_n3A_836 = arith.select %gt3A_809, %select_n3A_782, %select_n3A_806 : vector<16xi1>, vector<16xf32>
        %select_n3A_837 = arith.select %gt3A_810, %select_n3A_836, %select_n3A_778 : vector<16xi1>, vector<16xf32>
        %select_n3A_838 = arith.select %gt3A_809, %select_n3A_784, %add3A_807 : vector<16xi1>, vector<16xi32>
        %select_n3A_839 = arith.select %gt3A_810, %select_n3A_838, %select_n3A_780 : vector<16xi1>, vector<16xi32>
        %select_n3A_840 = arith.select %gt3A_808, %select_n3A_785, %select_n3A_806 : vector<16xi1>, vector<16xf32>
        %select_n3A_841 = arith.select %gt3A_809, %select_n3A_840, %select_n3A_782 : vector<16xi1>, vector<16xf32>
        %select_n3A_842 = arith.select %gt3A_808, %select_n3A_786, %add3A_807 : vector<16xi1>, vector<16xi32>
        %select_n3A_843 = arith.select %gt3A_809, %select_n3A_842, %select_n3A_784 : vector<16xi1>, vector<16xi32>
        %select_n3A_844 = arith.select %gt3A_808, %select_n3A_806, %select_n3A_785 : vector<16xi1>, vector<16xf32>
        %select_n3A_845 = arith.select %gt3A_808, %add3A_807, %select_n3A_786 : vector<16xi1>, vector<16xi32>
        %add3A_846 = arith.addi %mul3A_215, %broadcast_in_dim3A_375 : vector<16xi32>
        %lt3A_847 = arith.constant 400 : i32
        %lt3A_848 = vector.broadcast %lt3A_847 : i32 to vector<16xi32>
        %lt3A_849 = arith.cmpi slt, %add3A_846, %lt3A_848 : vector<16xi32>
        %jit3A_850 = arith.constant 0 : i32
        %broadcast_in_dim3A_851 = vector.broadcast %jit3A_850 : i32 to vector<16xi32>
        %select_n3A_852 = arith.select %lt3A_849, %add3A_846, %broadcast_in_dim3A_851 : vector<16xi1>, vector<16xi32>
        %sub3A_853 = arith.constant 400 : i32
        %sub3A_854 = vector.broadcast %sub3A_853 : i32 to vector<16xi32>
        %sub3A_855 = arith.subi %add3A_846, %sub3A_854 : vector<16xi32>
        %jit3A_856 = arith.constant 0 : i32
        %broadcast_in_dim3A_857 = vector.broadcast %jit3A_856 : i32 to vector<16xi32>
        %select_n3A_858 = arith.select %lt3A_849, %broadcast_in_dim3A_857, %sub3A_855 : vector<16xi1>, vector<16xi32>
        %add3A_859 = vector.broadcast %mul3A_86 : i32 to vector<16xi32>
        %add3A_860 = arith.addi %iota3A, %add3A_859 : vector<16xi32>
        %gather3A_861 = tpu.vector_load_idx %arg4[%select_n3A_852, %add3A_860] : memref<400x128xf32, #tpu.memory_space<vmem>>[vector<16xi32>, vector<16xi32>], vector<16xf32>,
        %add3A_862 = vector.broadcast %mul3A_86 : i32 to vector<16xi32>
        %add3A_863 = arith.addi %iota3A, %add3A_862 : vector<16xi32>
        %gather3A_864 = tpu.vector_load_idx %arg5[%select_n3A_858, %add3A_863] : memref<400x128xf32, #tpu.memory_space<vmem>>[vector<16xi32>, vector<16xi32>], vector<16xf32>,
        %select_n3A_865 = arith.select %lt3A_849, %gather3A_861, %gather3A_864 : vector<16xi1>, vector<16xf32>
        %add3A_866 = arith.addi %add3A_846, %broadcast_in_dim3A_87 : vector<16xi32>
        %gt3A_867 = arith.cmpf ogt, %select_n3A_865, %select_n3A_844 : vector<16xf32>
        %gt3A_868 = arith.cmpf ogt, %select_n3A_865, %select_n3A_841 : vector<16xf32>
        %gt3A_869 = arith.cmpf ogt, %select_n3A_865, %select_n3A_837 : vector<16xf32>
        %gt3A_870 = arith.cmpf ogt, %select_n3A_865, %select_n3A_833 : vector<16xf32>
        %gt3A_871 = arith.cmpf ogt, %select_n3A_865, %select_n3A_829 : vector<16xf32>
        %gt3A_872 = arith.cmpf ogt, %select_n3A_865, %select_n3A_825 : vector<16xf32>
        %gt3A_873 = arith.cmpf ogt, %select_n3A_865, %select_n3A_821 : vector<16xf32>
        %gt3A_874 = arith.cmpf ogt, %select_n3A_865, %select_n3A_817 : vector<16xf32>
        %select_n3A_875 = arith.select %gt3A_873, %select_n3A_821, %select_n3A_865 : vector<16xi1>, vector<16xf32>
        %select_n3A_876 = arith.select %gt3A_874, %select_n3A_875, %select_n3A_817 : vector<16xi1>, vector<16xf32>
        %select_n3A_877 = arith.select %gt3A_873, %select_n3A_823, %add3A_866 : vector<16xi1>, vector<16xi32>
        %select_n3A_878 = arith.select %gt3A_874, %select_n3A_877, %select_n3A_819 : vector<16xi1>, vector<16xi32>
        %select_n3A_879 = arith.select %gt3A_872, %select_n3A_825, %select_n3A_865 : vector<16xi1>, vector<16xf32>
        %select_n3A_880 = arith.select %gt3A_873, %select_n3A_879, %select_n3A_821 : vector<16xi1>, vector<16xf32>
        %select_n3A_881 = arith.select %gt3A_872, %select_n3A_827, %add3A_866 : vector<16xi1>, vector<16xi32>
        %select_n3A_882 = arith.select %gt3A_873, %select_n3A_881, %select_n3A_823 : vector<16xi1>, vector<16xi32>
        %select_n3A_883 = arith.select %gt3A_871, %select_n3A_829, %select_n3A_865 : vector<16xi1>, vector<16xf32>
        %select_n3A_884 = arith.select %gt3A_872, %select_n3A_883, %select_n3A_825 : vector<16xi1>, vector<16xf32>
        %select_n3A_885 = arith.select %gt3A_871, %select_n3A_831, %add3A_866 : vector<16xi1>, vector<16xi32>
        %select_n3A_886 = arith.select %gt3A_872, %select_n3A_885, %select_n3A_827 : vector<16xi1>, vector<16xi32>
        %select_n3A_887 = arith.select %gt3A_870, %select_n3A_833, %select_n3A_865 : vector<16xi1>, vector<16xf32>
        %select_n3A_888 = arith.select %gt3A_871, %select_n3A_887, %select_n3A_829 : vector<16xi1>, vector<16xf32>
        %select_n3A_889 = arith.select %gt3A_870, %select_n3A_835, %add3A_866 : vector<16xi1>, vector<16xi32>
        %select_n3A_890 = arith.select %gt3A_871, %select_n3A_889, %select_n3A_831 : vector<16xi1>, vector<16xi32>
        %select_n3A_891 = arith.select %gt3A_869, %select_n3A_837, %select_n3A_865 : vector<16xi1>, vector<16xf32>
        %select_n3A_892 = arith.select %gt3A_870, %select_n3A_891, %select_n3A_833 : vector<16xi1>, vector<16xf32>
        %select_n3A_893 = arith.select %gt3A_869, %select_n3A_839, %add3A_866 : vector<16xi1>, vector<16xi32>
        %select_n3A_894 = arith.select %gt3A_870, %select_n3A_893, %select_n3A_835 : vector<16xi1>, vector<16xi32>
        %select_n3A_895 = arith.select %gt3A_868, %select_n3A_841, %select_n3A_865 : vector<16xi1>, vector<16xf32>
        %select_n3A_896 = arith.select %gt3A_869, %select_n3A_895, %select_n3A_837 : vector<16xi1>, vector<16xf32>
        %select_n3A_897 = arith.select %gt3A_868, %select_n3A_843, %add3A_866 : vector<16xi1>, vector<16xi32>
        %select_n3A_898 = arith.select %gt3A_869, %select_n3A_897, %select_n3A_839 : vector<16xi1>, vector<16xi32>
        %select_n3A_899 = arith.select %gt3A_867, %select_n3A_844, %select_n3A_865 : vector<16xi1>, vector<16xf32>
        %select_n3A_900 = arith.select %gt3A_868, %select_n3A_899, %select_n3A_841 : vector<16xi1>, vector<16xf32>
        %select_n3A_901 = arith.select %gt3A_867, %select_n3A_845, %add3A_866 : vector<16xi1>, vector<16xi32>
        %select_n3A_902 = arith.select %gt3A_868, %select_n3A_901, %select_n3A_843 : vector<16xi1>, vector<16xi32>
        %select_n3A_903 = arith.select %gt3A_867, %select_n3A_865, %select_n3A_844 : vector<16xi1>, vector<16xf32>
        %select_n3A_904 = arith.select %gt3A_867, %add3A_866, %select_n3A_845 : vector<16xi1>, vector<16xi32>
        %add3A_905 = arith.addi %mul3A_224, %broadcast_in_dim3A_375 : vector<16xi32>
        %lt3A_906 = arith.constant 400 : i32
        %lt3A_907 = vector.broadcast %lt3A_906 : i32 to vector<16xi32>
        %lt3A_908 = arith.cmpi slt, %add3A_905, %lt3A_907 : vector<16xi32>
        %jit3A_909 = arith.constant 0 : i32
        %broadcast_in_dim3A_910 = vector.broadcast %jit3A_909 : i32 to vector<16xi32>
        %select_n3A_911 = arith.select %lt3A_908, %add3A_905, %broadcast_in_dim3A_910 : vector<16xi1>, vector<16xi32>
        %sub3A_912 = arith.constant 400 : i32
        %sub3A_913 = vector.broadcast %sub3A_912 : i32 to vector<16xi32>
        %sub3A_914 = arith.subi %add3A_905, %sub3A_913 : vector<16xi32>
        %jit3A_915 = arith.constant 0 : i32
        %broadcast_in_dim3A_916 = vector.broadcast %jit3A_915 : i32 to vector<16xi32>
        %select_n3A_917 = arith.select %lt3A_908, %broadcast_in_dim3A_916, %sub3A_914 : vector<16xi1>, vector<16xi32>
        %add3A_918 = vector.broadcast %mul3A_86 : i32 to vector<16xi32>
        %add3A_919 = arith.addi %iota3A, %add3A_918 : vector<16xi32>
        %gather3A_920 = tpu.vector_load_idx %arg4[%select_n3A_911, %add3A_919] : memref<400x128xf32, #tpu.memory_space<vmem>>[vector<16xi32>, vector<16xi32>], vector<16xf32>,
        %add3A_921 = vector.broadcast %mul3A_86 : i32 to vector<16xi32>
        %add3A_922 = arith.addi %iota3A, %add3A_921 : vector<16xi32>
        %gather3A_923 = tpu.vector_load_idx %arg5[%select_n3A_917, %add3A_922] : memref<400x128xf32, #tpu.memory_space<vmem>>[vector<16xi32>, vector<16xi32>], vector<16xf32>,
        %select_n3A_924 = arith.select %lt3A_908, %gather3A_920, %gather3A_923 : vector<16xi1>, vector<16xf32>
        %add3A_925 = arith.addi %add3A_905, %broadcast_in_dim3A_87 : vector<16xi32>
        %gt3A_926 = arith.cmpf ogt, %select_n3A_924, %select_n3A_903 : vector<16xf32>
        %gt3A_927 = arith.cmpf ogt, %select_n3A_924, %select_n3A_900 : vector<16xf32>
        %gt3A_928 = arith.cmpf ogt, %select_n3A_924, %select_n3A_896 : vector<16xf32>
        %gt3A_929 = arith.cmpf ogt, %select_n3A_924, %select_n3A_892 : vector<16xf32>
        %gt3A_930 = arith.cmpf ogt, %select_n3A_924, %select_n3A_888 : vector<16xf32>
        %gt3A_931 = arith.cmpf ogt, %select_n3A_924, %select_n3A_884 : vector<16xf32>
        %gt3A_932 = arith.cmpf ogt, %select_n3A_924, %select_n3A_880 : vector<16xf32>
        %gt3A_933 = arith.cmpf ogt, %select_n3A_924, %select_n3A_876 : vector<16xf32>
        %select_n3A_934 = arith.select %gt3A_932, %select_n3A_880, %select_n3A_924 : vector<16xi1>, vector<16xf32>
        %select_n3A_935 = arith.select %gt3A_933, %select_n3A_934, %select_n3A_876 : vector<16xi1>, vector<16xf32>
        %select_n3A_936 = arith.select %gt3A_932, %select_n3A_882, %add3A_925 : vector<16xi1>, vector<16xi32>
        %select_n3A_937 = arith.select %gt3A_933, %select_n3A_936, %select_n3A_878 : vector<16xi1>, vector<16xi32>
        %select_n3A_938 = arith.select %gt3A_931, %select_n3A_884, %select_n3A_924 : vector<16xi1>, vector<16xf32>
        %select_n3A_939 = arith.select %gt3A_932, %select_n3A_938, %select_n3A_880 : vector<16xi1>, vector<16xf32>
        %select_n3A_940 = arith.select %gt3A_931, %select_n3A_886, %add3A_925 : vector<16xi1>, vector<16xi32>
        %select_n3A_941 = arith.select %gt3A_932, %select_n3A_940, %select_n3A_882 : vector<16xi1>, vector<16xi32>
        %select_n3A_942 = arith.select %gt3A_930, %select_n3A_888, %select_n3A_924 : vector<16xi1>, vector<16xf32>
        %select_n3A_943 = arith.select %gt3A_931, %select_n3A_942, %select_n3A_884 : vector<16xi1>, vector<16xf32>
        %select_n3A_944 = arith.select %gt3A_930, %select_n3A_890, %add3A_925 : vector<16xi1>, vector<16xi32>
        %select_n3A_945 = arith.select %gt3A_931, %select_n3A_944, %select_n3A_886 : vector<16xi1>, vector<16xi32>
        %select_n3A_946 = arith.select %gt3A_929, %select_n3A_892, %select_n3A_924 : vector<16xi1>, vector<16xf32>
        %select_n3A_947 = arith.select %gt3A_930, %select_n3A_946, %select_n3A_888 : vector<16xi1>, vector<16xf32>
        %select_n3A_948 = arith.select %gt3A_929, %select_n3A_894, %add3A_925 : vector<16xi1>, vector<16xi32>
        %select_n3A_949 = arith.select %gt3A_930, %select_n3A_948, %select_n3A_890 : vector<16xi1>, vector<16xi32>
        %select_n3A_950 = arith.select %gt3A_928, %select_n3A_896, %select_n3A_924 : vector<16xi1>, vector<16xf32>
        %select_n3A_951 = arith.select %gt3A_929, %select_n3A_950, %select_n3A_892 : vector<16xi1>, vector<16xf32>
        %select_n3A_952 = arith.select %gt3A_928, %select_n3A_898, %add3A_925 : vector<16xi1>, vector<16xi32>
        %select_n3A_953 = arith.select %gt3A_929, %select_n3A_952, %select_n3A_894 : vector<16xi1>, vector<16xi32>
        %select_n3A_954 = arith.select %gt3A_927, %select_n3A_900, %select_n3A_924 : vector<16xi1>, vector<16xf32>
        %select_n3A_955 = arith.select %gt3A_928, %select_n3A_954, %select_n3A_896 : vector<16xi1>, vector<16xf32>
        %select_n3A_956 = arith.select %gt3A_927, %select_n3A_902, %add3A_925 : vector<16xi1>, vector<16xi32>
        %select_n3A_957 = arith.select %gt3A_928, %select_n3A_956, %select_n3A_898 : vector<16xi1>, vector<16xi32>
        %select_n3A_958 = arith.select %gt3A_926, %select_n3A_903, %select_n3A_924 : vector<16xi1>, vector<16xf32>
        %select_n3A_959 = arith.select %gt3A_927, %select_n3A_958, %select_n3A_900 : vector<16xi1>, vector<16xf32>
        %select_n3A_960 = arith.select %gt3A_926, %select_n3A_904, %add3A_925 : vector<16xi1>, vector<16xi32>
        %select_n3A_961 = arith.select %gt3A_927, %select_n3A_960, %select_n3A_902 : vector<16xi1>, vector<16xi32>
        %select_n3A_962 = arith.select %gt3A_926, %select_n3A_924, %select_n3A_903 : vector<16xi1>, vector<16xf32>
        %select_n3A_963 = arith.select %gt3A_926, %add3A_925, %select_n3A_904 : vector<16xi1>, vector<16xi32>
        scf.yield %select_n3A_962, %select_n3A_959, %select_n3A_955, %select_n3A_951, %select_n3A_947, %select_n3A_943, %select_n3A_939, %select_n3A_935, %select_n3A_963, %select_n3A_961, %select_n3A_957, %select_n3A_953, %select_n3A_949, %select_n3A_945, %select_n3A_941, %select_n3A_937 : vector<16xf32>, vector<16xf32>, vector<16xf32>, vector<16xf32>, vector<16xf32>, vector<16xf32>, vector<16xf32>, vector<16xf32>, vector<16xi32>, vector<16xi32>, vector<16xi32>, vector<16xi32>, vector<16xi32>, vector<16xi32>, vector<16xi32>, vector<16xi32>
      }
      %scan3A_294 = arith.constant 8 : i32
      %swap3A = arith.constant 0 : i32
      %swap3A_295 = arith.index_cast %swap3A : i32 to index
      %swap3A_296 = arith.index_cast %mul3A_86 : i32 to index
      %swap3A_297 = tpu.vector_load %arg7[%swap3A_295, %swap3A_296] {strides = array<i32>} : memref<8x128xf32, #tpu.memory_space<vmem>>, vector<16xf32>,
      tpu.vector_store %arg7[%swap3A_295, %swap3A_296], %scan3A_293#0 {strides = array<i32>} : memref<8x128xf32, #tpu.memory_space<vmem>>, vector<16xf32>,
      %swap3A_298 = arith.constant 0 : i32
      %swap3A_299 = arith.index_cast %swap3A_298 : i32 to index
      %swap3A_300 = arith.index_cast %mul3A_86 : i32 to index
      %swap3A_301 = tpu.vector_load %arg8[%swap3A_299, %swap3A_300] {strides = array<i32>} : memref<8x128xi32, #tpu.memory_space<vmem>>, vector<16xi32>,
      tpu.vector_store %arg8[%swap3A_299, %swap3A_300], %scan3A_293#8 {strides = array<i32>} : memref<8x128xi32, #tpu.memory_space<vmem>>, vector<16xi32>,
      %swap3A_302 = arith.constant 1 : i32
      %swap3A_303 = arith.index_cast %swap3A_302 : i32 to index
      %swap3A_304 = arith.index_cast %mul3A_86 : i32 to index
      %swap3A_305 = tpu.vector_load %arg7[%swap3A_303, %swap3A_304] {strides = array<i32>} : memref<8x128xf32, #tpu.memory_space<vmem>>, vector<16xf32>,
      tpu.vector_store %arg7[%swap3A_303, %swap3A_304], %scan3A_293#1 {strides = array<i32>} : memref<8x128xf32, #tpu.memory_space<vmem>>, vector<16xf32>,
      %swap3A_306 = arith.constant 1 : i32
      %swap3A_307 = arith.index_cast %swap3A_306 : i32 to index
      %swap3A_308 = arith.index_cast %mul3A_86 : i32 to index
      %swap3A_309 = tpu.vector_load %arg8[%swap3A_307, %swap3A_308] {strides = array<i32>} : memref<8x128xi32, #tpu.memory_space<vmem>>, vector<16xi32>,
      tpu.vector_store %arg8[%swap3A_307, %swap3A_308], %scan3A_293#9 {strides = array<i32>} : memref<8x128xi32, #tpu.memory_space<vmem>>, vector<16xi32>,
      %swap3A_310 = arith.constant 2 : i32
      %swap3A_311 = arith.index_cast %swap3A_310 : i32 to index
      %swap3A_312 = arith.index_cast %mul3A_86 : i32 to index
      %swap3A_313 = tpu.vector_load %arg7[%swap3A_311, %swap3A_312] {strides = array<i32>} : memref<8x128xf32, #tpu.memory_space<vmem>>, vector<16xf32>,
      tpu.vector_store %arg7[%swap3A_311, %swap3A_312], %scan3A_293#2 {strides = array<i32>} : memref<8x128xf32, #tpu.memory_space<vmem>>, vector<16xf32>,
      %swap3A_314 = arith.constant 2 : i32
      %swap3A_315 = arith.index_cast %swap3A_314 : i32 to index
      %swap3A_316 = arith.index_cast %mul3A_86 : i32 to index
      %swap3A_317 = tpu.vector_load %arg8[%swap3A_315, %swap3A_316] {strides = array<i32>} : memref<8x128xi32, #tpu.memory_space<vmem>>, vector<16xi32>,
      tpu.vector_store %arg8[%swap3A_315, %swap3A_316], %scan3A_293#10 {strides = array<i32>} : memref<8x128xi32, #tpu.memory_space<vmem>>, vector<16xi32>,
      %swap3A_318 = arith.constant 3 : i32
      %swap3A_319 = arith.index_cast %swap3A_318 : i32 to index
      %swap3A_320 = arith.index_cast %mul3A_86 : i32 to index
      %swap3A_321 = tpu.vector_load %arg7[%swap3A_319, %swap3A_320] {strides = array<i32>} : memref<8x128xf32, #tpu.memory_space<vmem>>, vector<16xf32>,
      tpu.vector_store %arg7[%swap3A_319, %swap3A_320], %scan3A_293#3 {strides = array<i32>} : memref<8x128xf32, #tpu.memory_space<vmem>>, vector<16xf32>,
      %swap3A_322 = arith.constant 3 : i32
      %swap3A_323 = arith.index_cast %swap3A_322 : i32 to index
      %swap3A_324 = arith.index_cast %mul3A_86 : i32 to index
      %swap3A_325 = tpu.vector_load %arg8[%swap3A_323, %swap3A_324] {strides = array<i32>} : memref<8x128xi32, #tpu.memory_space<vmem>>, vector<16xi32>,
      tpu.vector_store %arg8[%swap3A_323, %swap3A_324], %scan3A_293#11 {strides = array<i32>} : memref<8x128xi32, #tpu.memory_space<vmem>>, vector<16xi32>,
      %swap3A_326 = arith.constant 4 : i32
      %swap3A_327 = arith.index_cast %swap3A_326 : i32 to index
      %swap3A_328 = arith.index_cast %mul3A_86 : i32 to index
      %swap3A_329 = tpu.vector_load %arg7[%swap3A_327, %swap3A_328] {strides = array<i32>} : memref<8x128xf32, #tpu.memory_space<vmem>>, vector<16xf32>,
      tpu.vector_store %arg7[%swap3A_327, %swap3A_328], %scan3A_293#4 {strides = array<i32>} : memref<8x128xf32, #tpu.memory_space<vmem>>, vector<16xf32>,
      %swap3A_330 = arith.constant 4 : i32
      %swap3A_331 = arith.index_cast %swap3A_330 : i32 to index
      %swap3A_332 = arith.index_cast %mul3A_86 : i32 to index
      %swap3A_333 = tpu.vector_load %arg8[%swap3A_331, %swap3A_332] {strides = array<i32>} : memref<8x128xi32, #tpu.memory_space<vmem>>, vector<16xi32>,
      tpu.vector_store %arg8[%swap3A_331, %swap3A_332], %scan3A_293#12 {strides = array<i32>} : memref<8x128xi32, #tpu.memory_space<vmem>>, vector<16xi32>,
      %swap3A_334 = arith.constant 5 : i32
      %swap3A_335 = arith.index_cast %swap3A_334 : i32 to index
      %swap3A_336 = arith.index_cast %mul3A_86 : i32 to index
      %swap3A_337 = tpu.vector_load %arg7[%swap3A_335, %swap3A_336] {strides = array<i32>} : memref<8x128xf32, #tpu.memory_space<vmem>>, vector<16xf32>,
      tpu.vector_store %arg7[%swap3A_335, %swap3A_336], %scan3A_293#5 {strides = array<i32>} : memref<8x128xf32, #tpu.memory_space<vmem>>, vector<16xf32>,
      %swap3A_338 = arith.constant 5 : i32
      %swap3A_339 = arith.index_cast %swap3A_338 : i32 to index
      %swap3A_340 = arith.index_cast %mul3A_86 : i32 to index
      %swap3A_341 = tpu.vector_load %arg8[%swap3A_339, %swap3A_340] {strides = array<i32>} : memref<8x128xi32, #tpu.memory_space<vmem>>, vector<16xi32>,
      tpu.vector_store %arg8[%swap3A_339, %swap3A_340], %scan3A_293#13 {strides = array<i32>} : memref<8x128xi32, #tpu.memory_space<vmem>>, vector<16xi32>,
      %swap3A_342 = arith.constant 6 : i32
      %swap3A_343 = arith.index_cast %swap3A_342 : i32 to index
      %swap3A_344 = arith.index_cast %mul3A_86 : i32 to index
      %swap3A_345 = tpu.vector_load %arg7[%swap3A_343, %swap3A_344] {strides = array<i32>} : memref<8x128xf32, #tpu.memory_space<vmem>>, vector<16xf32>,
      tpu.vector_store %arg7[%swap3A_343, %swap3A_344], %scan3A_293#6 {strides = array<i32>} : memref<8x128xf32, #tpu.memory_space<vmem>>, vector<16xf32>,
      %swap3A_346 = arith.constant 6 : i32
      %swap3A_347 = arith.index_cast %swap3A_346 : i32 to index
      %swap3A_348 = arith.index_cast %mul3A_86 : i32 to index
      %swap3A_349 = tpu.vector_load %arg8[%swap3A_347, %swap3A_348] {strides = array<i32>} : memref<8x128xi32, #tpu.memory_space<vmem>>, vector<16xi32>,
      tpu.vector_store %arg8[%swap3A_347, %swap3A_348], %scan3A_293#14 {strides = array<i32>} : memref<8x128xi32, #tpu.memory_space<vmem>>, vector<16xi32>,
      %swap3A_350 = arith.constant 7 : i32
      %swap3A_351 = arith.index_cast %swap3A_350 : i32 to index
      %swap3A_352 = arith.index_cast %mul3A_86 : i32 to index
      %swap3A_353 = tpu.vector_load %arg7[%swap3A_351, %swap3A_352] {strides = array<i32>} : memref<8x128xf32, #tpu.memory_space<vmem>>, vector<16xf32>,
      tpu.vector_store %arg7[%swap3A_351, %swap3A_352], %scan3A_293#7 {strides = array<i32>} : memref<8x128xf32, #tpu.memory_space<vmem>>, vector<16xf32>,
      %swap3A_354 = arith.constant 7 : i32
      %swap3A_355 = arith.index_cast %swap3A_354 : i32 to index
      %swap3A_356 = arith.index_cast %mul3A_86 : i32 to index
      %swap3A_357 = tpu.vector_load %arg8[%swap3A_355, %swap3A_356] {strides = array<i32>} : memref<8x128xi32, #tpu.memory_space<vmem>>, vector<16xi32>,
      tpu.vector_store %arg8[%swap3A_355, %swap3A_356], %scan3A_293#15 {strides = array<i32>} : memref<8x128xi32, #tpu.memory_space<vmem>>, vector<16xi32>,
    }
    %scan3A_77 = arith.constant 8 : i32
    %scan3A_78 = arith.constant 0 : i32
    %scan3A_79 = arith.constant 0 : i32
    %scan3A_80 = arith.constant 8 : i32
    %scan3A_81 = arith.addi %scan3A_79, %scan3A_80 : i32
    %scan3A_82 = arith.constant 1 : i32
    scf.for %scan3A_84 = %scan3A_79 to %scan3A_81 step %scan3A_82  : i32 {
      %mul3A_85 = arith.constant 16 : i32
      %mul3A_86 = arith.muli %scan3A_84, %mul3A_85 : i32
      %get3A = arith.constant 0 : i32
      %get3A_87 = arith.index_cast %get3A : i32 to index
      %get3A_88 = arith.index_cast %mul3A_86 : i32 to index
      %get3A_89 = tpu.vector_load %arg7[%get3A_87, %get3A_88] {strides = array<i32>} : memref<8x128xf32, #tpu.memory_space<vmem>>, vector<16xf32>,
      %mul3A_90 = arith.constant 16 : i32
      %mul3A_91 = arith.muli %scan3A_84, %mul3A_90 : i32
      %get3A_92 = arith.constant 1 : i32
      %get3A_93 = arith.index_cast %get3A_92 : i32 to index
      %get3A_94 = arith.index_cast %mul3A_91 : i32 to index
      %get3A_95 = tpu.vector_load %arg7[%get3A_93, %get3A_94] {strides = array<i32>} : memref<8x128xf32, #tpu.memory_space<vmem>>, vector<16xf32>,
      %mul3A_96 = arith.constant 16 : i32
      %mul3A_97 = arith.muli %scan3A_84, %mul3A_96 : i32
      %get3A_98 = arith.constant 2 : i32
      %get3A_99 = arith.index_cast %get3A_98 : i32 to index
      %get3A_100 = arith.index_cast %mul3A_97 : i32 to index
      %get3A_101 = tpu.vector_load %arg7[%get3A_99, %get3A_100] {strides = array<i32>} : memref<8x128xf32, #tpu.memory_space<vmem>>, vector<16xf32>,
      %mul3A_102 = arith.constant 16 : i32
      %mul3A_103 = arith.muli %scan3A_84, %mul3A_102 : i32
      %get3A_104 = arith.constant 3 : i32
      %get3A_105 = arith.index_cast %get3A_104 : i32 to index
      %get3A_106 = arith.index_cast %mul3A_103 : i32 to index
      %get3A_107 = tpu.vector_load %arg7[%get3A_105, %get3A_106] {strides = array<i32>} : memref<8x128xf32, #tpu.memory_space<vmem>>, vector<16xf32>,
      %mul3A_108 = arith.constant 16 : i32
      %mul3A_109 = arith.muli %scan3A_84, %mul3A_108 : i32
      %get3A_110 = arith.constant 4 : i32
      %get3A_111 = arith.index_cast %get3A_110 : i32 to index
      %get3A_112 = arith.index_cast %mul3A_109 : i32 to index
      %get3A_113 = tpu.vector_load %arg7[%get3A_111, %get3A_112] {strides = array<i32>} : memref<8x128xf32, #tpu.memory_space<vmem>>, vector<16xf32>,
      %mul3A_114 = arith.constant 16 : i32
      %mul3A_115 = arith.muli %scan3A_84, %mul3A_114 : i32
      %get3A_116 = arith.constant 5 : i32
      %get3A_117 = arith.index_cast %get3A_116 : i32 to index
      %get3A_118 = arith.index_cast %mul3A_115 : i32 to index
      %get3A_119 = tpu.vector_load %arg7[%get3A_117, %get3A_118] {strides = array<i32>} : memref<8x128xf32, #tpu.memory_space<vmem>>, vector<16xf32>,
      %mul3A_120 = arith.constant 16 : i32
      %mul3A_121 = arith.muli %scan3A_84, %mul3A_120 : i32
      %get3A_122 = arith.constant 6 : i32
      %get3A_123 = arith.index_cast %get3A_122 : i32 to index
      %get3A_124 = arith.index_cast %mul3A_121 : i32 to index
      %get3A_125 = tpu.vector_load %arg7[%get3A_123, %get3A_124] {strides = array<i32>} : memref<8x128xf32, #tpu.memory_space<vmem>>, vector<16xf32>,
      %mul3A_126 = arith.constant 16 : i32
      %mul3A_127 = arith.muli %scan3A_84, %mul3A_126 : i32
      %get3A_128 = arith.constant 7 : i32
      %get3A_129 = arith.index_cast %get3A_128 : i32 to index
      %get3A_130 = arith.index_cast %mul3A_127 : i32 to index
      %get3A_131 = tpu.vector_load %arg7[%get3A_129, %get3A_130] {strides = array<i32>} : memref<8x128xf32, #tpu.memory_space<vmem>>, vector<16xf32>,
      %mul3A_132 = arith.constant 16 : i32
      %mul3A_133 = arith.muli %scan3A_84, %mul3A_132 : i32
      %get3A_134 = arith.constant 0 : i32
      %get3A_135 = arith.index_cast %get3A_134 : i32 to index
      %get3A_136 = arith.index_cast %mul3A_133 : i32 to index
      %get3A_137 = tpu.vector_load %arg8[%get3A_135, %get3A_136] {strides = array<i32>} : memref<8x128xi32, #tpu.memory_space<vmem>>, vector<16xi32>,
      %mul3A_138 = arith.constant 16 : i32
      %mul3A_139 = arith.muli %scan3A_84, %mul3A_138 : i32
      %get3A_140 = arith.constant 1 : i32
      %get3A_141 = arith.index_cast %get3A_140 : i32 to index
      %get3A_142 = arith.index_cast %mul3A_139 : i32 to index
      %get3A_143 = tpu.vector_load %arg8[%get3A_141, %get3A_142] {strides = array<i32>} : memref<8x128xi32, #tpu.memory_space<vmem>>, vector<16xi32>,
      %mul3A_144 = arith.constant 16 : i32
      %mul3A_145 = arith.muli %scan3A_84, %mul3A_144 : i32
      %get3A_146 = arith.constant 2 : i32
      %get3A_147 = arith.index_cast %get3A_146 : i32 to index
      %get3A_148 = arith.index_cast %mul3A_145 : i32 to index
      %get3A_149 = tpu.vector_load %arg8[%get3A_147, %get3A_148] {strides = array<i32>} : memref<8x128xi32, #tpu.memory_space<vmem>>, vector<16xi32>,
      %mul3A_150 = arith.constant 16 : i32
      %mul3A_151 = arith.muli %scan3A_84, %mul3A_150 : i32
      %get3A_152 = arith.constant 3 : i32
      %get3A_153 = arith.index_cast %get3A_152 : i32 to index
      %get3A_154 = arith.index_cast %mul3A_151 : i32 to index
      %get3A_155 = tpu.vector_load %arg8[%get3A_153, %get3A_154] {strides = array<i32>} : memref<8x128xi32, #tpu.memory_space<vmem>>, vector<16xi32>,
      %mul3A_156 = arith.constant 16 : i32
      %mul3A_157 = arith.muli %scan3A_84, %mul3A_156 : i32
      %get3A_158 = arith.constant 4 : i32
      %get3A_159 = arith.index_cast %get3A_158 : i32 to index
      %get3A_160 = arith.index_cast %mul3A_157 : i32 to index
      %get3A_161 = tpu.vector_load %arg8[%get3A_159, %get3A_160] {strides = array<i32>} : memref<8x128xi32, #tpu.memory_space<vmem>>, vector<16xi32>,
      %mul3A_162 = arith.constant 16 : i32
      %mul3A_163 = arith.muli %scan3A_84, %mul3A_162 : i32
      %get3A_164 = arith.constant 5 : i32
      %get3A_165 = arith.index_cast %get3A_164 : i32 to index
      %get3A_166 = arith.index_cast %mul3A_163 : i32 to index
      %get3A_167 = tpu.vector_load %arg8[%get3A_165, %get3A_166] {strides = array<i32>} : memref<8x128xi32, #tpu.memory_space<vmem>>, vector<16xi32>,
      %mul3A_168 = arith.constant 16 : i32
      %mul3A_169 = arith.muli %scan3A_84, %mul3A_168 : i32
      %get3A_170 = arith.constant 6 : i32
      %get3A_171 = arith.index_cast %get3A_170 : i32 to index
      %get3A_172 = arith.index_cast %mul3A_169 : i32 to index
      %get3A_173 = tpu.vector_load %arg8[%get3A_171, %get3A_172] {strides = array<i32>} : memref<8x128xi32, #tpu.memory_space<vmem>>, vector<16xi32>,
      %mul3A_174 = arith.constant 16 : i32
      %mul3A_175 = arith.muli %scan3A_84, %mul3A_174 : i32
      %get3A_176 = arith.constant 7 : i32
      %get3A_177 = arith.index_cast %get3A_176 : i32 to index
      %get3A_178 = arith.index_cast %mul3A_175 : i32 to index
      %get3A_179 = tpu.vector_load %arg8[%get3A_177, %get3A_178] {strides = array<i32>} : memref<8x128xi32, #tpu.memory_space<vmem>>, vector<16xi32>,
      %gt3A = arith.cmpi sgt, %get3A_137, %get3A_143 : vector<16xi32>
      %select_n3A_180 = arith.select %gt3A, %get3A_143, %get3A_137 : vector<16xi1>, vector<16xi32>
      %select_n3A_181 = arith.select %gt3A, %get3A_137, %get3A_143 : vector<16xi1>, vector<16xi32>
      %select_n3A_182 = arith.select %gt3A, %get3A_95, %get3A_89 : vector<16xi1>, vector<16xf32>
      %select_n3A_183 = arith.select %gt3A, %get3A_89, %get3A_95 : vector<16xi1>, vector<16xf32>
      %gt3A_184 = arith.cmpi sgt, %get3A_149, %get3A_155 : vector<16xi32>
      %select_n3A_185 = arith.select %gt3A_184, %get3A_155, %get3A_149 : vector<16xi1>, vector<16xi32>
      %select_n3A_186 = arith.select %gt3A_184, %get3A_149, %get3A_155 : vector<16xi1>, vector<16xi32>
      %select_n3A_187 = arith.select %gt3A_184, %get3A_107, %get3A_101 : vector<16xi1>, vector<16xf32>
      %select_n3A_188 = arith.select %gt3A_184, %get3A_101, %get3A_107 : vector<16xi1>, vector<16xf32>
      %gt3A_189 = arith.cmpi sgt, %get3A_161, %get3A_167 : vector<16xi32>
      %select_n3A_190 = arith.select %gt3A_189, %get3A_167, %get3A_161 : vector<16xi1>, vector<16xi32>
      %select_n3A_191 = arith.select %gt3A_189, %get3A_161, %get3A_167 : vector<16xi1>, vector<16xi32>
      %select_n3A_192 = arith.select %gt3A_189, %get3A_119, %get3A_113 : vector<16xi1>, vector<16xf32>
      %select_n3A_193 = arith.select %gt3A_189, %get3A_113, %get3A_119 : vector<16xi1>, vector<16xf32>
      %gt3A_194 = arith.cmpi sgt, %get3A_173, %get3A_179 : vector<16xi32>
      %select_n3A_195 = arith.select %gt3A_194, %get3A_179, %get3A_173 : vector<16xi1>, vector<16xi32>
      %select_n3A_196 = arith.select %gt3A_194, %get3A_173, %get3A_179 : vector<16xi1>, vector<16xi32>
      %select_n3A_197 = arith.select %gt3A_194, %get3A_131, %get3A_125 : vector<16xi1>, vector<16xf32>
      %select_n3A_198 = arith.select %gt3A_194, %get3A_125, %get3A_131 : vector<16xi1>, vector<16xf32>
      %gt3A_199 = arith.cmpi sgt, %select_n3A_180, %select_n3A_185 : vector<16xi32>
      %select_n3A_200 = arith.select %gt3A_199, %select_n3A_185, %select_n3A_180 : vector<16xi1>, vector<16xi32>
      %select_n3A_201 = arith.select %gt3A_199, %select_n3A_180, %select_n3A_185 : vector<16xi1>, vector<16xi32>
      %select_n3A_202 = arith.select %gt3A_199, %select_n3A_187, %select_n3A_182 : vector<16xi1>, vector<16xf32>
      %select_n3A_203 = arith.select %gt3A_199, %select_n3A_182, %select_n3A_187 : vector<16xi1>, vector<16xf32>
      %gt3A_204 = arith.cmpi sgt, %select_n3A_181, %select_n3A_186 : vector<16xi32>
      %select_n3A_205 = arith.select %gt3A_204, %select_n3A_186, %select_n3A_181 : vector<16xi1>, vector<16xi32>
      %select_n3A_206 = arith.select %gt3A_204, %select_n3A_181, %select_n3A_186 : vector<16xi1>, vector<16xi32>
      %select_n3A_207 = arith.select %gt3A_204, %select_n3A_188, %select_n3A_183 : vector<16xi1>, vector<16xf32>
      %select_n3A_208 = arith.select %gt3A_204, %select_n3A_183, %select_n3A_188 : vector<16xi1>, vector<16xf32>
      %gt3A_209 = arith.cmpi sgt, %select_n3A_190, %select_n3A_195 : vector<16xi32>
      %select_n3A_210 = arith.select %gt3A_209, %select_n3A_195, %select_n3A_190 : vector<16xi1>, vector<16xi32>
      %select_n3A_211 = arith.select %gt3A_209, %select_n3A_190, %select_n3A_195 : vector<16xi1>, vector<16xi32>
      %select_n3A_212 = arith.select %gt3A_209, %select_n3A_197, %select_n3A_192 : vector<16xi1>, vector<16xf32>
      %select_n3A_213 = arith.select %gt3A_209, %select_n3A_192, %select_n3A_197 : vector<16xi1>, vector<16xf32>
      %gt3A_214 = arith.cmpi sgt, %select_n3A_191, %select_n3A_196 : vector<16xi32>
      %select_n3A_215 = arith.select %gt3A_214, %select_n3A_196, %select_n3A_191 : vector<16xi1>, vector<16xi32>
      %select_n3A_216 = arith.select %gt3A_214, %select_n3A_191, %select_n3A_196 : vector<16xi1>, vector<16xi32>
      %select_n3A_217 = arith.select %gt3A_214, %select_n3A_198, %select_n3A_193 : vector<16xi1>, vector<16xf32>
      %select_n3A_218 = arith.select %gt3A_214, %select_n3A_193, %select_n3A_198 : vector<16xi1>, vector<16xf32>
      %gt3A_219 = arith.cmpi sgt, %select_n3A_205, %select_n3A_201 : vector<16xi32>
      %select_n3A_220 = arith.select %gt3A_219, %select_n3A_201, %select_n3A_205 : vector<16xi1>, vector<16xi32>
      %select_n3A_221 = arith.select %gt3A_219, %select_n3A_205, %select_n3A_201 : vector<16xi1>, vector<16xi32>
      %select_n3A_222 = arith.select %gt3A_219, %select_n3A_203, %select_n3A_207 : vector<16xi1>, vector<16xf32>
      %select_n3A_223 = arith.select %gt3A_219, %select_n3A_207, %select_n3A_203 : vector<16xi1>, vector<16xf32>
      %gt3A_224 = arith.cmpi sgt, %select_n3A_215, %select_n3A_211 : vector<16xi32>
      %select_n3A_225 = arith.select %gt3A_224, %select_n3A_211, %select_n3A_215 : vector<16xi1>, vector<16xi32>
      %select_n3A_226 = arith.select %gt3A_224, %select_n3A_215, %select_n3A_211 : vector<16xi1>, vector<16xi32>
      %select_n3A_227 = arith.select %gt3A_224, %select_n3A_213, %select_n3A_217 : vector<16xi1>, vector<16xf32>
      %select_n3A_228 = arith.select %gt3A_224, %select_n3A_217, %select_n3A_213 : vector<16xi1>, vector<16xf32>
      %gt3A_229 = arith.cmpi sgt, %select_n3A_200, %select_n3A_210 : vector<16xi32>
      %select_n3A_230 = arith.select %gt3A_229, %select_n3A_210, %select_n3A_200 : vector<16xi1>, vector<16xi32>
      %select_n3A_231 = arith.select %gt3A_229, %select_n3A_200, %select_n3A_210 : vector<16xi1>, vector<16xi32>
      %select_n3A_232 = arith.select %gt3A_229, %select_n3A_212, %select_n3A_202 : vector<16xi1>, vector<16xf32>
      %select_n3A_233 = arith.select %gt3A_229, %select_n3A_202, %select_n3A_212 : vector<16xi1>, vector<16xf32>
      %gt3A_234 = arith.cmpi sgt, %select_n3A_220, %select_n3A_225 : vector<16xi32>
      %select_n3A_235 = arith.select %gt3A_234, %select_n3A_225, %select_n3A_220 : vector<16xi1>, vector<16xi32>
      %select_n3A_236 = arith.select %gt3A_234, %select_n3A_220, %select_n3A_225 : vector<16xi1>, vector<16xi32>
      %select_n3A_237 = arith.select %gt3A_234, %select_n3A_227, %select_n3A_222 : vector<16xi1>, vector<16xf32>
      %select_n3A_238 = arith.select %gt3A_234, %select_n3A_222, %select_n3A_227 : vector<16xi1>, vector<16xf32>
      %gt3A_239 = arith.cmpi sgt, %select_n3A_221, %select_n3A_226 : vector<16xi32>
      %select_n3A_240 = arith.select %gt3A_239, %select_n3A_226, %select_n3A_221 : vector<16xi1>, vector<16xi32>
      %select_n3A_241 = arith.select %gt3A_239, %select_n3A_221, %select_n3A_226 : vector<16xi1>, vector<16xi32>
      %select_n3A_242 = arith.select %gt3A_239, %select_n3A_228, %select_n3A_223 : vector<16xi1>, vector<16xf32>
      %select_n3A_243 = arith.select %gt3A_239, %select_n3A_223, %select_n3A_228 : vector<16xi1>, vector<16xf32>
      %gt3A_244 = arith.cmpi sgt, %select_n3A_206, %select_n3A_216 : vector<16xi32>
      %select_n3A_245 = arith.select %gt3A_244, %select_n3A_216, %select_n3A_206 : vector<16xi1>, vector<16xi32>
      %select_n3A_246 = arith.select %gt3A_244, %select_n3A_206, %select_n3A_216 : vector<16xi1>, vector<16xi32>
      %select_n3A_247 = arith.select %gt3A_244, %select_n3A_218, %select_n3A_208 : vector<16xi1>, vector<16xf32>
      %select_n3A_248 = arith.select %gt3A_244, %select_n3A_208, %select_n3A_218 : vector<16xi1>, vector<16xf32>
      %gt3A_249 = arith.cmpi sgt, %select_n3A_240, %select_n3A_231 : vector<16xi32>
      %select_n3A_250 = arith.select %gt3A_249, %select_n3A_231, %select_n3A_240 : vector<16xi1>, vector<16xi32>
      %select_n3A_251 = arith.select %gt3A_249, %select_n3A_240, %select_n3A_231 : vector<16xi1>, vector<16xi32>
      %select_n3A_252 = arith.select %gt3A_249, %select_n3A_233, %select_n3A_242 : vector<16xi1>, vector<16xf32>
      %select_n3A_253 = arith.select %gt3A_249, %select_n3A_242, %select_n3A_233 : vector<16xi1>, vector<16xf32>
      %gt3A_254 = arith.cmpi sgt, %select_n3A_245, %select_n3A_236 : vector<16xi32>
      %select_n3A_255 = arith.select %gt3A_254, %select_n3A_236, %select_n3A_245 : vector<16xi1>, vector<16xi32>
      %select_n3A_256 = arith.select %gt3A_254, %select_n3A_245, %select_n3A_236 : vector<16xi1>, vector<16xi32>
      %select_n3A_257 = arith.select %gt3A_254, %select_n3A_238, %select_n3A_247 : vector<16xi1>, vector<16xf32>
      %select_n3A_258 = arith.select %gt3A_254, %select_n3A_247, %select_n3A_238 : vector<16xi1>, vector<16xf32>
      %gt3A_259 = arith.cmpi sgt, %select_n3A_235, %select_n3A_250 : vector<16xi32>
      %select_n3A_260 = arith.select %gt3A_259, %select_n3A_250, %select_n3A_235 : vector<16xi1>, vector<16xi32>
      %select_n3A_261 = arith.select %gt3A_259, %select_n3A_235, %select_n3A_250 : vector<16xi1>, vector<16xi32>
      %select_n3A_262 = arith.select %gt3A_259, %select_n3A_252, %select_n3A_237 : vector<16xi1>, vector<16xf32>
      %select_n3A_263 = arith.select %gt3A_259, %select_n3A_237, %select_n3A_252 : vector<16xi1>, vector<16xf32>
      %gt3A_264 = arith.cmpi sgt, %select_n3A_255, %select_n3A_251 : vector<16xi32>
      %select_n3A_265 = arith.select %gt3A_264, %select_n3A_251, %select_n3A_255 : vector<16xi1>, vector<16xi32>
      %select_n3A_266 = arith.select %gt3A_264, %select_n3A_255, %select_n3A_251 : vector<16xi1>, vector<16xi32>
      %select_n3A_267 = arith.select %gt3A_264, %select_n3A_253, %select_n3A_257 : vector<16xi1>, vector<16xf32>
      %select_n3A_268 = arith.select %gt3A_264, %select_n3A_257, %select_n3A_253 : vector<16xi1>, vector<16xf32>
      %gt3A_269 = arith.cmpi sgt, %select_n3A_256, %select_n3A_241 : vector<16xi32>
      %select_n3A_270 = arith.select %gt3A_269, %select_n3A_241, %select_n3A_256 : vector<16xi1>, vector<16xi32>
      %select_n3A_271 = arith.select %gt3A_269, %select_n3A_256, %select_n3A_241 : vector<16xi1>, vector<16xi32>
      %select_n3A_272 = arith.select %gt3A_269, %select_n3A_243, %select_n3A_258 : vector<16xi1>, vector<16xf32>
      %select_n3A_273 = arith.select %gt3A_269, %select_n3A_258, %select_n3A_243 : vector<16xi1>, vector<16xf32>
      %mul3A_274 = arith.constant 16 : i32
      %mul3A_275 = arith.muli %scan3A_84, %mul3A_274 : i32
      %swap3A = arith.constant 0 : i32
      %swap3A_276 = arith.index_cast %swap3A : i32 to index
      %swap3A_277 = arith.index_cast %mul3A_275 : i32 to index
      %swap3A_278 = tpu.vector_load %arg9[%swap3A_276, %swap3A_277] {strides = array<i32>} : memref<8x128xf32, #tpu.memory_space<vmem>>, vector<16xf32>,
      tpu.vector_store %arg9[%swap3A_276, %swap3A_277], %select_n3A_232 {strides = array<i32>} : memref<8x128xf32, #tpu.memory_space<vmem>>, vector<16xf32>,
      %mul3A_279 = arith.constant 16 : i32
      %mul3A_280 = arith.muli %scan3A_84, %mul3A_279 : i32
      %swap3A_281 = arith.constant 1 : i32
      %swap3A_282 = arith.index_cast %swap3A_281 : i32 to index
      %swap3A_283 = arith.index_cast %mul3A_280 : i32 to index
      %swap3A_284 = tpu.vector_load %arg9[%swap3A_282, %swap3A_283] {strides = array<i32>} : memref<8x128xf32, #tpu.memory_space<vmem>>, vector<16xf32>,
      tpu.vector_store %arg9[%swap3A_282, %swap3A_283], %select_n3A_262 {strides = array<i32>} : memref<8x128xf32, #tpu.memory_space<vmem>>, vector<16xf32>,
      %mul3A_285 = arith.constant 16 : i32
      %mul3A_286 = arith.muli %scan3A_84, %mul3A_285 : i32
      %swap3A_287 = arith.constant 2 : i32
      %swap3A_288 = arith.index_cast %swap3A_287 : i32 to index
      %swap3A_289 = arith.index_cast %mul3A_286 : i32 to index
      %swap3A_290 = tpu.vector_load %arg9[%swap3A_288, %swap3A_289] {strides = array<i32>} : memref<8x128xf32, #tpu.memory_space<vmem>>, vector<16xf32>,
      tpu.vector_store %arg9[%swap3A_288, %swap3A_289], %select_n3A_263 {strides = array<i32>} : memref<8x128xf32, #tpu.memory_space<vmem>>, vector<16xf32>,
      %mul3A_291 = arith.constant 16 : i32
      %mul3A_292 = arith.muli %scan3A_84, %mul3A_291 : i32
      %swap3A_293 = arith.constant 3 : i32
      %swap3A_294 = arith.index_cast %swap3A_293 : i32 to index
      %swap3A_295 = arith.index_cast %mul3A_292 : i32 to index
      %swap3A_296 = tpu.vector_load %arg9[%swap3A_294, %swap3A_295] {strides = array<i32>} : memref<8x128xf32, #tpu.memory_space<vmem>>, vector<16xf32>,
      tpu.vector_store %arg9[%swap3A_294, %swap3A_295], %select_n3A_267 {strides = array<i32>} : memref<8x128xf32, #tpu.memory_space<vmem>>, vector<16xf32>,
      %mul3A_297 = arith.constant 16 : i32
      %mul3A_298 = arith.muli %scan3A_84, %mul3A_297 : i32
      %swap3A_299 = arith.constant 4 : i32
      %swap3A_300 = arith.index_cast %swap3A_299 : i32 to index
      %swap3A_301 = arith.index_cast %mul3A_298 : i32 to index
      %swap3A_302 = tpu.vector_load %arg9[%swap3A_300, %swap3A_301] {strides = array<i32>} : memref<8x128xf32, #tpu.memory_space<vmem>>, vector<16xf32>,
      tpu.vector_store %arg9[%swap3A_300, %swap3A_301], %select_n3A_268 {strides = array<i32>} : memref<8x128xf32, #tpu.memory_space<vmem>>, vector<16xf32>,
      %mul3A_303 = arith.constant 16 : i32
      %mul3A_304 = arith.muli %scan3A_84, %mul3A_303 : i32
      %swap3A_305 = arith.constant 5 : i32
      %swap3A_306 = arith.index_cast %swap3A_305 : i32 to index
      %swap3A_307 = arith.index_cast %mul3A_304 : i32 to index
      %swap3A_308 = tpu.vector_load %arg9[%swap3A_306, %swap3A_307] {strides = array<i32>} : memref<8x128xf32, #tpu.memory_space<vmem>>, vector<16xf32>,
      tpu.vector_store %arg9[%swap3A_306, %swap3A_307], %select_n3A_272 {strides = array<i32>} : memref<8x128xf32, #tpu.memory_space<vmem>>, vector<16xf32>,
      %mul3A_309 = arith.constant 16 : i32
      %mul3A_310 = arith.muli %scan3A_84, %mul3A_309 : i32
      %swap3A_311 = arith.constant 6 : i32
      %swap3A_312 = arith.index_cast %swap3A_311 : i32 to index
      %swap3A_313 = arith.index_cast %mul3A_310 : i32 to index
      %swap3A_314 = tpu.vector_load %arg9[%swap3A_312, %swap3A_313] {strides = array<i32>} : memref<8x128xf32, #tpu.memory_space<vmem>>, vector<16xf32>,
      tpu.vector_store %arg9[%swap3A_312, %swap3A_313], %select_n3A_273 {strides = array<i32>} : memref<8x128xf32, #tpu.memory_space<vmem>>, vector<16xf32>,
      %mul3A_315 = arith.constant 16 : i32
      %mul3A_316 = arith.muli %scan3A_84, %mul3A_315 : i32
      %swap3A_317 = arith.constant 7 : i32
      %swap3A_318 = arith.index_cast %swap3A_317 : i32 to index
      %swap3A_319 = arith.index_cast %mul3A_316 : i32 to index
      %swap3A_320 = tpu.vector_load %arg9[%swap3A_318, %swap3A_319] {strides = array<i32>} : memref<8x128xf32, #tpu.memory_space<vmem>>, vector<16xf32>,
      tpu.vector_store %arg9[%swap3A_318, %swap3A_319], %select_n3A_248 {strides = array<i32>} : memref<8x128xf32, #tpu.memory_space<vmem>>, vector<16xf32>,
    }
    %scan3A_83 = arith.constant 8 : i32
    "tpu.region"() ({
      %run_scoped3A = tpu.sem_alloc : memref<!tpu.dma_semaphore, #tpu.memory_space<semaphore_mem>>
      %dma_start3A_84 = arith.constant 0 : i32
      %dma_start3A_85 = tpu.memref_slice %arg3[%select_n3A, %dma_start3A_84, %mul3A_32] : memref<4x8x1024xf32, #tpu.memory_space<hbm>> -> memref<1x8x128xf32, #tpu.memory_space<hbm>>
      %dma_start3A_86 = tpu.memref_squeeze %dma_start3A_85 : memref<1x8x128xf32, #tpu.memory_space<hbm>> -> memref<8x128xf32, #tpu.memory_space<hbm>>
      %dma_start3A_87 = arith.constant 0 : i32
      %dma_start3A_88 = tpu.memref_slice %arg3[%select_n3A, %dma_start3A_87, %mul3A_32] : memref<4x8x1024xf32, #tpu.memory_space<hbm>> -> memref<1x8x128xf32, #tpu.memory_space<hbm>>
      %dma_start3A_89 = tpu.memref_squeeze %dma_start3A_88 : memref<1x8x128xf32, #tpu.memory_space<hbm>> -> memref<8x128xf32, #tpu.memory_space<hbm>>
      tpu.enqueue_dma source(%arg9 : memref<8x128xf32, #tpu.memory_space<vmem>>) target(%dma_start3A_89 : memref<8x128xf32, #tpu.memory_space<hbm>>) target_semaphore(%run_scoped3A : memref<!tpu.dma_semaphore, #tpu.memory_space<semaphore_mem>>)
      %dma_wait3A_90 = arith.constant 0 : i32
      %dma_wait3A_91 = tpu.memref_slice %arg3[%select_n3A, %dma_wait3A_90, %mul3A_32] : memref<4x8x1024xf32, #tpu.memory_space<hbm>> -> memref<1x8x128xf32, #tpu.memory_space<hbm>>
      %dma_wait3A_92 = tpu.memref_squeeze %dma_wait3A_91 : memref<1x8x128xf32, #tpu.memory_space<hbm>> -> memref<8x128xf32, #tpu.memory_space<hbm>>
      %dma_wait3A_93 = arith.constant 0 : i32
      %dma_wait3A_94 = tpu.memref_slice %arg3[%select_n3A, %dma_wait3A_93, %mul3A_32] : memref<4x8x1024xf32, #tpu.memory_space<hbm>> -> memref<1x8x128xf32, #tpu.memory_space<hbm>>
      %dma_wait3A_95 = tpu.memref_squeeze %dma_wait3A_94 : memref<1x8x128xf32, #tpu.memory_space<hbm>> -> memref<8x128xf32, #tpu.memory_space<hbm>>
      tpu.wait_dma2 semaphore(%run_scoped3A : memref<!tpu.dma_semaphore, #tpu.memory_space<semaphore_mem>>) src(%arg9 : memref<8x128xf32, #tpu.memory_space<vmem>>) dst(%dma_wait3A_95 : memref<8x128xf32, #tpu.memory_space<hbm>>)
      tpu.yield
    }) : () -> ()
    return
  }
}

</mosaic_0001>

<sc_bundles>
// kernel: _kmax.3.cloned.1.call-start
scs
__scs_entry_jumppad:
0x0: {  	(pc) =	sbr.rel $0x88, $3  }
0x1: {  	(tag) =	ssettag $0x0;
	lr =	simm.s32 $0x1  }
0x2: {  	[smem:$0x3FA0] =	sst lr;
	_ =	strace $0xD0000000  }
0x3: {  	_ = 	snop  }
0x4: {  	_ = 	snop  }
0x5: {  	_ = 	snop  }
0x6: {  	_ = 	snop  }
0x7: {  	_ = 	snop  }
__scs_overlays_trampoline_lowered:
0x8: {  	[smem:$0x3FAF] =	sst s0  }
0x9: {  	[smem:$0x3FB0] =	sst s1  }
0xa: {  	[smem:$0x3FB1] =	sst s2  }
0xb: {  	[smem:$0x3FB2] =	sst s3  }
0xc: {  	[smem:$0x3FB3] =	sst s4  }
0xd: {  	[smem:$0x3FB4] =	sst s5  }
0xe: {  	[smem:$0x3FB5] =	sst s6  }
0xf: {  	[smem:$0x3FB6] =	sst s7  }
0x10: {  	[smem:$0x3FB7] =	sst s8  }
0x11: {  	[smem:$0x3FB8] =	sst s9;
	s0 =	simm.s32 @!p0 $0x0  }
0x12: {  	s1 =	sld [smem:$0x3F9E];
	s0 =	simm.s32 @p0 $0x1  }
0x13: {  	[smem:$0x3FB9] =	sst s0;
	s0 =	simm.s32 @!p1 $0x0  }
0x14: {  	s2 =	sld [smem:$0x3F9D];
	s0 =	simm.s32 @p1 $0x1  }
0x15: {  	[smem:$0x3FBA] =	sst s0;
	s0 =	simm.s32 @!p2 $0x0  }
0x16: {  	s3 =	sld [smem:$0x3FDB];
	s0 =	simm.s32 @p2 $0x1  }
0x17: {  	s4 =	simm.s32 $0x1BF5;
	[smem:$0x3FBC] =	sst s0  }
0x18: {  	s0 =	sld [smem:$0x3F9F];
	_ =	swait.ge [sflag:s4], $0x0  }
0x19: {  	s7 =	sld [smem:$0x3FA0]  }
0x1a: {  	s8 =	sadd.s32 $0xFFFFE003, lr  }
0x1b: {  	s9 =	sadd.s32 $0xFFFFFEF7, lr;
	s5 =	simm.s32 $0xFFFFFFFF;
	p2 =	slt.u32 s8, $0xFFFFF086  }
0x1c: {  	p1 =	slt.u32 s9, $0xF7A;
	s5 =	simm.s32 @!p2 $0x0  }
0x1d: {  	s5 =	simm.s32 @p1 $0x1;
	p0 =	seq.s32 s7, s2  }
0x1e: {  	s7 =	smul.u32 @!p0 $0xF7A, s2;
	p2 =	seq.s32 @!p0 s5, $0x0  }
0x1f: {  	s9 =	smul.u32 $0xF7A, s1;
	s8 =	simm.s32 @!p0 $0x1BF5;
	p2 =	por !p2, p0  }
0x20: {  	[sflag:s8] =	ssyncset.s32 @!p0 $0xFFFFF086;
	s6 =	sadd.s32 @!p0 s3, s7;
	s7 =	simm.s32 @!p0 $0x108  }
0x21: {  	s3 =	sadd.s32 s3, s9;
	s6 =	sadd.s32 @!p0 $0x88, s6;
	s7 =	simm.s32 @p2 $0x1082  }
0x22: {  	[simem:s7], [sflag:s8] =	dma.local @!p0 [hbm:s6], $0xF7A  }
0x23: {  	s9 =	sor.u32 $0xD0000000, s2;
	s6 =	simm.s32 $0x108;
	_ =	swait.ge @!p0 [sflag:s8], $0x0  }
0x24: {  	s3 =	sadd.s32 $0x88, s3;
	s6 =	simm.s32 @!p1 $0x1082;
	[sflag:s4] =	ssyncset.s32 $0xFFFFF086  }
0x25: {  	[simem:s6], [sflag:s4] =	dma.local [hbm:s3], $0xF7A  }
0x26: {  	[smem:$0x3FA0] =	sst s1;
	(tag) =	ssettag s2;
	_ =	strace s9  }
0x27: {  	s1 =	sld [smem:$0x3FB0]  }
0x28: {  	s2 =	sld [smem:$0x3FB1]  }
0x29: {  	s4 =	sld [smem:$0x3FB3]  }
0x2a: {  	p0 =	seq.s32 s5, $0x0;
	s5 =	sld [smem:$0x3FB4]  }
0x2b: {  	s6 =	sld [smem:$0x3FB5]  }
0x2c: {  	s7 =	sld [smem:$0x3FB6]  }
0x2d: {  	s3 =	simm.s32 $0x108;
	s8 =	sld [smem:$0x3FB7]  }
0x2e: {  	s3 =	simm.s32 @!p0 $0x1082;
	s9 =	sld [smem:$0x3FB8]  }
0x2f: {  	lr =	sadd.s32 s0, s3;
	s0 =	sld [smem:$0x3FAF]  }
0x30: {  	s3 =	sld [smem:$0x3FB2]  }
0x31: {  	[smem:$0x3FBB] =	sst s10  }
0x32: {  	s10 =	sld [smem:$0x3FB9];
	_ =	sdelay $0x3  }
0x33: {  	p0 =	seq.s32 s10, $0x1;
	s10 =	sld [smem:$0x3FBB];
	_ =	sdelay $0x3  }
0x34: {  	[smem:$0x3FBB] =	sst s10  }
0x35: {  	s10 =	sld [smem:$0x3FBA];
	_ =	sdelay $0x3  }
0x36: {  	p1 =	seq.s32 s10, $0x1;
	s10 =	sld [smem:$0x3FBB];
	_ =	sdelay $0x3  }
0x37: {  	[smem:$0x3FBB] =	sst s10  }
0x38: {  	s10 =	sld [smem:$0x3FBC]  }
0x39: {  	_ = 	snop;
	(pc) =	sbr.ind lr, $3  }
0x3a: {  	_ = 	snop  }
0x3b: {  	_ = 	snop  }
0x3c: {  	p2 =	seq.s32 s10, $0x1;
	s10 =	sld [smem:$0x3FBB]  }
0x3d: {  	_ =	shalt  }
0x3e: {  	_ =	shalt  }
0x3f: {  	_ =	shalt  }
0x40: {  	_ =	shalt  }
0x41: {  	_ =	shalt  }
0x42: {  	_ =	shalt  }
0x43: {  	_ =	shalt  }
0x44: {  	_ =	shalt  }
0x45: {  	_ =	shalt  }
0x46: {  	_ =	shalt  }
0x47: {  	_ =	shalt  }
0x48: {  	_ =	shalt  }
0x49: {  	_ =	shalt  }
0x4a: {  	_ =	shalt  }
0x4b: {  	_ =	shalt  }
0x4c: {  	_ =	shalt  }
0x4d: {  	_ =	shalt  }
0x4e: {  	_ =	shalt  }
0x4f: {  	_ =	shalt  }
0x50: {  	_ =	shalt  }
0x51: {  	_ =	shalt  }
0x52: {  	_ =	shalt  }
0x53: {  	_ =	shalt  }
0x54: {  	_ =	shalt  }
0x55: {  	_ =	shalt  }
0x56: {  	_ =	shalt  }
0x57: {  	_ =	shalt  }
0x58: {  	_ =	shalt  }
0x59: {  	_ =	shalt  }
0x5a: {  	_ =	shalt  }
0x5b: {  	_ =	shalt  }
0x5c: {  	_ =	shalt  }
0x5d: {  	_ =	shalt  }
0x5e: {  	_ =	shalt  }
0x5f: {  	_ =	shalt  }
0x60: {  	_ =	shalt  }
0x61: {  	_ =	shalt  }
0x62: {  	_ =	shalt  }
0x63: {  	_ =	shalt  }
0x64: {  	_ =	shalt  }
0x65: {  	_ =	shalt  }
0x66: {  	_ =	shalt  }
0x67: {  	_ =	shalt  }
0x68: {  	_ =	shalt  }
0x69: {  	_ =	shalt  }
0x6a: {  	_ =	shalt  }
0x6b: {  	_ =	shalt  }
0x6c: {  	_ =	shalt  }
0x6d: {  	_ =	shalt  }
0x6e: {  	_ =	shalt  }
0x6f: {  	_ =	shalt  }
0x70: {  	_ =	shalt  }
0x71: {  	_ =	shalt  }
0x72: {  	_ =	shalt  }
0x73: {  	_ =	shalt  }
0x74: {  	_ =	shalt  }
0x75: {  	_ =	shalt  }
0x76: {  	_ =	shalt  }
0x77: {  	_ =	shalt  }
0x78: {  	_ =	shalt  }
0x79: {  	_ =	shalt  }
0x7a: {  	_ =	shalt  }
0x7b: {  	_ =	shalt  }
0x7c: {  	_ =	shalt  }
0x7d: {  	_ =	shalt  }
0x7e: {  	_ =	shalt  }
0x7f: {  	_ =	shalt  }
0x80: {  	_ =	shalt  }
0x81: {  	_ =	shalt  }
0x82: {  	_ =	shalt  }
0x83: {  	_ =	shalt  }
0x84: {  	_ =	shalt  }
0x85: {  	_ =	shalt  }
0x86: {  	_ =	shalt  }
0x87: {  	_ =	shalt  }
.Lfunc_end0:
.L_simem_size_0:
called_computation_lowered:
.L_overlay_start_0:
0x88: {  	s2 =	sld [smem:$0x3FD9]  }
0x89: {  	s3 =	sld [smem:$0x3FFE];
	_ =	sdelay $0x1  }
0x8a: {  	s1 =	srdreg.scid  }
0x8b: {  	s0 =	sand.u32 $0x1, s1  }
0x8c: {  	s18 =	sshll.u32 s0, $0xA;
	s2 =	sadd.s32 s3, s2  }
0x8d: {  	s2 =	sadd.s32 s2, s18  }
0x8e: {  	[smem:$0x3FC7] =	sst s2  }
0x8f: {  	_ = 	snop  }
0x90: {  	s2 =	sld [smem:$0x3FC9]  }
0x91: {  	s19 =	sld [smem:$0x3FD0];
	(tm) =	ssettm $0x1  }
0x92: {  	s4 =	sld [smem:$0x3FFB];
	_ =	sdelay $0x3  }
0x93: {  	_ =	strace s4  }
0x94: {  	s4 =	sld [smem:$0x3FFC];
	_ =	sdelay $0x3  }
0x95: {  	_ =	strace s4  }
0x96: {  	s4 =	sld [smem:$0x3FFD];
	_ =	sdelay $0x3  }
0x97: {  	_ =	strace s4  }
0x98: {  	_ =	strace $0x8FFFFFFF  }
0x99: {  	s20 =	sld [smem:$0x3FDB];
	_ =	sdelay $0x1  }
0x9a: {  	s5 =	simm.s32 $_scs_section_size  }
0x9b: {  	s6 =	simm.s32 $_size__tile_overlayer_lowered;
	s7 =	simm.s32 $_tile_overlayer_lowered  }
0x9c: {  	s23 =	simm.s32 $0x1BFF;
	s22 =	sshll.u32 s7, $0x1;
	s4 =	sadd.s32 s5, s20  }
0x9d: {  	s8 =	simm.s32 $0x0;
	s21 =	sshll.u32 s6, $0x1;
	s6 =	sadd.s32 s22, s4  }
0x9e: {  	[timem:s8], [sflag:s23] =	dma.local [hbm:s6], s21  }
0x9f: {  	_ =	swait.ge [sflag:s23], s21  }
0xa0: {  	s5 =	ssub.s32 $0x0, s21;
	[sflag:s23] =	ssyncset.done $0x0  }
0xa1: {  	[sflag:s23] =	ssyncadd.s32 s5;
	_ =	sdelay $0x1  }
0xa2: {  	s24 =	simm.s32 $0x1B8B  }
0xa3: {  	_ =	swait.ge [sflag:s24], $0x1  }
0xa4: {  	[sflag:s24] =	ssyncset.done $0x0  }
0xa5: {  	s25 =	simm.s32 $0x1B8E;
	[sflag:s24] =	ssyncadd.s32 $0xFFFFFFFF  }
0xa6: {  	s26 =	simm.s32 $execute0_lowered;
	[smem:$0x3FD2] =	sst s25  }
0xa7: {  	s5 =	sshll.u32 s26, $0x1;
	_ =	strace $0x80000046;
	[dreg:$0x1] =	wrdreg $0xFFFFFFFF  }
0xa8: {  	s28 =	simm.s32 $_size_execute0_lowered;
	s4 =	sadd.s32 s4, s5;
	[dreg:$0x0] =	wrdreg $0x0  }
0xa9: {  	s5 =	sshll.u32 s28, $0x1;
	[dreg:$0x2] =	wrdreg s4  }
0xaa: {  	[dreg:$0x3] =	wrdreg s5  }
0xab: {  	[dreg:$0x4] =	wrdreg $0xC0  }
0xac: {  	_ =	task [dreg:s8], $0x5FFFF  }
0xad: {  	[dreg:$0x1] =	wrdreg $0xFFFFFFFF  }
0xae: {  	[dreg:$0x0] =	wrdreg $0x60  }
0xaf: {  	[dreg:$0x2] =	wrdreg s2  }
0xb0: {  	[dreg:$0x3] =	wrdreg s19  }
0xb1: {  	[dreg:$0x4] =	wrdreg $0x9  }
0xb2: {  	_ =	task.clear_ibuf [dreg:s8], $0x5FFFF;
	_ =	strace $0x90000046  }
0xb3: {  	s29 =	simm.s32 $0x9;
	_ =	strace $0x80000048  }
0xb4: {  	_ =	swait.ge [sflag:s29], $0x1  }
0xb5: {  	[sflag:s29] =	ssyncadd.s32 $0xFFFFFFFF  }
0xb6: {  	_ =	strace $0x90000048  }
0xb7: {  	_ =	sfence  }
0xb8: {  	s30 =	sld [smem:$0x0];
	_ =	sdelay $0x2  }
0xb9: {  	s31 =	sshll.u32 s1, $0xD;
	s1 =	sshrl.u32 s1, $0x2  }
0xba: {  	s3 =	sand.u32 $0x4000, s31;
	s1 =	sadd.s32 s1, s30  }
0xbb: {  	s0 =	sor.u32 s3, s0;
	s1 =	sshll.u32 s1, $0x11  }
0xbc: {  	s0 =	sor.u32 s1, s0  }
0xbd: {  	s0 =	sadd.s32 $0x8F2B, s0  }
0xbe: {  	[sflag:s0] =	ssyncadd.remote.s32 $0x1  }
0xbf: {  	_ =	sfence.sel $0xFFFF  }
0xc0: {  	[dreg:$0x0] =	wrdreg $0xFFFFFFFF;
	(pc) =	sbr.abs _section_cstart, $3  }
0xc1: {  	[dreg:$0x1] =	wrdreg $0xFFFFFFFF  }
0xc2: {  	_ =	task.clear_ibuf [dreg:s8], $0x2FFFF;
	_ =	strace $0x9FFFFFFF  }
0xc3: {  	(tm) =	ssettm $0x7FFFFFFF  }
tec
execute0_lowered:
.L_overlay_start_1:
0x0: {  	(tag) =	ssettag $0x1  }
0x1: {  	s2 =	rddreg [dreg:$0x0]  }
0x2: {  	s5 =	stileid.u32;
	s0 =	rddreg [dreg:$0x1]  }
0x3: {  	s1 =	srdreg.scid;
	s11 =	simm.s32 $0x400;
	s12 =	simm.s32 $0x2000  }
0x4: {  	s13 =	simm.s32 $0xC800;
	s14 =	simm.s32 $0x1;
	s15 =	simm.s32 $0x2  }
0x5: {  	s16 =	simm.s32 $0x3;
	s17 =	simm.s32 $0x1A000;
	s18 =	simm.s32 $0x0  }
0x6: {  	s3 =	sshll.u32 s5, $0x1;
	s1 =	sand.u32 $0x1, s1;
	s5 =	sshrl.u32 s5, $0x2  }
0x7: {  	s4 =	sand.u32 $0x6, s3;
	s3 =	simm.s32 $0x0;
	s6 =	sshll.u32 s5, $0x17  }
0x8: {  	s8 =	sshll.u32 s5, $0xD;
	s4 =	sor.u32 s1, s4;
	[smem:$0x7FF] =	sst s3  }
0x9: {  	s1 =	ssub.s32 $0x2, s1;
	s7 =	sshll.u32 s4, $0xA;
	_ =	strace $0x80000047  }
0xa: {  	s9 =	sshrl.u32 s1, $0x1;
	s4 =	sor.u32 s6, s7;
	s7 =	sor.u32 s8, s7  }
0xb: {  	s1 =	ssub.s32 s1, s9;
	s6 =	sshrl.u32 s4, $0x3;
	s31 =	sshrl.u32 s7, $0x3  }
0xc: {  	v0 =	vimm.f32 $-Inf;
	s7 =	sor.u32 $0x64000, s4;
	s10 =	smax.u32 s1, $0x1;
	s5 =	sadd.s32 s2, s6  }
0xd: {  	v1 =	vimm.s32 $0x0;
	v2 =	vlaneseq.u32;
	v3 =	vimm.s32 $0x80000000;
	s9 =	sadd.s32 s0, s31;
	s6 =	sadd.s32 $0xC800, s5;
	s8 =	sadd.s32 $0xFA000, s5  }
.LBB2_1:
0xe: {  	[tilespmem:$0x19800] =	vst v0  }
0xf: {  	[tilespmem:$0x19C00] =	vst v1  }
0x10: {  	[tilespmem:$0x19880] =	vst v0  }
0x11: {  	[tilespmem:$0x19C80] =	vst v1  }
0x12: {  	[tilespmem:$0x19900] =	vst v0  }
0x13: {  	[tilespmem:$0x19D00] =	vst v1  }
0x14: {  	[tilespmem:$0x19980] =	vst v0  }
0x15: {  	[tilespmem:$0x19D80] =	vst v1  }
0x16: {  	[tilespmem:$0x19A00] =	vst v0  }
0x17: {  	[tilespmem:$0x19E00] =	vst v1  }
0x18: {  	[tilespmem:$0x19A80] =	vst v0  }
0x19: {  	[tilespmem:$0x19E80] =	vst v1  }
0x1a: {  	[tilespmem:$0x19B00] =	vst v0  }
0x1b: {  	[tilespmem:$0x19F00] =	vst v1  }
0x1c: {  	[tilespmem:$0x19B80] =	vst v0  }
0x1d: {  	[tilespmem:$0x19F80] =	vst v1  }
0x1e: {  	[tilespmem:$0x19810] =	vst v0  }
0x1f: {  	[tilespmem:$0x19C10] =	vst v1  }
0x20: {  	[tilespmem:$0x19890] =	vst v0  }
0x21: {  	[tilespmem:$0x19C90] =	vst v1  }
0x22: {  	[tilespmem:$0x19910] =	vst v0  }
0x23: {  	[tilespmem:$0x19D10] =	vst v1  }
0x24: {  	[tilespmem:$0x19990] =	vst v0  }
0x25: {  	[tilespmem:$0x19D90] =	vst v1  }
0x26: {  	[tilespmem:$0x19A10] =	vst v0  }
0x27: {  	[tilespmem:$0x19E10] =	vst v1  }
0x28: {  	[tilespmem:$0x19A90] =	vst v0  }
0x29: {  	[tilespmem:$0x19E90] =	vst v1  }
0x2a: {  	[tilespmem:$0x19B10] =	vst v0  }
0x2b: {  	[tilespmem:$0x19F10] =	vst v1  }
0x2c: {  	[tilespmem:$0x19B90] =	vst v0  }
0x2d: {  	[tilespmem:$0x19F90] =	vst v1  }
0x2e: {  	[tilespmem:$0x19820] =	vst v0  }
0x2f: {  	[tilespmem:$0x19C20] =	vst v1  }
0x30: {  	[tilespmem:$0x198A0] =	vst v0  }
0x31: {  	[tilespmem:$0x19CA0] =	vst v1  }
0x32: {  	[tilespmem:$0x19920] =	vst v0  }
0x33: {  	[tilespmem:$0x19D20] =	vst v1  }
0x34: {  	[tilespmem:$0x199A0] =	vst v0  }
0x35: {  	[tilespmem:$0x19DA0] =	vst v1  }
0x36: {  	[tilespmem:$0x19A20] =	vst v0  }
0x37: {  	[tilespmem:$0x19E20] =	vst v1  }
0x38: {  	[tilespmem:$0x19AA0] =	vst v0  }
0x39: {  	[tilespmem:$0x19EA0] =	vst v1  }
0x3a: {  	[tilespmem:$0x19B20] =	vst v0  }
0x3b: {  	[tilespmem:$0x19F20] =	vst v1  }
0x3c: {  	[tilespmem:$0x19BA0] =	vst v0  }
0x3d: {  	[tilespmem:$0x19FA0] =	vst v1  }
0x3e: {  	[tilespmem:$0x19830] =	vst v0  }
0x3f: {  	[tilespmem:$0x19C30] =	vst v1  }
0x40: {  	[tilespmem:$0x198B0] =	vst v0  }
0x41: {  	[tilespmem:$0x19CB0] =	vst v1  }
0x42: {  	[tilespmem:$0x19930] =	vst v0  }
0x43: {  	[tilespmem:$0x19D30] =	vst v1  }
0x44: {  	[tilespmem:$0x199B0] =	vst v0  }
0x45: {  	[tilespmem:$0x19DB0] =	vst v1  }
0x46: {  	[tilespmem:$0x19A30] =	vst v0  }
0x47: {  	[tilespmem:$0x19E30] =	vst v1  }
0x48: {  	[tilespmem:$0x19AB0] =	vst v0  }
0x49: {  	[tilespmem:$0x19EB0] =	vst v1  }
0x4a: {  	[tilespmem:$0x19B30] =	vst v0  }
0x4b: {  	[tilespmem:$0x19F30] =	vst v1  }
0x4c: {  	[tilespmem:$0x19BB0] =	vst v0  }
0x4d: {  	[tilespmem:$0x19FB0] =	vst v1  }
0x4e: {  	[tilespmem:$0x19840] =	vst v0  }
0x4f: {  	[tilespmem:$0x19C40] =	vst v1  }
0x50: {  	[tilespmem:$0x198C0] =	vst v0  }
0x51: {  	[tilespmem:$0x19CC0] =	vst v1  }
0x52: {  	[tilespmem:$0x19940] =	vst v0  }
0x53: {  	[tilespmem:$0x19D40] =	vst v1  }
0x54: {  	[tilespmem:$0x199C0] =	vst v0  }
0x55: {  	[tilespmem:$0x19DC0] =	vst v1  }
0x56: {  	[tilespmem:$0x19A40] =	vst v0  }
0x57: {  	[tilespmem:$0x19E40] =	vst v1  }
0x58: {  	[tilespmem:$0x19AC0] =	vst v0  }
0x59: {  	[tilespmem:$0x19EC0] =	vst v1  }
0x5a: {  	[tilespmem:$0x19B40] =	vst v0  }
0x5b: {  	[tilespmem:$0x19F40] =	vst v1  }
0x5c: {  	[tilespmem:$0x19BC0] =	vst v0  }
0x5d: {  	[tilespmem:$0x19FC0] =	vst v1  }
0x5e: {  	[tilespmem:$0x19850] =	vst v0  }
0x5f: {  	[tilespmem:$0x19C50] =	vst v1  }
0x60: {  	[tilespmem:$0x198D0] =	vst v0  }
0x61: {  	[tilespmem:$0x19CD0] =	vst v1  }
0x62: {  	[tilespmem:$0x19950] =	vst v0  }
0x63: {  	[tilespmem:$0x19D50] =	vst v1  }
0x64: {  	[tilespmem:$0x199D0] =	vst v0  }
0x65: {  	[tilespmem:$0x19DD0] =	vst v1  }
0x66: {  	[tilespmem:$0x19A50] =	vst v0  }
0x67: {  	[tilespmem:$0x19E50] =	vst v1  }
0x68: {  	[tilespmem:$0x19AD0] =	vst v0  }
0x69: {  	[tilespmem:$0x19ED0] =	vst v1  }
0x6a: {  	[tilespmem:$0x19B50] =	vst v0  }
0x6b: {  	[tilespmem:$0x19F50] =	vst v1  }
0x6c: {  	[tilespmem:$0x19BD0] =	vst v0  }
0x6d: {  	[tilespmem:$0x19FD0] =	vst v1  }
0x6e: {  	[tilespmem:$0x19860] =	vst v0  }
0x6f: {  	[tilespmem:$0x19C60] =	vst v1  }
0x70: {  	[tilespmem:$0x198E0] =	vst v0  }
0x71: {  	[tilespmem:$0x19CE0] =	vst v1  }
0x72: {  	[tilespmem:$0x19960] =	vst v0  }
0x73: {  	[tilespmem:$0x19D60] =	vst v1  }
0x74: {  	[tilespmem:$0x199E0] =	vst v0  }
0x75: {  	[tilespmem:$0x19DE0] =	vst v1  }
0x76: {  	[tilespmem:$0x19A60] =	vst v0  }
0x77: {  	[tilespmem:$0x19E60] =	vst v1  }
0x78: {  	[tilespmem:$0x19AE0] =	vst v0  }
0x79: {  	[tilespmem:$0x19EE0] =	vst v1  }
0x7a: {  	[tilespmem:$0x19B60] =	vst v0  }
0x7b: {  	[tilespmem:$0x19F60] =	vst v1  }
0x7c: {  	[tilespmem:$0x19BE0] =	vst v0  }
0x7d: {  	[tilespmem:$0x19FE0] =	vst v1  }
0x7e: {  	[tilespmem:$0x19870] =	vst v0  }
0x7f: {  	[tilespmem:$0x19C70] =	vst v1  }
0x80: {  	[tilespmem:$0x198F0] =	vst v0  }
0x81: {  	[tilespmem:$0x19CF0] =	vst v1  }
0x82: {  	[tilespmem:$0x19970] =	vst v0  }
0x83: {  	[tilespmem:$0x19D70] =	vst v1  }
0x84: {  	[tilespmem:$0x199F0] =	vst v0  }
0x85: {  	[tilespmem:$0x19DF0] =	vst v1  }
0x86: {  	[tilespmem:$0x19A70] =	vst v0  }
0x87: {  	[tilespmem:$0x19E70] =	vst v1  }
0x88: {  	[tilespmem:$0x19AF0] =	vst v0  }
0x89: {  	[tilespmem:$0x19EF0] =	vst v1  }
0x8a: {  	[tilespmem:$0x19B70] =	vst v0  }
0x8b: {  	[tilespmem:$0x19F70] =	vst v1  }
0x8c: {  	[tilespmem:$0x19BF0] =	vst v0  }
0x8d: {  	[tilespmem:$0x19FF0] =	vst v1  }
0x8e: {  	[tilespmem:s3], [sflag:$0x1] =	stream.strided.gather [hbm4b:s5+s11], $0xC800, s12, s11, $0x38;
	[tilespmem:$0x1A400] =	vst v63  }
0x8f: {  	s19 =	simm.s32 $0x0  }
0x90: {  	[tilespmem:s13], [sflag:$0x2] =	stream.strided.gather [hbm4b:s6+s11], $0xC800, s12, s11, $0x38;
	[tilespmem:$0x1A400] =	vst v63  }
.LBB2_2:
0x91: {  	_ =	swait.ge [sflag:s14], $0xC800  }
0x92: {  	[sflag:s14] =	ssyncset.done $0x0  }
0x93: {  	s20 =	simm.s32 $0x0;
	s21 =	simm.s32 $0x200;
	[sflag:s14] =	ssyncadd.s32 $0xFFFF3800  }
.LBB2_3:
0x94: {  	v4 =	vld [tilespmem:s21+$0xFFFFFE80]  }
0x95: {  	v5 =	vld [tilespmem:s21+$0xFFFFFE00]  }
0x96: {  	v6 =	vld [tilespmem:s21+$0xFFFFFF00]  }
0x97: {  	v7 =	vld [tilespmem:s21+$0xFFFFFF80]  }
0x98: {  	v8 =	vld [tilespmem:s21+$0x0]  }
0x99: {  	v9 =	vld [tilespmem:s21+$0x80]  }
0x9a: {  	v10 =	vld [tilespmem:s21+$0x100];
	v4 =	vmax.f32 v5, v4  }
0x9b: {  	v5 =	vld [tilespmem:s21+$0x180];
	v4 =	vmax.f32 v4, v6  }
0x9c: {  	v4 =	vmax.f32 v4, v7  }
0x9d: {  	s0 =	sadd.s32 $0x400, s21;
	v4 =	vmax.f32 v4, v8  }
0x9e: {  	v6 =	vld [tilespmem:s0+$0xFFFFFE80];
	v4 =	vmax.f32 v4, v9  }
0x9f: {  	v7 =	vld [tilespmem:s0+$0xFFFFFE00];
	v4 =	vmax.f32 v4, v10  }
0xa0: {  	v4 =	vmax.f32 v4, v5;
	v5 =	vld [tilespmem:s0+$0xFFFFFF00]  }
0xa1: {  	v9 =	vld [tilespmem:s0+$0xFFFFFF80];
	v8 =	vshra.s32 v4, $0x1F  }
0xa2: {  	v11 =	vld [tilespmem:s0+$0x0];
	v4 =	vand.u32 $0xFFFFFF80, v4;
	v8 =	vand.u32 $0x7FFFFF80, v8  }
0xa3: {  	s1 =	simm.s32 $0x7F;
	v4 =	vxor.u32 v4, v8;
	v8 =	vld [tilespmem:s0+$0x80]  }
0xa4: {  	v12 =	vld [tilespmem:s0+$0x100];
	v10 =	vimm.s32 $0x80000000;
	v13 =	vor.u32 s1, v4;
	v4 =	vmax.f32 v7, v6  }
0xa5: {  	v14 =	vld [tilespmem:s0+$0x180];
	vm0 =	vlt.s32 v13, v10;
	v4 =	vmax.f32 v4, v5  }
0xa6: {  	v15 =	vsel vm0, v13, v10;
	v4 =	vmax.f32 v4, v9  }
0xa7: {  	vm1 =	vgt.s32 v10, v15;
	v4 =	vmax.f32 v4, v11  }
0xa8: {  	vm2 =	vgt.s32 v10, v13;
	v5 =	vsel vm1, v10, v15;
	v8 =	vmax.f32 v4, v8  }
0xa9: {  	v7 =	vsel vm1, v10, v15;
	v6 =	vsel vm1, v10, v15;
	v11 =	vmax.f32 v8, v12  }
0xaa: {  	v4 =	vsel vm1, v10, v15;
	v9 =	vsel vm1, v10, v15;
	v12 =	vmax.f32 v11, v14  }
0xab: {  	v8 =	vsel vm1, v10, v15;
	v11 =	vsel vm1, v10, v15;
	v14 =	vshra.s32 v12, $0x1F  }
0xac: {  	s22 =	sshll.u32 s20, $0x4;
	v16 =	vand.u32 $0xFFFFFF80, v12;
	v12 =	vsel vm1, v10, v15;
	v14 =	vand.u32 $0x7FFFFF80, v14  }
0xad: {  	s23 =	simm.s32 $0x7E;
	s24 =	simm.s32 $0x7D;
	s1 =	sadd.s32 $0x400, s0;
	v15 =	vsel vm0, v13, v10;
	v16 =	vxor.u32 v16, v14;
	v14 =	vsel vm2, v10, v13;
	v13 =	vmovc v12  }
.LBB2_4:
0xae: {  	v17 =	vld [tilespmem:s1+$0xFFFFFE80];
	p0 =	sne.s32 s24, $0x4E;
	v18 =	vor.u32 s23, v16;
	vm0 =	vgt.s32 v10, v15;
	s23 =	smov.u32 s24;
	s24 =	sadd.s32 $0xFFFFFFFF, s24  }
0xaf: {  	v16 =	vld [tilespmem:s1+$0xFFFFFF00];
	vm1 =	vlt.s32 v18, v7;
	vm2 =	vlt.s32 v18, v5;
	v10 =	vsel vm0, v10, v15  }
0xb0: {  	vm0 =	vlt.s32 v18, v12;
	vm4 =	vlt.s32 v18, v6;
	v15 =	vld [tilespmem:s1+$0xFFFFFE00];
	vm3 =	vlt.s32 v18, v10  }
0xb1: {  	vm5 =	vlt.s32 v18, v8;
	v20 =	vsel vm1, v18, v7;
	v21 =	vsel vm2, v18, v5;
	v19 =	vld [tilespmem:s1+$0xFFFFFF80]  }
0xb2: {  	v24 =	vsel vm5, v18, v8;
	v25 =	vsel vm4, v18, v6;
	v23 =	vsel vm3, v18, v10;
	v22 =	vld [tilespmem:s1+$0x0]  }
0xb3: {  	vm1 =	vgt.s32 v5, v20;
	vm2 =	vgt.s32 v6, v21;
	vm3 =	vgt.s32 v4, v25;
	v26 =	vld [tilespmem:s1+$0x100]  }
0xb4: {  	vm5 =	vgt.s32 v7, v24;
	vm4 =	vgt.s32 v9, v23;
	v5 =	vsel vm1, v5, v20;
	v27 =	vld [tilespmem:s1+$0x80]  }
0xb5: {  	v7 =	vsel vm5, v7, v24;
	v6 =	vsel vm2, v6, v21;
	v15 =	vmax.f32 v15, v17  }
0xb6: {  	vm1 =	vlt.s32 v18, v9;
	v4 =	vsel vm3, v4, v25;
	v15 =	vmax.f32 v15, v16;
	v16 =	vld [tilespmem:s1+$0x180]  }
0xb7: {  	v17 =	vsel vm1, v18, v9;
	v9 =	vsel vm4, v9, v23;
	v15 =	vmax.f32 v15, v19  }
0xb8: {  	vm1 =	vlt.s32 v18, v14;
	vm2 =	vgt.s32 v8, v17;
	v15 =	vmax.f32 v15, v22  }
0xb9: {  	v19 =	vsel vm1, v18, v14;
	v8 =	vsel vm2, v8, v17;
	v15 =	vmax.f32 v15, v27  }
.Ltmp0:
0xba: {  	vm2 =	vlt.s32 v18, v11;
	vm1 =	vgt.s32 v11, v19;
	v15 =	vmax.f32 v15, v26;
	(pc) =	sbr.rel @p0 .LBB2_4-.Ltmp0, $4  }
0xbb: {  	v15 =	vmax.f32 v15, v16;
	v16 =	vsel vm2, v18, v11;
	v11 =	vsel vm1, v11, v19  }
0xbc: {  	v17 =	vshra.s32 v15, $0x1F;
	v15 =	vand.u32 $0xFFFFFF80, v15;
	vm1 =	vgt.s32 v12, v16  }
0xbd: {  	vm2 =	vgt.s32 v14, v18;
	v17 =	vand.u32 $0x7FFFFF80, v17;
	v12 =	vsel vm1, v12, v16  }
0xbe: {  	s1 =	sadd.s32 $0x400, s1;
	v14 =	vsel vm2, v14, v18;
	v16 =	vxor.u32 v15, v17;
	v15 =	vsel vm0, v18, v13;
	v13 =	vmovc v12  }
0xbf: {  	v16 =	vor.u32 s23, v16;
	vm1 =	vgt.s32 v10, v15  }
0xc0: {  	vm2 =	vlt.s32 v16, v7;
	vm0 =	vlt.s32 v16, v5;
	v10 =	vsel vm1, v10, v15  }
0xc1: {  	vm3 =	vlt.s32 v16, v12;
	vm11 =	vlt.s32 v16, v14;
	vm5 =	vlt.s32 v16, v11  }
0xc2: {  	vm12 =	vgt.s32 v14, v16;
	vm13 =	vlt.s32 v16, v8;
	vm8 =	vlt.s32 v16, v9  }
0xc3: {  	vm4 =	vlt.s32 v16, v10;
	v17 =	vsel vm11, v16, v14;
	v18 =	vsel vm5, v16, v11  }
0xc4: {  	v14 =	vsel vm12, v14, v16;
	v13 =	vsel vm3, v16, v13;
	vm14 =	vgt.s32 v11, v17  }
0xc5: {  	v59 =	vsel vm8, v16, v9;
	vm15 =	vgt.s32 v12, v18;
	[tilespmem:s22+$0x19000] =	vst v14;
	v11 =	vsel vm14, v11, v17  }
0xc6: {  	v60 =	vsel vm13, v16, v8;
	vm9 =	vgt.s32 v10, v13;
	v12 =	vsel vm15, v12, v18;
	[tilespmem:s22+$0x19080] =	vst v11  }
0xc7: {  	v15 =	vsel vm4, v16, v10;
	vm11 =	vgt.s32 v8, v59;
	v10 =	vsel vm9, v10, v13;
	[tilespmem:s22+$0x19100] =	vst v12  }
0xc8: {  	s20 =	sadd.s32 $0x1, s20;
	v61 =	vsel vm2, v16, v7;
	vm12 =	vgt.s32 v7, v60;
	v8 =	vsel vm11, v8, v59;
	[tilespmem:s22+$0x19180] =	vst v10  }
0xc9: {  	vm1 =	vlt.s32 v16, v6;
	p0 =	sne.s32 s20, $0x8;
	vm13 =	vgt.s32 v5, v61;
	v7 =	vsel vm12, v7, v60;
	[tilespmem:s22+$0x19280] =	vst v8  }
.Ltmp1:
0xca: {  	v62 =	vsel vm0, v16, v5;
	vm10 =	vgt.s32 v9, v15;
	v5 =	vsel vm13, v5, v61;
	[tilespmem:s22+$0x19300] =	vst v7;
	(pc) =	sbr.rel @p0 .LBB2_3-.Ltmp1, $4  }
0xcb: {  	v63 =	vsel vm1, v16, v6;
	vm14 =	vgt.s32 v6, v62;
	v9 =	vsel vm10, v9, v15;
	[tilespmem:s22+$0x19380] =	vst v5  }
0xcc: {  	vm15 =	vgt.s32 v4, v63;
	v6 =	vsel vm14, v6, v62;
	[tilespmem:s22+$0x19200] =	vst v9  }
0xcd: {  	v4 =	vsel vm15, v4, v63;
	[tilespmem:s22+$0x19400] =	vst v6  }
0xce: {  	s21 =	sadd.s32 $0x10, s21;
	[tilespmem:s22+$0x19480] =	vst v4  }
0xcf: {  	s0 =	smul.u32 $0x320, s19;
	_ =	swait.ge [sflag:s15], $0xC800  }
0xd0: {  	[sflag:s15] =	ssyncset.done $0x0  }
0xd1: {  	s20 =	simm.s32 $0x0;
	s21 =	simm.s32 $0xCA00;
	[sflag:s15] =	ssyncadd.s32 $0xFFFF3800;
	v5 =	vmov s0  }
.LBB2_7:
0xd2: {  	v4 =	vld [tilespmem:s21+$0xFFFFFE80]  }
0xd3: {  	v6 =	vld [tilespmem:s21+$0xFFFFFE00]  }
0xd4: {  	v7 =	vld [tilespmem:s21+$0xFFFFFF00]  }
0xd5: {  	v8 =	vld [tilespmem:s21+$0xFFFFFF80]  }
0xd6: {  	v9 =	vld [tilespmem:s21+$0x0]  }
0xd7: {  	v10 =	vld [tilespmem:s21+$0x80]  }
0xd8: {  	s22 =	sshll.u32 s20, $0x4;
	v11 =	vld [tilespmem:s21+$0x100]  }
0xd9: {  	v14 =	vld [tilespmem:s22+$0x19000];
	v4 =	vmax.f32 v6, v4  }
0xda: {  	v6 =	vld [tilespmem:s21+$0x180];
	v4 =	vmax.f32 v4, v7  }
0xdb: {  	v15 =	vld [tilespmem:s22+$0x19100];
	v4 =	vmax.f32 v4, v8  }
0xdc: {  	v12 =	vld [tilespmem:s22+$0x19280];
	v7 =	vmax.f32 v4, v9  }
0xdd: {  	v8 =	vld [tilespmem:s22+$0x19300];
	v7 =	vmax.f32 v7, v10  }
0xde: {  	v4 =	vld [tilespmem:s22+$0x19180];
	v7 =	vmax.f32 v7, v11  }
0xdf: {  	v9 =	vld [tilespmem:s22+$0x19380];
	v6 =	vmax.f32 v7, v6  }
0xe0: {  	v7 =	vld [tilespmem:s22+$0x19400];
	v10 =	vshra.s32 v6, $0x1F  }
0xe1: {  	v16 =	vld [tilespmem:s22+$0x19200];
	v6 =	vand.u32 $0xFFFFFF80, v6;
	v10 =	vand.u32 $0x7FFFFF80, v10  }
0xe2: {  	s1 =	simm.s32 $0x4D;
	v13 =	vld [tilespmem:s22+$0x19080];
	v6 =	vxor.u32 v6, v10  }
0xe3: {  	s0 =	sadd.s32 $0x400, s21;
	v18 =	vor.u32 s1, v6  }
0xe4: {  	v17 =	vld [tilespmem:s0+$0xFFFFFE00];
	vm1 =	vlt.s32 v18, v8;
	vm2 =	vlt.s32 v18, v9  }
0xe5: {  	v10 =	vld [tilespmem:s0+$0xFFFFFE80];
	vm0 =	vlt.s32 v18, v15;
	vm3 =	vlt.s32 v18, v4;
	vm4 =	vlt.s32 v18, v7  }
0xe6: {  	v19 =	vld [tilespmem:s0+$0xFFFFFF00];
	vm5 =	vlt.s32 v18, v12;
	vm10 =	vlt.s32 v18, v16;
	vm11 =	vlt.s32 v18, v14  }
0xe7: {  	v21 =	vld [tilespmem:s0+$0xFFFFFF80];
	vm13 =	vlt.s32 v18, v13;
	vm15 =	vgt.s32 v14, v18;
	v6 =	vsel vm1, v18, v8  }
0xe8: {  	v25 =	vld [tilespmem:s0+$0x0];
	v20 =	vsel vm2, v18, v9;
	v22 =	vsel vm3, v18, v4;
	v23 =	vsel vm5, v18, v12  }
0xe9: {  	v26 =	vld [tilespmem:s0+$0x80];
	v24 =	vsel vm4, v18, v7;
	v63 =	vsel vm11, v18, v14;
	vm1 =	vgt.s32 v9, v6  }
0xea: {  	v27 =	vld [tilespmem:s0+$0x100];
	vm2 =	vgt.s32 v7, v20;
	vm9 =	vgt.s32 v16, v22;
	v17 =	vmax.f32 v17, v10  }
0xeb: {  	vm5 =	vgt.s32 v8, v23;
	v10 =	vsel vm2, v7, v20;
	v7 =	vmax.f32 v17, v19;
	v17 =	vld [tilespmem:s0+$0x180]  }
0xec: {  	v11 =	vld [tilespmem:s22+$0x19480];
	v6 =	vsel vm1, v9, v6;
	v9 =	vsel vm5, v8, v23;
	v7 =	vmax.f32 v7, v21  }
0xed: {  	v8 =	vsel vm9, v16, v22;
	v16 =	vsel vm10, v18, v16;
	v7 =	vmax.f32 v7, v25  }
0xee: {  	v14 =	vsel vm15, v14, v18;
	vm12 =	vgt.s32 v12, v16;
	v19 =	vmax.f32 v7, v26  }
0xef: {  	vm1 =	vgt.s32 v13, v63;
	v7 =	vsel vm12, v12, v16;
	v12 =	vmax.f32 v19, v27  }
0xf0: {  	s31 =	simm.s32 $0x4C;
	v16 =	vmax.f32 v12, v17;
	v12 =	vsel vm1, v13, v63;
	v13 =	vsel vm13, v18, v13  }
0xf1: {  	s24 =	sor.u32 $0x80, s22;
	s29 =	sor.u32 $0x100, s22;
	s26 =	sor.u32 $0x180, s22;
	vm8 =	vgt.s32 v11, v24;
	v17 =	vshra.s32 v16, $0x1F;
	vm14 =	vgt.s32 v15, v13  }
0xf2: {  	s25 =	sor.u32 $0x200, s22;
	s30 =	sor.u32 $0x280, s22;
	s28 =	sor.u32 $0x300, s22;
	v16 =	vand.u32 $0xFFFFFF80, v16;
	v17 =	vand.u32 $0x7FFFFF80, v17;
	v13 =	vsel vm14, v15, v13  }
0xf3: {  	s23 =	sor.u32 $0x380, s22;
	s1 =	simm.s32 $0x4B;
	v11 =	vsel vm8, v11, v24;
	s0 =	sadd.s32 $0x400, s0;
	v17 =	vxor.u32 v16, v17;
	v16 =	vsel vm0, v18, v15;
	v15 =	vmovc v13  }
.LBB2_8:
0xf4: {  	v18 =	vld [tilespmem:s0+$0xFFFFFE80];
	p0 =	sne.s32 s1, $0x1C;
	v19 =	vor.u32 s31, v17;
	vm0 =	vgt.s32 v4, v16;
	s31 =	smov.u32 s1;
	s1 =	sadd.s32 $0xFFFFFFFF, s1  }
0xf5: {  	v17 =	vld [tilespmem:s0+$0xFFFFFF00];
	vm1 =	vlt.s32 v19, v9;
	vm2 =	vlt.s32 v19, v6;
	v4 =	vsel vm0, v4, v16  }
0xf6: {  	vm0 =	vlt.s32 v19, v13;
	vm4 =	vlt.s32 v19, v10;
	v16 =	vld [tilespmem:s0+$0xFFFFFE00];
	vm3 =	vlt.s32 v19, v4  }
0xf7: {  	vm5 =	vlt.s32 v19, v7;
	v21 =	vsel vm1, v19, v9;
	v22 =	vsel vm2, v19, v6;
	v20 =	vld [tilespmem:s0+$0xFFFFFF80]  }
0xf8: {  	v25 =	vsel vm5, v19, v7;
	v26 =	vsel vm4, v19, v10;
	v24 =	vsel vm3, v19, v4;
	v23 =	vld [tilespmem:s0+$0x0]  }
0xf9: {  	vm1 =	vgt.s32 v6, v21;
	vm2 =	vgt.s32 v10, v22;
	vm3 =	vgt.s32 v11, v26;
	v27 =	vld [tilespmem:s0+$0x100]  }
0xfa: {  	vm5 =	vgt.s32 v9, v25;
	vm4 =	vgt.s32 v8, v24;
	v6 =	vsel vm1, v6, v21;
	v28 =	vld [tilespmem:s0+$0x80]  }
0xfb: {  	v9 =	vsel vm5, v9, v25;
	v10 =	vsel vm2, v10, v22;
	v16 =	vmax.f32 v16, v18  }
0xfc: {  	vm1 =	vlt.s32 v19, v8;
	v11 =	vsel vm3, v11, v26;
	v16 =	vmax.f32 v16, v17;
	v17 =	vld [tilespmem:s0+$0x180]  }
0xfd: {  	v18 =	vsel vm1, v19, v8;
	v8 =	vsel vm4, v8, v24;
	v16 =	vmax.f32 v16, v20  }
0xfe: {  	vm1 =	vlt.s32 v19, v14;
	vm2 =	vgt.s32 v7, v18;
	v16 =	vmax.f32 v16, v23  }
0xff: {  	v20 =	vsel vm1, v19, v14;
	v7 =	vsel vm2, v7, v18;
	v16 =	vmax.f32 v16, v28  }
.Ltmp2:
0x100: {  	vm2 =	vlt.s32 v19, v12;
	vm1 =	vgt.s32 v12, v20;
	v16 =	vmax.f32 v16, v27;
	(pc) =	sbr.rel @p0 .LBB2_8-.Ltmp2, $4  }
0x101: {  	v16 =	vmax.f32 v16, v17;
	v17 =	vsel vm2, v19, v12;
	v12 =	vsel vm1, v12, v20  }
0x102: {  	v18 =	vshra.s32 v16, $0x1F;
	v16 =	vand.u32 $0xFFFFFF80, v16;
	vm1 =	vgt.s32 v13, v17  }
0x103: {  	vm2 =	vgt.s32 v14, v19;
	v18 =	vand.u32 $0x7FFFFF80, v18;
	v13 =	vsel vm1, v13, v17  }
0x104: {  	s0 =	sadd.s32 $0x400, s0;
	v14 =	vsel vm2, v14, v19;
	v17 =	vxor.u32 v16, v18;
	v16 =	vsel vm0, v19, v15;
	v15 =	vmovc v13  }
0x105: {  	v17 =	vor.u32 s31, v17;
	vm0 =	vgt.s32 v4, v16  }
0x106: {  	vm1 =	vlt.s32 v17, v9;
	v4 =	vsel vm0, v4, v16  }
0x107: {  	vm2 =	vlt.s32 v17, v6;
	vm8 =	vlt.s32 v17, v13;
	vm4 =	vlt.s32 v17, v10  }
0x108: {  	vm5 =	vlt.s32 v17, v7;
	vm11 =	vlt.s32 v17, v8;
	vm12 =	vlt.s32 v17, v14  }
0x109: {  	vm13 =	vlt.s32 v17, v12;
	vm15 =	vgt.s32 v14, v17;
	vm3 =	vlt.s32 v17, v4  }
0x10a: {  	v16 =	vsel vm1, v17, v9;
	v18 =	vsel vm2, v17, v6;
	v20 =	vsel vm5, v17, v7  }
0x10b: {  	v19 =	vld [tilespmem:s22+$0x19800];
	v22 =	vsel vm4, v17, v10;
	v21 =	vsel vm3, v17, v4;
	vm1 =	vgt.s32 v6, v16  }
0x10c: {  	v23 =	vld [tilespmem:s30+$0x19800];
	vm2 =	vgt.s32 v10, v18;
	vm9 =	vgt.s32 v11, v22;
	vm5 =	vgt.s32 v9, v20  }
0x10d: {  	v24 =	vld [tilespmem:s28+$0x19800];
	vm10 =	vgt.s32 v8, v21;
	v16 =	vsel vm1, v6, v16;
	v30 =	vsel vm5, v9, v20  }
0x10e: {  	v25 =	vld [tilespmem:s23+$0x19800];
	v31 =	vsel vm2, v10, v18;
	v33 =	vsel vm9, v11, v22;
	v6 =	vsel vm11, v17, v8  }
0x10f: {  	v26 =	vld [tilespmem:s22+$0x19C00];
	v9 =	vsel vm10, v8, v21;
	v8 =	vsel vm12, v17, v14;
	vm1 =	vgt.s32 v7, v6  }
0x110: {  	v27 =	vld [tilespmem:s24+$0x19C00];
	vm2 =	vgt.s32 v12, v8;
	v11 =	vsel vm1, v7, v6;
	v7 =	vsel vm13, v17, v12  }
0x111: {  	v29 =	vld [tilespmem:s29+$0x19C00];
	v6 =	vsel vm2, v12, v8;
	vm14 =	vgt.s32 v13, v7;
	v8 =	vsel vm8, v17, v15  }
0x112: {  	v28 =	vld [tilespmem:s26+$0x19C00];
	v15 =	vshll.u32 v33, $0x3;
	v10 =	vsel vm14, v13, v7;
	v7 =	vsel vm15, v14, v17  }
0x113: {  	v32 =	vld [tilespmem:s30+$0x19C00];
	vm0 =	vgt.s32 v4, v8;
	v13 =	vshll.u32 v16, $0x3;
	v7 =	vshll.u32 v7, $0x3  }
0x114: {  	v18 =	vld [tilespmem:s24+$0x19800];
	v4 =	vsel vm0, v4, v8;
	v8 =	vshll.u32 v6, $0x3;
	v6 =	vand.u32 $0x3F8, v7  }
0x115: {  	v20 =	vld [tilespmem:s29+$0x19800];
	v7 =	vand.u32 $0x3F8, v8;
	v8 =	vshll.u32 v10, $0x3;
	v4 =	vshll.u32 v4, $0x3  }
0x116: {  	v22 =	vld [tilespmem:s25+$0x19800];
	v10 =	vshll.u32 v9, $0x3;
	v9 =	vand.u32 $0x3F8, v4;
	v4 =	vshll.u32 v11, $0x3  }
0x117: {  	v21 =	vld [tilespmem:s26+$0x19800];
	v15 =	vand.u32 $0x3F8, v15;
	v11 =	vand.u32 $0x3F8, v4;
	v4 =	vshll.u32 v30, $0x3  }
0x118: {  	v33 =	vld [tilespmem:s23+$0x19C00];
	v16 =	vor.u32 s22, v2;
	v12 =	vand.u32 $0x3F8, v4;
	v4 =	vshll.u32 v31, $0x3  }
0x119: {  	v13 =	vand.u32 $0x3F8, v13;
	v30 =	vld [tilespmem:s25+$0x19C00];
	v14 =	vand.u32 $0x3F8, v4;
	v4 =	vor.u32 $0xFFFF3800, v2  }
0x11a: {  	s31 =	simm.s32 $0x0;
	v8 =	vand.u32 $0x3F8, v8;
	v10 =	vand.u32 $0x3F8, v10;
	v31 =	vld [tilespmem:s28+$0x19C00];
	v17 =	vadd.s32 s22, v4  }
.LBB2_10:
0x11b: {  	v34 =	vor.u32 s31, v6  }
0x11c: {  	v34 =	vxor.u32 $0x3F8, v34  }
0x11d: {  	vm0 =	vlt.u32 v34, $0x190;
	vm1 =	vgt.s32 v34, $0x190;
	v35 =	vshll.u32 v34, $0x7  }
0x11e: {  	v36 =	vnsel vm1, $0x190, v34;
	v35 =	vnsel vm0, $0x0, v35  }
0x11f: {  	v35 =	vor.u32 v16, v35;
	v36 =	vshll.u32 v36, $0x7  }
0x120: {  	v36 =	vadd.s32 v17, v36;
	_ =	sdelay $0x3  }
0x121: {  	v35 =	vld.idx.msk [tilespmem:v35+s3+$0x0], $0xffff  }
0x122: {  	v36 =	vld.idx.msk [tilespmem:v36+s13+$0x0], $0xffff;
	_ =	sdelay $0x3  }
0x123: {  	v57 =	vor.u32 s31, v7  }
0x124: {  	v51 =	vor.u32 s31, v8;
	v34 =	vadd.s32 v5, v34;
	v35 =	vsel vm0, v35, v36  }
0x125: {  	v36 =	vxor.u32 $0x3F8, v57;
	vm0 =	vgt.f32 v35, v19;
	vm2 =	vgt.f32 v35, v21  }
0x126: {  	vm3 =	vgt.f32 v35, v23;
	vm4 =	vgt.f32 v35, v24;
	vm5 =	vgt.f32 v35, v25  }
0x127: {  	vm13 =	vlt.u32 v36, $0x190;
	vm6 =	vgt.s32 v36, $0x190;
	v38 =	vshll.u32 v36, $0x7  }
0x128: {  	vm14 =	vgt.f32 v35, v22;
	vm15 =	vgt.f32 v35, v20;
	vm8 =	vgt.f32 v35, v18  }
0x129: {  	v50 =	vadd.s32 v5, v36;
	v37 =	vsel vm4, v24, v35;
	v58 =	vnsel vm6, $0x190, v36  }
0x12a: {  	v38 =	vnsel vm13, $0x0, v38;
	v39 =	vsel vm4, v31, v34;
	v59 =	vsel vm3, v23, v35  }
0x12b: {  	v60 =	vsel vm3, v32, v34;
	v61 =	vsel vm14, v22, v35;
	v40 =	vsel vm14, v30, v34  }
0x12c: {  	v25 =	vsel vm5, v37, v25;
	v38 =	vor.u32 v16, v38;
	v37 =	vshll.u32 v58, $0x7  }
0x12d: {  	v63 =	vsel vm2, v21, v35;
	v42 =	vsel vm2, v28, v34;
	v37 =	vadd.s32 v17, v37  }
0x12e: {  	v43 =	vsel vm15, v20, v35;
	v44 =	vsel vm15, v29, v34;
	v45 =	vsel vm8, v18, v35  }
0x12f: {  	v46 =	vsel vm8, v27, v34;
	v47 =	vsel vm0, v19, v35;
	v48 =	vsel vm0, v26, v34  }
0x130: {  	v19 =	vsel vm0, v35, v19;
	v26 =	vsel vm0, v34, v26;
	v36 =	vxor.u32 $0x3F8, v51  }
0x131: {  	v33 =	vsel vm5, v39, v33;
	v24 =	vsel vm4, v59, v24;
	v31 =	vsel vm4, v60, v31;
	v38 =	vld.idx.msk [tilespmem:v38+s3+$0x0], $0xffff  }
0x132: {  	v23 =	vsel vm3, v61, v23;
	v62 =	vsel vm3, v40, v32;
	v22 =	vsel vm14, v63, v22;
	v37 =	vld.idx.msk [tilespmem:v37+s13+$0x0], $0xffff  }
0x133: {  	v30 =	vsel vm14, v42, v30;
	v21 =	vsel vm2, v43, v21;
	v28 =	vsel vm2, v44, v28  }
0x134: {  	v20 =	vsel vm15, v45, v20;
	v29 =	vsel vm15, v46, v29;
	v18 =	vsel vm8, v47, v18  }
0x135: {  	v27 =	vsel vm8, v48, v27;
	vm11 =	vlt.u32 v36, $0x190;
	vm12 =	vgt.s32 v36, $0x190  }
0x136: {  	v52 =	vshll.u32 v36, $0x7;
	v48 =	vadd.s32 v5, v36;
	v42 =	vor.u32 s31, v11  }
0x137: {  	v53 =	vnsel vm12, $0x190, v36;
	v49 =	vsel vm13, v38, v37;
	v37 =	vnsel vm11, $0x0, v52  }
0x138: {  	v38 =	vshll.u32 v53, $0x7;
	vm0 =	vgt.f32 v49, v19;
	vm2 =	vgt.f32 v49, v22  }
0x139: {  	vm9 =	vgt.f32 v49, v23;
	vm10 =	vgt.f32 v49, v24;
	vm13 =	vgt.f32 v49, v25  }
0x13a: {  	v37 =	vor.u32 v16, v37;
	v38 =	vadd.s32 v17, v38;
	vm14 =	vgt.f32 v49, v21  }
0x13b: {  	vm15 =	vgt.f32 v49, v18;
	vm8 =	vgt.f32 v49, v20;
	v54 =	vsel vm10, v24, v49  }
0x13c: {  	v55 =	vsel vm10, v31, v50;
	v56 =	vsel vm9, v23, v49;
	v57 =	vsel vm9, v62, v50  }
0x13d: {  	v58 =	vsel vm2, v22, v49;
	v59 =	vsel vm2, v30, v50;
	v60 =	vsel vm14, v21, v49  }
0x13e: {  	v61 =	vsel vm14, v28, v50;
	v63 =	vsel vm8, v29, v50;
	v43 =	vsel vm15, v18, v49  }
0x13f: {  	v44 =	vsel vm15, v27, v50;
	v45 =	vsel vm0, v19, v49;
	v46 =	vsel vm0, v26, v50  }
0x140: {  	v19 =	vsel vm0, v49, v19;
	v26 =	vsel vm0, v50, v26;
	v25 =	vsel vm13, v54, v25  }
0x141: {  	v33 =	vsel vm13, v55, v33;
	v24 =	vsel vm10, v56, v24;
	v31 =	vsel vm10, v57, v31  }
0x142: {  	v23 =	vsel vm9, v58, v23;
	v32 =	vsel vm9, v59, v62;
	v22 =	vsel vm2, v60, v22;
	v37 =	vld.idx.msk [tilespmem:v37+s3+$0x0], $0xffff  }
0x143: {  	v30 =	vsel vm2, v61, v30;
	v62 =	vsel vm8, v20, v49;
	v28 =	vsel vm14, v63, v28;
	v38 =	vld.idx.msk [tilespmem:v38+s13+$0x0], $0xffff  }
0x144: {  	v20 =	vsel vm8, v43, v20;
	v29 =	vsel vm8, v44, v29;
	v49 =	vor.u32 s31, v9  }
0x145: {  	v18 =	vsel vm15, v45, v18;
	v27 =	vsel vm15, v46, v27;
	v36 =	vxor.u32 $0x3F8, v49  }
0x146: {  	v46 =	vor.u32 s31, v10;
	v21 =	vsel vm14, v62, v21;
	vm12 =	vlt.u32 v36, $0x190  }
0x147: {  	vm13 =	vgt.s32 v36, $0x190;
	v50 =	vshll.u32 v36, $0x7;
	v45 =	vadd.s32 v5, v36  }
0x148: {  	v51 =	vnsel vm13, $0x190, v36;
	v36 =	vxor.u32 $0x3F8, v46;
	v47 =	vsel vm11, v37, v38  }
0x149: {  	vm13 =	vgt.s32 v36, $0x190;
	v38 =	vnsel vm12, $0x0, v50;
	vm0 =	vgt.f32 v47, v18  }
0x14a: {  	vm9 =	vgt.f32 v47, v23;
	vm10 =	vgt.f32 v47, v24;
	vm11 =	vgt.f32 v47, v25  }
0x14b: {  	v38 =	vor.u32 v16, v38;
	vm14 =	vgt.f32 v47, v22;
	vm15 =	vgt.f32 v47, v20  }
0x14c: {  	vm7 =	vgt.f32 v47, v21;
	vm8 =	vgt.f32 v47, v19;
	v37 =	vsel vm10, v24, v47  }
0x14d: {  	v52 =	vsel vm10, v31, v48;
	v25 =	vsel vm11, v37, v25;
	v37 =	vshll.u32 v51, $0x7  }
0x14e: {  	v53 =	vsel vm9, v23, v47;
	v54 =	vsel vm9, v32, v48;
	v37 =	vadd.s32 v17, v37  }
0x14f: {  	v55 =	vsel vm14, v22, v47;
	v56 =	vsel vm14, v30, v48;
	v57 =	vsel vm7, v21, v47  }
0x150: {  	v58 =	vsel vm7, v28, v48;
	v59 =	vsel vm15, v20, v47;
	v60 =	vsel vm15, v29, v48  }
0x151: {  	v61 =	vsel vm0, v18, v47;
	v62 =	vsel vm0, v27, v48;
	v63 =	vsel vm8, v19, v47  }
0x152: {  	v41 =	vsel vm8, v26, v48;
	v19 =	vsel vm8, v47, v19;
	v26 =	vsel vm8, v48, v26;
	v38 =	vld.idx.msk [tilespmem:v38+s3+$0x0], $0xffff  }
0x153: {  	v47 =	vshll.u32 v36, $0x7;
	v48 =	vnsel vm13, $0x190, v36;
	v33 =	vsel vm11, v52, v33;
	v37 =	vld.idx.msk [tilespmem:v37+s13+$0x0], $0xffff  }
0x154: {  	v24 =	vsel vm10, v53, v24;
	v31 =	vsel vm10, v54, v31;
	v23 =	vsel vm9, v55, v23  }
0x155: {  	v32 =	vsel vm9, v56, v32;
	v22 =	vsel vm14, v57, v22;
	v30 =	vsel vm14, v58, v30  }
0x156: {  	v21 =	vsel vm7, v59, v21;
	v28 =	vsel vm7, v60, v28;
	v20 =	vsel vm15, v61, v20  }
0x157: {  	v29 =	vsel vm15, v62, v29;
	v18 =	vsel vm0, v63, v18;
	v27 =	vsel vm0, v41, v27  }
0x158: {  	v63 =	vadd.s32 v5, v36;
	v44 =	vsel vm12, v38, v37;
	vm12 =	vlt.u32 v36, $0x190  }
0x159: {  	v36 =	vxor.u32 $0x3F8, v42;
	vm0 =	vgt.f32 v44, v19;
	vm2 =	vgt.f32 v44, v21  }
0x15a: {  	vm9 =	vgt.f32 v44, v23;
	vm10 =	vgt.f32 v44, v24;
	vm11 =	vgt.f32 v44, v25  }
0x15b: {  	v38 =	vnsel vm12, $0x0, v47;
	vm14 =	vgt.f32 v44, v22;
	vm15 =	vgt.f32 v44, v20  }
0x15c: {  	vm8 =	vgt.f32 v44, v18;
	v43 =	vshll.u32 v36, $0x7;
	v37 =	vsel vm10, v24, v44  }
0x15d: {  	v38 =	vor.u32 v16, v38;
	v25 =	vsel vm11, v37, v25;
	v37 =	vshll.u32 v48, $0x7  }
0x15e: {  	v49 =	vsel vm10, v31, v45;
	v50 =	vsel vm9, v23, v44;
	v37 =	vadd.s32 v17, v37  }
0x15f: {  	v51 =	vsel vm9, v32, v45;
	v52 =	vsel vm14, v22, v44;
	v53 =	vsel vm14, v30, v45  }
0x160: {  	v54 =	vsel vm2, v21, v44;
	v55 =	vsel vm2, v28, v45;
	v56 =	vsel vm15, v20, v44  }
0x161: {  	v57 =	vsel vm15, v29, v45;
	v58 =	vsel vm8, v18, v44;
	v59 =	vsel vm8, v27, v45  }
0x162: {  	v60 =	vsel vm0, v19, v44;
	v61 =	vsel vm0, v26, v45;
	v19 =	vsel vm0, v44, v19;
	v38 =	vld.idx.msk [tilespmem:v38+s3+$0x0], $0xffff  }
0x163: {  	v26 =	vsel vm0, v45, v26;
	v33 =	vsel vm11, v49, v33;
	v24 =	vsel vm10, v50, v24;
	v37 =	vld.idx.msk [tilespmem:v37+s13+$0x0], $0xffff  }
0x164: {  	v31 =	vsel vm10, v51, v31;
	v23 =	vsel vm9, v52, v23;
	v32 =	vsel vm9, v53, v32  }
0x165: {  	v22 =	vsel vm14, v54, v22;
	v30 =	vsel vm14, v55, v30;
	v21 =	vsel vm2, v56, v21  }
0x166: {  	v28 =	vsel vm2, v57, v28;
	v20 =	vsel vm15, v58, v20;
	v29 =	vsel vm15, v59, v29  }
0x167: {  	v18 =	vsel vm8, v60, v18;
	v27 =	vsel vm8, v61, v27;
	vm11 =	vlt.u32 v36, $0x190  }
0x168: {  	v60 =	vadd.s32 v5, v36;
	v61 =	vor.u32 s31, v12;
	v62 =	vsel vm12, v38, v37  }
0x169: {  	vm12 =	vgt.s32 v36, $0x190;
	v37 =	vnsel vm11, $0x0, v43;
	vm0 =	vgt.f32 v62, v19  }
0x16a: {  	vm2 =	vgt.f32 v62, v22;
	vm9 =	vgt.f32 v62, v23;
	vm10 =	vgt.f32 v62, v24  }
0x16b: {  	vm13 =	vgt.f32 v62, v25;
	v44 =	vnsel vm12, $0x190, v36;
	v37 =	vor.u32 v16, v37  }
0x16c: {  	vm14 =	vgt.f32 v62, v21;
	vm15 =	vgt.f32 v62, v18;
	vm8 =	vgt.f32 v62, v20  }
0x16d: {  	v36 =	vxor.u32 $0x3F8, v61;
	v45 =	vsel vm10, v24, v62;
	v38 =	vshll.u32 v44, $0x7  }
0x16e: {  	v46 =	vsel vm10, v31, v63;
	v47 =	vsel vm9, v23, v62;
	v48 =	vsel vm9, v32, v63  }
0x16f: {  	v49 =	vsel vm2, v22, v62;
	v50 =	vsel vm2, v30, v63;
	v51 =	vsel vm14, v21, v62  }
0x170: {  	v52 =	vsel vm14, v28, v63;
	v53 =	vsel vm8, v20, v62;
	v38 =	vadd.s32 v17, v38  }
0x171: {  	v54 =	vsel vm8, v29, v63;
	v55 =	vsel vm15, v18, v62;
	v56 =	vsel vm15, v27, v63  }
0x172: {  	v57 =	vsel vm0, v19, v62;
	v58 =	vsel vm0, v26, v63;
	v19 =	vsel vm0, v62, v19  }
0x173: {  	v26 =	vsel vm0, v63, v26;
	vm12 =	vlt.u32 v36, $0x190;
	v62 =	vshll.u32 v36, $0x7  }
0x174: {  	v25 =	vsel vm13, v45, v25;
	v33 =	vsel vm13, v46, v33;
	v24 =	vsel vm10, v47, v24;
	v37 =	vld.idx.msk [tilespmem:v37+s3+$0x0], $0xffff  }
0x175: {  	v31 =	vsel vm10, v48, v31;
	v23 =	vsel vm9, v49, v23;
	v32 =	vsel vm9, v50, v32;
	v38 =	vld.idx.msk [tilespmem:v38+s13+$0x0], $0xffff  }
0x176: {  	v22 =	vsel vm2, v51, v22;
	v30 =	vsel vm2, v52, v30;
	v21 =	vsel vm14, v53, v21  }
0x177: {  	v28 =	vsel vm14, v54, v28;
	v20 =	vsel vm8, v55, v20;
	v29 =	vsel vm8, v56, v29  }
0x178: {  	v18 =	vsel vm15, v57, v18;
	vm13 =	vgt.s32 v36, $0x190;
	v57 =	vor.u32 s31, v13  }
0x179: {  	v56 =	vadd.s32 v5, v36;
	v63 =	vnsel vm13, $0x190, v36;
	v36 =	vxor.u32 $0x3F8, v57  }
0x17a: {  	v27 =	vsel vm15, v58, v27;
	vm13 =	vgt.s32 v36, $0x190;
	v59 =	vsel vm11, v37, v38  }
0x17b: {  	v58 =	vshll.u32 v36, $0x7;
	v38 =	vnsel vm12, $0x0, v62;
	vm0 =	vgt.f32 v59, v18  }
0x17c: {  	vm9 =	vgt.f32 v59, v23;
	vm10 =	vgt.f32 v59, v24;
	vm11 =	vgt.f32 v59, v25  }
0x17d: {  	v38 =	vor.u32 v16, v38;
	vm14 =	vgt.f32 v59, v22;
	v37 =	vsel vm10, v24, v59  }
0x17e: {  	vm15 =	vgt.f32 v59, v20;
	v25 =	vsel vm11, v37, v25;
	v37 =	vshll.u32 v63, $0x7  }
0x17f: {  	vm7 =	vgt.f32 v59, v21;
	vm8 =	vgt.f32 v59, v19;
	v37 =	vadd.s32 v17, v37  }
0x180: {  	v42 =	vsel vm10, v31, v60;
	v43 =	vsel vm9, v23, v59;
	v44 =	vsel vm9, v32, v60  }
0x181: {  	v45 =	vsel vm14, v22, v59;
	v46 =	vsel vm14, v30, v60;
	v47 =	vsel vm7, v21, v59  }
0x182: {  	v48 =	vsel vm7, v28, v60;
	v49 =	vsel vm15, v20, v59;
	v50 =	vsel vm15, v29, v60  }
0x183: {  	v51 =	vsel vm0, v18, v59;
	v52 =	vsel vm0, v27, v60;
	v53 =	vsel vm8, v19, v59;
	v38 =	vld.idx.msk [tilespmem:v38+s3+$0x0], $0xffff  }
0x184: {  	v54 =	vsel vm8, v26, v60;
	v19 =	vsel vm8, v59, v19;
	v26 =	vsel vm8, v60, v26;
	v37 =	vld.idx.msk [tilespmem:v37+s13+$0x0], $0xffff  }
0x185: {  	v59 =	vnsel vm13, $0x190, v36;
	v33 =	vsel vm11, v42, v33;
	v24 =	vsel vm10, v43, v24  }
0x186: {  	v31 =	vsel vm10, v44, v31;
	v23 =	vsel vm9, v45, v23;
	v32 =	vsel vm9, v46, v32  }
0x187: {  	v22 =	vsel vm14, v47, v22;
	v30 =	vsel vm14, v48, v30;
	v21 =	vsel vm7, v49, v21  }
0x188: {  	v28 =	vsel vm7, v50, v28;
	v20 =	vsel vm15, v51, v20;
	v29 =	vsel vm15, v52, v29  }
0x189: {  	v18 =	vsel vm0, v53, v18;
	v27 =	vsel vm0, v54, v27;
	v55 =	vsel vm12, v38, v37  }
0x18a: {  	v54 =	vadd.s32 v5, v36;
	vm12 =	vlt.u32 v36, $0x190;
	vm0 =	vgt.f32 v55, v19  }
0x18b: {  	vm2 =	vgt.f32 v55, v21;
	vm9 =	vgt.f32 v55, v23;
	vm10 =	vgt.f32 v55, v24  }
0x18c: {  	vm11 =	vgt.f32 v55, v25;
	v38 =	vnsel vm12, $0x0, v58;
	vm14 =	vgt.f32 v55, v22  }
0x18d: {  	vm15 =	vgt.f32 v55, v20;
	vm8 =	vgt.f32 v55, v18;
	v37 =	vsel vm10, v24, v55  }
0x18e: {  	v60 =	vsel vm10, v31, v56;
	v38 =	vor.u32 v16, v38;
	v61 =	vsel vm9, v23, v55  }
0x18f: {  	v62 =	vsel vm9, v32, v56;
	v25 =	vsel vm11, v37, v25;
	v37 =	vshll.u32 v59, $0x7  }
0x190: {  	v63 =	vsel vm14, v22, v55;
	v44 =	vsel vm14, v30, v56;
	v37 =	vadd.s32 v17, v37  }
0x191: {  	v45 =	vsel vm2, v21, v55;
	v46 =	vsel vm2, v28, v56;
	v47 =	vsel vm15, v20, v55  }
0x192: {  	v48 =	vsel vm15, v29, v56;
	v49 =	vsel vm8, v18, v55;
	v50 =	vsel vm8, v27, v56  }
0x193: {  	v51 =	vsel vm0, v19, v55;
	v52 =	vsel vm0, v26, v56;
	v19 =	vsel vm0, v55, v19  }
0x194: {  	v26 =	vsel vm0, v56, v26;
	v55 =	vor.u32 s31, v14;
	v33 =	vsel vm11, v60, v33;
	v38 =	vld.idx.msk [tilespmem:v38+s3+$0x0], $0xffff  }
0x195: {  	v24 =	vsel vm10, v61, v24;
	v31 =	vsel vm10, v62, v31;
	v23 =	vsel vm9, v63, v23;
	v37 =	vld.idx.msk [tilespmem:v37+s13+$0x0], $0xffff  }
0x196: {  	v32 =	vsel vm9, v44, v32;
	v22 =	vsel vm14, v45, v22;
	v30 =	vsel vm14, v46, v30  }
0x197: {  	v21 =	vsel vm2, v47, v21;
	v28 =	vsel vm2, v48, v28;
	v20 =	vsel vm15, v49, v20  }
0x198: {  	v29 =	vsel vm15, v50, v29;
	v18 =	vsel vm8, v51, v18;
	v36 =	vxor.u32 $0x3F8, v55  }
0x199: {  	v27 =	vsel vm8, v52, v27;
	v52 =	vor.u32 s31, v15;
	vm11 =	vlt.u32 v36, $0x190  }
0x19a: {  	v56 =	vshll.u32 v36, $0x7;
	v51 =	vadd.s32 v5, v36;
	v53 =	vsel vm12, v38, v37  }
0x19b: {  	vm12 =	vgt.s32 v36, $0x190;
	v37 =	vnsel vm11, $0x0, v56;
	vm0 =	vgt.f32 v53, v19  }
0x19c: {  	vm2 =	vgt.f32 v53, v22;
	vm9 =	vgt.f32 v53, v23;
	vm10 =	vgt.f32 v53, v24  }
0x19d: {  	vm13 =	vgt.f32 v53, v25;
	v57 =	vnsel vm12, $0x190, v36;
	v37 =	vor.u32 v16, v37  }
0x19e: {  	vm14 =	vgt.f32 v53, v21;
	vm15 =	vgt.f32 v53, v18;
	vm8 =	vgt.f32 v53, v20  }
0x19f: {  	v36 =	vxor.u32 $0x3F8, v52;
	v58 =	vsel vm10, v24, v53;
	v38 =	vshll.u32 v57, $0x7  }
0x1a0: {  	v59 =	vsel vm10, v31, v54;
	v60 =	vsel vm9, v23, v53;
	v61 =	vsel vm9, v32, v54  }
0x1a1: {  	v62 =	vsel vm2, v22, v53;
	v63 =	vsel vm2, v30, v54;
	v38 =	vadd.s32 v17, v38  }
0x1a2: {  	v42 =	vsel vm14, v21, v53;
	v43 =	vsel vm14, v28, v54;
	v44 =	vsel vm8, v20, v53  }
0x1a3: {  	v45 =	vsel vm8, v29, v54;
	v46 =	vsel vm15, v18, v53;
	v47 =	vsel vm15, v27, v54  }
0x1a4: {  	v48 =	vsel vm0, v19, v53;
	v49 =	vsel vm0, v26, v54;
	v19 =	vsel vm0, v53, v19  }
0x1a5: {  	v26 =	vsel vm0, v54, v26;
	vm12 =	vlt.u32 v36, $0x190;
	v53 =	vshll.u32 v36, $0x7;
	v37 =	vld.idx.msk [tilespmem:v37+s3+$0x0], $0xffff  }
0x1a6: {  	v25 =	vsel vm13, v58, v25;
	v33 =	vsel vm13, v59, v33;
	v24 =	vsel vm10, v60, v24;
	v38 =	vld.idx.msk [tilespmem:v38+s13+$0x0], $0xffff  }
0x1a7: {  	v31 =	vsel vm10, v61, v31;
	v23 =	vsel vm9, v62, v23;
	v32 =	vsel vm9, v63, v32  }
0x1a8: {  	v22 =	vsel vm2, v42, v22;
	v30 =	vsel vm2, v43, v30;
	v21 =	vsel vm14, v44, v21  }
0x1a9: {  	v28 =	vsel vm14, v45, v28;
	v20 =	vsel vm8, v46, v20;
	v29 =	vsel vm8, v47, v29  }
0x1aa: {  	v18 =	vsel vm15, v48, v18;
	v27 =	vsel vm15, v49, v27;
	vm13 =	vgt.s32 v36, $0x190  }
0x1ab: {  	v49 =	vadd.s32 v5, v36;
	v54 =	vnsel vm13, $0x190, v36;
	v50 =	vsel vm11, v37, v38  }
0x1ac: {  	v38 =	vnsel vm12, $0x0, v53;
	vm0 =	vgt.f32 v50, v18;
	vm10 =	vgt.f32 v50, v24  }
0x1ad: {  	vm9 =	vgt.f32 v50, v23;
	vm11 =	vgt.f32 v50, v25;
	v37 =	vsel vm10, v24, v50  }
0x1ae: {  	v38 =	vor.u32 v16, v38;
	v25 =	vsel vm11, v37, v25;
	v37 =	vshll.u32 v54, $0x7  }
0x1af: {  	vm14 =	vgt.f32 v50, v22;
	vm15 =	vgt.f32 v50, v20;
	v37 =	vadd.s32 v17, v37  }
0x1b0: {  	vm8 =	vgt.f32 v50, v21;
	v55 =	vsel vm10, v31, v51;
	v56 =	vsel vm9, v23, v50  }
0x1b1: {  	v57 =	vsel vm9, v32, v51;
	v58 =	vsel vm14, v22, v50;
	v59 =	vsel vm14, v30, v51  }
0x1b2: {  	v60 =	vsel vm8, v21, v50;
	v61 =	vsel vm8, v28, v51;
	v62 =	vsel vm15, v20, v50  }
0x1b3: {  	v63 =	vsel vm15, v29, v51;
	v44 =	vsel vm0, v18, v50;
	v45 =	vsel vm0, v27, v51;
	v38 =	vld.idx.msk [tilespmem:v38+s3+$0x0], $0xffff  }
0x1b4: {  	v33 =	vsel vm11, v55, v33;
	v24 =	vsel vm10, v56, v24;
	v31 =	vsel vm10, v57, v31;
	v37 =	vld.idx.msk [tilespmem:v37+s13+$0x0], $0xffff  }
0x1b5: {  	v23 =	vsel vm9, v58, v23;
	v32 =	vsel vm9, v59, v32;
	v22 =	vsel vm14, v60, v22  }
0x1b6: {  	v30 =	vsel vm14, v61, v30;
	v21 =	vsel vm8, v62, v21;
	vm9 =	vgt.f32 v50, v19  }
0x1b7: {  	v28 =	vsel vm8, v63, v28;
	v20 =	vsel vm15, v44, v20;
	v29 =	vsel vm15, v45, v29  }
0x1b8: {  	v46 =	vsel vm9, v19, v50;
	v47 =	vsel vm9, v26, v51;
	v19 =	vsel vm9, v50, v19  }
0x1b9: {  	v26 =	vsel vm9, v51, v26;
	v18 =	vsel vm0, v46, v18;
	v48 =	vsel vm12, v38, v37  }
0x1ba: {  	v27 =	vsel vm0, v47, v27;
	vm10 =	vgt.f32 v48, v19;
	vm1 =	vgt.f32 v48, v18  }
0x1bb: {  	vm11 =	vgt.f32 v48, v20;
	vm12 =	vgt.f32 v48, v21;
	vm13 =	vgt.f32 v48, v24  }
0x1bc: {  	vm14 =	vgt.f32 v48, v22;
	vm15 =	vgt.f32 v48, v25;
	vm7 =	vgt.f32 v48, v23  }
0x1bd: {  	v50 =	vsel vm13, v24, v48;
	v51 =	vsel vm13, v31, v49;
	v52 =	vsel vm7, v23, v48  }
0x1be: {  	v53 =	vsel vm7, v32, v49;
	v54 =	vsel vm14, v22, v48;
	v55 =	vsel vm14, v30, v49  }
0x1bf: {  	v56 =	vsel vm12, v21, v48;
	v57 =	vsel vm12, v28, v49;
	v58 =	vsel vm11, v20, v48  }
0x1c0: {  	v59 =	vsel vm11, v29, v49;
	v60 =	vsel vm1, v18, v48;
	v61 =	vsel vm1, v27, v49  }
0x1c1: {  	p0 =	sne.s32 s31, $0x7;
	v62 =	vsel vm10, v19, v48;
	v63 =	vsel vm10, v26, v49;
	v19 =	vsel vm10, v48, v19  }
.Ltmp3:
0x1c2: {  	v26 =	vsel vm10, v49, v26;
	v25 =	vsel vm15, v50, v25;
	v33 =	vsel vm15, v51, v33;
	(pc) =	sbr.rel @p0 .LBB2_10-.Ltmp3, $4  }
0x1c3: {  	v24 =	vsel vm13, v52, v24;
	v31 =	vsel vm13, v53, v31;
	v23 =	vsel vm7, v54, v23  }
0x1c4: {  	v32 =	vsel vm7, v55, v32;
	v22 =	vsel vm14, v56, v22;
	v30 =	vsel vm14, v57, v30  }
0x1c5: {  	v21 =	vsel vm12, v58, v21;
	v28 =	vsel vm12, v59, v28;
	v20 =	vsel vm11, v60, v20  }
0x1c6: {  	s31 =	sadd.s32 $0x1, s31;
	v29 =	vsel vm11, v61, v29;
	v18 =	vsel vm1, v62, v18;
	v27 =	vsel vm1, v63, v27  }
0x1c7: {  	[tilespmem:s22+$0x19800] =	vst v19  }
0x1c8: {  	[tilespmem:s22+$0x19C00] =	vst v26  }
0x1c9: {  	[tilespmem:s24+$0x19800] =	vst v18  }
0x1ca: {  	[tilespmem:s24+$0x19C00] =	vst v27  }
0x1cb: {  	[tilespmem:s29+$0x19800] =	vst v20  }
0x1cc: {  	[tilespmem:s29+$0x19C00] =	vst v29  }
0x1cd: {  	[tilespmem:s26+$0x19800] =	vst v21  }
0x1ce: {  	[tilespmem:s26+$0x19C00] =	vst v28  }
0x1cf: {  	[tilespmem:s25+$0x19800] =	vst v22  }
0x1d0: {  	s20 =	sadd.s32 $0x1, s20;
	[tilespmem:s25+$0x19C00] =	vst v30  }
0x1d1: {  	p0 =	sne.s32 s20, $0x8;
	[tilespmem:s30+$0x19800] =	vst v23  }
.Ltmp4:
0x1d2: {  	[tilespmem:s30+$0x19C00] =	vst v32;
	(pc) =	sbr.rel @p0 .LBB2_7-.Ltmp4, $4  }
0x1d3: {  	[tilespmem:s28+$0x19800] =	vst v24  }
0x1d4: {  	[tilespmem:s28+$0x19C00] =	vst v31  }
0x1d5: {  	[tilespmem:s23+$0x19800] =	vst v25  }
0x1d6: {  	s21 =	sadd.s32 $0x10, s21;
	[tilespmem:s23+$0x19C00] =	vst v33  }
0x1d7: {  	s19 =	sadd.s32 $0x1, s19  }
0x1d8: {  	p0 =	slt.s32 s19, $0x9;
	s0 =	smov.u32 s19  }
0x1d9: {  	s0 =	simm.s32 @!p0 $0x9  }
0x1da: {  	s0 =	smul.u32 $0xC8000, s0;
	_ =	sdelay $0x1  }
0x1db: {  	p0 =	sne.s32 s19, $0xA;
	s1 =	sadd.s32 s4, s0  }
.Ltmp5:
0x1dc: {  	s0 =	sadd.s32 s0, s7;
	s1 =	sshrl.u32 s1, $0x3;
	(pc) =	sbr.rel @p0 .LBB2_2-.Ltmp5, $4  }
0x1dd: {  	s0 =	sshrl.u32 s0, $0x3;
	s1 =	sadd.s32 s2, s1  }
0x1de: {  	[tilespmem:s3], [sflag:$0x1] =	stream.strided.gather [hbm4b:s1+s11], $0xC800, s12, s11, $0x38;
	[tilespmem:$0x1A400] =	vst v63  }
0x1df: {  	s0 =	sadd.s32 s2, s0  }
0x1e0: {  	[tilespmem:s13], [sflag:$0x2] =	stream.strided.gather [hbm4b:s0+s11], $0xC800, s12, s11, $0x38;
	[tilespmem:$0x1A400] =	vst v63  }
0x1e1: {  	_ =	swait.ge [sflag:s14], $0xC800  }
0x1e2: {  	[sflag:s14] =	ssyncset.done $0x0  }
0x1e3: {  	[sflag:s14] =	ssyncadd.s32 $0xFFFF3800  }
0x1e4: {  	_ =	swait.ge [sflag:s15], $0xC800  }
0x1e5: {  	[sflag:s15] =	ssyncset.done $0x0  }
0x1e6: {  	s19 =	simm.s32 $0x0;
	[sflag:s15] =	ssyncadd.s32 $0xFFFF3800  }
0x1e7: {  	[tilespmem:s19], [sflag:$0x3] =	stream.strided.gather [hbm4b:s8+s11], $0x6000, s12, s11, $0x38;
	[tilespmem:$0x1A400] =	vst v63  }
0x1e8: {  	_ =	swait.ge [sflag:s16], $0x6000  }
0x1e9: {  	[sflag:s16] =	ssyncset.done $0x0  }
0x1ea: {  	[sflag:s16] =	ssyncadd.s32 $0xFFFFA000  }
0x1eb: {  	[tilespmem:$0x19000] =	vst v3  }
0x1ec: {  	[tilespmem:$0x19080] =	vst v3  }
0x1ed: {  	[tilespmem:$0x19100] =	vst v3  }
0x1ee: {  	[tilespmem:$0x19180] =	vst v3  }
0x1ef: {  	[tilespmem:$0x19200] =	vst v3  }
0x1f0: {  	[tilespmem:$0x19280] =	vst v3  }
0x1f1: {  	[tilespmem:$0x19300] =	vst v3  }
0x1f2: {  	[tilespmem:$0x19380] =	vst v3  }
0x1f3: {  	[tilespmem:$0x19400] =	vst v3  }
0x1f4: {  	[tilespmem:$0x19480] =	vst v3  }
0x1f5: {  	[tilespmem:$0x19010] =	vst v3  }
0x1f6: {  	[tilespmem:$0x19090] =	vst v3  }
0x1f7: {  	[tilespmem:$0x19110] =	vst v3  }
0x1f8: {  	[tilespmem:$0x19190] =	vst v3  }
0x1f9: {  	[tilespmem:$0x19210] =	vst v3  }
0x1fa: {  	[tilespmem:$0x19290] =	vst v3  }
0x1fb: {  	[tilespmem:$0x19310] =	vst v3  }
0x1fc: {  	[tilespmem:$0x19390] =	vst v3  }
0x1fd: {  	[tilespmem:$0x19410] =	vst v3  }
0x1fe: {  	[tilespmem:$0x19490] =	vst v3  }
0x1ff: {  	[tilespmem:$0x19020] =	vst v3  }
0x200: {  	[tilespmem:$0x190A0] =	vst v3  }
0x201: {  	[tilespmem:$0x19120] =	vst v3  }
0x202: {  	[tilespmem:$0x191A0] =	vst v3  }
0x203: {  	[tilespmem:$0x19220] =	vst v3  }
0x204: {  	[tilespmem:$0x192A0] =	vst v3  }
0x205: {  	[tilespmem:$0x19320] =	vst v3  }
0x206: {  	[tilespmem:$0x193A0] =	vst v3  }
0x207: {  	[tilespmem:$0x19420] =	vst v3  }
0x208: {  	[tilespmem:$0x194A0] =	vst v3  }
0x209: {  	[tilespmem:$0x19030] =	vst v3  }
0x20a: {  	[tilespmem:$0x190B0] =	vst v3  }
0x20b: {  	[tilespmem:$0x19130] =	vst v3  }
0x20c: {  	[tilespmem:$0x191B0] =	vst v3  }
0x20d: {  	[tilespmem:$0x19230] =	vst v3  }
0x20e: {  	[tilespmem:$0x192B0] =	vst v3  }
0x20f: {  	[tilespmem:$0x19330] =	vst v3  }
0x210: {  	[tilespmem:$0x193B0] =	vst v3  }
0x211: {  	[tilespmem:$0x19430] =	vst v3  }
0x212: {  	[tilespmem:$0x194B0] =	vst v3  }
0x213: {  	[tilespmem:$0x19040] =	vst v3  }
0x214: {  	[tilespmem:$0x190C0] =	vst v3  }
0x215: {  	[tilespmem:$0x19140] =	vst v3  }
0x216: {  	[tilespmem:$0x191C0] =	vst v3  }
0x217: {  	[tilespmem:$0x19240] =	vst v3  }
0x218: {  	[tilespmem:$0x192C0] =	vst v3  }
0x219: {  	[tilespmem:$0x19340] =	vst v3  }
0x21a: {  	[tilespmem:$0x193C0] =	vst v3  }
0x21b: {  	[tilespmem:$0x19440] =	vst v3  }
0x21c: {  	[tilespmem:$0x194C0] =	vst v3  }
0x21d: {  	[tilespmem:$0x19050] =	vst v3  }
0x21e: {  	[tilespmem:$0x190D0] =	vst v3  }
0x21f: {  	[tilespmem:$0x19150] =	vst v3  }
0x220: {  	[tilespmem:$0x191D0] =	vst v3  }
0x221: {  	[tilespmem:$0x19250] =	vst v3  }
0x222: {  	[tilespmem:$0x192D0] =	vst v3  }
0x223: {  	[tilespmem:$0x19350] =	vst v3  }
0x224: {  	[tilespmem:$0x193D0] =	vst v3  }
0x225: {  	[tilespmem:$0x19450] =	vst v3  }
0x226: {  	[tilespmem:$0x194D0] =	vst v3  }
0x227: {  	[tilespmem:$0x19060] =	vst v3  }
0x228: {  	[tilespmem:$0x190E0] =	vst v3  }
0x229: {  	[tilespmem:$0x19160] =	vst v3  }
0x22a: {  	[tilespmem:$0x191E0] =	vst v3  }
0x22b: {  	[tilespmem:$0x19260] =	vst v3  }
0x22c: {  	[tilespmem:$0x192E0] =	vst v3  }
0x22d: {  	[tilespmem:$0x19360] =	vst v3  }
0x22e: {  	[tilespmem:$0x193E0] =	vst v3  }
0x22f: {  	[tilespmem:$0x19460] =	vst v3  }
0x230: {  	[tilespmem:$0x194E0] =	vst v3  }
0x231: {  	[tilespmem:$0x19070] =	vst v3  }
0x232: {  	[tilespmem:$0x190F0] =	vst v3  }
0x233: {  	[tilespmem:$0x19170] =	vst v3  }
0x234: {  	[tilespmem:$0x191F0] =	vst v3  }
0x235: {  	[tilespmem:$0x19270] =	vst v3  }
0x236: {  	[tilespmem:$0x192F0] =	vst v3  }
0x237: {  	[tilespmem:$0x19370] =	vst v3  }
0x238: {  	[tilespmem:$0x193F0] =	vst v3  }
0x239: {  	[tilespmem:$0x19470] =	vst v3  }
0x23a: {  	s20 =	simm.s32 $0x200;
	[tilespmem:$0x194F0] =	vst v3  }
.LBB2_14:
0x23b: {  	v5 =	vld [tilespmem:s20+$0xFFFFFE80]  }
0x23c: {  	v6 =	vld [tilespmem:s20+$0xFFFFFE00]  }
0x23d: {  	v7 =	vld [tilespmem:s20+$0xFFFFFF00]  }
0x23e: {  	v8 =	vld [tilespmem:s20+$0xFFFFFF80]  }
0x23f: {  	v9 =	vld [tilespmem:s20+$0x0]  }
0x240: {  	v10 =	vld [tilespmem:s20+$0x80]  }
0x241: {  	s21 =	sshll.u32 s19, $0x4;
	v11 =	vld [tilespmem:s20+$0x100]  }
0x242: {  	v14 =	vld [tilespmem:s21+$0x19000];
	v5 =	vmax.f32 v6, v5  }
0x243: {  	v6 =	vld [tilespmem:s20+$0x180];
	v5 =	vmax.f32 v5, v7  }
0x244: {  	v15 =	vld [tilespmem:s21+$0x19100];
	v5 =	vmax.f32 v5, v8  }
0x245: {  	v12 =	vld [tilespmem:s21+$0x19280];
	v7 =	vmax.f32 v5, v9  }
0x246: {  	v8 =	vld [tilespmem:s21+$0x19300];
	v7 =	vmax.f32 v7, v10  }
0x247: {  	v5 =	vld [tilespmem:s21+$0x19180];
	v7 =	vmax.f32 v7, v11  }
0x248: {  	v9 =	vld [tilespmem:s21+$0x19380];
	v6 =	vmax.f32 v7, v6  }
0x249: {  	v11 =	vld [tilespmem:s21+$0x19400];
	v7 =	vshra.s32 v6, $0x1F  }
0x24a: {  	v16 =	vld [tilespmem:s21+$0x19200];
	v6 =	vand.u32 $0xFFFFFF80, v6;
	v7 =	vand.u32 $0x7FFFFF80, v7  }
0x24b: {  	s1 =	simm.s32 $0x7F;
	v13 =	vld [tilespmem:s21+$0x19080];
	v6 =	vxor.u32 v6, v7  }
0x24c: {  	s0 =	sadd.s32 $0x400, s20;
	v17 =	vld [tilespmem:s21+$0x19480];
	v18 =	vor.u32 s1, v6  }
0x24d: {  	v10 =	vld [tilespmem:s0+$0xFFFFFE00];
	vm1 =	vlt.s32 v18, v8;
	vm2 =	vlt.s32 v18, v9  }
0x24e: {  	v6 =	vld [tilespmem:s0+$0xFFFFFE80];
	vm0 =	vlt.s32 v18, v15;
	vm3 =	vlt.s32 v18, v5;
	vm4 =	vlt.s32 v18, v11  }
0x24f: {  	v19 =	vld [tilespmem:s0+$0xFFFFFF00];
	vm5 =	vlt.s32 v18, v12;
	vm10 =	vlt.s32 v18, v16;
	vm11 =	vlt.s32 v18, v14  }
0x250: {  	v21 =	vld [tilespmem:s0+$0xFFFFFF80];
	vm13 =	vlt.s32 v18, v13;
	v7 =	vsel vm1, v18, v8;
	v20 =	vsel vm2, v18, v9  }
0x251: {  	v25 =	vld [tilespmem:s0+$0x0];
	v22 =	vsel vm3, v18, v5;
	v23 =	vsel vm5, v18, v12;
	v24 =	vsel vm4, v18, v11  }
0x252: {  	v26 =	vld [tilespmem:s0+$0x80];
	v63 =	vsel vm11, v18, v14;
	vm1 =	vgt.s32 v9, v7;
	vm2 =	vgt.s32 v11, v20  }
0x253: {  	v27 =	vld [tilespmem:s0+$0x100];
	vm8 =	vgt.s32 v17, v24;
	vm9 =	vgt.s32 v16, v22;
	v6 =	vmax.f32 v10, v6  }
0x254: {  	vm5 =	vgt.s32 v8, v23;
	v7 =	vsel vm1, v9, v7;
	v6 =	vmax.f32 v6, v19;
	v19 =	vld [tilespmem:s0+$0x180]  }
0x255: {  	v10 =	vsel vm5, v8, v23;
	v8 =	vsel vm2, v11, v20;
	v11 =	vmax.f32 v6, v21  }
0x256: {  	v6 =	vsel vm9, v16, v22;
	v16 =	vsel vm10, v18, v16;
	v11 =	vmax.f32 v11, v25  }
0x257: {  	v9 =	vsel vm8, v17, v24;
	vm12 =	vgt.s32 v12, v16;
	v17 =	vmax.f32 v11, v26  }
0x258: {  	vm1 =	vgt.s32 v13, v63;
	v11 =	vsel vm12, v12, v16;
	v12 =	vmax.f32 v17, v27  }
0x259: {  	s30 =	simm.s32 $0x7E;
	v16 =	vmax.f32 v12, v19;
	v12 =	vsel vm1, v13, v63;
	v13 =	vsel vm13, v18, v13  }
0x25a: {  	s23 =	sor.u32 $0x80, s21;
	s28 =	sor.u32 $0x100, s21;
	s25 =	sor.u32 $0x180, s21;
	vm15 =	vgt.s32 v14, v18;
	v17 =	vshra.s32 v16, $0x1F;
	vm14 =	vgt.s32 v15, v13  }
0x25b: {  	s24 =	sor.u32 $0x200, s21;
	s29 =	sor.u32 $0x280, s21;
	s26 =	sor.u32 $0x300, s21;
	v16 =	vand.u32 $0xFFFFFF80, v16;
	v17 =	vand.u32 $0x7FFFFF80, v17;
	v13 =	vsel vm14, v15, v13  }
0x25c: {  	s22 =	sor.u32 $0x380, s21;
	s1 =	simm.s32 $0x7D;
	v14 =	vsel vm15, v14, v18;
	s0 =	sadd.s32 $0x400, s0;
	v17 =	vxor.u32 v16, v17;
	v16 =	vsel vm0, v18, v15;
	v15 =	vmovc v13  }
.LBB2_15:
0x25d: {  	v18 =	vld [tilespmem:s0+$0xFFFFFE80];
	p0 =	sne.s32 s1, $0x68;
	v19 =	vor.u32 s30, v17;
	vm0 =	vgt.s32 v5, v16;
	s30 =	smov.u32 s1;
	s1 =	sadd.s32 $0xFFFFFFFF, s1  }
0x25e: {  	v17 =	vld [tilespmem:s0+$0xFFFFFF00];
	vm1 =	vlt.s32 v19, v10;
	vm2 =	vlt.s32 v19, v7;
	v5 =	vsel vm0, v5, v16  }
0x25f: {  	vm0 =	vlt.s32 v19, v13;
	vm4 =	vlt.s32 v19, v8;
	v16 =	vld [tilespmem:s0+$0xFFFFFE00];
	vm3 =	vlt.s32 v19, v5  }
0x260: {  	vm5 =	vlt.s32 v19, v11;
	v21 =	vsel vm1, v19, v10;
	v22 =	vsel vm2, v19, v7;
	v20 =	vld [tilespmem:s0+$0xFFFFFF80]  }
0x261: {  	v25 =	vsel vm5, v19, v11;
	v26 =	vsel vm4, v19, v8;
	v24 =	vsel vm3, v19, v5;
	v23 =	vld [tilespmem:s0+$0x0]  }
0x262: {  	vm1 =	vgt.s32 v7, v21;
	vm2 =	vgt.s32 v8, v22;
	vm3 =	vgt.s32 v9, v26;
	v27 =	vld [tilespmem:s0+$0x100]  }
0x263: {  	vm5 =	vgt.s32 v10, v25;
	vm4 =	vgt.s32 v6, v24;
	v7 =	vsel vm1, v7, v21;
	v28 =	vld [tilespmem:s0+$0x80]  }
0x264: {  	v10 =	vsel vm5, v10, v25;
	v8 =	vsel vm2, v8, v22;
	v16 =	vmax.f32 v16, v18  }
0x265: {  	vm1 =	vlt.s32 v19, v6;
	v9 =	vsel vm3, v9, v26;
	v16 =	vmax.f32 v16, v17;
	v17 =	vld [tilespmem:s0+$0x180]  }
0x266: {  	v18 =	vsel vm1, v19, v6;
	v6 =	vsel vm4, v6, v24;
	v16 =	vmax.f32 v16, v20  }
0x267: {  	vm1 =	vlt.s32 v19, v14;
	vm2 =	vgt.s32 v11, v18;
	v16 =	vmax.f32 v16, v23  }
0x268: {  	v20 =	vsel vm1, v19, v14;
	v11 =	vsel vm2, v11, v18;
	v16 =	vmax.f32 v16, v28  }
.Ltmp6:
0x269: {  	vm2 =	vlt.s32 v19, v12;
	vm1 =	vgt.s32 v12, v20;
	v16 =	vmax.f32 v16, v27;
	(pc) =	sbr.rel @p0 .LBB2_15-.Ltmp6, $4  }
0x26a: {  	v16 =	vmax.f32 v16, v17;
	v17 =	vsel vm2, v19, v12;
	v12 =	vsel vm1, v12, v20  }
0x26b: {  	v18 =	vshra.s32 v16, $0x1F;
	v16 =	vand.u32 $0xFFFFFF80, v16;
	vm1 =	vgt.s32 v13, v17  }
0x26c: {  	vm2 =	vgt.s32 v14, v19;
	v18 =	vand.u32 $0x7FFFFF80, v18;
	v13 =	vsel vm1, v13, v17  }
0x26d: {  	s0 =	sadd.s32 $0x400, s0;
	v14 =	vsel vm2, v14, v19;
	v17 =	vxor.u32 v16, v18;
	v16 =	vsel vm0, v19, v15;
	v15 =	vmovc v13  }
0x26e: {  	v24 =	vor.u32 s30, v17  }
0x26f: {  	vm0 =	vgt.s32 v5, v16;
	vm1 =	vlt.s32 v24, v10  }
0x270: {  	vm2 =	vlt.s32 v24, v7;
	v5 =	vsel vm0, v5, v16;
	vm14 =	vlt.s32 v24, v13  }
0x271: {  	vm4 =	vlt.s32 v24, v8;
	vm5 =	vlt.s32 v24, v11;
	vm10 =	vlt.s32 v24, v6  }
0x272: {  	vm11 =	vlt.s32 v24, v14;
	vm12 =	vlt.s32 v24, v12;
	vm13 =	vgt.s32 v14, v24  }
0x273: {  	vm3 =	vlt.s32 v24, v5;
	v16 =	vsel vm1, v24, v10;
	v19 =	vsel vm2, v24, v7  }
0x274: {  	v18 =	vld [tilespmem:s21+$0x19800];
	v17 =	vsel vm5, v24, v11;
	v20 =	vsel vm4, v24, v8;
	v21 =	vsel vm3, v24, v5  }
0x275: {  	v22 =	vld [tilespmem:s29+$0x19800];
	vm1 =	vgt.s32 v7, v16;
	vm2 =	vgt.s32 v8, v19;
	vm15 =	vgt.s32 v9, v20  }
0x276: {  	v23 =	vld [tilespmem:s26+$0x19800];
	vm8 =	vgt.s32 v10, v17;
	vm9 =	vgt.s32 v6, v21;
	v16 =	vsel vm1, v7, v16  }
0x277: {  	v25 =	vld [tilespmem:s21+$0x19C00];
	v29 =	vsel vm8, v10, v17;
	v30 =	vsel vm2, v8, v19;
	v7 =	vsel vm10, v24, v6  }
0x278: {  	v26 =	vld [tilespmem:s23+$0x19C00];
	v31 =	vsel vm15, v9, v20;
	v8 =	vsel vm11, v24, v14;
	vm1 =	vgt.s32 v11, v7  }
0x279: {  	v28 =	vld [tilespmem:s28+$0x19C00];
	v9 =	vsel vm9, v6, v21;
	vm2 =	vgt.s32 v12, v8;
	v10 =	vsel vm1, v11, v7  }
0x27a: {  	v27 =	vld [tilespmem:s25+$0x19C00];
	v6 =	vsel vm2, v12, v8;
	v7 =	vsel vm12, v24, v12;
	v8 =	vsel vm14, v24, v15  }
0x27b: {  	v32 =	vld [tilespmem:s26+$0x19C00];
	v11 =	vsel vm13, v14, v24;
	v9 =	vshll.u32 v9, $0x3;
	v12 =	vshll.u32 v16, $0x3  }
0x27c: {  	v17 =	vld [tilespmem:s23+$0x19800];
	v14 =	vshll.u32 v31, $0x3;
	v15 =	vor.u32 s21, v2;
	v16 =	vadd.s32 s21, v4  }
0x27d: {  	v19 =	vld [tilespmem:s28+$0x19800];
	vm14 =	vgt.s32 v13, v7;
	vm15 =	vgt.s32 v5, v8;
	v6 =	vshll.u32 v6, $0x3  }
0x27e: {  	v20 =	vld [tilespmem:s25+$0x19800];
	v10 =	vshll.u32 v10, $0x3;
	v9 =	vand.u32 $0x3F8, v9;
	v12 =	vand.u32 $0x3F8, v12  }
0x27f: {  	v21 =	vld [tilespmem:s24+$0x19800];
	v14 =	vand.u32 $0x3F8, v14;
	v7 =	vsel vm14, v13, v7;
	v8 =	vsel vm15, v5, v8  }
0x280: {  	v24 =	vld [tilespmem:s22+$0x19800];
	v5 =	vshll.u32 v11, $0x3;
	v6 =	vand.u32 $0x3F8, v6;
	v10 =	vand.u32 $0x3F8, v10  }
0x281: {  	v31 =	vld [tilespmem:s22+$0x19C00];
	v11 =	vshll.u32 v29, $0x3;
	v13 =	vshll.u32 v30, $0x3;
	v5 =	vand.u32 $0x3F8, v5  }
0x282: {  	v29 =	vld [tilespmem:s24+$0x19C00];
	v7 =	vshll.u32 v7, $0x3;
	v8 =	vshll.u32 v8, $0x3;
	v11 =	vand.u32 $0x3F8, v11  }
0x283: {  	s30 =	simm.s32 $0x0;
	v30 =	vld [tilespmem:s29+$0x19C00];
	v13 =	vand.u32 $0x3F8, v13;
	v7 =	vand.u32 $0x3F8, v7;
	v8 =	vand.u32 $0x3F8, v8  }
.LBB2_17:
0x284: {  	v33 =	vor.u32 s30, v5  }
0x285: {  	v33 =	vxor.u32 $0x3F8, v33  }
0x286: {  	vm0 =	vlt.u32 v33, $0x190;
	vm1 =	vgt.s32 v33, $0x190;
	v34 =	vshll.u32 v33, $0x7  }
0x287: {  	v35 =	vnsel vm1, $0x190, v33;
	v34 =	vnsel vm0, $0x0, v34  }
0x288: {  	v34 =	vor.u32 v15, v34;
	v35 =	vshll.u32 v35, $0x7  }
0x289: {  	v35 =	vadd.s32 v16, v35;
	_ =	sdelay $0x3  }
0x28a: {  	v34 =	vld.idx.msk [tilespmem:v34+s3+$0x0], $0xffff  }
0x28b: {  	v35 =	vld.idx.msk [tilespmem:v35+s13+$0x0], $0xffff;
	_ =	sdelay $0x3  }
0x28c: {  	v48 =	vor.u32 s30, v6  }
0x28d: {  	v33 =	vadd.s32 $0x1F40, v33;
	v34 =	vsel vm0, v34, v35;
	v35 =	vxor.u32 $0x3F8, v48  }
0x28e: {  	vm0 =	vgt.f32 v34, v18;
	vm2 =	vgt.f32 v34, v20;
	vm3 =	vgt.f32 v34, v22  }
0x28f: {  	vm4 =	vgt.f32 v34, v23;
	vm5 =	vgt.f32 v34, v24;
	vm13 =	vlt.u32 v35, $0x190  }
0x290: {  	vm6 =	vgt.s32 v35, $0x190;
	v37 =	vshll.u32 v35, $0x7;
	vm14 =	vgt.f32 v34, v21  }
0x291: {  	vm15 =	vgt.f32 v34, v19;
	vm8 =	vgt.f32 v34, v17;
	v63 =	vadd.s32 $0x1F40, v35  }
0x292: {  	v36 =	vsel vm4, v23, v34;
	v49 =	vnsel vm6, $0x190, v35;
	v37 =	vnsel vm13, $0x0, v37  }
0x293: {  	v38 =	vsel vm4, v32, v33;
	v50 =	vsel vm3, v22, v34;
	v51 =	vsel vm3, v30, v33  }
0x294: {  	v53 =	vsel vm14, v21, v34;
	v39 =	vsel vm14, v29, v33;
	v54 =	vsel vm2, v20, v34  }
0x295: {  	v55 =	vsel vm2, v27, v33;
	v56 =	vsel vm15, v19, v34;
	v57 =	vsel vm15, v28, v33  }
0x296: {  	v24 =	vsel vm5, v36, v24;
	v37 =	vor.u32 v15, v37;
	v36 =	vshll.u32 v49, $0x7  }
0x297: {  	v58 =	vsel vm8, v17, v34;
	v59 =	vsel vm8, v26, v33;
	v36 =	vadd.s32 v16, v36  }
0x298: {  	v60 =	vsel vm0, v18, v34;
	v61 =	vsel vm0, v25, v33;
	v18 =	vsel vm0, v34, v18  }
0x299: {  	v25 =	vsel vm0, v33, v25;
	v31 =	vsel vm5, v38, v31;
	v23 =	vsel vm4, v50, v23  }
0x29a: {  	v52 =	vsel vm4, v51, v32;
	v22 =	vsel vm3, v53, v22;
	v30 =	vsel vm3, v39, v30  }
0x29b: {  	v21 =	vsel vm14, v54, v21;
	v29 =	vsel vm14, v55, v29;
	v20 =	vsel vm2, v56, v20;
	v37 =	vld.idx.msk [tilespmem:v37+s3+$0x0], $0xffff  }
0x29c: {  	v27 =	vsel vm2, v57, v27;
	v19 =	vsel vm15, v58, v19;
	v39 =	vor.u32 s30, v7;
	v36 =	vld.idx.msk [tilespmem:v36+s13+$0x0], $0xffff  }
0x29d: {  	v28 =	vsel vm15, v59, v28;
	v58 =	vor.u32 s30, v8;
	v35 =	vxor.u32 $0x3F8, v39  }
0x29e: {  	vm11 =	vlt.u32 v35, $0x190;
	vm12 =	vgt.s32 v35, $0x190;
	v40 =	vshll.u32 v35, $0x7  }
0x29f: {  	v57 =	vadd.s32 $0x1F40, v35;
	v41 =	vnsel vm12, $0x190, v35;
	v35 =	vxor.u32 $0x3F8, v58  }
0x2a0: {  	v17 =	vsel vm8, v60, v17;
	v26 =	vsel vm8, v61, v26;
	vm12 =	vlt.u32 v35, $0x190  }
0x2a1: {  	v59 =	vshll.u32 v35, $0x7;
	v62 =	vsel vm13, v37, v36;
	v36 =	vnsel vm11, $0x0, v40  }
0x2a2: {  	v37 =	vshll.u32 v41, $0x7;
	vm0 =	vgt.f32 v62, v18;
	vm2 =	vgt.f32 v62, v21  }
0x2a3: {  	vm9 =	vgt.f32 v62, v22;
	vm10 =	vgt.f32 v62, v23;
	vm13 =	vgt.f32 v62, v24  }
0x2a4: {  	v36 =	vor.u32 v15, v36;
	v37 =	vadd.s32 v16, v37;
	vm14 =	vgt.f32 v62, v20  }
0x2a5: {  	vm15 =	vgt.f32 v62, v17;
	vm8 =	vgt.f32 v62, v19;
	v42 =	vsel vm10, v23, v62  }
0x2a6: {  	v43 =	vsel vm10, v52, v63;
	v44 =	vsel vm9, v22, v62;
	v45 =	vsel vm9, v30, v63  }
0x2a7: {  	v46 =	vsel vm2, v21, v62;
	v47 =	vsel vm2, v29, v63;
	v48 =	vsel vm14, v20, v62  }
0x2a8: {  	v49 =	vsel vm14, v27, v63;
	v50 =	vsel vm8, v19, v62;
	v51 =	vsel vm8, v28, v63  }
0x2a9: {  	v53 =	vsel vm15, v26, v63;
	v54 =	vsel vm0, v18, v62;
	v55 =	vsel vm0, v25, v63  }
0x2aa: {  	v18 =	vsel vm0, v62, v18;
	v25 =	vsel vm0, v63, v25;
	v24 =	vsel vm13, v42, v24  }
0x2ab: {  	v31 =	vsel vm13, v43, v31;
	v23 =	vsel vm10, v44, v23;
	v32 =	vsel vm10, v45, v52  }
0x2ac: {  	v22 =	vsel vm9, v46, v22;
	v30 =	vsel vm9, v47, v30;
	v21 =	vsel vm2, v48, v21;
	v36 =	vld.idx.msk [tilespmem:v36+s3+$0x0], $0xffff  }
0x2ad: {  	v29 =	vsel vm2, v49, v29;
	v20 =	vsel vm14, v50, v20;
	v27 =	vsel vm14, v51, v27;
	v37 =	vld.idx.msk [tilespmem:v37+s13+$0x0], $0xffff  }
0x2ae: {  	v52 =	vsel vm15, v17, v62;
	v28 =	vsel vm8, v53, v28;
	v17 =	vsel vm15, v54, v17  }
0x2af: {  	v26 =	vsel vm15, v55, v26;
	vm13 =	vgt.s32 v35, $0x190;
	v51 =	vor.u32 s30, v9  }
0x2b0: {  	v50 =	vadd.s32 $0x1F40, v35;
	v60 =	vnsel vm13, $0x190, v35;
	v35 =	vxor.u32 $0x3F8, v51  }
0x2b1: {  	v19 =	vsel vm8, v52, v19;
	vm13 =	vgt.s32 v35, $0x190;
	v52 =	vshll.u32 v35, $0x7  }
0x2b2: {  	v53 =	vnsel vm13, $0x190, v35;
	v56 =	vsel vm11, v36, v37;
	v37 =	vnsel vm12, $0x0, v59  }
0x2b3: {  	vm0 =	vgt.f32 v56, v17;
	vm9 =	vgt.f32 v56, v22;
	vm10 =	vgt.f32 v56, v23  }
0x2b4: {  	vm11 =	vgt.f32 v56, v24;
	v37 =	vor.u32 v15, v37;
	vm14 =	vgt.f32 v56, v21  }
0x2b5: {  	vm15 =	vgt.f32 v56, v19;
	vm7 =	vgt.f32 v56, v20;
	v36 =	vsel vm10, v23, v56  }
0x2b6: {  	vm8 =	vgt.f32 v56, v18;
	v24 =	vsel vm11, v36, v24;
	v36 =	vshll.u32 v60, $0x7  }
0x2b7: {  	v61 =	vsel vm10, v32, v57;
	v62 =	vsel vm9, v22, v56;
	v36 =	vadd.s32 v16, v36  }
0x2b8: {  	v63 =	vsel vm9, v30, v57;
	v40 =	vsel vm14, v21, v56;
	v41 =	vsel vm14, v29, v57  }
0x2b9: {  	v42 =	vsel vm7, v20, v56;
	v43 =	vsel vm7, v27, v57;
	v44 =	vsel vm15, v19, v56  }
0x2ba: {  	v45 =	vsel vm15, v28, v57;
	v46 =	vsel vm0, v17, v56;
	v47 =	vsel vm0, v26, v57  }
0x2bb: {  	v48 =	vsel vm8, v18, v56;
	v18 =	vsel vm8, v56, v18;
	v31 =	vsel vm11, v61, v31;
	v37 =	vld.idx.msk [tilespmem:v37+s3+$0x0], $0xffff  }
0x2bc: {  	v23 =	vsel vm10, v62, v23;
	v32 =	vsel vm10, v63, v32;
	v22 =	vsel vm9, v40, v22;
	v36 =	vld.idx.msk [tilespmem:v36+s13+$0x0], $0xffff  }
0x2bd: {  	v30 =	vsel vm9, v41, v30;
	v21 =	vsel vm14, v42, v21;
	v29 =	vsel vm14, v43, v29  }
0x2be: {  	v20 =	vsel vm7, v44, v20;
	v27 =	vsel vm7, v45, v27;
	v19 =	vsel vm15, v46, v19  }
0x2bf: {  	v40 =	vsel vm8, v25, v57;
	v28 =	vsel vm15, v47, v28;
	v17 =	vsel vm0, v48, v17  }
0x2c0: {  	v25 =	vsel vm8, v57, v25;
	v45 =	vadd.s32 $0x1F40, v35;
	v46 =	vor.u32 s30, v10  }
0x2c1: {  	v26 =	vsel vm0, v40, v26;
	v49 =	vsel vm12, v37, v36;
	vm12 =	vlt.u32 v35, $0x190  }
0x2c2: {  	v35 =	vxor.u32 $0x3F8, v46;
	vm0 =	vgt.f32 v49, v18;
	vm2 =	vgt.f32 v49, v20  }
0x2c3: {  	vm9 =	vgt.f32 v49, v22;
	vm10 =	vgt.f32 v49, v23;
	vm11 =	vgt.f32 v49, v24  }
0x2c4: {  	v37 =	vnsel vm12, $0x0, v52;
	vm14 =	vgt.f32 v49, v21;
	vm15 =	vgt.f32 v49, v19  }
0x2c5: {  	vm8 =	vgt.f32 v49, v17;
	v47 =	vshll.u32 v35, $0x7;
	v36 =	vsel vm10, v23, v49  }
0x2c6: {  	v37 =	vor.u32 v15, v37;
	v24 =	vsel vm11, v36, v24;
	v36 =	vshll.u32 v53, $0x7  }
0x2c7: {  	v54 =	vsel vm10, v32, v50;
	v55 =	vsel vm9, v22, v49;
	v36 =	vadd.s32 v16, v36  }
0x2c8: {  	v56 =	vsel vm9, v30, v50;
	v57 =	vsel vm14, v21, v49;
	v58 =	vsel vm14, v29, v50  }
0x2c9: {  	v59 =	vsel vm2, v20, v49;
	v60 =	vsel vm2, v27, v50;
	v61 =	vsel vm15, v19, v49  }
0x2ca: {  	v62 =	vsel vm15, v28, v50;
	v63 =	vsel vm8, v17, v49;
	v41 =	vsel vm8, v26, v50  }
0x2cb: {  	v42 =	vsel vm0, v18, v49;
	v43 =	vsel vm0, v25, v50;
	v18 =	vsel vm0, v49, v18;
	v37 =	vld.idx.msk [tilespmem:v37+s3+$0x0], $0xffff  }
0x2cc: {  	v25 =	vsel vm0, v50, v25;
	v31 =	vsel vm11, v54, v31;
	v23 =	vsel vm10, v55, v23;
	v36 =	vld.idx.msk [tilespmem:v36+s13+$0x0], $0xffff  }
0x2cd: {  	v32 =	vsel vm10, v56, v32;
	v22 =	vsel vm9, v57, v22;
	v30 =	vsel vm9, v58, v30  }
0x2ce: {  	v21 =	vsel vm14, v59, v21;
	v29 =	vsel vm14, v60, v29;
	v20 =	vsel vm2, v61, v20  }
0x2cf: {  	v27 =	vsel vm2, v62, v27;
	v19 =	vsel vm15, v63, v19;
	v28 =	vsel vm15, v41, v28  }
0x2d0: {  	v17 =	vsel vm8, v42, v17;
	v26 =	vsel vm8, v43, v26;
	vm11 =	vlt.u32 v35, $0x190  }
0x2d1: {  	v44 =	vsel vm12, v37, v36;
	vm12 =	vgt.s32 v35, $0x190;
	v36 =	vnsel vm11, $0x0, v47  }
0x2d2: {  	vm0 =	vgt.f32 v44, v18;
	vm2 =	vgt.f32 v44, v21;
	vm9 =	vgt.f32 v44, v22  }
0x2d3: {  	vm10 =	vgt.f32 v44, v23;
	vm13 =	vgt.f32 v44, v24;
	v48 =	vnsel vm12, $0x190, v35  }
0x2d4: {  	v36 =	vor.u32 v15, v36;
	vm14 =	vgt.f32 v44, v20;
	vm15 =	vgt.f32 v44, v17  }
0x2d5: {  	vm8 =	vgt.f32 v44, v19;
	v49 =	vsel vm10, v23, v44;
	v37 =	vshll.u32 v48, $0x7  }
0x2d6: {  	v50 =	vsel vm10, v32, v45;
	v51 =	vsel vm9, v22, v44;
	v52 =	vsel vm9, v30, v45  }
0x2d7: {  	v53 =	vsel vm2, v21, v44;
	v54 =	vsel vm2, v29, v45;
	v55 =	vsel vm14, v20, v44  }
0x2d8: {  	v56 =	vsel vm14, v27, v45;
	v57 =	vsel vm8, v19, v44;
	v37 =	vadd.s32 v16, v37  }
0x2d9: {  	v58 =	vsel vm8, v28, v45;
	v59 =	vsel vm15, v17, v44;
	v60 =	vsel vm15, v26, v45  }
0x2da: {  	v61 =	vsel vm0, v18, v44;
	v62 =	vsel vm0, v25, v45;
	v18 =	vsel vm0, v44, v18  }
0x2db: {  	v25 =	vsel vm0, v45, v25;
	v44 =	vadd.s32 $0x1F40, v35;
	v45 =	vor.u32 s30, v11  }
0x2dc: {  	v24 =	vsel vm13, v49, v24;
	v31 =	vsel vm13, v50, v31;
	v23 =	vsel vm10, v51, v23;
	v36 =	vld.idx.msk [tilespmem:v36+s3+$0x0], $0xffff  }
0x2dd: {  	v32 =	vsel vm10, v52, v32;
	v22 =	vsel vm9, v53, v22;
	v30 =	vsel vm9, v54, v30;
	v37 =	vld.idx.msk [tilespmem:v37+s13+$0x0], $0xffff  }
0x2de: {  	v21 =	vsel vm2, v55, v21;
	v29 =	vsel vm2, v56, v29;
	v20 =	vsel vm14, v57, v20  }
0x2df: {  	v27 =	vsel vm14, v58, v27;
	v19 =	vsel vm8, v59, v19;
	v28 =	vsel vm8, v60, v28  }
0x2e0: {  	v17 =	vsel vm15, v61, v17;
	v26 =	vsel vm15, v62, v26;
	v35 =	vxor.u32 $0x3F8, v45  }
0x2e1: {  	vm12 =	vlt.u32 v35, $0x190;
	vm13 =	vgt.s32 v35, $0x190;
	v46 =	vshll.u32 v35, $0x7  }
0x2e2: {  	v62 =	vadd.s32 $0x1F40, v35;
	v47 =	vnsel vm13, $0x190, v35;
	v63 =	vsel vm11, v36, v37  }
0x2e3: {  	v37 =	vnsel vm12, $0x0, v46;
	vm0 =	vgt.f32 v63, v17;
	vm9 =	vgt.f32 v63, v22  }
0x2e4: {  	vm10 =	vgt.f32 v63, v23;
	vm11 =	vgt.f32 v63, v24;
	v37 =	vor.u32 v15, v37  }
0x2e5: {  	vm14 =	vgt.f32 v63, v21;
	vm15 =	vgt.f32 v63, v19;
	vm7 =	vgt.f32 v63, v20  }
0x2e6: {  	vm8 =	vgt.f32 v63, v18;
	v36 =	vsel vm10, v23, v63;
	v48 =	vsel vm10, v32, v44  }
0x2e7: {  	v49 =	vsel vm9, v22, v63;
	v50 =	vsel vm9, v30, v44;
	v51 =	vsel vm14, v21, v63  }
0x2e8: {  	v52 =	vsel vm14, v29, v44;
	v24 =	vsel vm11, v36, v24;
	v36 =	vshll.u32 v47, $0x7  }
0x2e9: {  	v53 =	vsel vm7, v20, v63;
	v54 =	vsel vm7, v27, v44;
	v36 =	vadd.s32 v16, v36  }
0x2ea: {  	v55 =	vsel vm15, v19, v63;
	v56 =	vsel vm15, v28, v44;
	v57 =	vsel vm0, v17, v63  }
0x2eb: {  	v58 =	vsel vm0, v26, v44;
	v59 =	vsel vm8, v18, v63;
	v60 =	vsel vm8, v25, v44  }
0x2ec: {  	v18 =	vsel vm8, v63, v18;
	v25 =	vsel vm8, v44, v25;
	v63 =	vor.u32 s30, v12  }
0x2ed: {  	v31 =	vsel vm11, v48, v31;
	v23 =	vsel vm10, v49, v23;
	v32 =	vsel vm10, v50, v32;
	v37 =	vld.idx.msk [tilespmem:v37+s3+$0x0], $0xffff  }
0x2ee: {  	v22 =	vsel vm9, v51, v22;
	v30 =	vsel vm9, v52, v30;
	v21 =	vsel vm14, v53, v21;
	v36 =	vld.idx.msk [tilespmem:v36+s13+$0x0], $0xffff  }
0x2ef: {  	v29 =	vsel vm14, v54, v29;
	v20 =	vsel vm7, v55, v20;
	v27 =	vsel vm7, v56, v27  }
0x2f0: {  	v19 =	vsel vm15, v57, v19;
	v28 =	vsel vm15, v58, v28;
	v17 =	vsel vm0, v59, v17  }
0x2f1: {  	v26 =	vsel vm0, v60, v26;
	v35 =	vxor.u32 $0x3F8, v63;
	v57 =	vor.u32 s30, v13  }
0x2f2: {  	vm13 =	vgt.s32 v35, $0x190;
	v40 =	vshll.u32 v35, $0x7;
	v56 =	vadd.s32 $0x1F40, v35  }
0x2f3: {  	v41 =	vnsel vm13, $0x190, v35;
	v61 =	vsel vm12, v37, v36;
	vm12 =	vlt.u32 v35, $0x190  }
0x2f4: {  	v35 =	vxor.u32 $0x3F8, v57;
	vm0 =	vgt.f32 v61, v18;
	vm2 =	vgt.f32 v61, v20  }
0x2f5: {  	vm9 =	vgt.f32 v61, v22;
	vm10 =	vgt.f32 v61, v23;
	vm11 =	vgt.f32 v61, v24  }
0x2f6: {  	v37 =	vnsel vm12, $0x0, v40;
	vm14 =	vgt.f32 v61, v21;
	vm15 =	vgt.f32 v61, v19  }
0x2f7: {  	vm8 =	vgt.f32 v61, v17;
	v58 =	vshll.u32 v35, $0x7;
	v36 =	vsel vm10, v23, v61  }
0x2f8: {  	v37 =	vor.u32 v15, v37;
	v24 =	vsel vm11, v36, v24;
	v36 =	vshll.u32 v41, $0x7  }
0x2f9: {  	v42 =	vsel vm10, v32, v62;
	v43 =	vsel vm9, v22, v61;
	v36 =	vadd.s32 v16, v36  }
0x2fa: {  	v44 =	vsel vm9, v30, v62;
	v45 =	vsel vm14, v21, v61;
	v46 =	vsel vm14, v29, v62  }
0x2fb: {  	v47 =	vsel vm2, v20, v61;
	v48 =	vsel vm2, v27, v62;
	v49 =	vsel vm15, v19, v61  }
0x2fc: {  	v50 =	vsel vm15, v28, v62;
	v51 =	vsel vm8, v17, v61;
	v52 =	vsel vm8, v26, v62  }
0x2fd: {  	v53 =	vsel vm0, v18, v61;
	v54 =	vsel vm0, v25, v62;
	v18 =	vsel vm0, v61, v18;
	v37 =	vld.idx.msk [tilespmem:v37+s3+$0x0], $0xffff  }
0x2fe: {  	v25 =	vsel vm0, v62, v25;
	v31 =	vsel vm11, v42, v31;
	v23 =	vsel vm10, v43, v23;
	v36 =	vld.idx.msk [tilespmem:v36+s13+$0x0], $0xffff  }
0x2ff: {  	v32 =	vsel vm10, v44, v32;
	v22 =	vsel vm9, v45, v22;
	v30 =	vsel vm9, v46, v30  }
0x300: {  	v21 =	vsel vm14, v47, v21;
	v29 =	vsel vm14, v48, v29;
	v20 =	vsel vm2, v49, v20  }
0x301: {  	v27 =	vsel vm2, v50, v27;
	v19 =	vsel vm15, v51, v19;
	v28 =	vsel vm15, v52, v28  }
0x302: {  	v17 =	vsel vm8, v53, v17;
	v26 =	vsel vm8, v54, v26;
	vm11 =	vlt.u32 v35, $0x190  }
0x303: {  	v53 =	vadd.s32 $0x1F40, v35;
	v54 =	vor.u32 s30, v14;
	v55 =	vsel vm12, v37, v36  }
0x304: {  	vm12 =	vgt.s32 v35, $0x190;
	v36 =	vnsel vm11, $0x0, v58;
	vm0 =	vgt.f32 v55, v18  }
0x305: {  	vm2 =	vgt.f32 v55, v21;
	vm9 =	vgt.f32 v55, v22;
	vm10 =	vgt.f32 v55, v23  }
0x306: {  	vm13 =	vgt.f32 v55, v24;
	v59 =	vnsel vm12, $0x190, v35;
	v36 =	vor.u32 v15, v36  }
0x307: {  	vm14 =	vgt.f32 v55, v20;
	vm15 =	vgt.f32 v55, v17;
	vm8 =	vgt.f32 v55, v19  }
0x308: {  	v35 =	vxor.u32 $0x3F8, v54;
	v60 =	vsel vm10, v23, v55;
	v37 =	vshll.u32 v59, $0x7  }
0x309: {  	v61 =	vsel vm10, v32, v56;
	v62 =	vsel vm9, v22, v55;
	v63 =	vsel vm9, v30, v56  }
0x30a: {  	v42 =	vsel vm2, v21, v55;
	v43 =	vsel vm2, v29, v56;
	v37 =	vadd.s32 v16, v37  }
0x30b: {  	v44 =	vsel vm14, v20, v55;
	v45 =	vsel vm14, v27, v56;
	v46 =	vsel vm8, v19, v55  }
0x30c: {  	v47 =	vsel vm8, v28, v56;
	v48 =	vsel vm15, v17, v55;
	v49 =	vsel vm15, v26, v56  }
0x30d: {  	v50 =	vsel vm0, v18, v55;
	v51 =	vsel vm0, v25, v56;
	v18 =	vsel vm0, v55, v18  }
0x30e: {  	v25 =	vsel vm0, v56, v25;
	vm12 =	vlt.u32 v35, $0x190;
	v55 =	vshll.u32 v35, $0x7;
	v36 =	vld.idx.msk [tilespmem:v36+s3+$0x0], $0xffff  }
0x30f: {  	v24 =	vsel vm13, v60, v24;
	v31 =	vsel vm13, v61, v31;
	v23 =	vsel vm10, v62, v23;
	v37 =	vld.idx.msk [tilespmem:v37+s13+$0x0], $0xffff  }
0x310: {  	v32 =	vsel vm10, v63, v32;
	v22 =	vsel vm9, v42, v22;
	v30 =	vsel vm9, v43, v30  }
0x311: {  	v21 =	vsel vm2, v44, v21;
	v29 =	vsel vm2, v45, v29;
	v20 =	vsel vm14, v46, v20  }
0x312: {  	v27 =	vsel vm14, v47, v27;
	v19 =	vsel vm8, v48, v19;
	v28 =	vsel vm8, v49, v28  }
0x313: {  	v17 =	vsel vm15, v50, v17;
	v26 =	vsel vm15, v51, v26;
	vm13 =	vgt.s32 v35, $0x190  }
0x314: {  	v49 =	vadd.s32 $0x1F40, v35;
	v56 =	vnsel vm13, $0x190, v35;
	v52 =	vsel vm11, v36, v37  }
0x315: {  	v37 =	vnsel vm12, $0x0, v55;
	vm0 =	vgt.f32 v52, v17;
	vm10 =	vgt.f32 v52, v23  }
0x316: {  	vm9 =	vgt.f32 v52, v22;
	vm11 =	vgt.f32 v52, v24;
	v36 =	vsel vm10, v23, v52  }
0x317: {  	v37 =	vor.u32 v15, v37;
	v24 =	vsel vm11, v36, v24;
	v36 =	vshll.u32 v56, $0x7  }
0x318: {  	vm14 =	vgt.f32 v52, v21;
	vm15 =	vgt.f32 v52, v19;
	v36 =	vadd.s32 v16, v36  }
0x319: {  	vm8 =	vgt.f32 v52, v20;
	v57 =	vsel vm10, v32, v53;
	v58 =	vsel vm9, v22, v52  }
0x31a: {  	v59 =	vsel vm9, v30, v53;
	v60 =	vsel vm14, v21, v52;
	v61 =	vsel vm14, v29, v53  }
0x31b: {  	v62 =	vsel vm8, v20, v52;
	v63 =	vsel vm8, v27, v53;
	v42 =	vsel vm15, v19, v52  }
0x31c: {  	v43 =	vsel vm15, v28, v53;
	v44 =	vsel vm0, v17, v52;
	v45 =	vsel vm0, v26, v53;
	v37 =	vld.idx.msk [tilespmem:v37+s3+$0x0], $0xffff  }
0x31d: {  	v31 =	vsel vm11, v57, v31;
	v23 =	vsel vm10, v58, v23;
	v32 =	vsel vm10, v59, v32;
	v36 =	vld.idx.msk [tilespmem:v36+s13+$0x0], $0xffff  }
0x31e: {  	v22 =	vsel vm9, v60, v22;
	v30 =	vsel vm9, v61, v30;
	v21 =	vsel vm14, v62, v21  }
0x31f: {  	v29 =	vsel vm14, v63, v29;
	v20 =	vsel vm8, v42, v20;
	vm9 =	vgt.f32 v52, v18  }
0x320: {  	v27 =	vsel vm8, v43, v27;
	v19 =	vsel vm15, v44, v19;
	v28 =	vsel vm15, v45, v28  }
0x321: {  	v46 =	vsel vm9, v18, v52;
	v47 =	vsel vm9, v25, v53;
	v18 =	vsel vm9, v52, v18  }
0x322: {  	v25 =	vsel vm9, v53, v25;
	v17 =	vsel vm0, v46, v17;
	v48 =	vsel vm12, v37, v36  }
0x323: {  	v26 =	vsel vm0, v47, v26;
	vm10 =	vgt.f32 v48, v18;
	vm1 =	vgt.f32 v48, v17  }
0x324: {  	vm11 =	vgt.f32 v48, v19;
	vm12 =	vgt.f32 v48, v20;
	vm13 =	vgt.f32 v48, v23  }
0x325: {  	vm14 =	vgt.f32 v48, v21;
	vm15 =	vgt.f32 v48, v24;
	vm7 =	vgt.f32 v48, v22  }
0x326: {  	v50 =	vsel vm13, v23, v48;
	v51 =	vsel vm13, v32, v49;
	v52 =	vsel vm7, v22, v48  }
0x327: {  	v53 =	vsel vm7, v30, v49;
	v54 =	vsel vm14, v21, v48;
	v55 =	vsel vm14, v29, v49  }
0x328: {  	v56 =	vsel vm12, v20, v48;
	v57 =	vsel vm12, v27, v49;
	v58 =	vsel vm11, v19, v48  }
0x329: {  	v59 =	vsel vm11, v28, v49;
	v60 =	vsel vm1, v17, v48;
	v61 =	vsel vm1, v26, v49  }
0x32a: {  	p0 =	sne.s32 s30, $0x7;
	v62 =	vsel vm10, v18, v48;
	v63 =	vsel vm10, v25, v49;
	v18 =	vsel vm10, v48, v18  }
.Ltmp7:
0x32b: {  	v25 =	vsel vm10, v49, v25;
	v24 =	vsel vm15, v50, v24;
	v31 =	vsel vm15, v51, v31;
	(pc) =	sbr.rel @p0 .LBB2_17-.Ltmp7, $4  }
0x32c: {  	v23 =	vsel vm13, v52, v23;
	v32 =	vsel vm13, v53, v32;
	v22 =	vsel vm7, v54, v22  }
0x32d: {  	v30 =	vsel vm7, v55, v30;
	v21 =	vsel vm14, v56, v21;
	v29 =	vsel vm14, v57, v29  }
0x32e: {  	v20 =	vsel vm12, v58, v20;
	v27 =	vsel vm12, v59, v27;
	v19 =	vsel vm11, v60, v19  }
0x32f: {  	s30 =	sadd.s32 $0x1, s30;
	v28 =	vsel vm11, v61, v28;
	v17 =	vsel vm1, v62, v17;
	v26 =	vsel vm1, v63, v26  }
0x330: {  	[tilespmem:s21+$0x19800] =	vst v18  }
0x331: {  	[tilespmem:s21+$0x19C00] =	vst v25  }
0x332: {  	[tilespmem:s23+$0x19800] =	vst v17  }
0x333: {  	[tilespmem:s23+$0x19C00] =	vst v26  }
0x334: {  	[tilespmem:s28+$0x19800] =	vst v19  }
0x335: {  	[tilespmem:s28+$0x19C00] =	vst v28  }
0x336: {  	[tilespmem:s25+$0x19800] =	vst v20  }
0x337: {  	[tilespmem:s25+$0x19C00] =	vst v27  }
0x338: {  	[tilespmem:s24+$0x19800] =	vst v21  }
0x339: {  	s19 =	sadd.s32 $0x1, s19;
	[tilespmem:s24+$0x19C00] =	vst v29  }
0x33a: {  	p0 =	sne.s32 s19, $0x8;
	[tilespmem:s29+$0x19800] =	vst v22  }
.Ltmp8:
0x33b: {  	[tilespmem:s29+$0x19C00] =	vst v30;
	(pc) =	sbr.rel @p0 .LBB2_14-.Ltmp8, $4  }
0x33c: {  	[tilespmem:s26+$0x19800] =	vst v23  }
0x33d: {  	[tilespmem:s26+$0x19C00] =	vst v32  }
0x33e: {  	[tilespmem:s22+$0x19800] =	vst v24  }
0x33f: {  	s20 =	sadd.s32 $0x10, s20;
	[tilespmem:s22+$0x19C00] =	vst v31  }
0x340: {  	s19 =	simm.s32 $0xFFFFFF80  }
0x341: {  	v4 =	vld [tilespmem:s19+$0x19880]  }
0x342: {  	v5 =	vld [tilespmem:s19+$0x19900]  }
0x343: {  	v6 =	vld [tilespmem:s19+$0x19980]  }
0x344: {  	v7 =	vld [tilespmem:s19+$0x19A00]  }
0x345: {  	v8 =	vld [tilespmem:s19+$0x19A80]  }
0x346: {  	v9 =	vld [tilespmem:s19+$0x19B00]  }
0x347: {  	v10 =	vld [tilespmem:s19+$0x19C80]  }
0x348: {  	v11 =	vld [tilespmem:s19+$0x19D00]  }
0x349: {  	v12 =	vld [tilespmem:s19+$0x19D80]  }
0x34a: {  	v13 =	vld [tilespmem:s19+$0x19E00]  }
0x34b: {  	v14 =	vld [tilespmem:s19+$0x19E80]  }
0x34c: {  	v15 =	vld [tilespmem:s19+$0x19F00]  }
0x34d: {  	v16 =	vld [tilespmem:s19+$0x19F80]  }
0x34e: {  	v17 =	vld [tilespmem:s19+$0x1A000]  }
0x34f: {  	v18 =	vld [tilespmem:s19+$0x19B80]  }
0x350: {  	v19 =	vld [tilespmem:s19+$0x19C00];
	_ =	sdelay $0x1  }
0x351: {  	vm0 =	vgt.s32 v10, v11;
	vm1 =	vgt.s32 v12, v13;
	vm2 =	vgt.s32 v14, v15  }
0x352: {  	vm3 =	vgt.s32 v16, v17;
	v20 =	vsel vm0, v5, v4;
	v4 =	vsel vm0, v4, v5  }
0x353: {  	v5 =	vsel vm1, v7, v6;
	v6 =	vsel vm1, v6, v7;
	v7 =	vsel vm2, v9, v8  }
0x354: {  	v8 =	vsel vm2, v8, v9;
	v21 =	vsel vm3, v19, v18;
	v9 =	vsel vm3, v18, v19  }
0x355: {  	v18 =	vsel vm0, v11, v10;
	v10 =	vsel vm0, v10, v11;
	v11 =	vsel vm1, v13, v12  }
0x356: {  	v12 =	vsel vm1, v12, v13;
	v13 =	vsel vm2, v15, v14;
	v14 =	vsel vm2, v14, v15  }
0x357: {  	v15 =	vsel vm3, v17, v16;
	v16 =	vsel vm3, v16, v17;
	vm2 =	vgt.s32 v18, v11  }
0x358: {  	vm0 =	vgt.s32 v10, v12;
	vm1 =	vgt.s32 v13, v15;
	vm3 =	vgt.s32 v14, v16  }
0x359: {  	v17 =	vsel vm2, v20, v5;
	v19 =	vsel vm0, v4, v6;
	v22 =	vsel vm3, v8, v9  }
0x35a: {  	v4 =	vsel vm0, v6, v4;
	v6 =	vsel vm1, v7, v21;
	v8 =	vsel vm3, v9, v8  }
0x35b: {  	v9 =	vsel vm2, v18, v11;
	v23 =	vsel vm0, v10, v12;
	v24 =	vsel vm3, v14, v16  }
0x35c: {  	v10 =	vsel vm0, v12, v10;
	v12 =	vsel vm1, v13, v15;
	v14 =	vsel vm3, v16, v14  }
0x35d: {  	s20 =	simm.s32 $0xFFFFFF90;
	vm4 =	vgt.s32 v10, v9;
	vm0 =	vgt.s32 v23, v24;
	vm5 =	vlt.s32 v23, v24  }
0x35e: {  	v25 =	vld [tilespmem:s20+$0x19880];
	vm6 =	vgt.s32 v14, v12;
	v26 =	vsel vm4, v17, v4;
	v27 =	vsel vm0, v22, v19  }
0x35f: {  	v28 =	vld [tilespmem:s20+$0x19900];
	v16 =	vsel vm4, v9, v10;
	v4 =	vsel vm4, v4, v17;
	v17 =	vsel vm6, v12, v14  }
0x360: {  	v29 =	vld [tilespmem:s20+$0x19980];
	v30 =	vsel vm6, v6, v8;
	v23 =	vsel vm5, v23, v24;
	vm3 =	vgt.s32 v16, v17  }
0x361: {  	v62 =	vld [tilespmem:s20+$0x19A00];
	v31 =	vsel vm4, v10, v9;
	v12 =	vsel vm6, v14, v12;
	v14 =	vsel vm3, v16, v17  }
0x362: {  	v32 =	vld [tilespmem:s20+$0x19A80];
	v6 =	vsel vm6, v8, v6;
	vm14 =	vgt.s32 v31, v12;
	vm4 =	vgt.s32 v23, v14  }
0x363: {  	v33 =	vld [tilespmem:s20+$0x19B00];
	v34 =	vsel vm3, v26, v30;
	v9 =	vsel vm14, v31, v12;
	v10 =	vsel vm4, v23, v14  }
0x364: {  	v8 =	vld [tilespmem:s20+$0x19C80];
	v35 =	vsel vm14, v4, v6;
	v36 =	vsel vm4, v27, v34;
	vm5 =	vgt.s32 v10, v9  }
0x365: {  	v18 =	vsel vm2, v11, v18;
	v13 =	vsel vm1, v15, v13;
	v9 =	vld [tilespmem:s20+$0x19D00];
	v37 =	vsel vm5, v36, v35  }
0x366: {  	v5 =	vsel vm2, v5, v20;
	vm2 =	vgt.s32 v18, v13;
	v10 =	vld [tilespmem:s20+$0x19D80];
	[tilespmem:s19+$0x1A380] =	vst v37  }
0x367: {  	v7 =	vsel vm1, v21, v7;
	v13 =	vsel vm2, v18, v13;
	v11 =	vld [tilespmem:s20+$0x19E00]  }
0x368: {  	v20 =	vsel vm14, v12, v31;
	v17 =	vsel vm3, v17, v16;
	v4 =	vsel vm14, v6, v4;
	v12 =	vld [tilespmem:s20+$0x19E80]  }
0x369: {  	v6 =	vsel vm2, v5, v7;
	vm1 =	vgt.s32 v20, v13;
	v18 =	vsel vm4, v14, v23;
	v14 =	vld [tilespmem:s20+$0x19F00]  }
0x36a: {  	v21 =	vsel vm1, v13, v20;
	v13 =	vsel vm1, v20, v13;
	v20 =	vsel vm1, v6, v4;
	v15 =	vld [tilespmem:s20+$0x19F80]  }
0x36b: {  	vm15 =	vgt.s32 v17, v21;
	vm7 =	vgt.s32 v18, v13;
	v13 =	vsel vm3, v30, v26;
	v16 =	vld [tilespmem:s20+$0x1A000]  }
0x36c: {  	v4 =	vsel vm1, v4, v6;
	v6 =	vsel vm4, v34, v27;
	v17 =	vsel vm15, v20, v13;
	v21 =	vld [tilespmem:s20+$0x19B80]  }
0x36d: {  	v63 =	vsel vm2, v7, v5;
	v18 =	vsel vm15, v13, v20;
	v20 =	vsel vm7, v4, v6;
	v23 =	vld [tilespmem:s20+$0x19C00];
	[tilespmem:s19+$0x1A100] =	vst v17  }
0x36e: {  	v5 =	vsel vm7, v6, v4;
	v7 =	vsel vm5, v35, v36;
	[tilespmem:s19+$0x1A180] =	vst v18;
	vm3 =	vgt.s32 v8, v9  }
0x36f: {  	v13 =	vsel vm0, v19, v22;
	[tilespmem:s19+$0x1A200] =	vst v20;
	v4 =	vsel vm3, v28, v25;
	v17 =	vsel vm3, v25, v28  }
0x370: {  	[tilespmem:s19+$0x1A280] =	vst v5;
	vm1 =	vgt.s32 v10, v11;
	vm0 =	vgt.s32 v12, v14;
	vm2 =	vgt.s32 v15, v16  }
0x371: {  	[tilespmem:s19+$0x1A300] =	vst v7;
	v6 =	vsel vm1, v62, v29;
	v18 =	vsel vm1, v29, v62;
	v5 =	vsel vm0, v33, v32  }
0x372: {  	s21 =	simm.s32 $0xFFFFFE80;
	[tilespmem:s19+$0x1A080] =	vst v63;
	v19 =	vsel vm0, v32, v33;
	v7 =	vsel vm2, v23, v21;
	v20 =	vsel vm2, v21, v23  }
.LBB2_20:
0x373: {  	p0 =	sne.s32 s21, $0xFFFFFFC0;
	v21 =	vsel vm3, v9, v8;
	v8 =	vsel vm3, v8, v9;
	v22 =	vsel vm1, v11, v10;
	[tilespmem:s19+$0x1A400] =	vst v13;
	s19 =	smov.u32 s20  }
0x374: {  	v9 =	vsel vm1, v10, v11;
	v10 =	vsel vm0, v14, v12;
	v11 =	vsel vm0, v12, v14  }
0x375: {  	v12 =	vsel vm2, v16, v15;
	v13 =	vsel vm2, v15, v16;
	vm2 =	vgt.s32 v21, v22  }
0x376: {  	vm0 =	vgt.s32 v8, v9;
	vm1 =	vgt.s32 v10, v12;
	vm3 =	vgt.s32 v11, v13  }
0x377: {  	v14 =	vsel vm2, v4, v6;
	v23 =	vsel vm0, v17, v18;
	v24 =	vsel vm3, v19, v20  }
0x378: {  	v15 =	vsel vm0, v18, v17;
	v16 =	vsel vm1, v5, v7;
	v17 =	vsel vm3, v20, v19  }
0x379: {  	v18 =	vsel vm2, v21, v22;
	v19 =	vsel vm0, v8, v9;
	v20 =	vsel vm3, v11, v13  }
0x37a: {  	v8 =	vsel vm0, v9, v8;
	v9 =	vsel vm1, v10, v12;
	v11 =	vsel vm3, v13, v11  }
0x37b: {  	s20 =	sshra.s32 s21, $0x2;
	vm4 =	vgt.s32 v8, v18;
	vm0 =	vgt.s32 v19, v20;
	vm5 =	vlt.s32 v19, v20  }
0x37c: {  	vm6 =	vgt.s32 v11, v9;
	v13 =	vsel vm4, v14, v15;
	v26 =	vsel vm0, v24, v23;
	v25 =	vld [tilespmem:s20+$0x19880]  }
0x37d: {  	v28 =	vsel vm4, v18, v8;
	v14 =	vsel vm4, v15, v14;
	v15 =	vsel vm6, v9, v11;
	v27 =	vld [tilespmem:s20+$0x19900]  }
0x37e: {  	v30 =	vsel vm6, v16, v17;
	v19 =	vsel vm5, v19, v20;
	vm3 =	vgt.s32 v28, v15;
	v29 =	vld [tilespmem:s20+$0x19980]  }
0x37f: {  	v18 =	vsel vm4, v8, v18;
	v11 =	vsel vm6, v11, v9;
	v31 =	vsel vm3, v28, v15;
	v20 =	vld [tilespmem:s20+$0x19A00]  }
0x380: {  	v16 =	vsel vm6, v17, v16;
	vm6 =	vgt.s32 v18, v11;
	vm4 =	vgt.s32 v19, v31;
	v32 =	vld [tilespmem:s20+$0x19A80]  }
0x381: {  	v17 =	vsel vm3, v13, v30;
	v9 =	vsel vm6, v18, v11;
	v34 =	vsel vm4, v19, v31;
	v33 =	vld [tilespmem:s20+$0x19B00]  }
0x382: {  	v35 =	vsel vm6, v14, v16;
	v36 =	vsel vm4, v26, v17;
	vm5 =	vgt.s32 v34, v9;
	v8 =	vld [tilespmem:s20+$0x19C80]  }
0x383: {  	v21 =	vsel vm2, v22, v21;
	v12 =	vsel vm1, v12, v10;
	v22 =	vsel vm5, v36, v35;
	v9 =	vld [tilespmem:s20+$0x19D00]  }
0x384: {  	v4 =	vsel vm2, v6, v4;
	vm2 =	vgt.s32 v21, v12;
	v6 =	vsel vm6, v11, v18;
	v10 =	vld [tilespmem:s20+$0x19D80];
	[tilespmem:s19+$0x1A380] =	vst v22  }
0x385: {  	v5 =	vsel vm1, v7, v5;
	v7 =	vsel vm2, v21, v12;
	v18 =	vsel vm4, v31, v19;
	v11 =	vld [tilespmem:s20+$0x19E00]  }
0x386: {  	v21 =	vsel vm6, v16, v14;
	vm1 =	vgt.s32 v6, v7;
	v19 =	vsel vm3, v15, v28;
	v12 =	vld [tilespmem:s20+$0x19E80]  }
0x387: {  	v16 =	vsel vm1, v7, v6;
	v6 =	vsel vm1, v6, v7;
	v22 =	vsel vm2, v4, v5;
	v14 =	vld [tilespmem:s20+$0x19F00]  }
0x388: {  	vm6 =	vgt.s32 v19, v16;
	vm7 =	vgt.s32 v18, v6;
	v7 =	vsel vm1, v22, v21;
	v15 =	vld [tilespmem:s20+$0x19F80]  }
0x389: {  	v17 =	vsel vm4, v17, v26;
	v6 =	vsel vm3, v30, v13;
	v13 =	vsel vm1, v21, v22;
	v16 =	vld [tilespmem:s20+$0x1A000]  }
0x38a: {  	v18 =	vsel vm6, v7, v6;
	v6 =	vsel vm6, v6, v7;
	v7 =	vsel vm7, v13, v17;
	v21 =	vld [tilespmem:s20+$0x19B80]  }
0x38b: {  	v26 =	vsel vm2, v5, v4;
	v19 =	vsel vm5, v35, v36;
	v5 =	vsel vm7, v17, v13;
	v22 =	vld [tilespmem:s20+$0x19C00];
	[tilespmem:s19+$0x1A100] =	vst v18  }
.Ltmp9:
0x38c: {  	v13 =	vsel vm0, v23, v24;
	[tilespmem:s19+$0x1A180] =	vst v6;
	(pc) =	sbr.rel @p0 .LBB2_20-.Ltmp9, $4  }
0x38d: {  	vm3 =	vgt.s32 v8, v9;
	vm1 =	vgt.s32 v10, v11;
	vm0 =	vgt.s32 v12, v14;
	[tilespmem:s19+$0x1A200] =	vst v7  }
0x38e: {  	v4 =	vsel vm3, v27, v25;
	v17 =	vsel vm3, v25, v27;
	vm2 =	vgt.s32 v15, v16;
	[tilespmem:s19+$0x1A280] =	vst v5  }
0x38f: {  	v18 =	vsel vm1, v29, v20;
	v6 =	vsel vm1, v20, v29;
	v5 =	vsel vm0, v33, v32;
	[tilespmem:s19+$0x1A300] =	vst v19  }
0x390: {  	s21 =	sadd.s32 $0x40, s21;
	v19 =	vsel vm0, v32, v33;
	v7 =	vsel vm2, v22, v21;
	v20 =	vsel vm2, v21, v22;
	[tilespmem:s19+$0x1A080] =	vst v26  }
0x391: {  	v21 =	vsel vm3, v9, v8  }
0x392: {  	v62 =	vsel vm3, v8, v9;
	v63 =	vsel vm1, v11, v10;
	v32 =	vsel vm1, v10, v11  }
0x393: {  	v33 =	vsel vm0, v14, v12;
	v34 =	vsel vm0, v12, v14;
	v35 =	vsel vm2, v16, v15  }
0x394: {  	v36 =	vsel vm2, v15, v16;
	vm13 =	vgt.s32 v21, v63;
	vm14 =	vgt.s32 v62, v32  }
0x395: {  	vm15 =	vgt.s32 v33, v35;
	vm8 =	vgt.s32 v34, v36;
	v37 =	vsel vm13, v4, v6  }
0x396: {  	v22 =	vsel vm14, v17, v18;
	v23 =	vsel vm8, v19, v20;
	v38 =	vsel vm14, v18, v17  }
0x397: {  	v39 =	vsel vm15, v5, v7;
	v40 =	vsel vm8, v20, v19;
	v41 =	vsel vm13, v21, v63  }
0x398: {  	v24 =	vsel vm14, v62, v32;
	v25 =	vsel vm8, v34, v36;
	v8 =	vsel vm14, v32, v62  }
0x399: {  	v42 =	vsel vm15, v33, v35;
	v12 =	vsel vm8, v36, v34;
	v9 =	vsel vm13, v63, v21  }
0x39a: {  	v11 =	vsel vm15, v35, v33;
	v4 =	vsel vm13, v6, v4;
	v5 =	vsel vm15, v7, v5  }
0x39b: {  	vm9 =	vgt.s32 v8, v41;
	vm10 =	vgt.s32 v24, v25;
	vm4 =	vlt.s32 v24, v25  }
0x39c: {  	vm5 =	vgt.s32 v12, v42;
	vm12 =	vgt.s32 v9, v11;
	v43 =	vsel vm9, v37, v38  }
0x39d: {  	v26 =	vsel vm10, v23, v22;
	v27 =	vsel vm9, v41, v8;
	v16 =	vsel vm9, v38, v37  }
0x39e: {  	v44 =	vsel vm5, v42, v12;
	v28 =	vsel vm5, v39, v40;
	v24 =	vsel vm4, v24, v25  }
0x39f: {  	v8 =	vsel vm9, v8, v41;
	v10 =	vsel vm5, v12, v42;
	v18 =	vsel vm5, v40, v39  }
0x3a0: {  	v50 =	vsel vm12, v9, v11;
	v54 =	vsel vm12, v4, v5;
	v4 =	vsel vm12, v5, v4  }
0x3a1: {  	v5 =	vsel vm10, v22, v23;
	vm6 =	vgt.s32 v27, v44;
	vm3 =	vgt.s32 v8, v10  }
0x3a2: {  	v45 =	vsel vm6, v27, v44;
	v46 =	vsel vm6, v43, v28;
	v20 =	vsel vm3, v8, v10  }
0x3a3: {  	v29 =	vsel vm3, v16, v18;
	v49 =	vsel vm3, v10, v8;
	v52 =	vsel vm6, v44, v27  }
0x3a4: {  	v53 =	vsel vm3, v18, v16;
	v57 =	vsel vm6, v28, v43;
	vm4 =	vgt.s32 v24, v45  }
0x3a5: {  	[tilespmem:s19+$0x1A400] =	vst v13;
	vm13 =	vgt.s32 v49, v50;
	v25 =	vsel vm4, v24, v45;
	v47 =	vsel vm4, v26, v46  }
0x3a6: {  	[tilespmem:s20+$0x1A080] =	vst v4;
	v51 =	vsel vm4, v45, v24;
	v55 =	vsel vm13, v50, v49;
	vm11 =	vgt.s32 v25, v20  }
0x3a7: {  	[tilespmem:s20+$0x1A400] =	vst v5;
	v56 =	vsel vm13, v54, v53;
	vm14 =	vgt.s32 v52, v55;
	v48 =	vsel vm11, v47, v29  }
0x3a8: {  	v6 =	vsel vm13, v49, v50;
	v59 =	vsel vm13, v53, v54;
	v58 =	vsel vm14, v56, v57;
	[tilespmem:s20+$0x1A380] =	vst v48  }
0x3a9: {  	v60 =	vsel vm4, v46, v26;
	vm15 =	vgt.s32 v51, v6;
	v7 =	vsel vm14, v57, v56;
	[tilespmem:s20+$0x1A100] =	vst v58  }
0x3aa: {  	v61 =	vsel vm15, v59, v60;
	[tilespmem:s20+$0x1A180] =	vst v7  }
0x3ab: {  	s18 =	sadd.s32 $0x1, s18;
	v62 =	vsel vm15, v60, v59;
	[tilespmem:s20+$0x1A200] =	vst v61  }
0x3ac: {  	p0 =	sne.s32 s18, s10;
	v63 =	vsel vm11, v29, v47;
	[tilespmem:s20+$0x1A280] =	vst v62  }
.Ltmp10:
0x3ad: {  	[tilespmem:s20+$0x1A300] =	vst v63;
	(pc) =	sbr.rel @p0 .LBB2_1-.Ltmp10, $4  }
0x3ae: {  	[hbm4b:s9+s3] =	stream.linear.scatter [tilespmem:s17], [sflag:$0x3], $0x400, $0x38;
	[tilespmem:$0x1A400] =	vst v63  }
0x3af: {  	_ =	swait.ge [sflag:s16], $0x400  }
0x3b0: {  	[sflag:s16] =	ssyncset.done $0x0  }
0x3b1: {  	[sflag:s16] =	ssyncadd.s32 $0xFFFFFC00  }
0x3b2: {  	_ =	sfence.sel $0x180000  }
0x3b3: {  	[bflag:$0x0] =	sbarrier.arrive $0xFFFF  }
0x3b4: {  	_ =	strace $0x90000047  }
0x3b5: {  	s0 =	stileid.u32;
	[bflag:$0x2] =	sbarrier.arrive $0xFFFF  }
0x3b6: {  	p0 =	sne.s32 s0, $0x0;
	s0 =	rddreg [dreg:$0x2]  }
0x3b7: {  	s0 =	sadd.s32 @!p0 $0x100000, s0  }
0x3b8: {  	[sflag:s0] =	ssyncadd.tile.s32 @!p0 $0x1;
	_ =	shalt  }
.Lfunc_end2:
_tile_overlayer_lowered:
.L_overlay_start_2:
0x3b9: {  	(tag) =	ssettag $0x2  }
0x3ba: {  	s0 =	rddreg [dreg:$0x0];
	s2 =	stileid.u32  }
0x3bb: {  	s1 =	rddreg [dreg:$0x1];
	p0 =	sne.s32 s2, $0x0  }
0x3bc: {  	s3 =	rddreg [dreg:$0x2];
	[bflag:$0x3] =	sbarrier.arrive $0xFFFF;
	s2 =	simm.s32 @!p0 $0x1C03  }
0x3bd: {  	[timem:s3], [sflag:s2] =	dma.local @!p0 [hbm:s0], s1  }
0x3be: {  	s0 =	simm.s32 @!p0 $0x3  }
0x3bf: {  	_ =	swait.ge @!p0 [sflag:s0], s1  }
0x3c0: {  	s1 =	ssub.s32 @!p0 $0x0, s1;
	[sflag:s0] =	ssyncset.done @!p0 $0x0  }
0x3c1: {  	[sflag:s0] =	ssyncadd.s32 @!p0 s1  }
0x3c2: {  	[bflag:$0x3] =	sbarrier.arrive $0xFFFF  }
0x3c3: {  	_ =	shalt  }

</sc_bundles>
